<compile_context>
chip_gen: v7x
topology: tpu7x:2x2x1
jax: 0.10.2.dev20260603
libtpu: 0.0.44.dev20260713+nightly
codegen_flags: <defaults>
</compile_context>

<pallas_src>
import functools

import jax
import jax.numpy as jnp
from jax import lax
from jax.experimental import pallas as pl
from jax.experimental.pallas import tpu as pltpu
from jax.experimental.pallas import tpu_sc as plsc

NENT = 100000
NR = 26
STT = 128
ABS = 128
REL = 128
RDIM = 128
B = 16384
NCOL = 6 + 2 * NR

_NC = 2
_NS = 16
_NW = _NC * _NS
_BPW = B // _NW
_CH = 128
_NCHUNK = _BPW // _CH

_NB = 512
_GRID = B // _NB


def _sc_gather_body(sidx_hbm, oidx_hbm, e_emb, dfrq,
                    dphi, damp, mfrq, mphi, mamp, out_s, out_o, out_sdf,
                    out_sdp, out_sda, out_smf, out_smp, out_sma, out_odf,
                    out_odp, out_oda, out_omf, out_omp, out_oma, idx_s, idx_o,
                    buf, buf_amp, sem):
    wid = lax.axis_index("s") * _NC + lax.axis_index("c")
    base = wid * _BPW
    pltpu.sync_copy(sidx_hbm.at[pl.ds(base, _BPW)], idx_s)
    pltpu.sync_copy(oidx_hbm.at[pl.ds(base, _BPW)], idx_o)

    jobs = (
        (idx_s, e_emb, out_s, buf),
        (idx_o, e_emb, out_o, buf),
        (idx_s, dfrq, out_sdf, buf),
        (idx_s, dphi, out_sdp, buf),
        (idx_s, damp, out_sda, buf_amp),
        (idx_s, mfrq, out_smf, buf),
        (idx_s, mphi, out_smp, buf),
        (idx_s, mamp, out_sma, buf_amp),
        (idx_o, dfrq, out_odf, buf),
        (idx_o, dphi, out_odp, buf),
        (idx_o, damp, out_oda, buf_amp),
        (idx_o, mfrq, out_omf, buf),
        (idx_o, mphi, out_omp, buf),
        (idx_o, mamp, out_oma, buf_amp),
    )
    for idx, table, out, b in jobs:
        w = table.shape[1]
        for c in range(_NCHUNK):
            pltpu.async_copy(table.at[idx.at[pl.ds(c * _CH, _CH)]], b,
                             sem).wait()
            pltpu.sync_copy(b, out.at[pl.ds(base + c * _CH, _CH), pl.ds(0, w)])


def _sc_gather(s_idx, o_idx, e_emb, dfrq, dphi, damp, mfrq, mphi, mamp):
    f32 = jnp.float32
    outs = [jax.ShapeDtypeStruct((B, 128), f32) for _ in range(14)]
    mesh = plsc.VectorSubcoreMesh(core_axis_name="c", subcore_axis_name="s")
    fn = pl.kernel(
        _sc_gather_body,
        mesh=mesh,
        out_type=outs,
        scratch_types=[
            pltpu.VMEM((_BPW,), jnp.int32),
            pltpu.VMEM((_BPW,), jnp.int32),
            pltpu.VMEM((_CH, 128), f32),
            pltpu.VMEM((_CH, ABS // 2), f32),
            pltpu.SemaphoreType.DMA,
        ],
        compiler_params=pltpu.CompilerParams(use_tc_tiling_on_sc=False),
    )
    return fn(s_idx, o_idx, e_emb, dfrq, dphi, damp, mfrq, mphi, mamp)


_SIN_COEF = (6.2797303, -41.136234, 78.32685, -57.115406)
_INV2PI = 0.15915494309189535


def _sin2pi_frac(u):
    w = (u - jnp.floor(u)) - 0.5
    q = w * w
    p = jnp.full_like(u, _SIN_COEF[3])
    for c in (_SIN_COEF[2], _SIN_COEF[1], _SIN_COEF[0]):
        p = p * q + c
    return w * p


def _sin_approx(x):
    return _sin2pi_frac(x * _INV2PI + 0.5)


def _rel_body(x_ref, remb_ref, wrp_ref, r_out_ref, sr_ref, or_ref):
    f32 = jnp.float32
    t = lax.broadcasted_iota(jnp.int32, (1, REL // 2), 1).astype(f32) * (2.0 / REL)
    frq = jnp.exp(t * (-jnp.log(10000.0)))
    fs = jnp.concatenate([frq, frq], axis=1) * f32(_INV2PI)
    lane = lax.broadcasted_iota(jnp.int32, (1, REL), 1)
    pc = jnp.where(lane < REL // 2, f32(0.75), f32(0.5))

    xb = x_ref[...]
    ridx = xb[:, 1:2]
    iota_r = lax.broadcasted_iota(jnp.int32, (1, NR), 1)
    oh = (ridx == iota_r).astype(f32)
    r_out_ref[...] = jnp.dot(oh, remb_ref[...], preferred_element_type=f32)
    w_sel = jnp.dot(oh, wrp_ref[...], preferred_element_type=f32)

    for base_col, out_ref in ((6, sr_ref), (6 + NR, or_ref)):
        e = xb[:, base_col:base_col + NR].astype(f32)
        acc = jnp.zeros((_NB, REL), f32)
        for j in range(NR):
            u = e[:, j:j + 1] * fs + pc
            acc = acc + w_sel[:, j:j + 1] * _sin2pi_frac(u)
        out_ref[...] = acc


def _rel_kernel(x, r_emb, w_rp2):
    f32 = jnp.float32
    blk = lambda w: pl.BlockSpec((_NB, w), lambda i: (i, 0))
    whole = lambda a, b: pl.BlockSpec((a, b), lambda i: (0, 0))
    return pl.pallas_call(
        _rel_body,
        grid=(_GRID,),
        in_specs=[blk(NCOL), whole(NR, REL), whole(NR, NR)],
        out_specs=[blk(REL), blk(REL), blk(REL)],
        out_shape=[jax.ShapeDtypeStruct((B, REL), f32)] * 3,
    )(x, r_emb, w_rp2)


def _tp_body(x_ref, we_ref, s_ref, sdf_ref,
             sdp_ref, sda_ref, smf_ref, smp_ref, sma_ref, o_ref, odf_ref,
             odp_ref, oda_ref, omf_ref, omp_ref, oma_ref,
             st_ref, sp_ref, ot_ref, op_ref):
    f32 = jnp.float32
    H = ABS // 2
    xb = x_ref[...]
    d = xb[:, 3:4].astype(f32)
    m = xb[:, 4:5].astype(f32)

    we = we_ref[...]
    re_w = we[:H, :]
    im_w = we[H:, :]
    w_top = jnp.concatenate([re_w, -im_w], axis=1)
    w_bot = jnp.concatenate([-im_w, re_w], axis=1)
    w_full = jnp.concatenate([w_top, w_bot], axis=0)

    lane = lax.broadcasted_iota(jnp.int32, (1, STT), 1)
    pc = jnp.where(lane < H, f32(0.75), f32(0.5))

    def t_half(scale, frq_ref, phi_ref, amp_ref):
        a = scale * frq_ref[...] + phi_ref[...]
        u = a * f32(_INV2PI) + pc
        amp = amp_ref[:, :H]
        return jnp.concatenate([amp, amp], axis=1) * _sin2pi_frac(u)

    st_ref[...] = (t_half(d, sdf_ref, sdp_ref, sda_ref) +
                   t_half(m, smf_ref, smp_ref, sma_ref))
    ot_ref[...] = (t_half(d, odf_ref, odp_ref, oda_ref) +
                   t_half(m, omf_ref, omp_ref, oma_ref))
    sp_ref[...] = jnp.dot(s_ref[...], w_full, preferred_element_type=f32)
    op_ref[...] = jnp.dot(o_ref[...], w_full, preferred_element_type=f32)


def _tp_kernel(x, w_e, s_rows, sdf, sdp, sda, smf, smp, sma,
               o_rows, odf, odp, oda, omf, omp, oma):
    f32 = jnp.float32
    blk = lambda w: pl.BlockSpec((_NB, w), lambda i: (i, 0))
    side = [blk(ABS)] * 6
    return pl.pallas_call(
        _tp_body,
        grid=(_GRID,),
        in_specs=([blk(NCOL), pl.BlockSpec((STT, STT // 2), lambda i: (0, 0)),
                   blk(STT)] + side + [blk(STT)] + side),
        out_specs=[blk(STT)] * 4,
        out_shape=[jax.ShapeDtypeStruct((B, STT), f32)] * 4,
    )(x, w_e, s_rows, sdf, sdp, sda, smf, smp,
      sma, o_rows, odf, odp, oda, omf, omp, oma)


def kernel(x, e_emb, r_emb, abs_d_frq_emb, abs_d_phi_emb, abs_d_amp_emb,
           abs_m_frq_emb, abs_m_phi_emb, abs_m_amp_emb, w_e, w_rp):
    s_idx = x[:, 0]
    o_idx = x[:, 2]
    w_rp2 = w_rp[:, :, 0]

    r_out, s_r, o_r = _rel_kernel(x, r_emb, w_rp2)

    (s_rows, o_rows, sdf, sdp, sda, smf, smp, sma,
     odf, odp, oda, omf, omp, oma) = _sc_gather(
        s_idx, o_idx, e_emb, abs_d_frq_emb, abs_d_phi_emb, abs_d_amp_emb,
        abs_m_frq_emb, abs_m_phi_emb, abs_m_amp_emb)

    s_t, s_p, o_t, o_p = _tp_kernel(
        x, w_e, s_rows, sdf, sdp, sda, smf, smp, sma,
        o_rows, odf, odp, oda, omf, omp, oma)

    r3 = lambda a: a.reshape(B, 1, STT)
    return (r3(s_rows), r3(s_t), r3(s_p), s_r.reshape(B, REL, 1), r3(r_out),
            r3(o_rows), r3(o_t), r3(o_p), o_r.reshape(B, REL, 1))

# --- scband reference (transcript-rebuilt; emitter-appended) ---
"""Pipeline reference for scband-kgemodel-77661598646809 (READ-ONLY COPY).

The authoritative reference and input builder live on the scoring server;
editing this copy changes nothing except your own understanding.
"""

import jax, jax.numpy as jnp
import numpy as np

NENT = 100000
NR = 26
STT = 128   # static_dim*2
ABS = 128   # absolute_dim*2
REL = 128   # relative_dim*2
RDIM = 128  # static_dim + abs_dim//2
B = 16384
NCOL = 6 + 2 * NR  # 58


def setup_inputs(seed: int = 0) -> dict:
    key = jax.random.key(seed)
    ks = jax.random.split(key, 20)
    s_idx = jax.random.randint(ks[0], (B,), 0, NENT)
    r_idx = jax.random.randint(ks[1], (B,), 0, NR)
    o_idx = jax.random.randint(ks[2], (B,), 0, NENT)
    d = jax.random.randint(ks[3], (B,), 1, 32)
    m = jax.random.randint(ks[4], (B,), 1, 13)
    y = jax.random.randint(ks[5], (B,), 0, 366)
    relfeat = jax.random.randint(ks[6], (B, 2 * NR), 0, 400)
    x = jnp.concatenate([jnp.stack([s_idx, r_idx, o_idx, d, m, y], axis=1), relfeat], axis=1).astype(jnp.int32)
    sc = 0.02
    return {
        "x": x,
        "e_emb": jax.random.normal(ks[7], (NENT, STT), dtype=jnp.float32) * sc,
        "r_emb": jax.random.normal(ks[8], (NR, RDIM), dtype=jnp.float32) * sc,
        "abs_d_frq_emb": jax.random.normal(ks[9], (NENT, ABS), dtype=jnp.float32) * sc,
        "abs_d_phi_emb": jax.random.normal(ks[10], (NENT, ABS), dtype=jnp.float32) * sc,
        "abs_d_amp_emb": jax.random.normal(ks[11], (NENT, ABS // 2), dtype=jnp.float32) * sc,
        "abs_m_frq_emb": jax.random.normal(ks[12], (NENT, ABS), dtype=jnp.float32) * sc,
        "abs_m_phi_emb": jax.random.normal(ks[13], (NENT, ABS), dtype=jnp.float32) * sc,
        "abs_m_amp_emb": jax.random.normal(ks[14], (NENT, ABS // 2), dtype=jnp.float32) * sc,
        "w_e": jax.random.normal(ks[15], (STT, REL // 2), dtype=jnp.float32) * sc,
        "w_rp": jax.random.normal(ks[16], (NR, NR, 1), dtype=jnp.float32) * sc,
    }


def _pos_emb(r):
    frq = 1.0 / (10000.0 ** (jnp.arange(0.0, REL, 2.0, dtype=jnp.float32) / REL))
    rs = jnp.outer(r.astype(jnp.float32), frq)
    return jnp.concatenate([jnp.cos(rs), jnp.sin(rs)], axis=1)


def reference(x, e_emb, r_emb, abs_d_frq_emb, abs_d_phi_emb, abs_d_amp_emb, abs_m_frq_emb, abs_m_phi_emb, abs_m_amp_emb, w_e, w_rp):
    def t_emb(e, d, m):
        d_amp = jnp.take(abs_d_amp_emb, e, axis=0)
        d_frq = jnp.take(abs_d_frq_emb, e, axis=0)
        d_phi = jnp.take(abs_d_phi_emb, e, axis=0)
        m_amp = jnp.take(abs_m_amp_emb, e, axis=0)
        m_frq = jnp.take(abs_m_frq_emb, e, axis=0)
        m_phi = jnp.take(abs_m_phi_emb, e, axis=0)
        re_d, im_d = jnp.split(d.astype(jnp.float32) * d_frq + d_phi, 2, axis=1)
        d_e = jnp.concatenate([d_amp * jnp.cos(re_d), d_amp * jnp.sin(im_d)], axis=1)
        re_m, im_m = jnp.split(m.astype(jnp.float32) * m_frq + m_phi, 2, axis=1)
        m_e = jnp.concatenate([m_amp * jnp.cos(re_m), m_amp * jnp.sin(im_m)], axis=1)
        return d_e + m_e

    def e_p_emb(e):
        re_w, im_w = jnp.split(w_e, 2, axis=0)
        re_e, im_e = jnp.split(e, 2, axis=2)
        re_p = re_e @ re_w - im_e @ im_w
        im_p = im_e @ re_w - re_e @ im_w
        return jnp.concatenate([re_p, im_p], axis=2)

    def e_r_emb(ridx, e_t):
        bb = e_t.shape[0]
        er = _pos_emb(e_t.reshape(-1)).reshape(bb, e_t.shape[1], REL).transpose(0, 2, 1)
        return er @ jnp.take(w_rp, ridx, axis=0)

    d_abs = x[:, 3:4]
    m_abs = x[:, 4:5]
    s = jnp.take(e_emb, x[:, 0], axis=0)[:, None, :]
    s_t = t_emb(x[:, 0], d_abs, m_abs)[:, None, :]
    s_p = e_p_emb(s)
    s_r = e_r_emb(x[:, 1], x[:, 6:6 + NR])
    r = jnp.take(r_emb, x[:, 1], axis=0)[:, None, :]
    o = jnp.take(e_emb, x[:, 2], axis=0)[:, None, :]
    o_t = t_emb(x[:, 2], d_abs, m_abs)[:, None, :]
    o_p = e_p_emb(o)
    o_r = e_r_emb(x[:, 1], x[:, 6 + NR:6 + 2 * NR])
    return (s, s_t, s_p, s_r, r, o, o_t, o_p, o_r)

if __name__ == "__main__":
    import jax
    _d = setup_inputs()
    print(jax.jit(kernel)(*tuple(_d.values())))

</pallas_src>

<mosaic_0001>
#map = affine_map<(d0, d1) -> (0)>
#map1 = affine_map<(d0, d1) -> (0, 0)>
module attributes {stable_mosaic.version = 14 : i64} {
  func.func @_sc_gather_body(%arg0: i32, %arg1: i32, %arg2: memref<16384xi32, #tpu.memory_space<hbm>>, %arg3: memref<16384xi32, #tpu.memory_space<hbm>>, %arg4: memref<100000x128xf32, #tpu.memory_space<hbm>>, %arg5: memref<100000x128xf32, #tpu.memory_space<hbm>>, %arg6: memref<100000x128xf32, #tpu.memory_space<hbm>>, %arg7: memref<100000x64xf32, #tpu.memory_space<hbm>>, %arg8: memref<100000x128xf32, #tpu.memory_space<hbm>>, %arg9: memref<100000x128xf32, #tpu.memory_space<hbm>>, %arg10: memref<100000x64xf32, #tpu.memory_space<hbm>>, %arg11: memref<16384x128xf32, #tpu.memory_space<hbm>>, %arg12: memref<16384x128xf32, #tpu.memory_space<hbm>>, %arg13: memref<16384x128xf32, #tpu.memory_space<hbm>>, %arg14: memref<16384x128xf32, #tpu.memory_space<hbm>>, %arg15: memref<16384x128xf32, #tpu.memory_space<hbm>>, %arg16: memref<16384x128xf32, #tpu.memory_space<hbm>>, %arg17: memref<16384x128xf32, #tpu.memory_space<hbm>>, %arg18: memref<16384x128xf32, #tpu.memory_space<hbm>>, %arg19: memref<16384x128xf32, #tpu.memory_space<hbm>>, %arg20: memref<16384x128xf32, #tpu.memory_space<hbm>>, %arg21: memref<16384x128xf32, #tpu.memory_space<hbm>>, %arg22: memref<16384x128xf32, #tpu.memory_space<hbm>>, %arg23: memref<16384x128xf32, #tpu.memory_space<hbm>>, %arg24: memref<16384x128xf32, #tpu.memory_space<hbm>>, %arg25: memref<512xi32, #tpu.memory_space<vmem>>, %arg26: memref<512xi32, #tpu.memory_space<vmem>>, %arg27: memref<128x128xf32, #tpu.memory_space<vmem>>, %arg28: memref<128x64xf32, #tpu.memory_space<vmem>>, %arg29: memref<!tpu.dma_semaphore, #tpu.memory_space<semaphore_mem>>) attributes {dimension_semantics = [#tpu.dimension_semantics<core_parallel>, #tpu.dimension_semantics<subcore_parallel>], iteration_bounds = array<i64: 2, 16>, scalar_prefetch = 0 : i64, scratch_operands = 5 : i64, tpu.core_type = #tpu.core_type<sc_vector_subcore>, window_params = [{transform_indices = #map}, {transform_indices = #map}, {transform_indices = #map1}, {transform_indices = #map1}, {transform_indices = #map1}, {transform_indices = #map1}, {transform_indices = #map1}, {transform_indices = #map1}, {transform_indices = #map1}, {transform_indices = #map1}, {transform_indices = #map1}, {transform_indices = #map1}, {transform_indices = #map1}, {transform_indices = #map1}, {transform_indices = #map1}, {transform_indices = #map1}, {transform_indices = #map1}, {transform_indices = #map1}, {transform_indices = #map1}, {transform_indices = #map1}, {transform_indices = #map1}, {transform_indices = #map1}, {transform_indices = #map1}]} {
    %mul3A = arith.constant 2 : i32
    %mul3A_0 = arith.muli %arg1, %mul3A : i32
    %add3A = arith.addi %mul3A_0, %arg0 : i32
    %mul3A_1 = arith.constant 512 : i32
    %mul3A_2 = arith.muli %add3A, %mul3A_1 : i32
    "tpu.region"() ({
      %run_scoped3A = tpu.sem_alloc : memref<!tpu.dma_semaphore, #tpu.memory_space<semaphore_mem>>
      %dma_start3A_673 = tpu.memref_slice %arg2[%mul3A_2] : memref<16384xi32, #tpu.memory_space<hbm>> -> memref<512xi32, #tpu.memory_space<hbm>>
      %dma_start3A_674 = tpu.memref_slice %arg2[%mul3A_2] : memref<16384xi32, #tpu.memory_space<hbm>> -> memref<512xi32, #tpu.memory_space<hbm>>
      tpu.enqueue_dma source(%dma_start3A_674 : memref<512xi32, #tpu.memory_space<hbm>>) target(%arg25 : memref<512xi32, #tpu.memory_space<vmem>>) target_semaphore(%run_scoped3A : memref<!tpu.dma_semaphore, #tpu.memory_space<semaphore_mem>>)
      %dma_wait3A_675 = tpu.memref_slice %arg2[%mul3A_2] : memref<16384xi32, #tpu.memory_space<hbm>> -> memref<512xi32, #tpu.memory_space<hbm>>
      %dma_wait3A_676 = tpu.memref_slice %arg2[%mul3A_2] : memref<16384xi32, #tpu.memory_space<hbm>> -> memref<512xi32, #tpu.memory_space<hbm>>
      tpu.wait_dma2 semaphore(%run_scoped3A : memref<!tpu.dma_semaphore, #tpu.memory_space<semaphore_mem>>) src(%dma_wait3A_676 : memref<512xi32, #tpu.memory_space<hbm>>) dst(%arg25 : memref<512xi32, #tpu.memory_space<vmem>>)
      tpu.yield
    }) : () -> ()
    "tpu.region"() ({
      %run_scoped3A = tpu.sem_alloc : memref<!tpu.dma_semaphore, #tpu.memory_space<semaphore_mem>>
      %dma_start3A_673 = tpu.memref_slice %arg3[%mul3A_2] : memref<16384xi32, #tpu.memory_space<hbm>> -> memref<512xi32, #tpu.memory_space<hbm>>
      %dma_start3A_674 = tpu.memref_slice %arg3[%mul3A_2] : memref<16384xi32, #tpu.memory_space<hbm>> -> memref<512xi32, #tpu.memory_space<hbm>>
      tpu.enqueue_dma source(%dma_start3A_674 : memref<512xi32, #tpu.memory_space<hbm>>) target(%arg26 : memref<512xi32, #tpu.memory_space<vmem>>) target_semaphore(%run_scoped3A : memref<!tpu.dma_semaphore, #tpu.memory_space<semaphore_mem>>)
      %dma_wait3A_675 = tpu.memref_slice %arg3[%mul3A_2] : memref<16384xi32, #tpu.memory_space<hbm>> -> memref<512xi32, #tpu.memory_space<hbm>>
      %dma_wait3A_676 = tpu.memref_slice %arg3[%mul3A_2] : memref<16384xi32, #tpu.memory_space<hbm>> -> memref<512xi32, #tpu.memory_space<hbm>>
      tpu.wait_dma2 semaphore(%run_scoped3A : memref<!tpu.dma_semaphore, #tpu.memory_space<semaphore_mem>>) src(%dma_wait3A_676 : memref<512xi32, #tpu.memory_space<hbm>>) dst(%arg26 : memref<512xi32, #tpu.memory_space<vmem>>)
      tpu.yield
    }) : () -> ()
    %dma_start3A = arith.constant 0 : i32
    %dma_start3A_3 = tpu.memref_slice %arg25[%dma_start3A] : memref<512xi32, #tpu.memory_space<vmem>> -> memref<128xi32, #tpu.memory_space<vmem>>
    %dma_start3A_4 = arith.constant 0 : i32
    %dma_start3A_5 = arith.constant 0 : i32
    %dma_start3A_6 = tpu.memref_slice %arg4[%dma_start3A_4, %dma_start3A_5] : memref<100000x128xf32, #tpu.memory_space<hbm>> -> memref<100000x128xf32, #tpu.memory_space<hbm>>
    tpu.enqueue_indirect_dma source(%dma_start3A_6 : memref<100000x128xf32, #tpu.memory_space<hbm>>) target(%arg27 : memref<128x128xf32, #tpu.memory_space<vmem>>) offsets(%dma_start3A_3 : memref<128xi32, #tpu.memory_space<vmem>>) semaphore(%arg29 : memref<!tpu.dma_semaphore, #tpu.memory_space<semaphore_mem>>)
    %dma_wait3A = arith.constant 0 : i32
    %dma_wait3A_7 = tpu.memref_slice %arg25[%dma_wait3A] : memref<512xi32, #tpu.memory_space<vmem>> -> memref<128xi32, #tpu.memory_space<vmem>>
    %dma_wait3A_8 = arith.constant 0 : i32
    %dma_wait3A_9 = arith.constant 0 : i32
    %dma_wait3A_10 = tpu.memref_slice %arg4[%dma_wait3A_8, %dma_wait3A_9] : memref<100000x128xf32, #tpu.memory_space<hbm>> -> memref<100000x128xf32, #tpu.memory_space<hbm>>
    tpu.wait_indirect_dma semaphore(%arg29 : memref<!tpu.dma_semaphore, #tpu.memory_space<semaphore_mem>>) src(%dma_wait3A_10 : memref<100000x128xf32, #tpu.memory_space<hbm>>) dst(%arg27 : memref<128x128xf32, #tpu.memory_space<vmem>>)
    %add3A_11 = arith.constant 0 : i32
    %add3A_12 = arith.addi %mul3A_2, %add3A_11 : i32
    "tpu.region"() ({
      %run_scoped3A = tpu.sem_alloc : memref<!tpu.dma_semaphore, #tpu.memory_space<semaphore_mem>>
      %dma_start3A_673 = arith.constant 0 : i32
      %dma_start3A_674 = tpu.memref_slice %arg11[%add3A_12, %dma_start3A_673] : memref<16384x128xf32, #tpu.memory_space<hbm>> -> memref<128x128xf32, #tpu.memory_space<hbm>>
      %dma_start3A_675 = arith.constant 0 : i32
      %dma_start3A_676 = tpu.memref_slice %arg11[%add3A_12, %dma_start3A_675] : memref<16384x128xf32, #tpu.memory_space<hbm>> -> memref<128x128xf32, #tpu.memory_space<hbm>>
      tpu.enqueue_dma source(%arg27 : memref<128x128xf32, #tpu.memory_space<vmem>>) target(%dma_start3A_676 : memref<128x128xf32, #tpu.memory_space<hbm>>) target_semaphore(%run_scoped3A : memref<!tpu.dma_semaphore, #tpu.memory_space<semaphore_mem>>)
      %dma_wait3A_677 = arith.constant 0 : i32
      %dma_wait3A_678 = tpu.memref_slice %arg11[%add3A_12, %dma_wait3A_677] : memref<16384x128xf32, #tpu.memory_space<hbm>> -> memref<128x128xf32, #tpu.memory_space<hbm>>
      %dma_wait3A_679 = arith.constant 0 : i32
      %dma_wait3A_680 = tpu.memref_slice %arg11[%add3A_12, %dma_wait3A_679] : memref<16384x128xf32, #tpu.memory_space<hbm>> -> memref<128x128xf32, #tpu.memory_space<hbm>>
      tpu.wait_dma2 semaphore(%run_scoped3A : memref<!tpu.dma_semaphore, #tpu.memory_space<semaphore_mem>>) src(%arg27 : memref<128x128xf32, #tpu.memory_space<vmem>>) dst(%dma_wait3A_680 : memref<128x128xf32, #tpu.memory_space<hbm>>)
      tpu.yield
    }) : () -> ()
    %dma_start3A_13 = arith.constant 128 : i32
    %dma_start3A_14 = tpu.memref_slice %arg25[%dma_start3A_13] : memref<512xi32, #tpu.memory_space<vmem>> -> memref<128xi32, #tpu.memory_space<vmem>>
    %dma_start3A_15 = arith.constant 0 : i32
    %dma_start3A_16 = arith.constant 0 : i32
    %dma_start3A_17 = tpu.memref_slice %arg4[%dma_start3A_15, %dma_start3A_16] : memref<100000x128xf32, #tpu.memory_space<hbm>> -> memref<100000x128xf32, #tpu.memory_space<hbm>>
    tpu.enqueue_indirect_dma source(%dma_start3A_17 : memref<100000x128xf32, #tpu.memory_space<hbm>>) target(%arg27 : memref<128x128xf32, #tpu.memory_space<vmem>>) offsets(%dma_start3A_14 : memref<128xi32, #tpu.memory_space<vmem>>) semaphore(%arg29 : memref<!tpu.dma_semaphore, #tpu.memory_space<semaphore_mem>>)
    %dma_wait3A_18 = arith.constant 128 : i32
    %dma_wait3A_19 = tpu.memref_slice %arg25[%dma_wait3A_18] : memref<512xi32, #tpu.memory_space<vmem>> -> memref<128xi32, #tpu.memory_space<vmem>>
    %dma_wait3A_20 = arith.constant 0 : i32
    %dma_wait3A_21 = arith.constant 0 : i32
    %dma_wait3A_22 = tpu.memref_slice %arg4[%dma_wait3A_20, %dma_wait3A_21] : memref<100000x128xf32, #tpu.memory_space<hbm>> -> memref<100000x128xf32, #tpu.memory_space<hbm>>
    tpu.wait_indirect_dma semaphore(%arg29 : memref<!tpu.dma_semaphore, #tpu.memory_space<semaphore_mem>>) src(%dma_wait3A_22 : memref<100000x128xf32, #tpu.memory_space<hbm>>) dst(%arg27 : memref<128x128xf32, #tpu.memory_space<vmem>>)
    %add3A_23 = arith.constant 128 : i32
    %add3A_24 = arith.addi %mul3A_2, %add3A_23 : i32
    "tpu.region"() ({
      %run_scoped3A = tpu.sem_alloc : memref<!tpu.dma_semaphore, #tpu.memory_space<semaphore_mem>>
      %dma_start3A_673 = arith.constant 0 : i32
      %dma_start3A_674 = tpu.memref_slice %arg11[%add3A_24, %dma_start3A_673] : memref<16384x128xf32, #tpu.memory_space<hbm>> -> memref<128x128xf32, #tpu.memory_space<hbm>>
      %dma_start3A_675 = arith.constant 0 : i32
      %dma_start3A_676 = tpu.memref_slice %arg11[%add3A_24, %dma_start3A_675] : memref<16384x128xf32, #tpu.memory_space<hbm>> -> memref<128x128xf32, #tpu.memory_space<hbm>>
      tpu.enqueue_dma source(%arg27 : memref<128x128xf32, #tpu.memory_space<vmem>>) target(%dma_start3A_676 : memref<128x128xf32, #tpu.memory_space<hbm>>) target_semaphore(%run_scoped3A : memref<!tpu.dma_semaphore, #tpu.memory_space<semaphore_mem>>)
      %dma_wait3A_677 = arith.constant 0 : i32
      %dma_wait3A_678 = tpu.memref_slice %arg11[%add3A_24, %dma_wait3A_677] : memref<16384x128xf32, #tpu.memory_space<hbm>> -> memref<128x128xf32, #tpu.memory_space<hbm>>
      %dma_wait3A_679 = arith.constant 0 : i32
      %dma_wait3A_680 = tpu.memref_slice %arg11[%add3A_24, %dma_wait3A_679] : memref<16384x128xf32, #tpu.memory_space<hbm>> -> memref<128x128xf32, #tpu.memory_space<hbm>>
      tpu.wait_dma2 semaphore(%run_scoped3A : memref<!tpu.dma_semaphore, #tpu.memory_space<semaphore_mem>>) src(%arg27 : memref<128x128xf32, #tpu.memory_space<vmem>>) dst(%dma_wait3A_680 : memref<128x128xf32, #tpu.memory_space<hbm>>)
      tpu.yield
    }) : () -> ()
    %dma_start3A_25 = arith.constant 256 : i32
    %dma_start3A_26 = tpu.memref_slice %arg25[%dma_start3A_25] : memref<512xi32, #tpu.memory_space<vmem>> -> memref<128xi32, #tpu.memory_space<vmem>>
    %dma_start3A_27 = arith.constant 0 : i32
    %dma_start3A_28 = arith.constant 0 : i32
    %dma_start3A_29 = tpu.memref_slice %arg4[%dma_start3A_27, %dma_start3A_28] : memref<100000x128xf32, #tpu.memory_space<hbm>> -> memref<100000x128xf32, #tpu.memory_space<hbm>>
    tpu.enqueue_indirect_dma source(%dma_start3A_29 : memref<100000x128xf32, #tpu.memory_space<hbm>>) target(%arg27 : memref<128x128xf32, #tpu.memory_space<vmem>>) offsets(%dma_start3A_26 : memref<128xi32, #tpu.memory_space<vmem>>) semaphore(%arg29 : memref<!tpu.dma_semaphore, #tpu.memory_space<semaphore_mem>>)
    %dma_wait3A_30 = arith.constant 256 : i32
    %dma_wait3A_31 = tpu.memref_slice %arg25[%dma_wait3A_30] : memref<512xi32, #tpu.memory_space<vmem>> -> memref<128xi32, #tpu.memory_space<vmem>>
    %dma_wait3A_32 = arith.constant 0 : i32
    %dma_wait3A_33 = arith.constant 0 : i32
    %dma_wait3A_34 = tpu.memref_slice %arg4[%dma_wait3A_32, %dma_wait3A_33] : memref<100000x128xf32, #tpu.memory_space<hbm>> -> memref<100000x128xf32, #tpu.memory_space<hbm>>
    tpu.wait_indirect_dma semaphore(%arg29 : memref<!tpu.dma_semaphore, #tpu.memory_space<semaphore_mem>>) src(%dma_wait3A_34 : memref<100000x128xf32, #tpu.memory_space<hbm>>) dst(%arg27 : memref<128x128xf32, #tpu.memory_space<vmem>>)
    %add3A_35 = arith.constant 256 : i32
    %add3A_36 = arith.addi %mul3A_2, %add3A_35 : i32
    "tpu.region"() ({
      %run_scoped3A = tpu.sem_alloc : memref<!tpu.dma_semaphore, #tpu.memory_space<semaphore_mem>>
      %dma_start3A_673 = arith.constant 0 : i32
      %dma_start3A_674 = tpu.memref_slice %arg11[%add3A_36, %dma_start3A_673] : memref<16384x128xf32, #tpu.memory_space<hbm>> -> memref<128x128xf32, #tpu.memory_space<hbm>>
      %dma_start3A_675 = arith.constant 0 : i32
      %dma_start3A_676 = tpu.memref_slice %arg11[%add3A_36, %dma_start3A_675] : memref<16384x128xf32, #tpu.memory_space<hbm>> -> memref<128x128xf32, #tpu.memory_space<hbm>>
      tpu.enqueue_dma source(%arg27 : memref<128x128xf32, #tpu.memory_space<vmem>>) target(%dma_start3A_676 : memref<128x128xf32, #tpu.memory_space<hbm>>) target_semaphore(%run_scoped3A : memref<!tpu.dma_semaphore, #tpu.memory_space<semaphore_mem>>)
      %dma_wait3A_677 = arith.constant 0 : i32
      %dma_wait3A_678 = tpu.memref_slice %arg11[%add3A_36, %dma_wait3A_677] : memref<16384x128xf32, #tpu.memory_space<hbm>> -> memref<128x128xf32, #tpu.memory_space<hbm>>
      %dma_wait3A_679 = arith.constant 0 : i32
      %dma_wait3A_680 = tpu.memref_slice %arg11[%add3A_36, %dma_wait3A_679] : memref<16384x128xf32, #tpu.memory_space<hbm>> -> memref<128x128xf32, #tpu.memory_space<hbm>>
      tpu.wait_dma2 semaphore(%run_scoped3A : memref<!tpu.dma_semaphore, #tpu.memory_space<semaphore_mem>>) src(%arg27 : memref<128x128xf32, #tpu.memory_space<vmem>>) dst(%dma_wait3A_680 : memref<128x128xf32, #tpu.memory_space<hbm>>)
      tpu.yield
    }) : () -> ()
    %dma_start3A_37 = arith.constant 384 : i32
    %dma_start3A_38 = tpu.memref_slice %arg25[%dma_start3A_37] : memref<512xi32, #tpu.memory_space<vmem>> -> memref<128xi32, #tpu.memory_space<vmem>>
    %dma_start3A_39 = arith.constant 0 : i32
    %dma_start3A_40 = arith.constant 0 : i32
    %dma_start3A_41 = tpu.memref_slice %arg4[%dma_start3A_39, %dma_start3A_40] : memref<100000x128xf32, #tpu.memory_space<hbm>> -> memref<100000x128xf32, #tpu.memory_space<hbm>>
    tpu.enqueue_indirect_dma source(%dma_start3A_41 : memref<100000x128xf32, #tpu.memory_space<hbm>>) target(%arg27 : memref<128x128xf32, #tpu.memory_space<vmem>>) offsets(%dma_start3A_38 : memref<128xi32, #tpu.memory_space<vmem>>) semaphore(%arg29 : memref<!tpu.dma_semaphore, #tpu.memory_space<semaphore_mem>>)
    %dma_wait3A_42 = arith.constant 384 : i32
    %dma_wait3A_43 = tpu.memref_slice %arg25[%dma_wait3A_42] : memref<512xi32, #tpu.memory_space<vmem>> -> memref<128xi32, #tpu.memory_space<vmem>>
    %dma_wait3A_44 = arith.constant 0 : i32
    %dma_wait3A_45 = arith.constant 0 : i32
    %dma_wait3A_46 = tpu.memref_slice %arg4[%dma_wait3A_44, %dma_wait3A_45] : memref<100000x128xf32, #tpu.memory_space<hbm>> -> memref<100000x128xf32, #tpu.memory_space<hbm>>
    tpu.wait_indirect_dma semaphore(%arg29 : memref<!tpu.dma_semaphore, #tpu.memory_space<semaphore_mem>>) src(%dma_wait3A_46 : memref<100000x128xf32, #tpu.memory_space<hbm>>) dst(%arg27 : memref<128x128xf32, #tpu.memory_space<vmem>>)
    %add3A_47 = arith.constant 384 : i32
    %add3A_48 = arith.addi %mul3A_2, %add3A_47 : i32
    "tpu.region"() ({
      %run_scoped3A = tpu.sem_alloc : memref<!tpu.dma_semaphore, #tpu.memory_space<semaphore_mem>>
      %dma_start3A_673 = arith.constant 0 : i32
      %dma_start3A_674 = tpu.memref_slice %arg11[%add3A_48, %dma_start3A_673] : memref<16384x128xf32, #tpu.memory_space<hbm>> -> memref<128x128xf32, #tpu.memory_space<hbm>>
      %dma_start3A_675 = arith.constant 0 : i32
      %dma_start3A_676 = tpu.memref_slice %arg11[%add3A_48, %dma_start3A_675] : memref<16384x128xf32, #tpu.memory_space<hbm>> -> memref<128x128xf32, #tpu.memory_space<hbm>>
      tpu.enqueue_dma source(%arg27 : memref<128x128xf32, #tpu.memory_space<vmem>>) target(%dma_start3A_676 : memref<128x128xf32, #tpu.memory_space<hbm>>) target_semaphore(%run_scoped3A : memref<!tpu.dma_semaphore, #tpu.memory_space<semaphore_mem>>)
      %dma_wait3A_677 = arith.constant 0 : i32
      %dma_wait3A_678 = tpu.memref_slice %arg11[%add3A_48, %dma_wait3A_677] : memref<16384x128xf32, #tpu.memory_space<hbm>> -> memref<128x128xf32, #tpu.memory_space<hbm>>
      %dma_wait3A_679 = arith.constant 0 : i32
      %dma_wait3A_680 = tpu.memref_slice %arg11[%add3A_48, %dma_wait3A_679] : memref<16384x128xf32, #tpu.memory_space<hbm>> -> memref<128x128xf32, #tpu.memory_space<hbm>>
      tpu.wait_dma2 semaphore(%run_scoped3A : memref<!tpu.dma_semaphore, #tpu.memory_space<semaphore_mem>>) src(%arg27 : memref<128x128xf32, #tpu.memory_space<vmem>>) dst(%dma_wait3A_680 : memref<128x128xf32, #tpu.memory_space<hbm>>)
      tpu.yield
    }) : () -> ()
    %dma_start3A_49 = arith.constant 0 : i32
    %dma_start3A_50 = tpu.memref_slice %arg26[%dma_start3A_49] : memref<512xi32, #tpu.memory_space<vmem>> -> memref<128xi32, #tpu.memory_space<vmem>>
    %dma_start3A_51 = arith.constant 0 : i32
    %dma_start3A_52 = arith.constant 0 : i32
    %dma_start3A_53 = tpu.memref_slice %arg4[%dma_start3A_51, %dma_start3A_52] : memref<100000x128xf32, #tpu.memory_space<hbm>> -> memref<100000x128xf32, #tpu.memory_space<hbm>>
    tpu.enqueue_indirect_dma source(%dma_start3A_53 : memref<100000x128xf32, #tpu.memory_space<hbm>>) target(%arg27 : memref<128x128xf32, #tpu.memory_space<vmem>>) offsets(%dma_start3A_50 : memref<128xi32, #tpu.memory_space<vmem>>) semaphore(%arg29 : memref<!tpu.dma_semaphore, #tpu.memory_space<semaphore_mem>>)
    %dma_wait3A_54 = arith.constant 0 : i32
    %dma_wait3A_55 = tpu.memref_slice %arg26[%dma_wait3A_54] : memref<512xi32, #tpu.memory_space<vmem>> -> memref<128xi32, #tpu.memory_space<vmem>>
    %dma_wait3A_56 = arith.constant 0 : i32
    %dma_wait3A_57 = arith.constant 0 : i32
    %dma_wait3A_58 = tpu.memref_slice %arg4[%dma_wait3A_56, %dma_wait3A_57] : memref<100000x128xf32, #tpu.memory_space<hbm>> -> memref<100000x128xf32, #tpu.memory_space<hbm>>
    tpu.wait_indirect_dma semaphore(%arg29 : memref<!tpu.dma_semaphore, #tpu.memory_space<semaphore_mem>>) src(%dma_wait3A_58 : memref<100000x128xf32, #tpu.memory_space<hbm>>) dst(%arg27 : memref<128x128xf32, #tpu.memory_space<vmem>>)
    %add3A_59 = arith.constant 0 : i32
    %add3A_60 = arith.addi %mul3A_2, %add3A_59 : i32
    "tpu.region"() ({
      %run_scoped3A = tpu.sem_alloc : memref<!tpu.dma_semaphore, #tpu.memory_space<semaphore_mem>>
      %dma_start3A_673 = arith.constant 0 : i32
      %dma_start3A_674 = tpu.memref_slice %arg12[%add3A_60, %dma_start3A_673] : memref<16384x128xf32, #tpu.memory_space<hbm>> -> memref<128x128xf32, #tpu.memory_space<hbm>>
      %dma_start3A_675 = arith.constant 0 : i32
      %dma_start3A_676 = tpu.memref_slice %arg12[%add3A_60, %dma_start3A_675] : memref<16384x128xf32, #tpu.memory_space<hbm>> -> memref<128x128xf32, #tpu.memory_space<hbm>>
      tpu.enqueue_dma source(%arg27 : memref<128x128xf32, #tpu.memory_space<vmem>>) target(%dma_start3A_676 : memref<128x128xf32, #tpu.memory_space<hbm>>) target_semaphore(%run_scoped3A : memref<!tpu.dma_semaphore, #tpu.memory_space<semaphore_mem>>)
      %dma_wait3A_677 = arith.constant 0 : i32
      %dma_wait3A_678 = tpu.memref_slice %arg12[%add3A_60, %dma_wait3A_677] : memref<16384x128xf32, #tpu.memory_space<hbm>> -> memref<128x128xf32, #tpu.memory_space<hbm>>
      %dma_wait3A_679 = arith.constant 0 : i32
      %dma_wait3A_680 = tpu.memref_slice %arg12[%add3A_60, %dma_wait3A_679] : memref<16384x128xf32, #tpu.memory_space<hbm>> -> memref<128x128xf32, #tpu.memory_space<hbm>>
      tpu.wait_dma2 semaphore(%run_scoped3A : memref<!tpu.dma_semaphore, #tpu.memory_space<semaphore_mem>>) src(%arg27 : memref<128x128xf32, #tpu.memory_space<vmem>>) dst(%dma_wait3A_680 : memref<128x128xf32, #tpu.memory_space<hbm>>)
      tpu.yield
    }) : () -> ()
    %dma_start3A_61 = arith.constant 128 : i32
    %dma_start3A_62 = tpu.memref_slice %arg26[%dma_start3A_61] : memref<512xi32, #tpu.memory_space<vmem>> -> memref<128xi32, #tpu.memory_space<vmem>>
    %dma_start3A_63 = arith.constant 0 : i32
    %dma_start3A_64 = arith.constant 0 : i32
    %dma_start3A_65 = tpu.memref_slice %arg4[%dma_start3A_63, %dma_start3A_64] : memref<100000x128xf32, #tpu.memory_space<hbm>> -> memref<100000x128xf32, #tpu.memory_space<hbm>>
    tpu.enqueue_indirect_dma source(%dma_start3A_65 : memref<100000x128xf32, #tpu.memory_space<hbm>>) target(%arg27 : memref<128x128xf32, #tpu.memory_space<vmem>>) offsets(%dma_start3A_62 : memref<128xi32, #tpu.memory_space<vmem>>) semaphore(%arg29 : memref<!tpu.dma_semaphore, #tpu.memory_space<semaphore_mem>>)
    %dma_wait3A_66 = arith.constant 128 : i32
    %dma_wait3A_67 = tpu.memref_slice %arg26[%dma_wait3A_66] : memref<512xi32, #tpu.memory_space<vmem>> -> memref<128xi32, #tpu.memory_space<vmem>>
    %dma_wait3A_68 = arith.constant 0 : i32
    %dma_wait3A_69 = arith.constant 0 : i32
    %dma_wait3A_70 = tpu.memref_slice %arg4[%dma_wait3A_68, %dma_wait3A_69] : memref<100000x128xf32, #tpu.memory_space<hbm>> -> memref<100000x128xf32, #tpu.memory_space<hbm>>
    tpu.wait_indirect_dma semaphore(%arg29 : memref<!tpu.dma_semaphore, #tpu.memory_space<semaphore_mem>>) src(%dma_wait3A_70 : memref<100000x128xf32, #tpu.memory_space<hbm>>) dst(%arg27 : memref<128x128xf32, #tpu.memory_space<vmem>>)
    %add3A_71 = arith.constant 128 : i32
    %add3A_72 = arith.addi %mul3A_2, %add3A_71 : i32
    "tpu.region"() ({
      %run_scoped3A = tpu.sem_alloc : memref<!tpu.dma_semaphore, #tpu.memory_space<semaphore_mem>>
      %dma_start3A_673 = arith.constant 0 : i32
      %dma_start3A_674 = tpu.memref_slice %arg12[%add3A_72, %dma_start3A_673] : memref<16384x128xf32, #tpu.memory_space<hbm>> -> memref<128x128xf32, #tpu.memory_space<hbm>>
      %dma_start3A_675 = arith.constant 0 : i32
      %dma_start3A_676 = tpu.memref_slice %arg12[%add3A_72, %dma_start3A_675] : memref<16384x128xf32, #tpu.memory_space<hbm>> -> memref<128x128xf32, #tpu.memory_space<hbm>>
      tpu.enqueue_dma source(%arg27 : memref<128x128xf32, #tpu.memory_space<vmem>>) target(%dma_start3A_676 : memref<128x128xf32, #tpu.memory_space<hbm>>) target_semaphore(%run_scoped3A : memref<!tpu.dma_semaphore, #tpu.memory_space<semaphore_mem>>)
      %dma_wait3A_677 = arith.constant 0 : i32
      %dma_wait3A_678 = tpu.memref_slice %arg12[%add3A_72, %dma_wait3A_677] : memref<16384x128xf32, #tpu.memory_space<hbm>> -> memref<128x128xf32, #tpu.memory_space<hbm>>
      %dma_wait3A_679 = arith.constant 0 : i32
      %dma_wait3A_680 = tpu.memref_slice %arg12[%add3A_72, %dma_wait3A_679] : memref<16384x128xf32, #tpu.memory_space<hbm>> -> memref<128x128xf32, #tpu.memory_space<hbm>>
      tpu.wait_dma2 semaphore(%run_scoped3A : memref<!tpu.dma_semaphore, #tpu.memory_space<semaphore_mem>>) src(%arg27 : memref<128x128xf32, #tpu.memory_space<vmem>>) dst(%dma_wait3A_680 : memref<128x128xf32, #tpu.memory_space<hbm>>)
      tpu.yield
    }) : () -> ()
    %dma_start3A_73 = arith.constant 256 : i32
    %dma_start3A_74 = tpu.memref_slice %arg26[%dma_start3A_73] : memref<512xi32, #tpu.memory_space<vmem>> -> memref<128xi32, #tpu.memory_space<vmem>>
    %dma_start3A_75 = arith.constant 0 : i32
    %dma_start3A_76 = arith.constant 0 : i32
    %dma_start3A_77 = tpu.memref_slice %arg4[%dma_start3A_75, %dma_start3A_76] : memref<100000x128xf32, #tpu.memory_space<hbm>> -> memref<100000x128xf32, #tpu.memory_space<hbm>>
    tpu.enqueue_indirect_dma source(%dma_start3A_77 : memref<100000x128xf32, #tpu.memory_space<hbm>>) target(%arg27 : memref<128x128xf32, #tpu.memory_space<vmem>>) offsets(%dma_start3A_74 : memref<128xi32, #tpu.memory_space<vmem>>) semaphore(%arg29 : memref<!tpu.dma_semaphore, #tpu.memory_space<semaphore_mem>>)
    %dma_wait3A_78 = arith.constant 256 : i32
    %dma_wait3A_79 = tpu.memref_slice %arg26[%dma_wait3A_78] : memref<512xi32, #tpu.memory_space<vmem>> -> memref<128xi32, #tpu.memory_space<vmem>>
    %dma_wait3A_80 = arith.constant 0 : i32
    %dma_wait3A_81 = arith.constant 0 : i32
    %dma_wait3A_82 = tpu.memref_slice %arg4[%dma_wait3A_80, %dma_wait3A_81] : memref<100000x128xf32, #tpu.memory_space<hbm>> -> memref<100000x128xf32, #tpu.memory_space<hbm>>
    tpu.wait_indirect_dma semaphore(%arg29 : memref<!tpu.dma_semaphore, #tpu.memory_space<semaphore_mem>>) src(%dma_wait3A_82 : memref<100000x128xf32, #tpu.memory_space<hbm>>) dst(%arg27 : memref<128x128xf32, #tpu.memory_space<vmem>>)
    %add3A_83 = arith.constant 256 : i32
    %add3A_84 = arith.addi %mul3A_2, %add3A_83 : i32
    "tpu.region"() ({
      %run_scoped3A = tpu.sem_alloc : memref<!tpu.dma_semaphore, #tpu.memory_space<semaphore_mem>>
      %dma_start3A_673 = arith.constant 0 : i32
      %dma_start3A_674 = tpu.memref_slice %arg12[%add3A_84, %dma_start3A_673] : memref<16384x128xf32, #tpu.memory_space<hbm>> -> memref<128x128xf32, #tpu.memory_space<hbm>>
      %dma_start3A_675 = arith.constant 0 : i32
      %dma_start3A_676 = tpu.memref_slice %arg12[%add3A_84, %dma_start3A_675] : memref<16384x128xf32, #tpu.memory_space<hbm>> -> memref<128x128xf32, #tpu.memory_space<hbm>>
      tpu.enqueue_dma source(%arg27 : memref<128x128xf32, #tpu.memory_space<vmem>>) target(%dma_start3A_676 : memref<128x128xf32, #tpu.memory_space<hbm>>) target_semaphore(%run_scoped3A : memref<!tpu.dma_semaphore, #tpu.memory_space<semaphore_mem>>)
      %dma_wait3A_677 = arith.constant 0 : i32
      %dma_wait3A_678 = tpu.memref_slice %arg12[%add3A_84, %dma_wait3A_677] : memref<16384x128xf32, #tpu.memory_space<hbm>> -> memref<128x128xf32, #tpu.memory_space<hbm>>
      %dma_wait3A_679 = arith.constant 0 : i32
      %dma_wait3A_680 = tpu.memref_slice %arg12[%add3A_84, %dma_wait3A_679] : memref<16384x128xf32, #tpu.memory_space<hbm>> -> memref<128x128xf32, #tpu.memory_space<hbm>>
      tpu.wait_dma2 semaphore(%run_scoped3A : memref<!tpu.dma_semaphore, #tpu.memory_space<semaphore_mem>>) src(%arg27 : memref<128x128xf32, #tpu.memory_space<vmem>>) dst(%dma_wait3A_680 : memref<128x128xf32, #tpu.memory_space<hbm>>)
      tpu.yield
    }) : () -> ()
    %dma_start3A_85 = arith.constant 384 : i32
    %dma_start3A_86 = tpu.memref_slice %arg26[%dma_start3A_85] : memref<512xi32, #tpu.memory_space<vmem>> -> memref<128xi32, #tpu.memory_space<vmem>>
    %dma_start3A_87 = arith.constant 0 : i32
    %dma_start3A_88 = arith.constant 0 : i32
    %dma_start3A_89 = tpu.memref_slice %arg4[%dma_start3A_87, %dma_start3A_88] : memref<100000x128xf32, #tpu.memory_space<hbm>> -> memref<100000x128xf32, #tpu.memory_space<hbm>>
    tpu.enqueue_indirect_dma source(%dma_start3A_89 : memref<100000x128xf32, #tpu.memory_space<hbm>>) target(%arg27 : memref<128x128xf32, #tpu.memory_space<vmem>>) offsets(%dma_start3A_86 : memref<128xi32, #tpu.memory_space<vmem>>) semaphore(%arg29 : memref<!tpu.dma_semaphore, #tpu.memory_space<semaphore_mem>>)
    %dma_wait3A_90 = arith.constant 384 : i32
    %dma_wait3A_91 = tpu.memref_slice %arg26[%dma_wait3A_90] : memref<512xi32, #tpu.memory_space<vmem>> -> memref<128xi32, #tpu.memory_space<vmem>>
    %dma_wait3A_92 = arith.constant 0 : i32
    %dma_wait3A_93 = arith.constant 0 : i32
    %dma_wait3A_94 = tpu.memref_slice %arg4[%dma_wait3A_92, %dma_wait3A_93] : memref<100000x128xf32, #tpu.memory_space<hbm>> -> memref<100000x128xf32, #tpu.memory_space<hbm>>
    tpu.wait_indirect_dma semaphore(%arg29 : memref<!tpu.dma_semaphore, #tpu.memory_space<semaphore_mem>>) src(%dma_wait3A_94 : memref<100000x128xf32, #tpu.memory_space<hbm>>) dst(%arg27 : memref<128x128xf32, #tpu.memory_space<vmem>>)
    %add3A_95 = arith.constant 384 : i32
    %add3A_96 = arith.addi %mul3A_2, %add3A_95 : i32
    "tpu.region"() ({
      %run_scoped3A = tpu.sem_alloc : memref<!tpu.dma_semaphore, #tpu.memory_space<semaphore_mem>>
      %dma_start3A_673 = arith.constant 0 : i32
      %dma_start3A_674 = tpu.memref_slice %arg12[%add3A_96, %dma_start3A_673] : memref<16384x128xf32, #tpu.memory_space<hbm>> -> memref<128x128xf32, #tpu.memory_space<hbm>>
      %dma_start3A_675 = arith.constant 0 : i32
      %dma_start3A_676 = tpu.memref_slice %arg12[%add3A_96, %dma_start3A_675] : memref<16384x128xf32, #tpu.memory_space<hbm>> -> memref<128x128xf32, #tpu.memory_space<hbm>>
      tpu.enqueue_dma source(%arg27 : memref<128x128xf32, #tpu.memory_space<vmem>>) target(%dma_start3A_676 : memref<128x128xf32, #tpu.memory_space<hbm>>) target_semaphore(%run_scoped3A : memref<!tpu.dma_semaphore, #tpu.memory_space<semaphore_mem>>)
      %dma_wait3A_677 = arith.constant 0 : i32
      %dma_wait3A_678 = tpu.memref_slice %arg12[%add3A_96, %dma_wait3A_677] : memref<16384x128xf32, #tpu.memory_space<hbm>> -> memref<128x128xf32, #tpu.memory_space<hbm>>
      %dma_wait3A_679 = arith.constant 0 : i32
      %dma_wait3A_680 = tpu.memref_slice %arg12[%add3A_96, %dma_wait3A_679] : memref<16384x128xf32, #tpu.memory_space<hbm>> -> memref<128x128xf32, #tpu.memory_space<hbm>>
      tpu.wait_dma2 semaphore(%run_scoped3A : memref<!tpu.dma_semaphore, #tpu.memory_space<semaphore_mem>>) src(%arg27 : memref<128x128xf32, #tpu.memory_space<vmem>>) dst(%dma_wait3A_680 : memref<128x128xf32, #tpu.memory_space<hbm>>)
      tpu.yield
    }) : () -> ()
    %dma_start3A_97 = arith.constant 0 : i32
    %dma_start3A_98 = tpu.memref_slice %arg25[%dma_start3A_97] : memref<512xi32, #tpu.memory_space<vmem>> -> memref<128xi32, #tpu.memory_space<vmem>>
    %dma_start3A_99 = arith.constant 0 : i32
    %dma_start3A_100 = arith.constant 0 : i32
    %dma_start3A_101 = tpu.memref_slice %arg5[%dma_start3A_99, %dma_start3A_100] : memref<100000x128xf32, #tpu.memory_space<hbm>> -> memref<100000x128xf32, #tpu.memory_space<hbm>>
    tpu.enqueue_indirect_dma source(%dma_start3A_101 : memref<100000x128xf32, #tpu.memory_space<hbm>>) target(%arg27 : memref<128x128xf32, #tpu.memory_space<vmem>>) offsets(%dma_start3A_98 : memref<128xi32, #tpu.memory_space<vmem>>) semaphore(%arg29 : memref<!tpu.dma_semaphore, #tpu.memory_space<semaphore_mem>>)
    %dma_wait3A_102 = arith.constant 0 : i32
    %dma_wait3A_103 = tpu.memref_slice %arg25[%dma_wait3A_102] : memref<512xi32, #tpu.memory_space<vmem>> -> memref<128xi32, #tpu.memory_space<vmem>>
    %dma_wait3A_104 = arith.constant 0 : i32
    %dma_wait3A_105 = arith.constant 0 : i32
    %dma_wait3A_106 = tpu.memref_slice %arg5[%dma_wait3A_104, %dma_wait3A_105] : memref<100000x128xf32, #tpu.memory_space<hbm>> -> memref<100000x128xf32, #tpu.memory_space<hbm>>
    tpu.wait_indirect_dma semaphore(%arg29 : memref<!tpu.dma_semaphore, #tpu.memory_space<semaphore_mem>>) src(%dma_wait3A_106 : memref<100000x128xf32, #tpu.memory_space<hbm>>) dst(%arg27 : memref<128x128xf32, #tpu.memory_space<vmem>>)
    %add3A_107 = arith.constant 0 : i32
    %add3A_108 = arith.addi %mul3A_2, %add3A_107 : i32
    "tpu.region"() ({
      %run_scoped3A = tpu.sem_alloc : memref<!tpu.dma_semaphore, #tpu.memory_space<semaphore_mem>>
      %dma_start3A_673 = arith.constant 0 : i32
      %dma_start3A_674 = tpu.memref_slice %arg13[%add3A_108, %dma_start3A_673] : memref<16384x128xf32, #tpu.memory_space<hbm>> -> memref<128x128xf32, #tpu.memory_space<hbm>>
      %dma_start3A_675 = arith.constant 0 : i32
      %dma_start3A_676 = tpu.memref_slice %arg13[%add3A_108, %dma_start3A_675] : memref<16384x128xf32, #tpu.memory_space<hbm>> -> memref<128x128xf32, #tpu.memory_space<hbm>>
      tpu.enqueue_dma source(%arg27 : memref<128x128xf32, #tpu.memory_space<vmem>>) target(%dma_start3A_676 : memref<128x128xf32, #tpu.memory_space<hbm>>) target_semaphore(%run_scoped3A : memref<!tpu.dma_semaphore, #tpu.memory_space<semaphore_mem>>)
      %dma_wait3A_677 = arith.constant 0 : i32
      %dma_wait3A_678 = tpu.memref_slice %arg13[%add3A_108, %dma_wait3A_677] : memref<16384x128xf32, #tpu.memory_space<hbm>> -> memref<128x128xf32, #tpu.memory_space<hbm>>
      %dma_wait3A_679 = arith.constant 0 : i32
      %dma_wait3A_680 = tpu.memref_slice %arg13[%add3A_108, %dma_wait3A_679] : memref<16384x128xf32, #tpu.memory_space<hbm>> -> memref<128x128xf32, #tpu.memory_space<hbm>>
      tpu.wait_dma2 semaphore(%run_scoped3A : memref<!tpu.dma_semaphore, #tpu.memory_space<semaphore_mem>>) src(%arg27 : memref<128x128xf32, #tpu.memory_space<vmem>>) dst(%dma_wait3A_680 : memref<128x128xf32, #tpu.memory_space<hbm>>)
      tpu.yield
    }) : () -> ()
    %dma_start3A_109 = arith.constant 128 : i32
    %dma_start3A_110 = tpu.memref_slice %arg25[%dma_start3A_109] : memref<512xi32, #tpu.memory_space<vmem>> -> memref<128xi32, #tpu.memory_space<vmem>>
    %dma_start3A_111 = arith.constant 0 : i32
    %dma_start3A_112 = arith.constant 0 : i32
    %dma_start3A_113 = tpu.memref_slice %arg5[%dma_start3A_111, %dma_start3A_112] : memref<100000x128xf32, #tpu.memory_space<hbm>> -> memref<100000x128xf32, #tpu.memory_space<hbm>>
    tpu.enqueue_indirect_dma source(%dma_start3A_113 : memref<100000x128xf32, #tpu.memory_space<hbm>>) target(%arg27 : memref<128x128xf32, #tpu.memory_space<vmem>>) offsets(%dma_start3A_110 : memref<128xi32, #tpu.memory_space<vmem>>) semaphore(%arg29 : memref<!tpu.dma_semaphore, #tpu.memory_space<semaphore_mem>>)
    %dma_wait3A_114 = arith.constant 128 : i32
    %dma_wait3A_115 = tpu.memref_slice %arg25[%dma_wait3A_114] : memref<512xi32, #tpu.memory_space<vmem>> -> memref<128xi32, #tpu.memory_space<vmem>>
    %dma_wait3A_116 = arith.constant 0 : i32
    %dma_wait3A_117 = arith.constant 0 : i32
    %dma_wait3A_118 = tpu.memref_slice %arg5[%dma_wait3A_116, %dma_wait3A_117] : memref<100000x128xf32, #tpu.memory_space<hbm>> -> memref<100000x128xf32, #tpu.memory_space<hbm>>
    tpu.wait_indirect_dma semaphore(%arg29 : memref<!tpu.dma_semaphore, #tpu.memory_space<semaphore_mem>>) src(%dma_wait3A_118 : memref<100000x128xf32, #tpu.memory_space<hbm>>) dst(%arg27 : memref<128x128xf32, #tpu.memory_space<vmem>>)
    %add3A_119 = arith.constant 128 : i32
    %add3A_120 = arith.addi %mul3A_2, %add3A_119 : i32
    "tpu.region"() ({
      %run_scoped3A = tpu.sem_alloc : memref<!tpu.dma_semaphore, #tpu.memory_space<semaphore_mem>>
      %dma_start3A_673 = arith.constant 0 : i32
      %dma_start3A_674 = tpu.memref_slice %arg13[%add3A_120, %dma_start3A_673] : memref<16384x128xf32, #tpu.memory_space<hbm>> -> memref<128x128xf32, #tpu.memory_space<hbm>>
      %dma_start3A_675 = arith.constant 0 : i32
      %dma_start3A_676 = tpu.memref_slice %arg13[%add3A_120, %dma_start3A_675] : memref<16384x128xf32, #tpu.memory_space<hbm>> -> memref<128x128xf32, #tpu.memory_space<hbm>>
      tpu.enqueue_dma source(%arg27 : memref<128x128xf32, #tpu.memory_space<vmem>>) target(%dma_start3A_676 : memref<128x128xf32, #tpu.memory_space<hbm>>) target_semaphore(%run_scoped3A : memref<!tpu.dma_semaphore, #tpu.memory_space<semaphore_mem>>)
      %dma_wait3A_677 = arith.constant 0 : i32
      %dma_wait3A_678 = tpu.memref_slice %arg13[%add3A_120, %dma_wait3A_677] : memref<16384x128xf32, #tpu.memory_space<hbm>> -> memref<128x128xf32, #tpu.memory_space<hbm>>
      %dma_wait3A_679 = arith.constant 0 : i32
      %dma_wait3A_680 = tpu.memref_slice %arg13[%add3A_120, %dma_wait3A_679] : memref<16384x128xf32, #tpu.memory_space<hbm>> -> memref<128x128xf32, #tpu.memory_space<hbm>>
      tpu.wait_dma2 semaphore(%run_scoped3A : memref<!tpu.dma_semaphore, #tpu.memory_space<semaphore_mem>>) src(%arg27 : memref<128x128xf32, #tpu.memory_space<vmem>>) dst(%dma_wait3A_680 : memref<128x128xf32, #tpu.memory_space<hbm>>)
      tpu.yield
    }) : () -> ()
    %dma_start3A_121 = arith.constant 256 : i32
    %dma_start3A_122 = tpu.memref_slice %arg25[%dma_start3A_121] : memref<512xi32, #tpu.memory_space<vmem>> -> memref<128xi32, #tpu.memory_space<vmem>>
    %dma_start3A_123 = arith.constant 0 : i32
    %dma_start3A_124 = arith.constant 0 : i32
    %dma_start3A_125 = tpu.memref_slice %arg5[%dma_start3A_123, %dma_start3A_124] : memref<100000x128xf32, #tpu.memory_space<hbm>> -> memref<100000x128xf32, #tpu.memory_space<hbm>>
    tpu.enqueue_indirect_dma source(%dma_start3A_125 : memref<100000x128xf32, #tpu.memory_space<hbm>>) target(%arg27 : memref<128x128xf32, #tpu.memory_space<vmem>>) offsets(%dma_start3A_122 : memref<128xi32, #tpu.memory_space<vmem>>) semaphore(%arg29 : memref<!tpu.dma_semaphore, #tpu.memory_space<semaphore_mem>>)
    %dma_wait3A_126 = arith.constant 256 : i32
    %dma_wait3A_127 = tpu.memref_slice %arg25[%dma_wait3A_126] : memref<512xi32, #tpu.memory_space<vmem>> -> memref<128xi32, #tpu.memory_space<vmem>>
    %dma_wait3A_128 = arith.constant 0 : i32
    %dma_wait3A_129 = arith.constant 0 : i32
    %dma_wait3A_130 = tpu.memref_slice %arg5[%dma_wait3A_128, %dma_wait3A_129] : memref<100000x128xf32, #tpu.memory_space<hbm>> -> memref<100000x128xf32, #tpu.memory_space<hbm>>
    tpu.wait_indirect_dma semaphore(%arg29 : memref<!tpu.dma_semaphore, #tpu.memory_space<semaphore_mem>>) src(%dma_wait3A_130 : memref<100000x128xf32, #tpu.memory_space<hbm>>) dst(%arg27 : memref<128x128xf32, #tpu.memory_space<vmem>>)
    %add3A_131 = arith.constant 256 : i32
    %add3A_132 = arith.addi %mul3A_2, %add3A_131 : i32
    "tpu.region"() ({
      %run_scoped3A = tpu.sem_alloc : memref<!tpu.dma_semaphore, #tpu.memory_space<semaphore_mem>>
      %dma_start3A_673 = arith.constant 0 : i32
      %dma_start3A_674 = tpu.memref_slice %arg13[%add3A_132, %dma_start3A_673] : memref<16384x128xf32, #tpu.memory_space<hbm>> -> memref<128x128xf32, #tpu.memory_space<hbm>>
      %dma_start3A_675 = arith.constant 0 : i32
      %dma_start3A_676 = tpu.memref_slice %arg13[%add3A_132, %dma_start3A_675] : memref<16384x128xf32, #tpu.memory_space<hbm>> -> memref<128x128xf32, #tpu.memory_space<hbm>>
      tpu.enqueue_dma source(%arg27 : memref<128x128xf32, #tpu.memory_space<vmem>>) target(%dma_start3A_676 : memref<128x128xf32, #tpu.memory_space<hbm>>) target_semaphore(%run_scoped3A : memref<!tpu.dma_semaphore, #tpu.memory_space<semaphore_mem>>)
      %dma_wait3A_677 = arith.constant 0 : i32
      %dma_wait3A_678 = tpu.memref_slice %arg13[%add3A_132, %dma_wait3A_677] : memref<16384x128xf32, #tpu.memory_space<hbm>> -> memref<128x128xf32, #tpu.memory_space<hbm>>
      %dma_wait3A_679 = arith.constant 0 : i32
      %dma_wait3A_680 = tpu.memref_slice %arg13[%add3A_132, %dma_wait3A_679] : memref<16384x128xf32, #tpu.memory_space<hbm>> -> memref<128x128xf32, #tpu.memory_space<hbm>>
      tpu.wait_dma2 semaphore(%run_scoped3A : memref<!tpu.dma_semaphore, #tpu.memory_space<semaphore_mem>>) src(%arg27 : memref<128x128xf32, #tpu.memory_space<vmem>>) dst(%dma_wait3A_680 : memref<128x128xf32, #tpu.memory_space<hbm>>)
      tpu.yield
    }) : () -> ()
    %dma_start3A_133 = arith.constant 384 : i32
    %dma_start3A_134 = tpu.memref_slice %arg25[%dma_start3A_133] : memref<512xi32, #tpu.memory_space<vmem>> -> memref<128xi32, #tpu.memory_space<vmem>>
    %dma_start3A_135 = arith.constant 0 : i32
    %dma_start3A_136 = arith.constant 0 : i32
    %dma_start3A_137 = tpu.memref_slice %arg5[%dma_start3A_135, %dma_start3A_136] : memref<100000x128xf32, #tpu.memory_space<hbm>> -> memref<100000x128xf32, #tpu.memory_space<hbm>>
    tpu.enqueue_indirect_dma source(%dma_start3A_137 : memref<100000x128xf32, #tpu.memory_space<hbm>>) target(%arg27 : memref<128x128xf32, #tpu.memory_space<vmem>>) offsets(%dma_start3A_134 : memref<128xi32, #tpu.memory_space<vmem>>) semaphore(%arg29 : memref<!tpu.dma_semaphore, #tpu.memory_space<semaphore_mem>>)
    %dma_wait3A_138 = arith.constant 384 : i32
    %dma_wait3A_139 = tpu.memref_slice %arg25[%dma_wait3A_138] : memref<512xi32, #tpu.memory_space<vmem>> -> memref<128xi32, #tpu.memory_space<vmem>>
    %dma_wait3A_140 = arith.constant 0 : i32
    %dma_wait3A_141 = arith.constant 0 : i32
    %dma_wait3A_142 = tpu.memref_slice %arg5[%dma_wait3A_140, %dma_wait3A_141] : memref<100000x128xf32, #tpu.memory_space<hbm>> -> memref<100000x128xf32, #tpu.memory_space<hbm>>
    tpu.wait_indirect_dma semaphore(%arg29 : memref<!tpu.dma_semaphore, #tpu.memory_space<semaphore_mem>>) src(%dma_wait3A_142 : memref<100000x128xf32, #tpu.memory_space<hbm>>) dst(%arg27 : memref<128x128xf32, #tpu.memory_space<vmem>>)
    %add3A_143 = arith.constant 384 : i32
    %add3A_144 = arith.addi %mul3A_2, %add3A_143 : i32
    "tpu.region"() ({
      %run_scoped3A = tpu.sem_alloc : memref<!tpu.dma_semaphore, #tpu.memory_space<semaphore_mem>>
      %dma_start3A_673 = arith.constant 0 : i32
      %dma_start3A_674 = tpu.memref_slice %arg13[%add3A_144, %dma_start3A_673] : memref<16384x128xf32, #tpu.memory_space<hbm>> -> memref<128x128xf32, #tpu.memory_space<hbm>>
      %dma_start3A_675 = arith.constant 0 : i32
      %dma_start3A_676 = tpu.memref_slice %arg13[%add3A_144, %dma_start3A_675] : memref<16384x128xf32, #tpu.memory_space<hbm>> -> memref<128x128xf32, #tpu.memory_space<hbm>>
      tpu.enqueue_dma source(%arg27 : memref<128x128xf32, #tpu.memory_space<vmem>>) target(%dma_start3A_676 : memref<128x128xf32, #tpu.memory_space<hbm>>) target_semaphore(%run_scoped3A : memref<!tpu.dma_semaphore, #tpu.memory_space<semaphore_mem>>)
      %dma_wait3A_677 = arith.constant 0 : i32
      %dma_wait3A_678 = tpu.memref_slice %arg13[%add3A_144, %dma_wait3A_677] : memref<16384x128xf32, #tpu.memory_space<hbm>> -> memref<128x128xf32, #tpu.memory_space<hbm>>
      %dma_wait3A_679 = arith.constant 0 : i32
      %dma_wait3A_680 = tpu.memref_slice %arg13[%add3A_144, %dma_wait3A_679] : memref<16384x128xf32, #tpu.memory_space<hbm>> -> memref<128x128xf32, #tpu.memory_space<hbm>>
      tpu.wait_dma2 semaphore(%run_scoped3A : memref<!tpu.dma_semaphore, #tpu.memory_space<semaphore_mem>>) src(%arg27 : memref<128x128xf32, #tpu.memory_space<vmem>>) dst(%dma_wait3A_680 : memref<128x128xf32, #tpu.memory_space<hbm>>)
      tpu.yield
    }) : () -> ()
    %dma_start3A_145 = arith.constant 0 : i32
    %dma_start3A_146 = tpu.memref_slice %arg25[%dma_start3A_145] : memref<512xi32, #tpu.memory_space<vmem>> -> memref<128xi32, #tpu.memory_space<vmem>>
    %dma_start3A_147 = arith.constant 0 : i32
    %dma_start3A_148 = arith.constant 0 : i32
    %dma_start3A_149 = tpu.memref_slice %arg6[%dma_start3A_147, %dma_start3A_148] : memref<100000x128xf32, #tpu.memory_space<hbm>> -> memref<100000x128xf32, #tpu.memory_space<hbm>>
    tpu.enqueue_indirect_dma source(%dma_start3A_149 : memref<100000x128xf32, #tpu.memory_space<hbm>>) target(%arg27 : memref<128x128xf32, #tpu.memory_space<vmem>>) offsets(%dma_start3A_146 : memref<128xi32, #tpu.memory_space<vmem>>) semaphore(%arg29 : memref<!tpu.dma_semaphore, #tpu.memory_space<semaphore_mem>>)
    %dma_wait3A_150 = arith.constant 0 : i32
    %dma_wait3A_151 = tpu.memref_slice %arg25[%dma_wait3A_150] : memref<512xi32, #tpu.memory_space<vmem>> -> memref<128xi32, #tpu.memory_space<vmem>>
    %dma_wait3A_152 = arith.constant 0 : i32
    %dma_wait3A_153 = arith.constant 0 : i32
    %dma_wait3A_154 = tpu.memref_slice %arg6[%dma_wait3A_152, %dma_wait3A_153] : memref<100000x128xf32, #tpu.memory_space<hbm>> -> memref<100000x128xf32, #tpu.memory_space<hbm>>
    tpu.wait_indirect_dma semaphore(%arg29 : memref<!tpu.dma_semaphore, #tpu.memory_space<semaphore_mem>>) src(%dma_wait3A_154 : memref<100000x128xf32, #tpu.memory_space<hbm>>) dst(%arg27 : memref<128x128xf32, #tpu.memory_space<vmem>>)
    %add3A_155 = arith.constant 0 : i32
    %add3A_156 = arith.addi %mul3A_2, %add3A_155 : i32
    "tpu.region"() ({
      %run_scoped3A = tpu.sem_alloc : memref<!tpu.dma_semaphore, #tpu.memory_space<semaphore_mem>>
      %dma_start3A_673 = arith.constant 0 : i32
      %dma_start3A_674 = tpu.memref_slice %arg14[%add3A_156, %dma_start3A_673] : memref<16384x128xf32, #tpu.memory_space<hbm>> -> memref<128x128xf32, #tpu.memory_space<hbm>>
      %dma_start3A_675 = arith.constant 0 : i32
      %dma_start3A_676 = tpu.memref_slice %arg14[%add3A_156, %dma_start3A_675] : memref<16384x128xf32, #tpu.memory_space<hbm>> -> memref<128x128xf32, #tpu.memory_space<hbm>>
      tpu.enqueue_dma source(%arg27 : memref<128x128xf32, #tpu.memory_space<vmem>>) target(%dma_start3A_676 : memref<128x128xf32, #tpu.memory_space<hbm>>) target_semaphore(%run_scoped3A : memref<!tpu.dma_semaphore, #tpu.memory_space<semaphore_mem>>)
      %dma_wait3A_677 = arith.constant 0 : i32
      %dma_wait3A_678 = tpu.memref_slice %arg14[%add3A_156, %dma_wait3A_677] : memref<16384x128xf32, #tpu.memory_space<hbm>> -> memref<128x128xf32, #tpu.memory_space<hbm>>
      %dma_wait3A_679 = arith.constant 0 : i32
      %dma_wait3A_680 = tpu.memref_slice %arg14[%add3A_156, %dma_wait3A_679] : memref<16384x128xf32, #tpu.memory_space<hbm>> -> memref<128x128xf32, #tpu.memory_space<hbm>>
      tpu.wait_dma2 semaphore(%run_scoped3A : memref<!tpu.dma_semaphore, #tpu.memory_space<semaphore_mem>>) src(%arg27 : memref<128x128xf32, #tpu.memory_space<vmem>>) dst(%dma_wait3A_680 : memref<128x128xf32, #tpu.memory_space<hbm>>)
      tpu.yield
    }) : () -> ()
    %dma_start3A_157 = arith.constant 128 : i32
    %dma_start3A_158 = tpu.memref_slice %arg25[%dma_start3A_157] : memref<512xi32, #tpu.memory_space<vmem>> -> memref<128xi32, #tpu.memory_space<vmem>>
    %dma_start3A_159 = arith.constant 0 : i32
    %dma_start3A_160 = arith.constant 0 : i32
    %dma_start3A_161 = tpu.memref_slice %arg6[%dma_start3A_159, %dma_start3A_160] : memref<100000x128xf32, #tpu.memory_space<hbm>> -> memref<100000x128xf32, #tpu.memory_space<hbm>>
    tpu.enqueue_indirect_dma source(%dma_start3A_161 : memref<100000x128xf32, #tpu.memory_space<hbm>>) target(%arg27 : memref<128x128xf32, #tpu.memory_space<vmem>>) offsets(%dma_start3A_158 : memref<128xi32, #tpu.memory_space<vmem>>) semaphore(%arg29 : memref<!tpu.dma_semaphore, #tpu.memory_space<semaphore_mem>>)
    %dma_wait3A_162 = arith.constant 128 : i32
    %dma_wait3A_163 = tpu.memref_slice %arg25[%dma_wait3A_162] : memref<512xi32, #tpu.memory_space<vmem>> -> memref<128xi32, #tpu.memory_space<vmem>>
    %dma_wait3A_164 = arith.constant 0 : i32
    %dma_wait3A_165 = arith.constant 0 : i32
    %dma_wait3A_166 = tpu.memref_slice %arg6[%dma_wait3A_164, %dma_wait3A_165] : memref<100000x128xf32, #tpu.memory_space<hbm>> -> memref<100000x128xf32, #tpu.memory_space<hbm>>
    tpu.wait_indirect_dma semaphore(%arg29 : memref<!tpu.dma_semaphore, #tpu.memory_space<semaphore_mem>>) src(%dma_wait3A_166 : memref<100000x128xf32, #tpu.memory_space<hbm>>) dst(%arg27 : memref<128x128xf32, #tpu.memory_space<vmem>>)
    %add3A_167 = arith.constant 128 : i32
    %add3A_168 = arith.addi %mul3A_2, %add3A_167 : i32
    "tpu.region"() ({
      %run_scoped3A = tpu.sem_alloc : memref<!tpu.dma_semaphore, #tpu.memory_space<semaphore_mem>>
      %dma_start3A_673 = arith.constant 0 : i32
      %dma_start3A_674 = tpu.memref_slice %arg14[%add3A_168, %dma_start3A_673] : memref<16384x128xf32, #tpu.memory_space<hbm>> -> memref<128x128xf32, #tpu.memory_space<hbm>>
      %dma_start3A_675 = arith.constant 0 : i32
      %dma_start3A_676 = tpu.memref_slice %arg14[%add3A_168, %dma_start3A_675] : memref<16384x128xf32, #tpu.memory_space<hbm>> -> memref<128x128xf32, #tpu.memory_space<hbm>>
      tpu.enqueue_dma source(%arg27 : memref<128x128xf32, #tpu.memory_space<vmem>>) target(%dma_start3A_676 : memref<128x128xf32, #tpu.memory_space<hbm>>) target_semaphore(%run_scoped3A : memref<!tpu.dma_semaphore, #tpu.memory_space<semaphore_mem>>)
      %dma_wait3A_677 = arith.constant 0 : i32
      %dma_wait3A_678 = tpu.memref_slice %arg14[%add3A_168, %dma_wait3A_677] : memref<16384x128xf32, #tpu.memory_space<hbm>> -> memref<128x128xf32, #tpu.memory_space<hbm>>
      %dma_wait3A_679 = arith.constant 0 : i32
      %dma_wait3A_680 = tpu.memref_slice %arg14[%add3A_168, %dma_wait3A_679] : memref<16384x128xf32, #tpu.memory_space<hbm>> -> memref<128x128xf32, #tpu.memory_space<hbm>>
      tpu.wait_dma2 semaphore(%run_scoped3A : memref<!tpu.dma_semaphore, #tpu.memory_space<semaphore_mem>>) src(%arg27 : memref<128x128xf32, #tpu.memory_space<vmem>>) dst(%dma_wait3A_680 : memref<128x128xf32, #tpu.memory_space<hbm>>)
      tpu.yield
    }) : () -> ()
    %dma_start3A_169 = arith.constant 256 : i32
    %dma_start3A_170 = tpu.memref_slice %arg25[%dma_start3A_169] : memref<512xi32, #tpu.memory_space<vmem>> -> memref<128xi32, #tpu.memory_space<vmem>>
    %dma_start3A_171 = arith.constant 0 : i32
    %dma_start3A_172 = arith.constant 0 : i32
    %dma_start3A_173 = tpu.memref_slice %arg6[%dma_start3A_171, %dma_start3A_172] : memref<100000x128xf32, #tpu.memory_space<hbm>> -> memref<100000x128xf32, #tpu.memory_space<hbm>>
    tpu.enqueue_indirect_dma source(%dma_start3A_173 : memref<100000x128xf32, #tpu.memory_space<hbm>>) target(%arg27 : memref<128x128xf32, #tpu.memory_space<vmem>>) offsets(%dma_start3A_170 : memref<128xi32, #tpu.memory_space<vmem>>) semaphore(%arg29 : memref<!tpu.dma_semaphore, #tpu.memory_space<semaphore_mem>>)
    %dma_wait3A_174 = arith.constant 256 : i32
    %dma_wait3A_175 = tpu.memref_slice %arg25[%dma_wait3A_174] : memref<512xi32, #tpu.memory_space<vmem>> -> memref<128xi32, #tpu.memory_space<vmem>>
    %dma_wait3A_176 = arith.constant 0 : i32
    %dma_wait3A_177 = arith.constant 0 : i32
    %dma_wait3A_178 = tpu.memref_slice %arg6[%dma_wait3A_176, %dma_wait3A_177] : memref<100000x128xf32, #tpu.memory_space<hbm>> -> memref<100000x128xf32, #tpu.memory_space<hbm>>
    tpu.wait_indirect_dma semaphore(%arg29 : memref<!tpu.dma_semaphore, #tpu.memory_space<semaphore_mem>>) src(%dma_wait3A_178 : memref<100000x128xf32, #tpu.memory_space<hbm>>) dst(%arg27 : memref<128x128xf32, #tpu.memory_space<vmem>>)
    %add3A_179 = arith.constant 256 : i32
    %add3A_180 = arith.addi %mul3A_2, %add3A_179 : i32
    "tpu.region"() ({
      %run_scoped3A = tpu.sem_alloc : memref<!tpu.dma_semaphore, #tpu.memory_space<semaphore_mem>>
      %dma_start3A_673 = arith.constant 0 : i32
      %dma_start3A_674 = tpu.memref_slice %arg14[%add3A_180, %dma_start3A_673] : memref<16384x128xf32, #tpu.memory_space<hbm>> -> memref<128x128xf32, #tpu.memory_space<hbm>>
      %dma_start3A_675 = arith.constant 0 : i32
      %dma_start3A_676 = tpu.memref_slice %arg14[%add3A_180, %dma_start3A_675] : memref<16384x128xf32, #tpu.memory_space<hbm>> -> memref<128x128xf32, #tpu.memory_space<hbm>>
      tpu.enqueue_dma source(%arg27 : memref<128x128xf32, #tpu.memory_space<vmem>>) target(%dma_start3A_676 : memref<128x128xf32, #tpu.memory_space<hbm>>) target_semaphore(%run_scoped3A : memref<!tpu.dma_semaphore, #tpu.memory_space<semaphore_mem>>)
      %dma_wait3A_677 = arith.constant 0 : i32
      %dma_wait3A_678 = tpu.memref_slice %arg14[%add3A_180, %dma_wait3A_677] : memref<16384x128xf32, #tpu.memory_space<hbm>> -> memref<128x128xf32, #tpu.memory_space<hbm>>
      %dma_wait3A_679 = arith.constant 0 : i32
      %dma_wait3A_680 = tpu.memref_slice %arg14[%add3A_180, %dma_wait3A_679] : memref<16384x128xf32, #tpu.memory_space<hbm>> -> memref<128x128xf32, #tpu.memory_space<hbm>>
      tpu.wait_dma2 semaphore(%run_scoped3A : memref<!tpu.dma_semaphore, #tpu.memory_space<semaphore_mem>>) src(%arg27 : memref<128x128xf32, #tpu.memory_space<vmem>>) dst(%dma_wait3A_680 : memref<128x128xf32, #tpu.memory_space<hbm>>)
      tpu.yield
    }) : () -> ()
    %dma_start3A_181 = arith.constant 384 : i32
    %dma_start3A_182 = tpu.memref_slice %arg25[%dma_start3A_181] : memref<512xi32, #tpu.memory_space<vmem>> -> memref<128xi32, #tpu.memory_space<vmem>>
    %dma_start3A_183 = arith.constant 0 : i32
    %dma_start3A_184 = arith.constant 0 : i32
    %dma_start3A_185 = tpu.memref_slice %arg6[%dma_start3A_183, %dma_start3A_184] : memref<100000x128xf32, #tpu.memory_space<hbm>> -> memref<100000x128xf32, #tpu.memory_space<hbm>>
    tpu.enqueue_indirect_dma source(%dma_start3A_185 : memref<100000x128xf32, #tpu.memory_space<hbm>>) target(%arg27 : memref<128x128xf32, #tpu.memory_space<vmem>>) offsets(%dma_start3A_182 : memref<128xi32, #tpu.memory_space<vmem>>) semaphore(%arg29 : memref<!tpu.dma_semaphore, #tpu.memory_space<semaphore_mem>>)
    %dma_wait3A_186 = arith.constant 384 : i32
    %dma_wait3A_187 = tpu.memref_slice %arg25[%dma_wait3A_186] : memref<512xi32, #tpu.memory_space<vmem>> -> memref<128xi32, #tpu.memory_space<vmem>>
    %dma_wait3A_188 = arith.constant 0 : i32
    %dma_wait3A_189 = arith.constant 0 : i32
    %dma_wait3A_190 = tpu.memref_slice %arg6[%dma_wait3A_188, %dma_wait3A_189] : memref<100000x128xf32, #tpu.memory_space<hbm>> -> memref<100000x128xf32, #tpu.memory_space<hbm>>
    tpu.wait_indirect_dma semaphore(%arg29 : memref<!tpu.dma_semaphore, #tpu.memory_space<semaphore_mem>>) src(%dma_wait3A_190 : memref<100000x128xf32, #tpu.memory_space<hbm>>) dst(%arg27 : memref<128x128xf32, #tpu.memory_space<vmem>>)
    %add3A_191 = arith.constant 384 : i32
    %add3A_192 = arith.addi %mul3A_2, %add3A_191 : i32
    "tpu.region"() ({
      %run_scoped3A = tpu.sem_alloc : memref<!tpu.dma_semaphore, #tpu.memory_space<semaphore_mem>>
      %dma_start3A_673 = arith.constant 0 : i32
      %dma_start3A_674 = tpu.memref_slice %arg14[%add3A_192, %dma_start3A_673] : memref<16384x128xf32, #tpu.memory_space<hbm>> -> memref<128x128xf32, #tpu.memory_space<hbm>>
      %dma_start3A_675 = arith.constant 0 : i32
      %dma_start3A_676 = tpu.memref_slice %arg14[%add3A_192, %dma_start3A_675] : memref<16384x128xf32, #tpu.memory_space<hbm>> -> memref<128x128xf32, #tpu.memory_space<hbm>>
      tpu.enqueue_dma source(%arg27 : memref<128x128xf32, #tpu.memory_space<vmem>>) target(%dma_start3A_676 : memref<128x128xf32, #tpu.memory_space<hbm>>) target_semaphore(%run_scoped3A : memref<!tpu.dma_semaphore, #tpu.memory_space<semaphore_mem>>)
      %dma_wait3A_677 = arith.constant 0 : i32
      %dma_wait3A_678 = tpu.memref_slice %arg14[%add3A_192, %dma_wait3A_677] : memref<16384x128xf32, #tpu.memory_space<hbm>> -> memref<128x128xf32, #tpu.memory_space<hbm>>
      %dma_wait3A_679 = arith.constant 0 : i32
      %dma_wait3A_680 = tpu.memref_slice %arg14[%add3A_192, %dma_wait3A_679] : memref<16384x128xf32, #tpu.memory_space<hbm>> -> memref<128x128xf32, #tpu.memory_space<hbm>>
      tpu.wait_dma2 semaphore(%run_scoped3A : memref<!tpu.dma_semaphore, #tpu.memory_space<semaphore_mem>>) src(%arg27 : memref<128x128xf32, #tpu.memory_space<vmem>>) dst(%dma_wait3A_680 : memref<128x128xf32, #tpu.memory_space<hbm>>)
      tpu.yield
    }) : () -> ()
    %dma_start3A_193 = arith.constant 0 : i32
    %dma_start3A_194 = tpu.memref_slice %arg25[%dma_start3A_193] : memref<512xi32, #tpu.memory_space<vmem>> -> memref<128xi32, #tpu.memory_space<vmem>>
    %dma_start3A_195 = arith.constant 0 : i32
    %dma_start3A_196 = arith.constant 0 : i32
    %dma_start3A_197 = tpu.memref_slice %arg7[%dma_start3A_195, %dma_start3A_196] : memref<100000x64xf32, #tpu.memory_space<hbm>> -> memref<100000x64xf32, #tpu.memory_space<hbm>>
    tpu.enqueue_indirect_dma source(%dma_start3A_197 : memref<100000x64xf32, #tpu.memory_space<hbm>>) target(%arg28 : memref<128x64xf32, #tpu.memory_space<vmem>>) offsets(%dma_start3A_194 : memref<128xi32, #tpu.memory_space<vmem>>) semaphore(%arg29 : memref<!tpu.dma_semaphore, #tpu.memory_space<semaphore_mem>>)
    %dma_wait3A_198 = arith.constant 0 : i32
    %dma_wait3A_199 = tpu.memref_slice %arg25[%dma_wait3A_198] : memref<512xi32, #tpu.memory_space<vmem>> -> memref<128xi32, #tpu.memory_space<vmem>>
    %dma_wait3A_200 = arith.constant 0 : i32
    %dma_wait3A_201 = arith.constant 0 : i32
    %dma_wait3A_202 = tpu.memref_slice %arg7[%dma_wait3A_200, %dma_wait3A_201] : memref<100000x64xf32, #tpu.memory_space<hbm>> -> memref<100000x64xf32, #tpu.memory_space<hbm>>
    tpu.wait_indirect_dma semaphore(%arg29 : memref<!tpu.dma_semaphore, #tpu.memory_space<semaphore_mem>>) src(%dma_wait3A_202 : memref<100000x64xf32, #tpu.memory_space<hbm>>) dst(%arg28 : memref<128x64xf32, #tpu.memory_space<vmem>>)
    %add3A_203 = arith.constant 0 : i32
    %add3A_204 = arith.addi %mul3A_2, %add3A_203 : i32
    "tpu.region"() ({
      %run_scoped3A = tpu.sem_alloc : memref<!tpu.dma_semaphore, #tpu.memory_space<semaphore_mem>>
      %dma_start3A_673 = arith.constant 0 : i32
      %dma_start3A_674 = tpu.memref_slice %arg15[%add3A_204, %dma_start3A_673] : memref<16384x128xf32, #tpu.memory_space<hbm>> -> memref<128x64xf32, #tpu.memory_space<hbm>>
      %dma_start3A_675 = arith.constant 0 : i32
      %dma_start3A_676 = tpu.memref_slice %arg15[%add3A_204, %dma_start3A_675] : memref<16384x128xf32, #tpu.memory_space<hbm>> -> memref<128x64xf32, #tpu.memory_space<hbm>>
      tpu.enqueue_dma source(%arg28 : memref<128x64xf32, #tpu.memory_space<vmem>>) target(%dma_start3A_676 : memref<128x64xf32, #tpu.memory_space<hbm>>) target_semaphore(%run_scoped3A : memref<!tpu.dma_semaphore, #tpu.memory_space<semaphore_mem>>)
      %dma_wait3A_677 = arith.constant 0 : i32
      %dma_wait3A_678 = tpu.memref_slice %arg15[%add3A_204, %dma_wait3A_677] : memref<16384x128xf32, #tpu.memory_space<hbm>> -> memref<128x64xf32, #tpu.memory_space<hbm>>
      %dma_wait3A_679 = arith.constant 0 : i32
      %dma_wait3A_680 = tpu.memref_slice %arg15[%add3A_204, %dma_wait3A_679] : memref<16384x128xf32, #tpu.memory_space<hbm>> -> memref<128x64xf32, #tpu.memory_space<hbm>>
      tpu.wait_dma2 semaphore(%run_scoped3A : memref<!tpu.dma_semaphore, #tpu.memory_space<semaphore_mem>>) src(%arg28 : memref<128x64xf32, #tpu.memory_space<vmem>>) dst(%dma_wait3A_680 : memref<128x64xf32, #tpu.memory_space<hbm>>)
      tpu.yield
    }) : () -> ()
    %dma_start3A_205 = arith.constant 128 : i32
    %dma_start3A_206 = tpu.memref_slice %arg25[%dma_start3A_205] : memref<512xi32, #tpu.memory_space<vmem>> -> memref<128xi32, #tpu.memory_space<vmem>>
    %dma_start3A_207 = arith.constant 0 : i32
    %dma_start3A_208 = arith.constant 0 : i32
    %dma_start3A_209 = tpu.memref_slice %arg7[%dma_start3A_207, %dma_start3A_208] : memref<100000x64xf32, #tpu.memory_space<hbm>> -> memref<100000x64xf32, #tpu.memory_space<hbm>>
    tpu.enqueue_indirect_dma source(%dma_start3A_209 : memref<100000x64xf32, #tpu.memory_space<hbm>>) target(%arg28 : memref<128x64xf32, #tpu.memory_space<vmem>>) offsets(%dma_start3A_206 : memref<128xi32, #tpu.memory_space<vmem>>) semaphore(%arg29 : memref<!tpu.dma_semaphore, #tpu.memory_space<semaphore_mem>>)
    %dma_wait3A_210 = arith.constant 128 : i32
    %dma_wait3A_211 = tpu.memref_slice %arg25[%dma_wait3A_210] : memref<512xi32, #tpu.memory_space<vmem>> -> memref<128xi32, #tpu.memory_space<vmem>>
    %dma_wait3A_212 = arith.constant 0 : i32
    %dma_wait3A_213 = arith.constant 0 : i32
    %dma_wait3A_214 = tpu.memref_slice %arg7[%dma_wait3A_212, %dma_wait3A_213] : memref<100000x64xf32, #tpu.memory_space<hbm>> -> memref<100000x64xf32, #tpu.memory_space<hbm>>
    tpu.wait_indirect_dma semaphore(%arg29 : memref<!tpu.dma_semaphore, #tpu.memory_space<semaphore_mem>>) src(%dma_wait3A_214 : memref<100000x64xf32, #tpu.memory_space<hbm>>) dst(%arg28 : memref<128x64xf32, #tpu.memory_space<vmem>>)
    %add3A_215 = arith.constant 128 : i32
    %add3A_216 = arith.addi %mul3A_2, %add3A_215 : i32
    "tpu.region"() ({
      %run_scoped3A = tpu.sem_alloc : memref<!tpu.dma_semaphore, #tpu.memory_space<semaphore_mem>>
      %dma_start3A_673 = arith.constant 0 : i32
      %dma_start3A_674 = tpu.memref_slice %arg15[%add3A_216, %dma_start3A_673] : memref<16384x128xf32, #tpu.memory_space<hbm>> -> memref<128x64xf32, #tpu.memory_space<hbm>>
      %dma_start3A_675 = arith.constant 0 : i32
      %dma_start3A_676 = tpu.memref_slice %arg15[%add3A_216, %dma_start3A_675] : memref<16384x128xf32, #tpu.memory_space<hbm>> -> memref<128x64xf32, #tpu.memory_space<hbm>>
      tpu.enqueue_dma source(%arg28 : memref<128x64xf32, #tpu.memory_space<vmem>>) target(%dma_start3A_676 : memref<128x64xf32, #tpu.memory_space<hbm>>) target_semaphore(%run_scoped3A : memref<!tpu.dma_semaphore, #tpu.memory_space<semaphore_mem>>)
      %dma_wait3A_677 = arith.constant 0 : i32
      %dma_wait3A_678 = tpu.memref_slice %arg15[%add3A_216, %dma_wait3A_677] : memref<16384x128xf32, #tpu.memory_space<hbm>> -> memref<128x64xf32, #tpu.memory_space<hbm>>
      %dma_wait3A_679 = arith.constant 0 : i32
      %dma_wait3A_680 = tpu.memref_slice %arg15[%add3A_216, %dma_wait3A_679] : memref<16384x128xf32, #tpu.memory_space<hbm>> -> memref<128x64xf32, #tpu.memory_space<hbm>>
      tpu.wait_dma2 semaphore(%run_scoped3A : memref<!tpu.dma_semaphore, #tpu.memory_space<semaphore_mem>>) src(%arg28 : memref<128x64xf32, #tpu.memory_space<vmem>>) dst(%dma_wait3A_680 : memref<128x64xf32, #tpu.memory_space<hbm>>)
      tpu.yield
    }) : () -> ()
    %dma_start3A_217 = arith.constant 256 : i32
    %dma_start3A_218 = tpu.memref_slice %arg25[%dma_start3A_217] : memref<512xi32, #tpu.memory_space<vmem>> -> memref<128xi32, #tpu.memory_space<vmem>>
    %dma_start3A_219 = arith.constant 0 : i32
    %dma_start3A_220 = arith.constant 0 : i32
    %dma_start3A_221 = tpu.memref_slice %arg7[%dma_start3A_219, %dma_start3A_220] : memref<100000x64xf32, #tpu.memory_space<hbm>> -> memref<100000x64xf32, #tpu.memory_space<hbm>>
    tpu.enqueue_indirect_dma source(%dma_start3A_221 : memref<100000x64xf32, #tpu.memory_space<hbm>>) target(%arg28 : memref<128x64xf32, #tpu.memory_space<vmem>>) offsets(%dma_start3A_218 : memref<128xi32, #tpu.memory_space<vmem>>) semaphore(%arg29 : memref<!tpu.dma_semaphore, #tpu.memory_space<semaphore_mem>>)
    %dma_wait3A_222 = arith.constant 256 : i32
    %dma_wait3A_223 = tpu.memref_slice %arg25[%dma_wait3A_222] : memref<512xi32, #tpu.memory_space<vmem>> -> memref<128xi32, #tpu.memory_space<vmem>>
    %dma_wait3A_224 = arith.constant 0 : i32
    %dma_wait3A_225 = arith.constant 0 : i32
    %dma_wait3A_226 = tpu.memref_slice %arg7[%dma_wait3A_224, %dma_wait3A_225] : memref<100000x64xf32, #tpu.memory_space<hbm>> -> memref<100000x64xf32, #tpu.memory_space<hbm>>
    tpu.wait_indirect_dma semaphore(%arg29 : memref<!tpu.dma_semaphore, #tpu.memory_space<semaphore_mem>>) src(%dma_wait3A_226 : memref<100000x64xf32, #tpu.memory_space<hbm>>) dst(%arg28 : memref<128x64xf32, #tpu.memory_space<vmem>>)
    %add3A_227 = arith.constant 256 : i32
    %add3A_228 = arith.addi %mul3A_2, %add3A_227 : i32
    "tpu.region"() ({
      %run_scoped3A = tpu.sem_alloc : memref<!tpu.dma_semaphore, #tpu.memory_space<semaphore_mem>>
      %dma_start3A_673 = arith.constant 0 : i32
      %dma_start3A_674 = tpu.memref_slice %arg15[%add3A_228, %dma_start3A_673] : memref<16384x128xf32, #tpu.memory_space<hbm>> -> memref<128x64xf32, #tpu.memory_space<hbm>>
      %dma_start3A_675 = arith.constant 0 : i32
      %dma_start3A_676 = tpu.memref_slice %arg15[%add3A_228, %dma_start3A_675] : memref<16384x128xf32, #tpu.memory_space<hbm>> -> memref<128x64xf32, #tpu.memory_space<hbm>>
      tpu.enqueue_dma source(%arg28 : memref<128x64xf32, #tpu.memory_space<vmem>>) target(%dma_start3A_676 : memref<128x64xf32, #tpu.memory_space<hbm>>) target_semaphore(%run_scoped3A : memref<!tpu.dma_semaphore, #tpu.memory_space<semaphore_mem>>)
      %dma_wait3A_677 = arith.constant 0 : i32
      %dma_wait3A_678 = tpu.memref_slice %arg15[%add3A_228, %dma_wait3A_677] : memref<16384x128xf32, #tpu.memory_space<hbm>> -> memref<128x64xf32, #tpu.memory_space<hbm>>
      %dma_wait3A_679 = arith.constant 0 : i32
      %dma_wait3A_680 = tpu.memref_slice %arg15[%add3A_228, %dma_wait3A_679] : memref<16384x128xf32, #tpu.memory_space<hbm>> -> memref<128x64xf32, #tpu.memory_space<hbm>>
      tpu.wait_dma2 semaphore(%run_scoped3A : memref<!tpu.dma_semaphore, #tpu.memory_space<semaphore_mem>>) src(%arg28 : memref<128x64xf32, #tpu.memory_space<vmem>>) dst(%dma_wait3A_680 : memref<128x64xf32, #tpu.memory_space<hbm>>)
      tpu.yield
    }) : () -> ()
    %dma_start3A_229 = arith.constant 384 : i32
    %dma_start3A_230 = tpu.memref_slice %arg25[%dma_start3A_229] : memref<512xi32, #tpu.memory_space<vmem>> -> memref<128xi32, #tpu.memory_space<vmem>>
    %dma_start3A_231 = arith.constant 0 : i32
    %dma_start3A_232 = arith.constant 0 : i32
    %dma_start3A_233 = tpu.memref_slice %arg7[%dma_start3A_231, %dma_start3A_232] : memref<100000x64xf32, #tpu.memory_space<hbm>> -> memref<100000x64xf32, #tpu.memory_space<hbm>>
    tpu.enqueue_indirect_dma source(%dma_start3A_233 : memref<100000x64xf32, #tpu.memory_space<hbm>>) target(%arg28 : memref<128x64xf32, #tpu.memory_space<vmem>>) offsets(%dma_start3A_230 : memref<128xi32, #tpu.memory_space<vmem>>) semaphore(%arg29 : memref<!tpu.dma_semaphore, #tpu.memory_space<semaphore_mem>>)
    %dma_wait3A_234 = arith.constant 384 : i32
    %dma_wait3A_235 = tpu.memref_slice %arg25[%dma_wait3A_234] : memref<512xi32, #tpu.memory_space<vmem>> -> memref<128xi32, #tpu.memory_space<vmem>>
    %dma_wait3A_236 = arith.constant 0 : i32
    %dma_wait3A_237 = arith.constant 0 : i32
    %dma_wait3A_238 = tpu.memref_slice %arg7[%dma_wait3A_236, %dma_wait3A_237] : memref<100000x64xf32, #tpu.memory_space<hbm>> -> memref<100000x64xf32, #tpu.memory_space<hbm>>
    tpu.wait_indirect_dma semaphore(%arg29 : memref<!tpu.dma_semaphore, #tpu.memory_space<semaphore_mem>>) src(%dma_wait3A_238 : memref<100000x64xf32, #tpu.memory_space<hbm>>) dst(%arg28 : memref<128x64xf32, #tpu.memory_space<vmem>>)
    %add3A_239 = arith.constant 384 : i32
    %add3A_240 = arith.addi %mul3A_2, %add3A_239 : i32
    "tpu.region"() ({
      %run_scoped3A = tpu.sem_alloc : memref<!tpu.dma_semaphore, #tpu.memory_space<semaphore_mem>>
      %dma_start3A_673 = arith.constant 0 : i32
      %dma_start3A_674 = tpu.memref_slice %arg15[%add3A_240, %dma_start3A_673] : memref<16384x128xf32, #tpu.memory_space<hbm>> -> memref<128x64xf32, #tpu.memory_space<hbm>>
      %dma_start3A_675 = arith.constant 0 : i32
      %dma_start3A_676 = tpu.memref_slice %arg15[%add3A_240, %dma_start3A_675] : memref<16384x128xf32, #tpu.memory_space<hbm>> -> memref<128x64xf32, #tpu.memory_space<hbm>>
      tpu.enqueue_dma source(%arg28 : memref<128x64xf32, #tpu.memory_space<vmem>>) target(%dma_start3A_676 : memref<128x64xf32, #tpu.memory_space<hbm>>) target_semaphore(%run_scoped3A : memref<!tpu.dma_semaphore, #tpu.memory_space<semaphore_mem>>)
      %dma_wait3A_677 = arith.constant 0 : i32
      %dma_wait3A_678 = tpu.memref_slice %arg15[%add3A_240, %dma_wait3A_677] : memref<16384x128xf32, #tpu.memory_space<hbm>> -> memref<128x64xf32, #tpu.memory_space<hbm>>
      %dma_wait3A_679 = arith.constant 0 : i32
      %dma_wait3A_680 = tpu.memref_slice %arg15[%add3A_240, %dma_wait3A_679] : memref<16384x128xf32, #tpu.memory_space<hbm>> -> memref<128x64xf32, #tpu.memory_space<hbm>>
      tpu.wait_dma2 semaphore(%run_scoped3A : memref<!tpu.dma_semaphore, #tpu.memory_space<semaphore_mem>>) src(%arg28 : memref<128x64xf32, #tpu.memory_space<vmem>>) dst(%dma_wait3A_680 : memref<128x64xf32, #tpu.memory_space<hbm>>)
      tpu.yield
    }) : () -> ()
    %dma_start3A_241 = arith.constant 0 : i32
    %dma_start3A_242 = tpu.memref_slice %arg25[%dma_start3A_241] : memref<512xi32, #tpu.memory_space<vmem>> -> memref<128xi32, #tpu.memory_space<vmem>>
    %dma_start3A_243 = arith.constant 0 : i32
    %dma_start3A_244 = arith.constant 0 : i32
    %dma_start3A_245 = tpu.memref_slice %arg8[%dma_start3A_243, %dma_start3A_244] : memref<100000x128xf32, #tpu.memory_space<hbm>> -> memref<100000x128xf32, #tpu.memory_space<hbm>>
    tpu.enqueue_indirect_dma source(%dma_start3A_245 : memref<100000x128xf32, #tpu.memory_space<hbm>>) target(%arg27 : memref<128x128xf32, #tpu.memory_space<vmem>>) offsets(%dma_start3A_242 : memref<128xi32, #tpu.memory_space<vmem>>) semaphore(%arg29 : memref<!tpu.dma_semaphore, #tpu.memory_space<semaphore_mem>>)
    %dma_wait3A_246 = arith.constant 0 : i32
    %dma_wait3A_247 = tpu.memref_slice %arg25[%dma_wait3A_246] : memref<512xi32, #tpu.memory_space<vmem>> -> memref<128xi32, #tpu.memory_space<vmem>>
    %dma_wait3A_248 = arith.constant 0 : i32
    %dma_wait3A_249 = arith.constant 0 : i32
    %dma_wait3A_250 = tpu.memref_slice %arg8[%dma_wait3A_248, %dma_wait3A_249] : memref<100000x128xf32, #tpu.memory_space<hbm>> -> memref<100000x128xf32, #tpu.memory_space<hbm>>
    tpu.wait_indirect_dma semaphore(%arg29 : memref<!tpu.dma_semaphore, #tpu.memory_space<semaphore_mem>>) src(%dma_wait3A_250 : memref<100000x128xf32, #tpu.memory_space<hbm>>) dst(%arg27 : memref<128x128xf32, #tpu.memory_space<vmem>>)
    %add3A_251 = arith.constant 0 : i32
    %add3A_252 = arith.addi %mul3A_2, %add3A_251 : i32
    "tpu.region"() ({
      %run_scoped3A = tpu.sem_alloc : memref<!tpu.dma_semaphore, #tpu.memory_space<semaphore_mem>>
      %dma_start3A_673 = arith.constant 0 : i32
      %dma_start3A_674 = tpu.memref_slice %arg16[%add3A_252, %dma_start3A_673] : memref<16384x128xf32, #tpu.memory_space<hbm>> -> memref<128x128xf32, #tpu.memory_space<hbm>>
      %dma_start3A_675 = arith.constant 0 : i32
      %dma_start3A_676 = tpu.memref_slice %arg16[%add3A_252, %dma_start3A_675] : memref<16384x128xf32, #tpu.memory_space<hbm>> -> memref<128x128xf32, #tpu.memory_space<hbm>>
      tpu.enqueue_dma source(%arg27 : memref<128x128xf32, #tpu.memory_space<vmem>>) target(%dma_start3A_676 : memref<128x128xf32, #tpu.memory_space<hbm>>) target_semaphore(%run_scoped3A : memref<!tpu.dma_semaphore, #tpu.memory_space<semaphore_mem>>)
      %dma_wait3A_677 = arith.constant 0 : i32
      %dma_wait3A_678 = tpu.memref_slice %arg16[%add3A_252, %dma_wait3A_677] : memref<16384x128xf32, #tpu.memory_space<hbm>> -> memref<128x128xf32, #tpu.memory_space<hbm>>
      %dma_wait3A_679 = arith.constant 0 : i32
      %dma_wait3A_680 = tpu.memref_slice %arg16[%add3A_252, %dma_wait3A_679] : memref<16384x128xf32, #tpu.memory_space<hbm>> -> memref<128x128xf32, #tpu.memory_space<hbm>>
      tpu.wait_dma2 semaphore(%run_scoped3A : memref<!tpu.dma_semaphore, #tpu.memory_space<semaphore_mem>>) src(%arg27 : memref<128x128xf32, #tpu.memory_space<vmem>>) dst(%dma_wait3A_680 : memref<128x128xf32, #tpu.memory_space<hbm>>)
      tpu.yield
    }) : () -> ()
    %dma_start3A_253 = arith.constant 128 : i32
    %dma_start3A_254 = tpu.memref_slice %arg25[%dma_start3A_253] : memref<512xi32, #tpu.memory_space<vmem>> -> memref<128xi32, #tpu.memory_space<vmem>>
    %dma_start3A_255 = arith.constant 0 : i32
    %dma_start3A_256 = arith.constant 0 : i32
    %dma_start3A_257 = tpu.memref_slice %arg8[%dma_start3A_255, %dma_start3A_256] : memref<100000x128xf32, #tpu.memory_space<hbm>> -> memref<100000x128xf32, #tpu.memory_space<hbm>>
    tpu.enqueue_indirect_dma source(%dma_start3A_257 : memref<100000x128xf32, #tpu.memory_space<hbm>>) target(%arg27 : memref<128x128xf32, #tpu.memory_space<vmem>>) offsets(%dma_start3A_254 : memref<128xi32, #tpu.memory_space<vmem>>) semaphore(%arg29 : memref<!tpu.dma_semaphore, #tpu.memory_space<semaphore_mem>>)
    %dma_wait3A_258 = arith.constant 128 : i32
    %dma_wait3A_259 = tpu.memref_slice %arg25[%dma_wait3A_258] : memref<512xi32, #tpu.memory_space<vmem>> -> memref<128xi32, #tpu.memory_space<vmem>>
    %dma_wait3A_260 = arith.constant 0 : i32
    %dma_wait3A_261 = arith.constant 0 : i32
    %dma_wait3A_262 = tpu.memref_slice %arg8[%dma_wait3A_260, %dma_wait3A_261] : memref<100000x128xf32, #tpu.memory_space<hbm>> -> memref<100000x128xf32, #tpu.memory_space<hbm>>
    tpu.wait_indirect_dma semaphore(%arg29 : memref<!tpu.dma_semaphore, #tpu.memory_space<semaphore_mem>>) src(%dma_wait3A_262 : memref<100000x128xf32, #tpu.memory_space<hbm>>) dst(%arg27 : memref<128x128xf32, #tpu.memory_space<vmem>>)
    %add3A_263 = arith.constant 128 : i32
    %add3A_264 = arith.addi %mul3A_2, %add3A_263 : i32
    "tpu.region"() ({
      %run_scoped3A = tpu.sem_alloc : memref<!tpu.dma_semaphore, #tpu.memory_space<semaphore_mem>>
      %dma_start3A_673 = arith.constant 0 : i32
      %dma_start3A_674 = tpu.memref_slice %arg16[%add3A_264, %dma_start3A_673] : memref<16384x128xf32, #tpu.memory_space<hbm>> -> memref<128x128xf32, #tpu.memory_space<hbm>>
      %dma_start3A_675 = arith.constant 0 : i32
      %dma_start3A_676 = tpu.memref_slice %arg16[%add3A_264, %dma_start3A_675] : memref<16384x128xf32, #tpu.memory_space<hbm>> -> memref<128x128xf32, #tpu.memory_space<hbm>>
      tpu.enqueue_dma source(%arg27 : memref<128x128xf32, #tpu.memory_space<vmem>>) target(%dma_start3A_676 : memref<128x128xf32, #tpu.memory_space<hbm>>) target_semaphore(%run_scoped3A : memref<!tpu.dma_semaphore, #tpu.memory_space<semaphore_mem>>)
      %dma_wait3A_677 = arith.constant 0 : i32
      %dma_wait3A_678 = tpu.memref_slice %arg16[%add3A_264, %dma_wait3A_677] : memref<16384x128xf32, #tpu.memory_space<hbm>> -> memref<128x128xf32, #tpu.memory_space<hbm>>
      %dma_wait3A_679 = arith.constant 0 : i32
      %dma_wait3A_680 = tpu.memref_slice %arg16[%add3A_264, %dma_wait3A_679] : memref<16384x128xf32, #tpu.memory_space<hbm>> -> memref<128x128xf32, #tpu.memory_space<hbm>>
      tpu.wait_dma2 semaphore(%run_scoped3A : memref<!tpu.dma_semaphore, #tpu.memory_space<semaphore_mem>>) src(%arg27 : memref<128x128xf32, #tpu.memory_space<vmem>>) dst(%dma_wait3A_680 : memref<128x128xf32, #tpu.memory_space<hbm>>)
      tpu.yield
    }) : () -> ()
    %dma_start3A_265 = arith.constant 256 : i32
    %dma_start3A_266 = tpu.memref_slice %arg25[%dma_start3A_265] : memref<512xi32, #tpu.memory_space<vmem>> -> memref<128xi32, #tpu.memory_space<vmem>>
    %dma_start3A_267 = arith.constant 0 : i32
    %dma_start3A_268 = arith.constant 0 : i32
    %dma_start3A_269 = tpu.memref_slice %arg8[%dma_start3A_267, %dma_start3A_268] : memref<100000x128xf32, #tpu.memory_space<hbm>> -> memref<100000x128xf32, #tpu.memory_space<hbm>>
    tpu.enqueue_indirect_dma source(%dma_start3A_269 : memref<100000x128xf32, #tpu.memory_space<hbm>>) target(%arg27 : memref<128x128xf32, #tpu.memory_space<vmem>>) offsets(%dma_start3A_266 : memref<128xi32, #tpu.memory_space<vmem>>) semaphore(%arg29 : memref<!tpu.dma_semaphore, #tpu.memory_space<semaphore_mem>>)
    %dma_wait3A_270 = arith.constant 256 : i32
    %dma_wait3A_271 = tpu.memref_slice %arg25[%dma_wait3A_270] : memref<512xi32, #tpu.memory_space<vmem>> -> memref<128xi32, #tpu.memory_space<vmem>>
    %dma_wait3A_272 = arith.constant 0 : i32
    %dma_wait3A_273 = arith.constant 0 : i32
    %dma_wait3A_274 = tpu.memref_slice %arg8[%dma_wait3A_272, %dma_wait3A_273] : memref<100000x128xf32, #tpu.memory_space<hbm>> -> memref<100000x128xf32, #tpu.memory_space<hbm>>
    tpu.wait_indirect_dma semaphore(%arg29 : memref<!tpu.dma_semaphore, #tpu.memory_space<semaphore_mem>>) src(%dma_wait3A_274 : memref<100000x128xf32, #tpu.memory_space<hbm>>) dst(%arg27 : memref<128x128xf32, #tpu.memory_space<vmem>>)
    %add3A_275 = arith.constant 256 : i32
    %add3A_276 = arith.addi %mul3A_2, %add3A_275 : i32
    "tpu.region"() ({
      %run_scoped3A = tpu.sem_alloc : memref<!tpu.dma_semaphore, #tpu.memory_space<semaphore_mem>>
      %dma_start3A_673 = arith.constant 0 : i32
      %dma_start3A_674 = tpu.memref_slice %arg16[%add3A_276, %dma_start3A_673] : memref<16384x128xf32, #tpu.memory_space<hbm>> -> memref<128x128xf32, #tpu.memory_space<hbm>>
      %dma_start3A_675 = arith.constant 0 : i32
      %dma_start3A_676 = tpu.memref_slice %arg16[%add3A_276, %dma_start3A_675] : memref<16384x128xf32, #tpu.memory_space<hbm>> -> memref<128x128xf32, #tpu.memory_space<hbm>>
      tpu.enqueue_dma source(%arg27 : memref<128x128xf32, #tpu.memory_space<vmem>>) target(%dma_start3A_676 : memref<128x128xf32, #tpu.memory_space<hbm>>) target_semaphore(%run_scoped3A : memref<!tpu.dma_semaphore, #tpu.memory_space<semaphore_mem>>)
      %dma_wait3A_677 = arith.constant 0 : i32
      %dma_wait3A_678 = tpu.memref_slice %arg16[%add3A_276, %dma_wait3A_677] : memref<16384x128xf32, #tpu.memory_space<hbm>> -> memref<128x128xf32, #tpu.memory_space<hbm>>
      %dma_wait3A_679 = arith.constant 0 : i32
      %dma_wait3A_680 = tpu.memref_slice %arg16[%add3A_276, %dma_wait3A_679] : memref<16384x128xf32, #tpu.memory_space<hbm>> -> memref<128x128xf32, #tpu.memory_space<hbm>>
      tpu.wait_dma2 semaphore(%run_scoped3A : memref<!tpu.dma_semaphore, #tpu.memory_space<semaphore_mem>>) src(%arg27 : memref<128x128xf32, #tpu.memory_space<vmem>>) dst(%dma_wait3A_680 : memref<128x128xf32, #tpu.memory_space<hbm>>)
      tpu.yield
    }) : () -> ()
    %dma_start3A_277 = arith.constant 384 : i32
    %dma_start3A_278 = tpu.memref_slice %arg25[%dma_start3A_277] : memref<512xi32, #tpu.memory_space<vmem>> -> memref<128xi32, #tpu.memory_space<vmem>>
    %dma_start3A_279 = arith.constant 0 : i32
    %dma_start3A_280 = arith.constant 0 : i32
    %dma_start3A_281 = tpu.memref_slice %arg8[%dma_start3A_279, %dma_start3A_280] : memref<100000x128xf32, #tpu.memory_space<hbm>> -> memref<100000x128xf32, #tpu.memory_space<hbm>>
    tpu.enqueue_indirect_dma source(%dma_start3A_281 : memref<100000x128xf32, #tpu.memory_space<hbm>>) target(%arg27 : memref<128x128xf32, #tpu.memory_space<vmem>>) offsets(%dma_start3A_278 : memref<128xi32, #tpu.memory_space<vmem>>) semaphore(%arg29 : memref<!tpu.dma_semaphore, #tpu.memory_space<semaphore_mem>>)
    %dma_wait3A_282 = arith.constant 384 : i32
    %dma_wait3A_283 = tpu.memref_slice %arg25[%dma_wait3A_282] : memref<512xi32, #tpu.memory_space<vmem>> -> memref<128xi32, #tpu.memory_space<vmem>>
    %dma_wait3A_284 = arith.constant 0 : i32
    %dma_wait3A_285 = arith.constant 0 : i32
    %dma_wait3A_286 = tpu.memref_slice %arg8[%dma_wait3A_284, %dma_wait3A_285] : memref<100000x128xf32, #tpu.memory_space<hbm>> -> memref<100000x128xf32, #tpu.memory_space<hbm>>
    tpu.wait_indirect_dma semaphore(%arg29 : memref<!tpu.dma_semaphore, #tpu.memory_space<semaphore_mem>>) src(%dma_wait3A_286 : memref<100000x128xf32, #tpu.memory_space<hbm>>) dst(%arg27 : memref<128x128xf32, #tpu.memory_space<vmem>>)
    %add3A_287 = arith.constant 384 : i32
    %add3A_288 = arith.addi %mul3A_2, %add3A_287 : i32
    "tpu.region"() ({
      %run_scoped3A = tpu.sem_alloc : memref<!tpu.dma_semaphore, #tpu.memory_space<semaphore_mem>>
      %dma_start3A_673 = arith.constant 0 : i32
      %dma_start3A_674 = tpu.memref_slice %arg16[%add3A_288, %dma_start3A_673] : memref<16384x128xf32, #tpu.memory_space<hbm>> -> memref<128x128xf32, #tpu.memory_space<hbm>>
      %dma_start3A_675 = arith.constant 0 : i32
      %dma_start3A_676 = tpu.memref_slice %arg16[%add3A_288, %dma_start3A_675] : memref<16384x128xf32, #tpu.memory_space<hbm>> -> memref<128x128xf32, #tpu.memory_space<hbm>>
      tpu.enqueue_dma source(%arg27 : memref<128x128xf32, #tpu.memory_space<vmem>>) target(%dma_start3A_676 : memref<128x128xf32, #tpu.memory_space<hbm>>) target_semaphore(%run_scoped3A : memref<!tpu.dma_semaphore, #tpu.memory_space<semaphore_mem>>)
      %dma_wait3A_677 = arith.constant 0 : i32
      %dma_wait3A_678 = tpu.memref_slice %arg16[%add3A_288, %dma_wait3A_677] : memref<16384x128xf32, #tpu.memory_space<hbm>> -> memref<128x128xf32, #tpu.memory_space<hbm>>
      %dma_wait3A_679 = arith.constant 0 : i32
      %dma_wait3A_680 = tpu.memref_slice %arg16[%add3A_288, %dma_wait3A_679] : memref<16384x128xf32, #tpu.memory_space<hbm>> -> memref<128x128xf32, #tpu.memory_space<hbm>>
      tpu.wait_dma2 semaphore(%run_scoped3A : memref<!tpu.dma_semaphore, #tpu.memory_space<semaphore_mem>>) src(%arg27 : memref<128x128xf32, #tpu.memory_space<vmem>>) dst(%dma_wait3A_680 : memref<128x128xf32, #tpu.memory_space<hbm>>)
      tpu.yield
    }) : () -> ()
    %dma_start3A_289 = arith.constant 0 : i32
    %dma_start3A_290 = tpu.memref_slice %arg25[%dma_start3A_289] : memref<512xi32, #tpu.memory_space<vmem>> -> memref<128xi32, #tpu.memory_space<vmem>>
    %dma_start3A_291 = arith.constant 0 : i32
    %dma_start3A_292 = arith.constant 0 : i32
    %dma_start3A_293 = tpu.memref_slice %arg9[%dma_start3A_291, %dma_start3A_292] : memref<100000x128xf32, #tpu.memory_space<hbm>> -> memref<100000x128xf32, #tpu.memory_space<hbm>>
    tpu.enqueue_indirect_dma source(%dma_start3A_293 : memref<100000x128xf32, #tpu.memory_space<hbm>>) target(%arg27 : memref<128x128xf32, #tpu.memory_space<vmem>>) offsets(%dma_start3A_290 : memref<128xi32, #tpu.memory_space<vmem>>) semaphore(%arg29 : memref<!tpu.dma_semaphore, #tpu.memory_space<semaphore_mem>>)
    %dma_wait3A_294 = arith.constant 0 : i32
    %dma_wait3A_295 = tpu.memref_slice %arg25[%dma_wait3A_294] : memref<512xi32, #tpu.memory_space<vmem>> -> memref<128xi32, #tpu.memory_space<vmem>>
    %dma_wait3A_296 = arith.constant 0 : i32
    %dma_wait3A_297 = arith.constant 0 : i32
    %dma_wait3A_298 = tpu.memref_slice %arg9[%dma_wait3A_296, %dma_wait3A_297] : memref<100000x128xf32, #tpu.memory_space<hbm>> -> memref<100000x128xf32, #tpu.memory_space<hbm>>
    tpu.wait_indirect_dma semaphore(%arg29 : memref<!tpu.dma_semaphore, #tpu.memory_space<semaphore_mem>>) src(%dma_wait3A_298 : memref<100000x128xf32, #tpu.memory_space<hbm>>) dst(%arg27 : memref<128x128xf32, #tpu.memory_space<vmem>>)
    %add3A_299 = arith.constant 0 : i32
    %add3A_300 = arith.addi %mul3A_2, %add3A_299 : i32
    "tpu.region"() ({
      %run_scoped3A = tpu.sem_alloc : memref<!tpu.dma_semaphore, #tpu.memory_space<semaphore_mem>>
      %dma_start3A_673 = arith.constant 0 : i32
      %dma_start3A_674 = tpu.memref_slice %arg17[%add3A_300, %dma_start3A_673] : memref<16384x128xf32, #tpu.memory_space<hbm>> -> memref<128x128xf32, #tpu.memory_space<hbm>>
      %dma_start3A_675 = arith.constant 0 : i32
      %dma_start3A_676 = tpu.memref_slice %arg17[%add3A_300, %dma_start3A_675] : memref<16384x128xf32, #tpu.memory_space<hbm>> -> memref<128x128xf32, #tpu.memory_space<hbm>>
      tpu.enqueue_dma source(%arg27 : memref<128x128xf32, #tpu.memory_space<vmem>>) target(%dma_start3A_676 : memref<128x128xf32, #tpu.memory_space<hbm>>) target_semaphore(%run_scoped3A : memref<!tpu.dma_semaphore, #tpu.memory_space<semaphore_mem>>)
      %dma_wait3A_677 = arith.constant 0 : i32
      %dma_wait3A_678 = tpu.memref_slice %arg17[%add3A_300, %dma_wait3A_677] : memref<16384x128xf32, #tpu.memory_space<hbm>> -> memref<128x128xf32, #tpu.memory_space<hbm>>
      %dma_wait3A_679 = arith.constant 0 : i32
      %dma_wait3A_680 = tpu.memref_slice %arg17[%add3A_300, %dma_wait3A_679] : memref<16384x128xf32, #tpu.memory_space<hbm>> -> memref<128x128xf32, #tpu.memory_space<hbm>>
      tpu.wait_dma2 semaphore(%run_scoped3A : memref<!tpu.dma_semaphore, #tpu.memory_space<semaphore_mem>>) src(%arg27 : memref<128x128xf32, #tpu.memory_space<vmem>>) dst(%dma_wait3A_680 : memref<128x128xf32, #tpu.memory_space<hbm>>)
      tpu.yield
    }) : () -> ()
    %dma_start3A_301 = arith.constant 128 : i32
    %dma_start3A_302 = tpu.memref_slice %arg25[%dma_start3A_301] : memref<512xi32, #tpu.memory_space<vmem>> -> memref<128xi32, #tpu.memory_space<vmem>>
    %dma_start3A_303 = arith.constant 0 : i32
    %dma_start3A_304 = arith.constant 0 : i32
    %dma_start3A_305 = tpu.memref_slice %arg9[%dma_start3A_303, %dma_start3A_304] : memref<100000x128xf32, #tpu.memory_space<hbm>> -> memref<100000x128xf32, #tpu.memory_space<hbm>>
    tpu.enqueue_indirect_dma source(%dma_start3A_305 : memref<100000x128xf32, #tpu.memory_space<hbm>>) target(%arg27 : memref<128x128xf32, #tpu.memory_space<vmem>>) offsets(%dma_start3A_302 : memref<128xi32, #tpu.memory_space<vmem>>) semaphore(%arg29 : memref<!tpu.dma_semaphore, #tpu.memory_space<semaphore_mem>>)
    %dma_wait3A_306 = arith.constant 128 : i32
    %dma_wait3A_307 = tpu.memref_slice %arg25[%dma_wait3A_306] : memref<512xi32, #tpu.memory_space<vmem>> -> memref<128xi32, #tpu.memory_space<vmem>>
    %dma_wait3A_308 = arith.constant 0 : i32
    %dma_wait3A_309 = arith.constant 0 : i32
    %dma_wait3A_310 = tpu.memref_slice %arg9[%dma_wait3A_308, %dma_wait3A_309] : memref<100000x128xf32, #tpu.memory_space<hbm>> -> memref<100000x128xf32, #tpu.memory_space<hbm>>
    tpu.wait_indirect_dma semaphore(%arg29 : memref<!tpu.dma_semaphore, #tpu.memory_space<semaphore_mem>>) src(%dma_wait3A_310 : memref<100000x128xf32, #tpu.memory_space<hbm>>) dst(%arg27 : memref<128x128xf32, #tpu.memory_space<vmem>>)
    %add3A_311 = arith.constant 128 : i32
    %add3A_312 = arith.addi %mul3A_2, %add3A_311 : i32
    "tpu.region"() ({
      %run_scoped3A = tpu.sem_alloc : memref<!tpu.dma_semaphore, #tpu.memory_space<semaphore_mem>>
      %dma_start3A_673 = arith.constant 0 : i32
      %dma_start3A_674 = tpu.memref_slice %arg17[%add3A_312, %dma_start3A_673] : memref<16384x128xf32, #tpu.memory_space<hbm>> -> memref<128x128xf32, #tpu.memory_space<hbm>>
      %dma_start3A_675 = arith.constant 0 : i32
      %dma_start3A_676 = tpu.memref_slice %arg17[%add3A_312, %dma_start3A_675] : memref<16384x128xf32, #tpu.memory_space<hbm>> -> memref<128x128xf32, #tpu.memory_space<hbm>>
      tpu.enqueue_dma source(%arg27 : memref<128x128xf32, #tpu.memory_space<vmem>>) target(%dma_start3A_676 : memref<128x128xf32, #tpu.memory_space<hbm>>) target_semaphore(%run_scoped3A : memref<!tpu.dma_semaphore, #tpu.memory_space<semaphore_mem>>)
      %dma_wait3A_677 = arith.constant 0 : i32
      %dma_wait3A_678 = tpu.memref_slice %arg17[%add3A_312, %dma_wait3A_677] : memref<16384x128xf32, #tpu.memory_space<hbm>> -> memref<128x128xf32, #tpu.memory_space<hbm>>
      %dma_wait3A_679 = arith.constant 0 : i32
      %dma_wait3A_680 = tpu.memref_slice %arg17[%add3A_312, %dma_wait3A_679] : memref<16384x128xf32, #tpu.memory_space<hbm>> -> memref<128x128xf32, #tpu.memory_space<hbm>>
      tpu.wait_dma2 semaphore(%run_scoped3A : memref<!tpu.dma_semaphore, #tpu.memory_space<semaphore_mem>>) src(%arg27 : memref<128x128xf32, #tpu.memory_space<vmem>>) dst(%dma_wait3A_680 : memref<128x128xf32, #tpu.memory_space<hbm>>)
      tpu.yield
    }) : () -> ()
    %dma_start3A_313 = arith.constant 256 : i32
    %dma_start3A_314 = tpu.memref_slice %arg25[%dma_start3A_313] : memref<512xi32, #tpu.memory_space<vmem>> -> memref<128xi32, #tpu.memory_space<vmem>>
    %dma_start3A_315 = arith.constant 0 : i32
    %dma_start3A_316 = arith.constant 0 : i32
    %dma_start3A_317 = tpu.memref_slice %arg9[%dma_start3A_315, %dma_start3A_316] : memref<100000x128xf32, #tpu.memory_space<hbm>> -> memref<100000x128xf32, #tpu.memory_space<hbm>>
    tpu.enqueue_indirect_dma source(%dma_start3A_317 : memref<100000x128xf32, #tpu.memory_space<hbm>>) target(%arg27 : memref<128x128xf32, #tpu.memory_space<vmem>>) offsets(%dma_start3A_314 : memref<128xi32, #tpu.memory_space<vmem>>) semaphore(%arg29 : memref<!tpu.dma_semaphore, #tpu.memory_space<semaphore_mem>>)
    %dma_wait3A_318 = arith.constant 256 : i32
    %dma_wait3A_319 = tpu.memref_slice %arg25[%dma_wait3A_318] : memref<512xi32, #tpu.memory_space<vmem>> -> memref<128xi32, #tpu.memory_space<vmem>>
    %dma_wait3A_320 = arith.constant 0 : i32
    %dma_wait3A_321 = arith.constant 0 : i32
    %dma_wait3A_322 = tpu.memref_slice %arg9[%dma_wait3A_320, %dma_wait3A_321] : memref<100000x128xf32, #tpu.memory_space<hbm>> -> memref<100000x128xf32, #tpu.memory_space<hbm>>
    tpu.wait_indirect_dma semaphore(%arg29 : memref<!tpu.dma_semaphore, #tpu.memory_space<semaphore_mem>>) src(%dma_wait3A_322 : memref<100000x128xf32, #tpu.memory_space<hbm>>) dst(%arg27 : memref<128x128xf32, #tpu.memory_space<vmem>>)
    %add3A_323 = arith.constant 256 : i32
    %add3A_324 = arith.addi %mul3A_2, %add3A_323 : i32
    "tpu.region"() ({
      %run_scoped3A = tpu.sem_alloc : memref<!tpu.dma_semaphore, #tpu.memory_space<semaphore_mem>>
      %dma_start3A_673 = arith.constant 0 : i32
      %dma_start3A_674 = tpu.memref_slice %arg17[%add3A_324, %dma_start3A_673] : memref<16384x128xf32, #tpu.memory_space<hbm>> -> memref<128x128xf32, #tpu.memory_space<hbm>>
      %dma_start3A_675 = arith.constant 0 : i32
      %dma_start3A_676 = tpu.memref_slice %arg17[%add3A_324, %dma_start3A_675] : memref<16384x128xf32, #tpu.memory_space<hbm>> -> memref<128x128xf32, #tpu.memory_space<hbm>>
      tpu.enqueue_dma source(%arg27 : memref<128x128xf32, #tpu.memory_space<vmem>>) target(%dma_start3A_676 : memref<128x128xf32, #tpu.memory_space<hbm>>) target_semaphore(%run_scoped3A : memref<!tpu.dma_semaphore, #tpu.memory_space<semaphore_mem>>)
      %dma_wait3A_677 = arith.constant 0 : i32
      %dma_wait3A_678 = tpu.memref_slice %arg17[%add3A_324, %dma_wait3A_677] : memref<16384x128xf32, #tpu.memory_space<hbm>> -> memref<128x128xf32, #tpu.memory_space<hbm>>
      %dma_wait3A_679 = arith.constant 0 : i32
      %dma_wait3A_680 = tpu.memref_slice %arg17[%add3A_324, %dma_wait3A_679] : memref<16384x128xf32, #tpu.memory_space<hbm>> -> memref<128x128xf32, #tpu.memory_space<hbm>>
      tpu.wait_dma2 semaphore(%run_scoped3A : memref<!tpu.dma_semaphore, #tpu.memory_space<semaphore_mem>>) src(%arg27 : memref<128x128xf32, #tpu.memory_space<vmem>>) dst(%dma_wait3A_680 : memref<128x128xf32, #tpu.memory_space<hbm>>)
      tpu.yield
    }) : () -> ()
    %dma_start3A_325 = arith.constant 384 : i32
    %dma_start3A_326 = tpu.memref_slice %arg25[%dma_start3A_325] : memref<512xi32, #tpu.memory_space<vmem>> -> memref<128xi32, #tpu.memory_space<vmem>>
    %dma_start3A_327 = arith.constant 0 : i32
    %dma_start3A_328 = arith.constant 0 : i32
    %dma_start3A_329 = tpu.memref_slice %arg9[%dma_start3A_327, %dma_start3A_328] : memref<100000x128xf32, #tpu.memory_space<hbm>> -> memref<100000x128xf32, #tpu.memory_space<hbm>>
    tpu.enqueue_indirect_dma source(%dma_start3A_329 : memref<100000x128xf32, #tpu.memory_space<hbm>>) target(%arg27 : memref<128x128xf32, #tpu.memory_space<vmem>>) offsets(%dma_start3A_326 : memref<128xi32, #tpu.memory_space<vmem>>) semaphore(%arg29 : memref<!tpu.dma_semaphore, #tpu.memory_space<semaphore_mem>>)
    %dma_wait3A_330 = arith.constant 384 : i32
    %dma_wait3A_331 = tpu.memref_slice %arg25[%dma_wait3A_330] : memref<512xi32, #tpu.memory_space<vmem>> -> memref<128xi32, #tpu.memory_space<vmem>>
    %dma_wait3A_332 = arith.constant 0 : i32
    %dma_wait3A_333 = arith.constant 0 : i32
    %dma_wait3A_334 = tpu.memref_slice %arg9[%dma_wait3A_332, %dma_wait3A_333] : memref<100000x128xf32, #tpu.memory_space<hbm>> -> memref<100000x128xf32, #tpu.memory_space<hbm>>
    tpu.wait_indirect_dma semaphore(%arg29 : memref<!tpu.dma_semaphore, #tpu.memory_space<semaphore_mem>>) src(%dma_wait3A_334 : memref<100000x128xf32, #tpu.memory_space<hbm>>) dst(%arg27 : memref<128x128xf32, #tpu.memory_space<vmem>>)
    %add3A_335 = arith.constant 384 : i32
    %add3A_336 = arith.addi %mul3A_2, %add3A_335 : i32
    "tpu.region"() ({
      %run_scoped3A = tpu.sem_alloc : memref<!tpu.dma_semaphore, #tpu.memory_space<semaphore_mem>>
      %dma_start3A_673 = arith.constant 0 : i32
      %dma_start3A_674 = tpu.memref_slice %arg17[%add3A_336, %dma_start3A_673] : memref<16384x128xf32, #tpu.memory_space<hbm>> -> memref<128x128xf32, #tpu.memory_space<hbm>>
      %dma_start3A_675 = arith.constant 0 : i32
      %dma_start3A_676 = tpu.memref_slice %arg17[%add3A_336, %dma_start3A_675] : memref<16384x128xf32, #tpu.memory_space<hbm>> -> memref<128x128xf32, #tpu.memory_space<hbm>>
      tpu.enqueue_dma source(%arg27 : memref<128x128xf32, #tpu.memory_space<vmem>>) target(%dma_start3A_676 : memref<128x128xf32, #tpu.memory_space<hbm>>) target_semaphore(%run_scoped3A : memref<!tpu.dma_semaphore, #tpu.memory_space<semaphore_mem>>)
      %dma_wait3A_677 = arith.constant 0 : i32
      %dma_wait3A_678 = tpu.memref_slice %arg17[%add3A_336, %dma_wait3A_677] : memref<16384x128xf32, #tpu.memory_space<hbm>> -> memref<128x128xf32, #tpu.memory_space<hbm>>
      %dma_wait3A_679 = arith.constant 0 : i32
      %dma_wait3A_680 = tpu.memref_slice %arg17[%add3A_336, %dma_wait3A_679] : memref<16384x128xf32, #tpu.memory_space<hbm>> -> memref<128x128xf32, #tpu.memory_space<hbm>>
      tpu.wait_dma2 semaphore(%run_scoped3A : memref<!tpu.dma_semaphore, #tpu.memory_space<semaphore_mem>>) src(%arg27 : memref<128x128xf32, #tpu.memory_space<vmem>>) dst(%dma_wait3A_680 : memref<128x128xf32, #tpu.memory_space<hbm>>)
      tpu.yield
    }) : () -> ()
    %dma_start3A_337 = arith.constant 0 : i32
    %dma_start3A_338 = tpu.memref_slice %arg25[%dma_start3A_337] : memref<512xi32, #tpu.memory_space<vmem>> -> memref<128xi32, #tpu.memory_space<vmem>>
    %dma_start3A_339 = arith.constant 0 : i32
    %dma_start3A_340 = arith.constant 0 : i32
    %dma_start3A_341 = tpu.memref_slice %arg10[%dma_start3A_339, %dma_start3A_340] : memref<100000x64xf32, #tpu.memory_space<hbm>> -> memref<100000x64xf32, #tpu.memory_space<hbm>>
    tpu.enqueue_indirect_dma source(%dma_start3A_341 : memref<100000x64xf32, #tpu.memory_space<hbm>>) target(%arg28 : memref<128x64xf32, #tpu.memory_space<vmem>>) offsets(%dma_start3A_338 : memref<128xi32, #tpu.memory_space<vmem>>) semaphore(%arg29 : memref<!tpu.dma_semaphore, #tpu.memory_space<semaphore_mem>>)
    %dma_wait3A_342 = arith.constant 0 : i32
    %dma_wait3A_343 = tpu.memref_slice %arg25[%dma_wait3A_342] : memref<512xi32, #tpu.memory_space<vmem>> -> memref<128xi32, #tpu.memory_space<vmem>>
    %dma_wait3A_344 = arith.constant 0 : i32
    %dma_wait3A_345 = arith.constant 0 : i32
    %dma_wait3A_346 = tpu.memref_slice %arg10[%dma_wait3A_344, %dma_wait3A_345] : memref<100000x64xf32, #tpu.memory_space<hbm>> -> memref<100000x64xf32, #tpu.memory_space<hbm>>
    tpu.wait_indirect_dma semaphore(%arg29 : memref<!tpu.dma_semaphore, #tpu.memory_space<semaphore_mem>>) src(%dma_wait3A_346 : memref<100000x64xf32, #tpu.memory_space<hbm>>) dst(%arg28 : memref<128x64xf32, #tpu.memory_space<vmem>>)
    %add3A_347 = arith.constant 0 : i32
    %add3A_348 = arith.addi %mul3A_2, %add3A_347 : i32
    "tpu.region"() ({
      %run_scoped3A = tpu.sem_alloc : memref<!tpu.dma_semaphore, #tpu.memory_space<semaphore_mem>>
      %dma_start3A_673 = arith.constant 0 : i32
      %dma_start3A_674 = tpu.memref_slice %arg18[%add3A_348, %dma_start3A_673] : memref<16384x128xf32, #tpu.memory_space<hbm>> -> memref<128x64xf32, #tpu.memory_space<hbm>>
      %dma_start3A_675 = arith.constant 0 : i32
      %dma_start3A_676 = tpu.memref_slice %arg18[%add3A_348, %dma_start3A_675] : memref<16384x128xf32, #tpu.memory_space<hbm>> -> memref<128x64xf32, #tpu.memory_space<hbm>>
      tpu.enqueue_dma source(%arg28 : memref<128x64xf32, #tpu.memory_space<vmem>>) target(%dma_start3A_676 : memref<128x64xf32, #tpu.memory_space<hbm>>) target_semaphore(%run_scoped3A : memref<!tpu.dma_semaphore, #tpu.memory_space<semaphore_mem>>)
      %dma_wait3A_677 = arith.constant 0 : i32
      %dma_wait3A_678 = tpu.memref_slice %arg18[%add3A_348, %dma_wait3A_677] : memref<16384x128xf32, #tpu.memory_space<hbm>> -> memref<128x64xf32, #tpu.memory_space<hbm>>
      %dma_wait3A_679 = arith.constant 0 : i32
      %dma_wait3A_680 = tpu.memref_slice %arg18[%add3A_348, %dma_wait3A_679] : memref<16384x128xf32, #tpu.memory_space<hbm>> -> memref<128x64xf32, #tpu.memory_space<hbm>>
      tpu.wait_dma2 semaphore(%run_scoped3A : memref<!tpu.dma_semaphore, #tpu.memory_space<semaphore_mem>>) src(%arg28 : memref<128x64xf32, #tpu.memory_space<vmem>>) dst(%dma_wait3A_680 : memref<128x64xf32, #tpu.memory_space<hbm>>)
      tpu.yield
    }) : () -> ()
    %dma_start3A_349 = arith.constant 128 : i32
    %dma_start3A_350 = tpu.memref_slice %arg25[%dma_start3A_349] : memref<512xi32, #tpu.memory_space<vmem>> -> memref<128xi32, #tpu.memory_space<vmem>>
    %dma_start3A_351 = arith.constant 0 : i32
    %dma_start3A_352 = arith.constant 0 : i32
    %dma_start3A_353 = tpu.memref_slice %arg10[%dma_start3A_351, %dma_start3A_352] : memref<100000x64xf32, #tpu.memory_space<hbm>> -> memref<100000x64xf32, #tpu.memory_space<hbm>>
    tpu.enqueue_indirect_dma source(%dma_start3A_353 : memref<100000x64xf32, #tpu.memory_space<hbm>>) target(%arg28 : memref<128x64xf32, #tpu.memory_space<vmem>>) offsets(%dma_start3A_350 : memref<128xi32, #tpu.memory_space<vmem>>) semaphore(%arg29 : memref<!tpu.dma_semaphore, #tpu.memory_space<semaphore_mem>>)
    %dma_wait3A_354 = arith.constant 128 : i32
    %dma_wait3A_355 = tpu.memref_slice %arg25[%dma_wait3A_354] : memref<512xi32, #tpu.memory_space<vmem>> -> memref<128xi32, #tpu.memory_space<vmem>>
    %dma_wait3A_356 = arith.constant 0 : i32
    %dma_wait3A_357 = arith.constant 0 : i32
    %dma_wait3A_358 = tpu.memref_slice %arg10[%dma_wait3A_356, %dma_wait3A_357] : memref<100000x64xf32, #tpu.memory_space<hbm>> -> memref<100000x64xf32, #tpu.memory_space<hbm>>
    tpu.wait_indirect_dma semaphore(%arg29 : memref<!tpu.dma_semaphore, #tpu.memory_space<semaphore_mem>>) src(%dma_wait3A_358 : memref<100000x64xf32, #tpu.memory_space<hbm>>) dst(%arg28 : memref<128x64xf32, #tpu.memory_space<vmem>>)
    %add3A_359 = arith.constant 128 : i32
    %add3A_360 = arith.addi %mul3A_2, %add3A_359 : i32
    "tpu.region"() ({
      %run_scoped3A = tpu.sem_alloc : memref<!tpu.dma_semaphore, #tpu.memory_space<semaphore_mem>>
      %dma_start3A_673 = arith.constant 0 : i32
      %dma_start3A_674 = tpu.memref_slice %arg18[%add3A_360, %dma_start3A_673] : memref<16384x128xf32, #tpu.memory_space<hbm>> -> memref<128x64xf32, #tpu.memory_space<hbm>>
      %dma_start3A_675 = arith.constant 0 : i32
      %dma_start3A_676 = tpu.memref_slice %arg18[%add3A_360, %dma_start3A_675] : memref<16384x128xf32, #tpu.memory_space<hbm>> -> memref<128x64xf32, #tpu.memory_space<hbm>>
      tpu.enqueue_dma source(%arg28 : memref<128x64xf32, #tpu.memory_space<vmem>>) target(%dma_start3A_676 : memref<128x64xf32, #tpu.memory_space<hbm>>) target_semaphore(%run_scoped3A : memref<!tpu.dma_semaphore, #tpu.memory_space<semaphore_mem>>)
      %dma_wait3A_677 = arith.constant 0 : i32
      %dma_wait3A_678 = tpu.memref_slice %arg18[%add3A_360, %dma_wait3A_677] : memref<16384x128xf32, #tpu.memory_space<hbm>> -> memref<128x64xf32, #tpu.memory_space<hbm>>
      %dma_wait3A_679 = arith.constant 0 : i32
      %dma_wait3A_680 = tpu.memref_slice %arg18[%add3A_360, %dma_wait3A_679] : memref<16384x128xf32, #tpu.memory_space<hbm>> -> memref<128x64xf32, #tpu.memory_space<hbm>>
      tpu.wait_dma2 semaphore(%run_scoped3A : memref<!tpu.dma_semaphore, #tpu.memory_space<semaphore_mem>>) src(%arg28 : memref<128x64xf32, #tpu.memory_space<vmem>>) dst(%dma_wait3A_680 : memref<128x64xf32, #tpu.memory_space<hbm>>)
      tpu.yield
    }) : () -> ()
    %dma_start3A_361 = arith.constant 256 : i32
    %dma_start3A_362 = tpu.memref_slice %arg25[%dma_start3A_361] : memref<512xi32, #tpu.memory_space<vmem>> -> memref<128xi32, #tpu.memory_space<vmem>>
    %dma_start3A_363 = arith.constant 0 : i32
    %dma_start3A_364 = arith.constant 0 : i32
    %dma_start3A_365 = tpu.memref_slice %arg10[%dma_start3A_363, %dma_start3A_364] : memref<100000x64xf32, #tpu.memory_space<hbm>> -> memref<100000x64xf32, #tpu.memory_space<hbm>>
    tpu.enqueue_indirect_dma source(%dma_start3A_365 : memref<100000x64xf32, #tpu.memory_space<hbm>>) target(%arg28 : memref<128x64xf32, #tpu.memory_space<vmem>>) offsets(%dma_start3A_362 : memref<128xi32, #tpu.memory_space<vmem>>) semaphore(%arg29 : memref<!tpu.dma_semaphore, #tpu.memory_space<semaphore_mem>>)
    %dma_wait3A_366 = arith.constant 256 : i32
    %dma_wait3A_367 = tpu.memref_slice %arg25[%dma_wait3A_366] : memref<512xi32, #tpu.memory_space<vmem>> -> memref<128xi32, #tpu.memory_space<vmem>>
    %dma_wait3A_368 = arith.constant 0 : i32
    %dma_wait3A_369 = arith.constant 0 : i32
    %dma_wait3A_370 = tpu.memref_slice %arg10[%dma_wait3A_368, %dma_wait3A_369] : memref<100000x64xf32, #tpu.memory_space<hbm>> -> memref<100000x64xf32, #tpu.memory_space<hbm>>
    tpu.wait_indirect_dma semaphore(%arg29 : memref<!tpu.dma_semaphore, #tpu.memory_space<semaphore_mem>>) src(%dma_wait3A_370 : memref<100000x64xf32, #tpu.memory_space<hbm>>) dst(%arg28 : memref<128x64xf32, #tpu.memory_space<vmem>>)
    %add3A_371 = arith.constant 256 : i32
    %add3A_372 = arith.addi %mul3A_2, %add3A_371 : i32
    "tpu.region"() ({
      %run_scoped3A = tpu.sem_alloc : memref<!tpu.dma_semaphore, #tpu.memory_space<semaphore_mem>>
      %dma_start3A_673 = arith.constant 0 : i32
      %dma_start3A_674 = tpu.memref_slice %arg18[%add3A_372, %dma_start3A_673] : memref<16384x128xf32, #tpu.memory_space<hbm>> -> memref<128x64xf32, #tpu.memory_space<hbm>>
      %dma_start3A_675 = arith.constant 0 : i32
      %dma_start3A_676 = tpu.memref_slice %arg18[%add3A_372, %dma_start3A_675] : memref<16384x128xf32, #tpu.memory_space<hbm>> -> memref<128x64xf32, #tpu.memory_space<hbm>>
      tpu.enqueue_dma source(%arg28 : memref<128x64xf32, #tpu.memory_space<vmem>>) target(%dma_start3A_676 : memref<128x64xf32, #tpu.memory_space<hbm>>) target_semaphore(%run_scoped3A : memref<!tpu.dma_semaphore, #tpu.memory_space<semaphore_mem>>)
      %dma_wait3A_677 = arith.constant 0 : i32
      %dma_wait3A_678 = tpu.memref_slice %arg18[%add3A_372, %dma_wait3A_677] : memref<16384x128xf32, #tpu.memory_space<hbm>> -> memref<128x64xf32, #tpu.memory_space<hbm>>
      %dma_wait3A_679 = arith.constant 0 : i32
      %dma_wait3A_680 = tpu.memref_slice %arg18[%add3A_372, %dma_wait3A_679] : memref<16384x128xf32, #tpu.memory_space<hbm>> -> memref<128x64xf32, #tpu.memory_space<hbm>>
      tpu.wait_dma2 semaphore(%run_scoped3A : memref<!tpu.dma_semaphore, #tpu.memory_space<semaphore_mem>>) src(%arg28 : memref<128x64xf32, #tpu.memory_space<vmem>>) dst(%dma_wait3A_680 : memref<128x64xf32, #tpu.memory_space<hbm>>)
      tpu.yield
    }) : () -> ()
    %dma_start3A_373 = arith.constant 384 : i32
    %dma_start3A_374 = tpu.memref_slice %arg25[%dma_start3A_373] : memref<512xi32, #tpu.memory_space<vmem>> -> memref<128xi32, #tpu.memory_space<vmem>>
    %dma_start3A_375 = arith.constant 0 : i32
    %dma_start3A_376 = arith.constant 0 : i32
    %dma_start3A_377 = tpu.memref_slice %arg10[%dma_start3A_375, %dma_start3A_376] : memref<100000x64xf32, #tpu.memory_space<hbm>> -> memref<100000x64xf32, #tpu.memory_space<hbm>>
    tpu.enqueue_indirect_dma source(%dma_start3A_377 : memref<100000x64xf32, #tpu.memory_space<hbm>>) target(%arg28 : memref<128x64xf32, #tpu.memory_space<vmem>>) offsets(%dma_start3A_374 : memref<128xi32, #tpu.memory_space<vmem>>) semaphore(%arg29 : memref<!tpu.dma_semaphore, #tpu.memory_space<semaphore_mem>>)
    %dma_wait3A_378 = arith.constant 384 : i32
    %dma_wait3A_379 = tpu.memref_slice %arg25[%dma_wait3A_378] : memref<512xi32, #tpu.memory_space<vmem>> -> memref<128xi32, #tpu.memory_space<vmem>>
    %dma_wait3A_380 = arith.constant 0 : i32
    %dma_wait3A_381 = arith.constant 0 : i32
    %dma_wait3A_382 = tpu.memref_slice %arg10[%dma_wait3A_380, %dma_wait3A_381] : memref<100000x64xf32, #tpu.memory_space<hbm>> -> memref<100000x64xf32, #tpu.memory_space<hbm>>
    tpu.wait_indirect_dma semaphore(%arg29 : memref<!tpu.dma_semaphore, #tpu.memory_space<semaphore_mem>>) src(%dma_wait3A_382 : memref<100000x64xf32, #tpu.memory_space<hbm>>) dst(%arg28 : memref<128x64xf32, #tpu.memory_space<vmem>>)
    %add3A_383 = arith.constant 384 : i32
    %add3A_384 = arith.addi %mul3A_2, %add3A_383 : i32
    "tpu.region"() ({
      %run_scoped3A = tpu.sem_alloc : memref<!tpu.dma_semaphore, #tpu.memory_space<semaphore_mem>>
      %dma_start3A_673 = arith.constant 0 : i32
      %dma_start3A_674 = tpu.memref_slice %arg18[%add3A_384, %dma_start3A_673] : memref<16384x128xf32, #tpu.memory_space<hbm>> -> memref<128x64xf32, #tpu.memory_space<hbm>>
      %dma_start3A_675 = arith.constant 0 : i32
      %dma_start3A_676 = tpu.memref_slice %arg18[%add3A_384, %dma_start3A_675] : memref<16384x128xf32, #tpu.memory_space<hbm>> -> memref<128x64xf32, #tpu.memory_space<hbm>>
      tpu.enqueue_dma source(%arg28 : memref<128x64xf32, #tpu.memory_space<vmem>>) target(%dma_start3A_676 : memref<128x64xf32, #tpu.memory_space<hbm>>) target_semaphore(%run_scoped3A : memref<!tpu.dma_semaphore, #tpu.memory_space<semaphore_mem>>)
      %dma_wait3A_677 = arith.constant 0 : i32
      %dma_wait3A_678 = tpu.memref_slice %arg18[%add3A_384, %dma_wait3A_677] : memref<16384x128xf32, #tpu.memory_space<hbm>> -> memref<128x64xf32, #tpu.memory_space<hbm>>
      %dma_wait3A_679 = arith.constant 0 : i32
      %dma_wait3A_680 = tpu.memref_slice %arg18[%add3A_384, %dma_wait3A_679] : memref<16384x128xf32, #tpu.memory_space<hbm>> -> memref<128x64xf32, #tpu.memory_space<hbm>>
      tpu.wait_dma2 semaphore(%run_scoped3A : memref<!tpu.dma_semaphore, #tpu.memory_space<semaphore_mem>>) src(%arg28 : memref<128x64xf32, #tpu.memory_space<vmem>>) dst(%dma_wait3A_680 : memref<128x64xf32, #tpu.memory_space<hbm>>)
      tpu.yield
    }) : () -> ()
    %dma_start3A_385 = arith.constant 0 : i32
    %dma_start3A_386 = tpu.memref_slice %arg26[%dma_start3A_385] : memref<512xi32, #tpu.memory_space<vmem>> -> memref<128xi32, #tpu.memory_space<vmem>>
    %dma_start3A_387 = arith.constant 0 : i32
    %dma_start3A_388 = arith.constant 0 : i32
    %dma_start3A_389 = tpu.memref_slice %arg5[%dma_start3A_387, %dma_start3A_388] : memref<100000x128xf32, #tpu.memory_space<hbm>> -> memref<100000x128xf32, #tpu.memory_space<hbm>>
    tpu.enqueue_indirect_dma source(%dma_start3A_389 : memref<100000x128xf32, #tpu.memory_space<hbm>>) target(%arg27 : memref<128x128xf32, #tpu.memory_space<vmem>>) offsets(%dma_start3A_386 : memref<128xi32, #tpu.memory_space<vmem>>) semaphore(%arg29 : memref<!tpu.dma_semaphore, #tpu.memory_space<semaphore_mem>>)
    %dma_wait3A_390 = arith.constant 0 : i32
    %dma_wait3A_391 = tpu.memref_slice %arg26[%dma_wait3A_390] : memref<512xi32, #tpu.memory_space<vmem>> -> memref<128xi32, #tpu.memory_space<vmem>>
    %dma_wait3A_392 = arith.constant 0 : i32
    %dma_wait3A_393 = arith.constant 0 : i32
    %dma_wait3A_394 = tpu.memref_slice %arg5[%dma_wait3A_392, %dma_wait3A_393] : memref<100000x128xf32, #tpu.memory_space<hbm>> -> memref<100000x128xf32, #tpu.memory_space<hbm>>
    tpu.wait_indirect_dma semaphore(%arg29 : memref<!tpu.dma_semaphore, #tpu.memory_space<semaphore_mem>>) src(%dma_wait3A_394 : memref<100000x128xf32, #tpu.memory_space<hbm>>) dst(%arg27 : memref<128x128xf32, #tpu.memory_space<vmem>>)
    %add3A_395 = arith.constant 0 : i32
    %add3A_396 = arith.addi %mul3A_2, %add3A_395 : i32
    "tpu.region"() ({
      %run_scoped3A = tpu.sem_alloc : memref<!tpu.dma_semaphore, #tpu.memory_space<semaphore_mem>>
      %dma_start3A_673 = arith.constant 0 : i32
      %dma_start3A_674 = tpu.memref_slice %arg19[%add3A_396, %dma_start3A_673] : memref<16384x128xf32, #tpu.memory_space<hbm>> -> memref<128x128xf32, #tpu.memory_space<hbm>>
      %dma_start3A_675 = arith.constant 0 : i32
      %dma_start3A_676 = tpu.memref_slice %arg19[%add3A_396, %dma_start3A_675] : memref<16384x128xf32, #tpu.memory_space<hbm>> -> memref<128x128xf32, #tpu.memory_space<hbm>>
      tpu.enqueue_dma source(%arg27 : memref<128x128xf32, #tpu.memory_space<vmem>>) target(%dma_start3A_676 : memref<128x128xf32, #tpu.memory_space<hbm>>) target_semaphore(%run_scoped3A : memref<!tpu.dma_semaphore, #tpu.memory_space<semaphore_mem>>)
      %dma_wait3A_677 = arith.constant 0 : i32
      %dma_wait3A_678 = tpu.memref_slice %arg19[%add3A_396, %dma_wait3A_677] : memref<16384x128xf32, #tpu.memory_space<hbm>> -> memref<128x128xf32, #tpu.memory_space<hbm>>
      %dma_wait3A_679 = arith.constant 0 : i32
      %dma_wait3A_680 = tpu.memref_slice %arg19[%add3A_396, %dma_wait3A_679] : memref<16384x128xf32, #tpu.memory_space<hbm>> -> memref<128x128xf32, #tpu.memory_space<hbm>>
      tpu.wait_dma2 semaphore(%run_scoped3A : memref<!tpu.dma_semaphore, #tpu.memory_space<semaphore_mem>>) src(%arg27 : memref<128x128xf32, #tpu.memory_space<vmem>>) dst(%dma_wait3A_680 : memref<128x128xf32, #tpu.memory_space<hbm>>)
      tpu.yield
    }) : () -> ()
    %dma_start3A_397 = arith.constant 128 : i32
    %dma_start3A_398 = tpu.memref_slice %arg26[%dma_start3A_397] : memref<512xi32, #tpu.memory_space<vmem>> -> memref<128xi32, #tpu.memory_space<vmem>>
    %dma_start3A_399 = arith.constant 0 : i32
    %dma_start3A_400 = arith.constant 0 : i32
    %dma_start3A_401 = tpu.memref_slice %arg5[%dma_start3A_399, %dma_start3A_400] : memref<100000x128xf32, #tpu.memory_space<hbm>> -> memref<100000x128xf32, #tpu.memory_space<hbm>>
    tpu.enqueue_indirect_dma source(%dma_start3A_401 : memref<100000x128xf32, #tpu.memory_space<hbm>>) target(%arg27 : memref<128x128xf32, #tpu.memory_space<vmem>>) offsets(%dma_start3A_398 : memref<128xi32, #tpu.memory_space<vmem>>) semaphore(%arg29 : memref<!tpu.dma_semaphore, #tpu.memory_space<semaphore_mem>>)
    %dma_wait3A_402 = arith.constant 128 : i32
    %dma_wait3A_403 = tpu.memref_slice %arg26[%dma_wait3A_402] : memref<512xi32, #tpu.memory_space<vmem>> -> memref<128xi32, #tpu.memory_space<vmem>>
    %dma_wait3A_404 = arith.constant 0 : i32
    %dma_wait3A_405 = arith.constant 0 : i32
    %dma_wait3A_406 = tpu.memref_slice %arg5[%dma_wait3A_404, %dma_wait3A_405] : memref<100000x128xf32, #tpu.memory_space<hbm>> -> memref<100000x128xf32, #tpu.memory_space<hbm>>
    tpu.wait_indirect_dma semaphore(%arg29 : memref<!tpu.dma_semaphore, #tpu.memory_space<semaphore_mem>>) src(%dma_wait3A_406 : memref<100000x128xf32, #tpu.memory_space<hbm>>) dst(%arg27 : memref<128x128xf32, #tpu.memory_space<vmem>>)
    %add3A_407 = arith.constant 128 : i32
    %add3A_408 = arith.addi %mul3A_2, %add3A_407 : i32
    "tpu.region"() ({
      %run_scoped3A = tpu.sem_alloc : memref<!tpu.dma_semaphore, #tpu.memory_space<semaphore_mem>>
      %dma_start3A_673 = arith.constant 0 : i32
      %dma_start3A_674 = tpu.memref_slice %arg19[%add3A_408, %dma_start3A_673] : memref<16384x128xf32, #tpu.memory_space<hbm>> -> memref<128x128xf32, #tpu.memory_space<hbm>>
      %dma_start3A_675 = arith.constant 0 : i32
      %dma_start3A_676 = tpu.memref_slice %arg19[%add3A_408, %dma_start3A_675] : memref<16384x128xf32, #tpu.memory_space<hbm>> -> memref<128x128xf32, #tpu.memory_space<hbm>>
      tpu.enqueue_dma source(%arg27 : memref<128x128xf32, #tpu.memory_space<vmem>>) target(%dma_start3A_676 : memref<128x128xf32, #tpu.memory_space<hbm>>) target_semaphore(%run_scoped3A : memref<!tpu.dma_semaphore, #tpu.memory_space<semaphore_mem>>)
      %dma_wait3A_677 = arith.constant 0 : i32
      %dma_wait3A_678 = tpu.memref_slice %arg19[%add3A_408, %dma_wait3A_677] : memref<16384x128xf32, #tpu.memory_space<hbm>> -> memref<128x128xf32, #tpu.memory_space<hbm>>
      %dma_wait3A_679 = arith.constant 0 : i32
      %dma_wait3A_680 = tpu.memref_slice %arg19[%add3A_408, %dma_wait3A_679] : memref<16384x128xf32, #tpu.memory_space<hbm>> -> memref<128x128xf32, #tpu.memory_space<hbm>>
      tpu.wait_dma2 semaphore(%run_scoped3A : memref<!tpu.dma_semaphore, #tpu.memory_space<semaphore_mem>>) src(%arg27 : memref<128x128xf32, #tpu.memory_space<vmem>>) dst(%dma_wait3A_680 : memref<128x128xf32, #tpu.memory_space<hbm>>)
      tpu.yield
    }) : () -> ()
    %dma_start3A_409 = arith.constant 256 : i32
    %dma_start3A_410 = tpu.memref_slice %arg26[%dma_start3A_409] : memref<512xi32, #tpu.memory_space<vmem>> -> memref<128xi32, #tpu.memory_space<vmem>>
    %dma_start3A_411 = arith.constant 0 : i32
    %dma_start3A_412 = arith.constant 0 : i32
    %dma_start3A_413 = tpu.memref_slice %arg5[%dma_start3A_411, %dma_start3A_412] : memref<100000x128xf32, #tpu.memory_space<hbm>> -> memref<100000x128xf32, #tpu.memory_space<hbm>>
    tpu.enqueue_indirect_dma source(%dma_start3A_413 : memref<100000x128xf32, #tpu.memory_space<hbm>>) target(%arg27 : memref<128x128xf32, #tpu.memory_space<vmem>>) offsets(%dma_start3A_410 : memref<128xi32, #tpu.memory_space<vmem>>) semaphore(%arg29 : memref<!tpu.dma_semaphore, #tpu.memory_space<semaphore_mem>>)
    %dma_wait3A_414 = arith.constant 256 : i32
    %dma_wait3A_415 = tpu.memref_slice %arg26[%dma_wait3A_414] : memref<512xi32, #tpu.memory_space<vmem>> -> memref<128xi32, #tpu.memory_space<vmem>>
    %dma_wait3A_416 = arith.constant 0 : i32
    %dma_wait3A_417 = arith.constant 0 : i32
    %dma_wait3A_418 = tpu.memref_slice %arg5[%dma_wait3A_416, %dma_wait3A_417] : memref<100000x128xf32, #tpu.memory_space<hbm>> -> memref<100000x128xf32, #tpu.memory_space<hbm>>
    tpu.wait_indirect_dma semaphore(%arg29 : memref<!tpu.dma_semaphore, #tpu.memory_space<semaphore_mem>>) src(%dma_wait3A_418 : memref<100000x128xf32, #tpu.memory_space<hbm>>) dst(%arg27 : memref<128x128xf32, #tpu.memory_space<vmem>>)
    %add3A_419 = arith.constant 256 : i32
    %add3A_420 = arith.addi %mul3A_2, %add3A_419 : i32
    "tpu.region"() ({
      %run_scoped3A = tpu.sem_alloc : memref<!tpu.dma_semaphore, #tpu.memory_space<semaphore_mem>>
      %dma_start3A_673 = arith.constant 0 : i32
      %dma_start3A_674 = tpu.memref_slice %arg19[%add3A_420, %dma_start3A_673] : memref<16384x128xf32, #tpu.memory_space<hbm>> -> memref<128x128xf32, #tpu.memory_space<hbm>>
      %dma_start3A_675 = arith.constant 0 : i32
      %dma_start3A_676 = tpu.memref_slice %arg19[%add3A_420, %dma_start3A_675] : memref<16384x128xf32, #tpu.memory_space<hbm>> -> memref<128x128xf32, #tpu.memory_space<hbm>>
      tpu.enqueue_dma source(%arg27 : memref<128x128xf32, #tpu.memory_space<vmem>>) target(%dma_start3A_676 : memref<128x128xf32, #tpu.memory_space<hbm>>) target_semaphore(%run_scoped3A : memref<!tpu.dma_semaphore, #tpu.memory_space<semaphore_mem>>)
      %dma_wait3A_677 = arith.constant 0 : i32
      %dma_wait3A_678 = tpu.memref_slice %arg19[%add3A_420, %dma_wait3A_677] : memref<16384x128xf32, #tpu.memory_space<hbm>> -> memref<128x128xf32, #tpu.memory_space<hbm>>
      %dma_wait3A_679 = arith.constant 0 : i32
      %dma_wait3A_680 = tpu.memref_slice %arg19[%add3A_420, %dma_wait3A_679] : memref<16384x128xf32, #tpu.memory_space<hbm>> -> memref<128x128xf32, #tpu.memory_space<hbm>>
      tpu.wait_dma2 semaphore(%run_scoped3A : memref<!tpu.dma_semaphore, #tpu.memory_space<semaphore_mem>>) src(%arg27 : memref<128x128xf32, #tpu.memory_space<vmem>>) dst(%dma_wait3A_680 : memref<128x128xf32, #tpu.memory_space<hbm>>)
      tpu.yield
    }) : () -> ()
    %dma_start3A_421 = arith.constant 384 : i32
    %dma_start3A_422 = tpu.memref_slice %arg26[%dma_start3A_421] : memref<512xi32, #tpu.memory_space<vmem>> -> memref<128xi32, #tpu.memory_space<vmem>>
    %dma_start3A_423 = arith.constant 0 : i32
    %dma_start3A_424 = arith.constant 0 : i32
    %dma_start3A_425 = tpu.memref_slice %arg5[%dma_start3A_423, %dma_start3A_424] : memref<100000x128xf32, #tpu.memory_space<hbm>> -> memref<100000x128xf32, #tpu.memory_space<hbm>>
    tpu.enqueue_indirect_dma source(%dma_start3A_425 : memref<100000x128xf32, #tpu.memory_space<hbm>>) target(%arg27 : memref<128x128xf32, #tpu.memory_space<vmem>>) offsets(%dma_start3A_422 : memref<128xi32, #tpu.memory_space<vmem>>) semaphore(%arg29 : memref<!tpu.dma_semaphore, #tpu.memory_space<semaphore_mem>>)
    %dma_wait3A_426 = arith.constant 384 : i32
    %dma_wait3A_427 = tpu.memref_slice %arg26[%dma_wait3A_426] : memref<512xi32, #tpu.memory_space<vmem>> -> memref<128xi32, #tpu.memory_space<vmem>>
    %dma_wait3A_428 = arith.constant 0 : i32
    %dma_wait3A_429 = arith.constant 0 : i32
    %dma_wait3A_430 = tpu.memref_slice %arg5[%dma_wait3A_428, %dma_wait3A_429] : memref<100000x128xf32, #tpu.memory_space<hbm>> -> memref<100000x128xf32, #tpu.memory_space<hbm>>
    tpu.wait_indirect_dma semaphore(%arg29 : memref<!tpu.dma_semaphore, #tpu.memory_space<semaphore_mem>>) src(%dma_wait3A_430 : memref<100000x128xf32, #tpu.memory_space<hbm>>) dst(%arg27 : memref<128x128xf32, #tpu.memory_space<vmem>>)
    %add3A_431 = arith.constant 384 : i32
    %add3A_432 = arith.addi %mul3A_2, %add3A_431 : i32
    "tpu.region"() ({
      %run_scoped3A = tpu.sem_alloc : memref<!tpu.dma_semaphore, #tpu.memory_space<semaphore_mem>>
      %dma_start3A_673 = arith.constant 0 : i32
      %dma_start3A_674 = tpu.memref_slice %arg19[%add3A_432, %dma_start3A_673] : memref<16384x128xf32, #tpu.memory_space<hbm>> -> memref<128x128xf32, #tpu.memory_space<hbm>>
      %dma_start3A_675 = arith.constant 0 : i32
      %dma_start3A_676 = tpu.memref_slice %arg19[%add3A_432, %dma_start3A_675] : memref<16384x128xf32, #tpu.memory_space<hbm>> -> memref<128x128xf32, #tpu.memory_space<hbm>>
      tpu.enqueue_dma source(%arg27 : memref<128x128xf32, #tpu.memory_space<vmem>>) target(%dma_start3A_676 : memref<128x128xf32, #tpu.memory_space<hbm>>) target_semaphore(%run_scoped3A : memref<!tpu.dma_semaphore, #tpu.memory_space<semaphore_mem>>)
      %dma_wait3A_677 = arith.constant 0 : i32
      %dma_wait3A_678 = tpu.memref_slice %arg19[%add3A_432, %dma_wait3A_677] : memref<16384x128xf32, #tpu.memory_space<hbm>> -> memref<128x128xf32, #tpu.memory_space<hbm>>
      %dma_wait3A_679 = arith.constant 0 : i32
      %dma_wait3A_680 = tpu.memref_slice %arg19[%add3A_432, %dma_wait3A_679] : memref<16384x128xf32, #tpu.memory_space<hbm>> -> memref<128x128xf32, #tpu.memory_space<hbm>>
      tpu.wait_dma2 semaphore(%run_scoped3A : memref<!tpu.dma_semaphore, #tpu.memory_space<semaphore_mem>>) src(%arg27 : memref<128x128xf32, #tpu.memory_space<vmem>>) dst(%dma_wait3A_680 : memref<128x128xf32, #tpu.memory_space<hbm>>)
      tpu.yield
    }) : () -> ()
    %dma_start3A_433 = arith.constant 0 : i32
    %dma_start3A_434 = tpu.memref_slice %arg26[%dma_start3A_433] : memref<512xi32, #tpu.memory_space<vmem>> -> memref<128xi32, #tpu.memory_space<vmem>>
    %dma_start3A_435 = arith.constant 0 : i32
    %dma_start3A_436 = arith.constant 0 : i32
    %dma_start3A_437 = tpu.memref_slice %arg6[%dma_start3A_435, %dma_start3A_436] : memref<100000x128xf32, #tpu.memory_space<hbm>> -> memref<100000x128xf32, #tpu.memory_space<hbm>>
    tpu.enqueue_indirect_dma source(%dma_start3A_437 : memref<100000x128xf32, #tpu.memory_space<hbm>>) target(%arg27 : memref<128x128xf32, #tpu.memory_space<vmem>>) offsets(%dma_start3A_434 : memref<128xi32, #tpu.memory_space<vmem>>) semaphore(%arg29 : memref<!tpu.dma_semaphore, #tpu.memory_space<semaphore_mem>>)
    %dma_wait3A_438 = arith.constant 0 : i32
    %dma_wait3A_439 = tpu.memref_slice %arg26[%dma_wait3A_438] : memref<512xi32, #tpu.memory_space<vmem>> -> memref<128xi32, #tpu.memory_space<vmem>>
    %dma_wait3A_440 = arith.constant 0 : i32
    %dma_wait3A_441 = arith.constant 0 : i32
    %dma_wait3A_442 = tpu.memref_slice %arg6[%dma_wait3A_440, %dma_wait3A_441] : memref<100000x128xf32, #tpu.memory_space<hbm>> -> memref<100000x128xf32, #tpu.memory_space<hbm>>
    tpu.wait_indirect_dma semaphore(%arg29 : memref<!tpu.dma_semaphore, #tpu.memory_space<semaphore_mem>>) src(%dma_wait3A_442 : memref<100000x128xf32, #tpu.memory_space<hbm>>) dst(%arg27 : memref<128x128xf32, #tpu.memory_space<vmem>>)
    %add3A_443 = arith.constant 0 : i32
    %add3A_444 = arith.addi %mul3A_2, %add3A_443 : i32
    "tpu.region"() ({
      %run_scoped3A = tpu.sem_alloc : memref<!tpu.dma_semaphore, #tpu.memory_space<semaphore_mem>>
      %dma_start3A_673 = arith.constant 0 : i32
      %dma_start3A_674 = tpu.memref_slice %arg20[%add3A_444, %dma_start3A_673] : memref<16384x128xf32, #tpu.memory_space<hbm>> -> memref<128x128xf32, #tpu.memory_space<hbm>>
      %dma_start3A_675 = arith.constant 0 : i32
      %dma_start3A_676 = tpu.memref_slice %arg20[%add3A_444, %dma_start3A_675] : memref<16384x128xf32, #tpu.memory_space<hbm>> -> memref<128x128xf32, #tpu.memory_space<hbm>>
      tpu.enqueue_dma source(%arg27 : memref<128x128xf32, #tpu.memory_space<vmem>>) target(%dma_start3A_676 : memref<128x128xf32, #tpu.memory_space<hbm>>) target_semaphore(%run_scoped3A : memref<!tpu.dma_semaphore, #tpu.memory_space<semaphore_mem>>)
      %dma_wait3A_677 = arith.constant 0 : i32
      %dma_wait3A_678 = tpu.memref_slice %arg20[%add3A_444, %dma_wait3A_677] : memref<16384x128xf32, #tpu.memory_space<hbm>> -> memref<128x128xf32, #tpu.memory_space<hbm>>
      %dma_wait3A_679 = arith.constant 0 : i32
      %dma_wait3A_680 = tpu.memref_slice %arg20[%add3A_444, %dma_wait3A_679] : memref<16384x128xf32, #tpu.memory_space<hbm>> -> memref<128x128xf32, #tpu.memory_space<hbm>>
      tpu.wait_dma2 semaphore(%run_scoped3A : memref<!tpu.dma_semaphore, #tpu.memory_space<semaphore_mem>>) src(%arg27 : memref<128x128xf32, #tpu.memory_space<vmem>>) dst(%dma_wait3A_680 : memref<128x128xf32, #tpu.memory_space<hbm>>)
      tpu.yield
    }) : () -> ()
    %dma_start3A_445 = arith.constant 128 : i32
    %dma_start3A_446 = tpu.memref_slice %arg26[%dma_start3A_445] : memref<512xi32, #tpu.memory_space<vmem>> -> memref<128xi32, #tpu.memory_space<vmem>>
    %dma_start3A_447 = arith.constant 0 : i32
    %dma_start3A_448 = arith.constant 0 : i32
    %dma_start3A_449 = tpu.memref_slice %arg6[%dma_start3A_447, %dma_start3A_448] : memref<100000x128xf32, #tpu.memory_space<hbm>> -> memref<100000x128xf32, #tpu.memory_space<hbm>>
    tpu.enqueue_indirect_dma source(%dma_start3A_449 : memref<100000x128xf32, #tpu.memory_space<hbm>>) target(%arg27 : memref<128x128xf32, #tpu.memory_space<vmem>>) offsets(%dma_start3A_446 : memref<128xi32, #tpu.memory_space<vmem>>) semaphore(%arg29 : memref<!tpu.dma_semaphore, #tpu.memory_space<semaphore_mem>>)
    %dma_wait3A_450 = arith.constant 128 : i32
    %dma_wait3A_451 = tpu.memref_slice %arg26[%dma_wait3A_450] : memref<512xi32, #tpu.memory_space<vmem>> -> memref<128xi32, #tpu.memory_space<vmem>>
    %dma_wait3A_452 = arith.constant 0 : i32
    %dma_wait3A_453 = arith.constant 0 : i32
    %dma_wait3A_454 = tpu.memref_slice %arg6[%dma_wait3A_452, %dma_wait3A_453] : memref<100000x128xf32, #tpu.memory_space<hbm>> -> memref<100000x128xf32, #tpu.memory_space<hbm>>
    tpu.wait_indirect_dma semaphore(%arg29 : memref<!tpu.dma_semaphore, #tpu.memory_space<semaphore_mem>>) src(%dma_wait3A_454 : memref<100000x128xf32, #tpu.memory_space<hbm>>) dst(%arg27 : memref<128x128xf32, #tpu.memory_space<vmem>>)
    %add3A_455 = arith.constant 128 : i32
    %add3A_456 = arith.addi %mul3A_2, %add3A_455 : i32
    "tpu.region"() ({
      %run_scoped3A = tpu.sem_alloc : memref<!tpu.dma_semaphore, #tpu.memory_space<semaphore_mem>>
      %dma_start3A_673 = arith.constant 0 : i32
      %dma_start3A_674 = tpu.memref_slice %arg20[%add3A_456, %dma_start3A_673] : memref<16384x128xf32, #tpu.memory_space<hbm>> -> memref<128x128xf32, #tpu.memory_space<hbm>>
      %dma_start3A_675 = arith.constant 0 : i32
      %dma_start3A_676 = tpu.memref_slice %arg20[%add3A_456, %dma_start3A_675] : memref<16384x128xf32, #tpu.memory_space<hbm>> -> memref<128x128xf32, #tpu.memory_space<hbm>>
      tpu.enqueue_dma source(%arg27 : memref<128x128xf32, #tpu.memory_space<vmem>>) target(%dma_start3A_676 : memref<128x128xf32, #tpu.memory_space<hbm>>) target_semaphore(%run_scoped3A : memref<!tpu.dma_semaphore, #tpu.memory_space<semaphore_mem>>)
      %dma_wait3A_677 = arith.constant 0 : i32
      %dma_wait3A_678 = tpu.memref_slice %arg20[%add3A_456, %dma_wait3A_677] : memref<16384x128xf32, #tpu.memory_space<hbm>> -> memref<128x128xf32, #tpu.memory_space<hbm>>
      %dma_wait3A_679 = arith.constant 0 : i32
      %dma_wait3A_680 = tpu.memref_slice %arg20[%add3A_456, %dma_wait3A_679] : memref<16384x128xf32, #tpu.memory_space<hbm>> -> memref<128x128xf32, #tpu.memory_space<hbm>>
      tpu.wait_dma2 semaphore(%run_scoped3A : memref<!tpu.dma_semaphore, #tpu.memory_space<semaphore_mem>>) src(%arg27 : memref<128x128xf32, #tpu.memory_space<vmem>>) dst(%dma_wait3A_680 : memref<128x128xf32, #tpu.memory_space<hbm>>)
      tpu.yield
    }) : () -> ()
    %dma_start3A_457 = arith.constant 256 : i32
    %dma_start3A_458 = tpu.memref_slice %arg26[%dma_start3A_457] : memref<512xi32, #tpu.memory_space<vmem>> -> memref<128xi32, #tpu.memory_space<vmem>>
    %dma_start3A_459 = arith.constant 0 : i32
    %dma_start3A_460 = arith.constant 0 : i32
    %dma_start3A_461 = tpu.memref_slice %arg6[%dma_start3A_459, %dma_start3A_460] : memref<100000x128xf32, #tpu.memory_space<hbm>> -> memref<100000x128xf32, #tpu.memory_space<hbm>>
    tpu.enqueue_indirect_dma source(%dma_start3A_461 : memref<100000x128xf32, #tpu.memory_space<hbm>>) target(%arg27 : memref<128x128xf32, #tpu.memory_space<vmem>>) offsets(%dma_start3A_458 : memref<128xi32, #tpu.memory_space<vmem>>) semaphore(%arg29 : memref<!tpu.dma_semaphore, #tpu.memory_space<semaphore_mem>>)
    %dma_wait3A_462 = arith.constant 256 : i32
    %dma_wait3A_463 = tpu.memref_slice %arg26[%dma_wait3A_462] : memref<512xi32, #tpu.memory_space<vmem>> -> memref<128xi32, #tpu.memory_space<vmem>>
    %dma_wait3A_464 = arith.constant 0 : i32
    %dma_wait3A_465 = arith.constant 0 : i32
    %dma_wait3A_466 = tpu.memref_slice %arg6[%dma_wait3A_464, %dma_wait3A_465] : memref<100000x128xf32, #tpu.memory_space<hbm>> -> memref<100000x128xf32, #tpu.memory_space<hbm>>
    tpu.wait_indirect_dma semaphore(%arg29 : memref<!tpu.dma_semaphore, #tpu.memory_space<semaphore_mem>>) src(%dma_wait3A_466 : memref<100000x128xf32, #tpu.memory_space<hbm>>) dst(%arg27 : memref<128x128xf32, #tpu.memory_space<vmem>>)
    %add3A_467 = arith.constant 256 : i32
    %add3A_468 = arith.addi %mul3A_2, %add3A_467 : i32
    "tpu.region"() ({
      %run_scoped3A = tpu.sem_alloc : memref<!tpu.dma_semaphore, #tpu.memory_space<semaphore_mem>>
      %dma_start3A_673 = arith.constant 0 : i32
      %dma_start3A_674 = tpu.memref_slice %arg20[%add3A_468, %dma_start3A_673] : memref<16384x128xf32, #tpu.memory_space<hbm>> -> memref<128x128xf32, #tpu.memory_space<hbm>>
      %dma_start3A_675 = arith.constant 0 : i32
      %dma_start3A_676 = tpu.memref_slice %arg20[%add3A_468, %dma_start3A_675] : memref<16384x128xf32, #tpu.memory_space<hbm>> -> memref<128x128xf32, #tpu.memory_space<hbm>>
      tpu.enqueue_dma source(%arg27 : memref<128x128xf32, #tpu.memory_space<vmem>>) target(%dma_start3A_676 : memref<128x128xf32, #tpu.memory_space<hbm>>) target_semaphore(%run_scoped3A : memref<!tpu.dma_semaphore, #tpu.memory_space<semaphore_mem>>)
      %dma_wait3A_677 = arith.constant 0 : i32
      %dma_wait3A_678 = tpu.memref_slice %arg20[%add3A_468, %dma_wait3A_677] : memref<16384x128xf32, #tpu.memory_space<hbm>> -> memref<128x128xf32, #tpu.memory_space<hbm>>
      %dma_wait3A_679 = arith.constant 0 : i32
      %dma_wait3A_680 = tpu.memref_slice %arg20[%add3A_468, %dma_wait3A_679] : memref<16384x128xf32, #tpu.memory_space<hbm>> -> memref<128x128xf32, #tpu.memory_space<hbm>>
      tpu.wait_dma2 semaphore(%run_scoped3A : memref<!tpu.dma_semaphore, #tpu.memory_space<semaphore_mem>>) src(%arg27 : memref<128x128xf32, #tpu.memory_space<vmem>>) dst(%dma_wait3A_680 : memref<128x128xf32, #tpu.memory_space<hbm>>)
      tpu.yield
    }) : () -> ()
    %dma_start3A_469 = arith.constant 384 : i32
    %dma_start3A_470 = tpu.memref_slice %arg26[%dma_start3A_469] : memref<512xi32, #tpu.memory_space<vmem>> -> memref<128xi32, #tpu.memory_space<vmem>>
    %dma_start3A_471 = arith.constant 0 : i32
    %dma_start3A_472 = arith.constant 0 : i32
    %dma_start3A_473 = tpu.memref_slice %arg6[%dma_start3A_471, %dma_start3A_472] : memref<100000x128xf32, #tpu.memory_space<hbm>> -> memref<100000x128xf32, #tpu.memory_space<hbm>>
    tpu.enqueue_indirect_dma source(%dma_start3A_473 : memref<100000x128xf32, #tpu.memory_space<hbm>>) target(%arg27 : memref<128x128xf32, #tpu.memory_space<vmem>>) offsets(%dma_start3A_470 : memref<128xi32, #tpu.memory_space<vmem>>) semaphore(%arg29 : memref<!tpu.dma_semaphore, #tpu.memory_space<semaphore_mem>>)
    %dma_wait3A_474 = arith.constant 384 : i32
    %dma_wait3A_475 = tpu.memref_slice %arg26[%dma_wait3A_474] : memref<512xi32, #tpu.memory_space<vmem>> -> memref<128xi32, #tpu.memory_space<vmem>>
    %dma_wait3A_476 = arith.constant 0 : i32
    %dma_wait3A_477 = arith.constant 0 : i32
    %dma_wait3A_478 = tpu.memref_slice %arg6[%dma_wait3A_476, %dma_wait3A_477] : memref<100000x128xf32, #tpu.memory_space<hbm>> -> memref<100000x128xf32, #tpu.memory_space<hbm>>
    tpu.wait_indirect_dma semaphore(%arg29 : memref<!tpu.dma_semaphore, #tpu.memory_space<semaphore_mem>>) src(%dma_wait3A_478 : memref<100000x128xf32, #tpu.memory_space<hbm>>) dst(%arg27 : memref<128x128xf32, #tpu.memory_space<vmem>>)
    %add3A_479 = arith.constant 384 : i32
    %add3A_480 = arith.addi %mul3A_2, %add3A_479 : i32
    "tpu.region"() ({
      %run_scoped3A = tpu.sem_alloc : memref<!tpu.dma_semaphore, #tpu.memory_space<semaphore_mem>>
      %dma_start3A_673 = arith.constant 0 : i32
      %dma_start3A_674 = tpu.memref_slice %arg20[%add3A_480, %dma_start3A_673] : memref<16384x128xf32, #tpu.memory_space<hbm>> -> memref<128x128xf32, #tpu.memory_space<hbm>>
      %dma_start3A_675 = arith.constant 0 : i32
      %dma_start3A_676 = tpu.memref_slice %arg20[%add3A_480, %dma_start3A_675] : memref<16384x128xf32, #tpu.memory_space<hbm>> -> memref<128x128xf32, #tpu.memory_space<hbm>>
      tpu.enqueue_dma source(%arg27 : memref<128x128xf32, #tpu.memory_space<vmem>>) target(%dma_start3A_676 : memref<128x128xf32, #tpu.memory_space<hbm>>) target_semaphore(%run_scoped3A : memref<!tpu.dma_semaphore, #tpu.memory_space<semaphore_mem>>)
      %dma_wait3A_677 = arith.constant 0 : i32
      %dma_wait3A_678 = tpu.memref_slice %arg20[%add3A_480, %dma_wait3A_677] : memref<16384x128xf32, #tpu.memory_space<hbm>> -> memref<128x128xf32, #tpu.memory_space<hbm>>
      %dma_wait3A_679 = arith.constant 0 : i32
      %dma_wait3A_680 = tpu.memref_slice %arg20[%add3A_480, %dma_wait3A_679] : memref<16384x128xf32, #tpu.memory_space<hbm>> -> memref<128x128xf32, #tpu.memory_space<hbm>>
      tpu.wait_dma2 semaphore(%run_scoped3A : memref<!tpu.dma_semaphore, #tpu.memory_space<semaphore_mem>>) src(%arg27 : memref<128x128xf32, #tpu.memory_space<vmem>>) dst(%dma_wait3A_680 : memref<128x128xf32, #tpu.memory_space<hbm>>)
      tpu.yield
    }) : () -> ()
    %dma_start3A_481 = arith.constant 0 : i32
    %dma_start3A_482 = tpu.memref_slice %arg26[%dma_start3A_481] : memref<512xi32, #tpu.memory_space<vmem>> -> memref<128xi32, #tpu.memory_space<vmem>>
    %dma_start3A_483 = arith.constant 0 : i32
    %dma_start3A_484 = arith.constant 0 : i32
    %dma_start3A_485 = tpu.memref_slice %arg7[%dma_start3A_483, %dma_start3A_484] : memref<100000x64xf32, #tpu.memory_space<hbm>> -> memref<100000x64xf32, #tpu.memory_space<hbm>>
    tpu.enqueue_indirect_dma source(%dma_start3A_485 : memref<100000x64xf32, #tpu.memory_space<hbm>>) target(%arg28 : memref<128x64xf32, #tpu.memory_space<vmem>>) offsets(%dma_start3A_482 : memref<128xi32, #tpu.memory_space<vmem>>) semaphore(%arg29 : memref<!tpu.dma_semaphore, #tpu.memory_space<semaphore_mem>>)
    %dma_wait3A_486 = arith.constant 0 : i32
    %dma_wait3A_487 = tpu.memref_slice %arg26[%dma_wait3A_486] : memref<512xi32, #tpu.memory_space<vmem>> -> memref<128xi32, #tpu.memory_space<vmem>>
    %dma_wait3A_488 = arith.constant 0 : i32
    %dma_wait3A_489 = arith.constant 0 : i32
    %dma_wait3A_490 = tpu.memref_slice %arg7[%dma_wait3A_488, %dma_wait3A_489] : memref<100000x64xf32, #tpu.memory_space<hbm>> -> memref<100000x64xf32, #tpu.memory_space<hbm>>
    tpu.wait_indirect_dma semaphore(%arg29 : memref<!tpu.dma_semaphore, #tpu.memory_space<semaphore_mem>>) src(%dma_wait3A_490 : memref<100000x64xf32, #tpu.memory_space<hbm>>) dst(%arg28 : memref<128x64xf32, #tpu.memory_space<vmem>>)
    %add3A_491 = arith.constant 0 : i32
    %add3A_492 = arith.addi %mul3A_2, %add3A_491 : i32
    "tpu.region"() ({
      %run_scoped3A = tpu.sem_alloc : memref<!tpu.dma_semaphore, #tpu.memory_space<semaphore_mem>>
      %dma_start3A_673 = arith.constant 0 : i32
      %dma_start3A_674 = tpu.memref_slice %arg21[%add3A_492, %dma_start3A_673] : memref<16384x128xf32, #tpu.memory_space<hbm>> -> memref<128x64xf32, #tpu.memory_space<hbm>>
      %dma_start3A_675 = arith.constant 0 : i32
      %dma_start3A_676 = tpu.memref_slice %arg21[%add3A_492, %dma_start3A_675] : memref<16384x128xf32, #tpu.memory_space<hbm>> -> memref<128x64xf32, #tpu.memory_space<hbm>>
      tpu.enqueue_dma source(%arg28 : memref<128x64xf32, #tpu.memory_space<vmem>>) target(%dma_start3A_676 : memref<128x64xf32, #tpu.memory_space<hbm>>) target_semaphore(%run_scoped3A : memref<!tpu.dma_semaphore, #tpu.memory_space<semaphore_mem>>)
      %dma_wait3A_677 = arith.constant 0 : i32
      %dma_wait3A_678 = tpu.memref_slice %arg21[%add3A_492, %dma_wait3A_677] : memref<16384x128xf32, #tpu.memory_space<hbm>> -> memref<128x64xf32, #tpu.memory_space<hbm>>
      %dma_wait3A_679 = arith.constant 0 : i32
      %dma_wait3A_680 = tpu.memref_slice %arg21[%add3A_492, %dma_wait3A_679] : memref<16384x128xf32, #tpu.memory_space<hbm>> -> memref<128x64xf32, #tpu.memory_space<hbm>>
      tpu.wait_dma2 semaphore(%run_scoped3A : memref<!tpu.dma_semaphore, #tpu.memory_space<semaphore_mem>>) src(%arg28 : memref<128x64xf32, #tpu.memory_space<vmem>>) dst(%dma_wait3A_680 : memref<128x64xf32, #tpu.memory_space<hbm>>)
      tpu.yield
    }) : () -> ()
    %dma_start3A_493 = arith.constant 128 : i32
    %dma_start3A_494 = tpu.memref_slice %arg26[%dma_start3A_493] : memref<512xi32, #tpu.memory_space<vmem>> -> memref<128xi32, #tpu.memory_space<vmem>>
    %dma_start3A_495 = arith.constant 0 : i32
    %dma_start3A_496 = arith.constant 0 : i32
    %dma_start3A_497 = tpu.memref_slice %arg7[%dma_start3A_495, %dma_start3A_496] : memref<100000x64xf32, #tpu.memory_space<hbm>> -> memref<100000x64xf32, #tpu.memory_space<hbm>>
    tpu.enqueue_indirect_dma source(%dma_start3A_497 : memref<100000x64xf32, #tpu.memory_space<hbm>>) target(%arg28 : memref<128x64xf32, #tpu.memory_space<vmem>>) offsets(%dma_start3A_494 : memref<128xi32, #tpu.memory_space<vmem>>) semaphore(%arg29 : memref<!tpu.dma_semaphore, #tpu.memory_space<semaphore_mem>>)
    %dma_wait3A_498 = arith.constant 128 : i32
    %dma_wait3A_499 = tpu.memref_slice %arg26[%dma_wait3A_498] : memref<512xi32, #tpu.memory_space<vmem>> -> memref<128xi32, #tpu.memory_space<vmem>>
    %dma_wait3A_500 = arith.constant 0 : i32
    %dma_wait3A_501 = arith.constant 0 : i32
    %dma_wait3A_502 = tpu.memref_slice %arg7[%dma_wait3A_500, %dma_wait3A_501] : memref<100000x64xf32, #tpu.memory_space<hbm>> -> memref<100000x64xf32, #tpu.memory_space<hbm>>
    tpu.wait_indirect_dma semaphore(%arg29 : memref<!tpu.dma_semaphore, #tpu.memory_space<semaphore_mem>>) src(%dma_wait3A_502 : memref<100000x64xf32, #tpu.memory_space<hbm>>) dst(%arg28 : memref<128x64xf32, #tpu.memory_space<vmem>>)
    %add3A_503 = arith.constant 128 : i32
    %add3A_504 = arith.addi %mul3A_2, %add3A_503 : i32
    "tpu.region"() ({
      %run_scoped3A = tpu.sem_alloc : memref<!tpu.dma_semaphore, #tpu.memory_space<semaphore_mem>>
      %dma_start3A_673 = arith.constant 0 : i32
      %dma_start3A_674 = tpu.memref_slice %arg21[%add3A_504, %dma_start3A_673] : memref<16384x128xf32, #tpu.memory_space<hbm>> -> memref<128x64xf32, #tpu.memory_space<hbm>>
      %dma_start3A_675 = arith.constant 0 : i32
      %dma_start3A_676 = tpu.memref_slice %arg21[%add3A_504, %dma_start3A_675] : memref<16384x128xf32, #tpu.memory_space<hbm>> -> memref<128x64xf32, #tpu.memory_space<hbm>>
      tpu.enqueue_dma source(%arg28 : memref<128x64xf32, #tpu.memory_space<vmem>>) target(%dma_start3A_676 : memref<128x64xf32, #tpu.memory_space<hbm>>) target_semaphore(%run_scoped3A : memref<!tpu.dma_semaphore, #tpu.memory_space<semaphore_mem>>)
      %dma_wait3A_677 = arith.constant 0 : i32
      %dma_wait3A_678 = tpu.memref_slice %arg21[%add3A_504, %dma_wait3A_677] : memref<16384x128xf32, #tpu.memory_space<hbm>> -> memref<128x64xf32, #tpu.memory_space<hbm>>
      %dma_wait3A_679 = arith.constant 0 : i32
      %dma_wait3A_680 = tpu.memref_slice %arg21[%add3A_504, %dma_wait3A_679] : memref<16384x128xf32, #tpu.memory_space<hbm>> -> memref<128x64xf32, #tpu.memory_space<hbm>>
      tpu.wait_dma2 semaphore(%run_scoped3A : memref<!tpu.dma_semaphore, #tpu.memory_space<semaphore_mem>>) src(%arg28 : memref<128x64xf32, #tpu.memory_space<vmem>>) dst(%dma_wait3A_680 : memref<128x64xf32, #tpu.memory_space<hbm>>)
      tpu.yield
    }) : () -> ()
    %dma_start3A_505 = arith.constant 256 : i32
    %dma_start3A_506 = tpu.memref_slice %arg26[%dma_start3A_505] : memref<512xi32, #tpu.memory_space<vmem>> -> memref<128xi32, #tpu.memory_space<vmem>>
    %dma_start3A_507 = arith.constant 0 : i32
    %dma_start3A_508 = arith.constant 0 : i32
    %dma_start3A_509 = tpu.memref_slice %arg7[%dma_start3A_507, %dma_start3A_508] : memref<100000x64xf32, #tpu.memory_space<hbm>> -> memref<100000x64xf32, #tpu.memory_space<hbm>>
    tpu.enqueue_indirect_dma source(%dma_start3A_509 : memref<100000x64xf32, #tpu.memory_space<hbm>>) target(%arg28 : memref<128x64xf32, #tpu.memory_space<vmem>>) offsets(%dma_start3A_506 : memref<128xi32, #tpu.memory_space<vmem>>) semaphore(%arg29 : memref<!tpu.dma_semaphore, #tpu.memory_space<semaphore_mem>>)
    %dma_wait3A_510 = arith.constant 256 : i32
    %dma_wait3A_511 = tpu.memref_slice %arg26[%dma_wait3A_510] : memref<512xi32, #tpu.memory_space<vmem>> -> memref<128xi32, #tpu.memory_space<vmem>>
    %dma_wait3A_512 = arith.constant 0 : i32
    %dma_wait3A_513 = arith.constant 0 : i32
    %dma_wait3A_514 = tpu.memref_slice %arg7[%dma_wait3A_512, %dma_wait3A_513] : memref<100000x64xf32, #tpu.memory_space<hbm>> -> memref<100000x64xf32, #tpu.memory_space<hbm>>
    tpu.wait_indirect_dma semaphore(%arg29 : memref<!tpu.dma_semaphore, #tpu.memory_space<semaphore_mem>>) src(%dma_wait3A_514 : memref<100000x64xf32, #tpu.memory_space<hbm>>) dst(%arg28 : memref<128x64xf32, #tpu.memory_space<vmem>>)
    %add3A_515 = arith.constant 256 : i32
    %add3A_516 = arith.addi %mul3A_2, %add3A_515 : i32
    "tpu.region"() ({
      %run_scoped3A = tpu.sem_alloc : memref<!tpu.dma_semaphore, #tpu.memory_space<semaphore_mem>>
      %dma_start3A_673 = arith.constant 0 : i32
      %dma_start3A_674 = tpu.memref_slice %arg21[%add3A_516, %dma_start3A_673] : memref<16384x128xf32, #tpu.memory_space<hbm>> -> memref<128x64xf32, #tpu.memory_space<hbm>>
      %dma_start3A_675 = arith.constant 0 : i32
      %dma_start3A_676 = tpu.memref_slice %arg21[%add3A_516, %dma_start3A_675] : memref<16384x128xf32, #tpu.memory_space<hbm>> -> memref<128x64xf32, #tpu.memory_space<hbm>>
      tpu.enqueue_dma source(%arg28 : memref<128x64xf32, #tpu.memory_space<vmem>>) target(%dma_start3A_676 : memref<128x64xf32, #tpu.memory_space<hbm>>) target_semaphore(%run_scoped3A : memref<!tpu.dma_semaphore, #tpu.memory_space<semaphore_mem>>)
      %dma_wait3A_677 = arith.constant 0 : i32
      %dma_wait3A_678 = tpu.memref_slice %arg21[%add3A_516, %dma_wait3A_677] : memref<16384x128xf32, #tpu.memory_space<hbm>> -> memref<128x64xf32, #tpu.memory_space<hbm>>
      %dma_wait3A_679 = arith.constant 0 : i32
      %dma_wait3A_680 = tpu.memref_slice %arg21[%add3A_516, %dma_wait3A_679] : memref<16384x128xf32, #tpu.memory_space<hbm>> -> memref<128x64xf32, #tpu.memory_space<hbm>>
      tpu.wait_dma2 semaphore(%run_scoped3A : memref<!tpu.dma_semaphore, #tpu.memory_space<semaphore_mem>>) src(%arg28 : memref<128x64xf32, #tpu.memory_space<vmem>>) dst(%dma_wait3A_680 : memref<128x64xf32, #tpu.memory_space<hbm>>)
      tpu.yield
    }) : () -> ()
    %dma_start3A_517 = arith.constant 384 : i32
    %dma_start3A_518 = tpu.memref_slice %arg26[%dma_start3A_517] : memref<512xi32, #tpu.memory_space<vmem>> -> memref<128xi32, #tpu.memory_space<vmem>>
    %dma_start3A_519 = arith.constant 0 : i32
    %dma_start3A_520 = arith.constant 0 : i32
    %dma_start3A_521 = tpu.memref_slice %arg7[%dma_start3A_519, %dma_start3A_520] : memref<100000x64xf32, #tpu.memory_space<hbm>> -> memref<100000x64xf32, #tpu.memory_space<hbm>>
    tpu.enqueue_indirect_dma source(%dma_start3A_521 : memref<100000x64xf32, #tpu.memory_space<hbm>>) target(%arg28 : memref<128x64xf32, #tpu.memory_space<vmem>>) offsets(%dma_start3A_518 : memref<128xi32, #tpu.memory_space<vmem>>) semaphore(%arg29 : memref<!tpu.dma_semaphore, #tpu.memory_space<semaphore_mem>>)
    %dma_wait3A_522 = arith.constant 384 : i32
    %dma_wait3A_523 = tpu.memref_slice %arg26[%dma_wait3A_522] : memref<512xi32, #tpu.memory_space<vmem>> -> memref<128xi32, #tpu.memory_space<vmem>>
    %dma_wait3A_524 = arith.constant 0 : i32
    %dma_wait3A_525 = arith.constant 0 : i32
    %dma_wait3A_526 = tpu.memref_slice %arg7[%dma_wait3A_524, %dma_wait3A_525] : memref<100000x64xf32, #tpu.memory_space<hbm>> -> memref<100000x64xf32, #tpu.memory_space<hbm>>
    tpu.wait_indirect_dma semaphore(%arg29 : memref<!tpu.dma_semaphore, #tpu.memory_space<semaphore_mem>>) src(%dma_wait3A_526 : memref<100000x64xf32, #tpu.memory_space<hbm>>) dst(%arg28 : memref<128x64xf32, #tpu.memory_space<vmem>>)
    %add3A_527 = arith.constant 384 : i32
    %add3A_528 = arith.addi %mul3A_2, %add3A_527 : i32
    "tpu.region"() ({
      %run_scoped3A = tpu.sem_alloc : memref<!tpu.dma_semaphore, #tpu.memory_space<semaphore_mem>>
      %dma_start3A_673 = arith.constant 0 : i32
      %dma_start3A_674 = tpu.memref_slice %arg21[%add3A_528, %dma_start3A_673] : memref<16384x128xf32, #tpu.memory_space<hbm>> -> memref<128x64xf32, #tpu.memory_space<hbm>>
      %dma_start3A_675 = arith.constant 0 : i32
      %dma_start3A_676 = tpu.memref_slice %arg21[%add3A_528, %dma_start3A_675] : memref<16384x128xf32, #tpu.memory_space<hbm>> -> memref<128x64xf32, #tpu.memory_space<hbm>>
      tpu.enqueue_dma source(%arg28 : memref<128x64xf32, #tpu.memory_space<vmem>>) target(%dma_start3A_676 : memref<128x64xf32, #tpu.memory_space<hbm>>) target_semaphore(%run_scoped3A : memref<!tpu.dma_semaphore, #tpu.memory_space<semaphore_mem>>)
      %dma_wait3A_677 = arith.constant 0 : i32
      %dma_wait3A_678 = tpu.memref_slice %arg21[%add3A_528, %dma_wait3A_677] : memref<16384x128xf32, #tpu.memory_space<hbm>> -> memref<128x64xf32, #tpu.memory_space<hbm>>
      %dma_wait3A_679 = arith.constant 0 : i32
      %dma_wait3A_680 = tpu.memref_slice %arg21[%add3A_528, %dma_wait3A_679] : memref<16384x128xf32, #tpu.memory_space<hbm>> -> memref<128x64xf32, #tpu.memory_space<hbm>>
      tpu.wait_dma2 semaphore(%run_scoped3A : memref<!tpu.dma_semaphore, #tpu.memory_space<semaphore_mem>>) src(%arg28 : memref<128x64xf32, #tpu.memory_space<vmem>>) dst(%dma_wait3A_680 : memref<128x64xf32, #tpu.memory_space<hbm>>)
      tpu.yield
    }) : () -> ()
    %dma_start3A_529 = arith.constant 0 : i32
    %dma_start3A_530 = tpu.memref_slice %arg26[%dma_start3A_529] : memref<512xi32, #tpu.memory_space<vmem>> -> memref<128xi32, #tpu.memory_space<vmem>>
    %dma_start3A_531 = arith.constant 0 : i32
    %dma_start3A_532 = arith.constant 0 : i32
    %dma_start3A_533 = tpu.memref_slice %arg8[%dma_start3A_531, %dma_start3A_532] : memref<100000x128xf32, #tpu.memory_space<hbm>> -> memref<100000x128xf32, #tpu.memory_space<hbm>>
    tpu.enqueue_indirect_dma source(%dma_start3A_533 : memref<100000x128xf32, #tpu.memory_space<hbm>>) target(%arg27 : memref<128x128xf32, #tpu.memory_space<vmem>>) offsets(%dma_start3A_530 : memref<128xi32, #tpu.memory_space<vmem>>) semaphore(%arg29 : memref<!tpu.dma_semaphore, #tpu.memory_space<semaphore_mem>>)
    %dma_wait3A_534 = arith.constant 0 : i32
    %dma_wait3A_535 = tpu.memref_slice %arg26[%dma_wait3A_534] : memref<512xi32, #tpu.memory_space<vmem>> -> memref<128xi32, #tpu.memory_space<vmem>>
    %dma_wait3A_536 = arith.constant 0 : i32
    %dma_wait3A_537 = arith.constant 0 : i32
    %dma_wait3A_538 = tpu.memref_slice %arg8[%dma_wait3A_536, %dma_wait3A_537] : memref<100000x128xf32, #tpu.memory_space<hbm>> -> memref<100000x128xf32, #tpu.memory_space<hbm>>
    tpu.wait_indirect_dma semaphore(%arg29 : memref<!tpu.dma_semaphore, #tpu.memory_space<semaphore_mem>>) src(%dma_wait3A_538 : memref<100000x128xf32, #tpu.memory_space<hbm>>) dst(%arg27 : memref<128x128xf32, #tpu.memory_space<vmem>>)
    %add3A_539 = arith.constant 0 : i32
    %add3A_540 = arith.addi %mul3A_2, %add3A_539 : i32
    "tpu.region"() ({
      %run_scoped3A = tpu.sem_alloc : memref<!tpu.dma_semaphore, #tpu.memory_space<semaphore_mem>>
      %dma_start3A_673 = arith.constant 0 : i32
      %dma_start3A_674 = tpu.memref_slice %arg22[%add3A_540, %dma_start3A_673] : memref<16384x128xf32, #tpu.memory_space<hbm>> -> memref<128x128xf32, #tpu.memory_space<hbm>>
      %dma_start3A_675 = arith.constant 0 : i32
      %dma_start3A_676 = tpu.memref_slice %arg22[%add3A_540, %dma_start3A_675] : memref<16384x128xf32, #tpu.memory_space<hbm>> -> memref<128x128xf32, #tpu.memory_space<hbm>>
      tpu.enqueue_dma source(%arg27 : memref<128x128xf32, #tpu.memory_space<vmem>>) target(%dma_start3A_676 : memref<128x128xf32, #tpu.memory_space<hbm>>) target_semaphore(%run_scoped3A : memref<!tpu.dma_semaphore, #tpu.memory_space<semaphore_mem>>)
      %dma_wait3A_677 = arith.constant 0 : i32
      %dma_wait3A_678 = tpu.memref_slice %arg22[%add3A_540, %dma_wait3A_677] : memref<16384x128xf32, #tpu.memory_space<hbm>> -> memref<128x128xf32, #tpu.memory_space<hbm>>
      %dma_wait3A_679 = arith.constant 0 : i32
      %dma_wait3A_680 = tpu.memref_slice %arg22[%add3A_540, %dma_wait3A_679] : memref<16384x128xf32, #tpu.memory_space<hbm>> -> memref<128x128xf32, #tpu.memory_space<hbm>>
      tpu.wait_dma2 semaphore(%run_scoped3A : memref<!tpu.dma_semaphore, #tpu.memory_space<semaphore_mem>>) src(%arg27 : memref<128x128xf32, #tpu.memory_space<vmem>>) dst(%dma_wait3A_680 : memref<128x128xf32, #tpu.memory_space<hbm>>)
      tpu.yield
    }) : () -> ()
    %dma_start3A_541 = arith.constant 128 : i32
    %dma_start3A_542 = tpu.memref_slice %arg26[%dma_start3A_541] : memref<512xi32, #tpu.memory_space<vmem>> -> memref<128xi32, #tpu.memory_space<vmem>>
    %dma_start3A_543 = arith.constant 0 : i32
    %dma_start3A_544 = arith.constant 0 : i32
    %dma_start3A_545 = tpu.memref_slice %arg8[%dma_start3A_543, %dma_start3A_544] : memref<100000x128xf32, #tpu.memory_space<hbm>> -> memref<100000x128xf32, #tpu.memory_space<hbm>>
    tpu.enqueue_indirect_dma source(%dma_start3A_545 : memref<100000x128xf32, #tpu.memory_space<hbm>>) target(%arg27 : memref<128x128xf32, #tpu.memory_space<vmem>>) offsets(%dma_start3A_542 : memref<128xi32, #tpu.memory_space<vmem>>) semaphore(%arg29 : memref<!tpu.dma_semaphore, #tpu.memory_space<semaphore_mem>>)
    %dma_wait3A_546 = arith.constant 128 : i32
    %dma_wait3A_547 = tpu.memref_slice %arg26[%dma_wait3A_546] : memref<512xi32, #tpu.memory_space<vmem>> -> memref<128xi32, #tpu.memory_space<vmem>>
    %dma_wait3A_548 = arith.constant 0 : i32
    %dma_wait3A_549 = arith.constant 0 : i32
    %dma_wait3A_550 = tpu.memref_slice %arg8[%dma_wait3A_548, %dma_wait3A_549] : memref<100000x128xf32, #tpu.memory_space<hbm>> -> memref<100000x128xf32, #tpu.memory_space<hbm>>
    tpu.wait_indirect_dma semaphore(%arg29 : memref<!tpu.dma_semaphore, #tpu.memory_space<semaphore_mem>>) src(%dma_wait3A_550 : memref<100000x128xf32, #tpu.memory_space<hbm>>) dst(%arg27 : memref<128x128xf32, #tpu.memory_space<vmem>>)
    %add3A_551 = arith.constant 128 : i32
    %add3A_552 = arith.addi %mul3A_2, %add3A_551 : i32
    "tpu.region"() ({
      %run_scoped3A = tpu.sem_alloc : memref<!tpu.dma_semaphore, #tpu.memory_space<semaphore_mem>>
      %dma_start3A_673 = arith.constant 0 : i32
      %dma_start3A_674 = tpu.memref_slice %arg22[%add3A_552, %dma_start3A_673] : memref<16384x128xf32, #tpu.memory_space<hbm>> -> memref<128x128xf32, #tpu.memory_space<hbm>>
      %dma_start3A_675 = arith.constant 0 : i32
      %dma_start3A_676 = tpu.memref_slice %arg22[%add3A_552, %dma_start3A_675] : memref<16384x128xf32, #tpu.memory_space<hbm>> -> memref<128x128xf32, #tpu.memory_space<hbm>>
      tpu.enqueue_dma source(%arg27 : memref<128x128xf32, #tpu.memory_space<vmem>>) target(%dma_start3A_676 : memref<128x128xf32, #tpu.memory_space<hbm>>) target_semaphore(%run_scoped3A : memref<!tpu.dma_semaphore, #tpu.memory_space<semaphore_mem>>)
      %dma_wait3A_677 = arith.constant 0 : i32
      %dma_wait3A_678 = tpu.memref_slice %arg22[%add3A_552, %dma_wait3A_677] : memref<16384x128xf32, #tpu.memory_space<hbm>> -> memref<128x128xf32, #tpu.memory_space<hbm>>
      %dma_wait3A_679 = arith.constant 0 : i32
      %dma_wait3A_680 = tpu.memref_slice %arg22[%add3A_552, %dma_wait3A_679] : memref<16384x128xf32, #tpu.memory_space<hbm>> -> memref<128x128xf32, #tpu.memory_space<hbm>>
      tpu.wait_dma2 semaphore(%run_scoped3A : memref<!tpu.dma_semaphore, #tpu.memory_space<semaphore_mem>>) src(%arg27 : memref<128x128xf32, #tpu.memory_space<vmem>>) dst(%dma_wait3A_680 : memref<128x128xf32, #tpu.memory_space<hbm>>)
      tpu.yield
    }) : () -> ()
    %dma_start3A_553 = arith.constant 256 : i32
    %dma_start3A_554 = tpu.memref_slice %arg26[%dma_start3A_553] : memref<512xi32, #tpu.memory_space<vmem>> -> memref<128xi32, #tpu.memory_space<vmem>>
    %dma_start3A_555 = arith.constant 0 : i32
    %dma_start3A_556 = arith.constant 0 : i32
    %dma_start3A_557 = tpu.memref_slice %arg8[%dma_start3A_555, %dma_start3A_556] : memref<100000x128xf32, #tpu.memory_space<hbm>> -> memref<100000x128xf32, #tpu.memory_space<hbm>>
    tpu.enqueue_indirect_dma source(%dma_start3A_557 : memref<100000x128xf32, #tpu.memory_space<hbm>>) target(%arg27 : memref<128x128xf32, #tpu.memory_space<vmem>>) offsets(%dma_start3A_554 : memref<128xi32, #tpu.memory_space<vmem>>) semaphore(%arg29 : memref<!tpu.dma_semaphore, #tpu.memory_space<semaphore_mem>>)
    %dma_wait3A_558 = arith.constant 256 : i32
    %dma_wait3A_559 = tpu.memref_slice %arg26[%dma_wait3A_558] : memref<512xi32, #tpu.memory_space<vmem>> -> memref<128xi32, #tpu.memory_space<vmem>>
    %dma_wait3A_560 = arith.constant 0 : i32
    %dma_wait3A_561 = arith.constant 0 : i32
    %dma_wait3A_562 = tpu.memref_slice %arg8[%dma_wait3A_560, %dma_wait3A_561] : memref<100000x128xf32, #tpu.memory_space<hbm>> -> memref<100000x128xf32, #tpu.memory_space<hbm>>
    tpu.wait_indirect_dma semaphore(%arg29 : memref<!tpu.dma_semaphore, #tpu.memory_space<semaphore_mem>>) src(%dma_wait3A_562 : memref<100000x128xf32, #tpu.memory_space<hbm>>) dst(%arg27 : memref<128x128xf32, #tpu.memory_space<vmem>>)
    %add3A_563 = arith.constant 256 : i32
    %add3A_564 = arith.addi %mul3A_2, %add3A_563 : i32
    "tpu.region"() ({
      %run_scoped3A = tpu.sem_alloc : memref<!tpu.dma_semaphore, #tpu.memory_space<semaphore_mem>>
      %dma_start3A_673 = arith.constant 0 : i32
      %dma_start3A_674 = tpu.memref_slice %arg22[%add3A_564, %dma_start3A_673] : memref<16384x128xf32, #tpu.memory_space<hbm>> -> memref<128x128xf32, #tpu.memory_space<hbm>>
      %dma_start3A_675 = arith.constant 0 : i32
      %dma_start3A_676 = tpu.memref_slice %arg22[%add3A_564, %dma_start3A_675] : memref<16384x128xf32, #tpu.memory_space<hbm>> -> memref<128x128xf32, #tpu.memory_space<hbm>>
      tpu.enqueue_dma source(%arg27 : memref<128x128xf32, #tpu.memory_space<vmem>>) target(%dma_start3A_676 : memref<128x128xf32, #tpu.memory_space<hbm>>) target_semaphore(%run_scoped3A : memref<!tpu.dma_semaphore, #tpu.memory_space<semaphore_mem>>)
      %dma_wait3A_677 = arith.constant 0 : i32
      %dma_wait3A_678 = tpu.memref_slice %arg22[%add3A_564, %dma_wait3A_677] : memref<16384x128xf32, #tpu.memory_space<hbm>> -> memref<128x128xf32, #tpu.memory_space<hbm>>
      %dma_wait3A_679 = arith.constant 0 : i32
      %dma_wait3A_680 = tpu.memref_slice %arg22[%add3A_564, %dma_wait3A_679] : memref<16384x128xf32, #tpu.memory_space<hbm>> -> memref<128x128xf32, #tpu.memory_space<hbm>>
      tpu.wait_dma2 semaphore(%run_scoped3A : memref<!tpu.dma_semaphore, #tpu.memory_space<semaphore_mem>>) src(%arg27 : memref<128x128xf32, #tpu.memory_space<vmem>>) dst(%dma_wait3A_680 : memref<128x128xf32, #tpu.memory_space<hbm>>)
      tpu.yield
    }) : () -> ()
    %dma_start3A_565 = arith.constant 384 : i32
    %dma_start3A_566 = tpu.memref_slice %arg26[%dma_start3A_565] : memref<512xi32, #tpu.memory_space<vmem>> -> memref<128xi32, #tpu.memory_space<vmem>>
    %dma_start3A_567 = arith.constant 0 : i32
    %dma_start3A_568 = arith.constant 0 : i32
    %dma_start3A_569 = tpu.memref_slice %arg8[%dma_start3A_567, %dma_start3A_568] : memref<100000x128xf32, #tpu.memory_space<hbm>> -> memref<100000x128xf32, #tpu.memory_space<hbm>>
    tpu.enqueue_indirect_dma source(%dma_start3A_569 : memref<100000x128xf32, #tpu.memory_space<hbm>>) target(%arg27 : memref<128x128xf32, #tpu.memory_space<vmem>>) offsets(%dma_start3A_566 : memref<128xi32, #tpu.memory_space<vmem>>) semaphore(%arg29 : memref<!tpu.dma_semaphore, #tpu.memory_space<semaphore_mem>>)
    %dma_wait3A_570 = arith.constant 384 : i32
    %dma_wait3A_571 = tpu.memref_slice %arg26[%dma_wait3A_570] : memref<512xi32, #tpu.memory_space<vmem>> -> memref<128xi32, #tpu.memory_space<vmem>>
    %dma_wait3A_572 = arith.constant 0 : i32
    %dma_wait3A_573 = arith.constant 0 : i32
    %dma_wait3A_574 = tpu.memref_slice %arg8[%dma_wait3A_572, %dma_wait3A_573] : memref<100000x128xf32, #tpu.memory_space<hbm>> -> memref<100000x128xf32, #tpu.memory_space<hbm>>
    tpu.wait_indirect_dma semaphore(%arg29 : memref<!tpu.dma_semaphore, #tpu.memory_space<semaphore_mem>>) src(%dma_wait3A_574 : memref<100000x128xf32, #tpu.memory_space<hbm>>) dst(%arg27 : memref<128x128xf32, #tpu.memory_space<vmem>>)
    %add3A_575 = arith.constant 384 : i32
    %add3A_576 = arith.addi %mul3A_2, %add3A_575 : i32
    "tpu.region"() ({
      %run_scoped3A = tpu.sem_alloc : memref<!tpu.dma_semaphore, #tpu.memory_space<semaphore_mem>>
      %dma_start3A_673 = arith.constant 0 : i32
      %dma_start3A_674 = tpu.memref_slice %arg22[%add3A_576, %dma_start3A_673] : memref<16384x128xf32, #tpu.memory_space<hbm>> -> memref<128x128xf32, #tpu.memory_space<hbm>>
      %dma_start3A_675 = arith.constant 0 : i32
      %dma_start3A_676 = tpu.memref_slice %arg22[%add3A_576, %dma_start3A_675] : memref<16384x128xf32, #tpu.memory_space<hbm>> -> memref<128x128xf32, #tpu.memory_space<hbm>>
      tpu.enqueue_dma source(%arg27 : memref<128x128xf32, #tpu.memory_space<vmem>>) target(%dma_start3A_676 : memref<128x128xf32, #tpu.memory_space<hbm>>) target_semaphore(%run_scoped3A : memref<!tpu.dma_semaphore, #tpu.memory_space<semaphore_mem>>)
      %dma_wait3A_677 = arith.constant 0 : i32
      %dma_wait3A_678 = tpu.memref_slice %arg22[%add3A_576, %dma_wait3A_677] : memref<16384x128xf32, #tpu.memory_space<hbm>> -> memref<128x128xf32, #tpu.memory_space<hbm>>
      %dma_wait3A_679 = arith.constant 0 : i32
      %dma_wait3A_680 = tpu.memref_slice %arg22[%add3A_576, %dma_wait3A_679] : memref<16384x128xf32, #tpu.memory_space<hbm>> -> memref<128x128xf32, #tpu.memory_space<hbm>>
      tpu.wait_dma2 semaphore(%run_scoped3A : memref<!tpu.dma_semaphore, #tpu.memory_space<semaphore_mem>>) src(%arg27 : memref<128x128xf32, #tpu.memory_space<vmem>>) dst(%dma_wait3A_680 : memref<128x128xf32, #tpu.memory_space<hbm>>)
      tpu.yield
    }) : () -> ()
    %dma_start3A_577 = arith.constant 0 : i32
    %dma_start3A_578 = tpu.memref_slice %arg26[%dma_start3A_577] : memref<512xi32, #tpu.memory_space<vmem>> -> memref<128xi32, #tpu.memory_space<vmem>>
    %dma_start3A_579 = arith.constant 0 : i32
    %dma_start3A_580 = arith.constant 0 : i32
    %dma_start3A_581 = tpu.memref_slice %arg9[%dma_start3A_579, %dma_start3A_580] : memref<100000x128xf32, #tpu.memory_space<hbm>> -> memref<100000x128xf32, #tpu.memory_space<hbm>>
    tpu.enqueue_indirect_dma source(%dma_start3A_581 : memref<100000x128xf32, #tpu.memory_space<hbm>>) target(%arg27 : memref<128x128xf32, #tpu.memory_space<vmem>>) offsets(%dma_start3A_578 : memref<128xi32, #tpu.memory_space<vmem>>) semaphore(%arg29 : memref<!tpu.dma_semaphore, #tpu.memory_space<semaphore_mem>>)
    %dma_wait3A_582 = arith.constant 0 : i32
    %dma_wait3A_583 = tpu.memref_slice %arg26[%dma_wait3A_582] : memref<512xi32, #tpu.memory_space<vmem>> -> memref<128xi32, #tpu.memory_space<vmem>>
    %dma_wait3A_584 = arith.constant 0 : i32
    %dma_wait3A_585 = arith.constant 0 : i32
    %dma_wait3A_586 = tpu.memref_slice %arg9[%dma_wait3A_584, %dma_wait3A_585] : memref<100000x128xf32, #tpu.memory_space<hbm>> -> memref<100000x128xf32, #tpu.memory_space<hbm>>
    tpu.wait_indirect_dma semaphore(%arg29 : memref<!tpu.dma_semaphore, #tpu.memory_space<semaphore_mem>>) src(%dma_wait3A_586 : memref<100000x128xf32, #tpu.memory_space<hbm>>) dst(%arg27 : memref<128x128xf32, #tpu.memory_space<vmem>>)
    %add3A_587 = arith.constant 0 : i32
    %add3A_588 = arith.addi %mul3A_2, %add3A_587 : i32
    "tpu.region"() ({
      %run_scoped3A = tpu.sem_alloc : memref<!tpu.dma_semaphore, #tpu.memory_space<semaphore_mem>>
      %dma_start3A_673 = arith.constant 0 : i32
      %dma_start3A_674 = tpu.memref_slice %arg23[%add3A_588, %dma_start3A_673] : memref<16384x128xf32, #tpu.memory_space<hbm>> -> memref<128x128xf32, #tpu.memory_space<hbm>>
      %dma_start3A_675 = arith.constant 0 : i32
      %dma_start3A_676 = tpu.memref_slice %arg23[%add3A_588, %dma_start3A_675] : memref<16384x128xf32, #tpu.memory_space<hbm>> -> memref<128x128xf32, #tpu.memory_space<hbm>>
      tpu.enqueue_dma source(%arg27 : memref<128x128xf32, #tpu.memory_space<vmem>>) target(%dma_start3A_676 : memref<128x128xf32, #tpu.memory_space<hbm>>) target_semaphore(%run_scoped3A : memref<!tpu.dma_semaphore, #tpu.memory_space<semaphore_mem>>)
      %dma_wait3A_677 = arith.constant 0 : i32
      %dma_wait3A_678 = tpu.memref_slice %arg23[%add3A_588, %dma_wait3A_677] : memref<16384x128xf32, #tpu.memory_space<hbm>> -> memref<128x128xf32, #tpu.memory_space<hbm>>
      %dma_wait3A_679 = arith.constant 0 : i32
      %dma_wait3A_680 = tpu.memref_slice %arg23[%add3A_588, %dma_wait3A_679] : memref<16384x128xf32, #tpu.memory_space<hbm>> -> memref<128x128xf32, #tpu.memory_space<hbm>>
      tpu.wait_dma2 semaphore(%run_scoped3A : memref<!tpu.dma_semaphore, #tpu.memory_space<semaphore_mem>>) src(%arg27 : memref<128x128xf32, #tpu.memory_space<vmem>>) dst(%dma_wait3A_680 : memref<128x128xf32, #tpu.memory_space<hbm>>)
      tpu.yield
    }) : () -> ()
    %dma_start3A_589 = arith.constant 128 : i32
    %dma_start3A_590 = tpu.memref_slice %arg26[%dma_start3A_589] : memref<512xi32, #tpu.memory_space<vmem>> -> memref<128xi32, #tpu.memory_space<vmem>>
    %dma_start3A_591 = arith.constant 0 : i32
    %dma_start3A_592 = arith.constant 0 : i32
    %dma_start3A_593 = tpu.memref_slice %arg9[%dma_start3A_591, %dma_start3A_592] : memref<100000x128xf32, #tpu.memory_space<hbm>> -> memref<100000x128xf32, #tpu.memory_space<hbm>>
    tpu.enqueue_indirect_dma source(%dma_start3A_593 : memref<100000x128xf32, #tpu.memory_space<hbm>>) target(%arg27 : memref<128x128xf32, #tpu.memory_space<vmem>>) offsets(%dma_start3A_590 : memref<128xi32, #tpu.memory_space<vmem>>) semaphore(%arg29 : memref<!tpu.dma_semaphore, #tpu.memory_space<semaphore_mem>>)
    %dma_wait3A_594 = arith.constant 128 : i32
    %dma_wait3A_595 = tpu.memref_slice %arg26[%dma_wait3A_594] : memref<512xi32, #tpu.memory_space<vmem>> -> memref<128xi32, #tpu.memory_space<vmem>>
    %dma_wait3A_596 = arith.constant 0 : i32
    %dma_wait3A_597 = arith.constant 0 : i32
    %dma_wait3A_598 = tpu.memref_slice %arg9[%dma_wait3A_596, %dma_wait3A_597] : memref<100000x128xf32, #tpu.memory_space<hbm>> -> memref<100000x128xf32, #tpu.memory_space<hbm>>
    tpu.wait_indirect_dma semaphore(%arg29 : memref<!tpu.dma_semaphore, #tpu.memory_space<semaphore_mem>>) src(%dma_wait3A_598 : memref<100000x128xf32, #tpu.memory_space<hbm>>) dst(%arg27 : memref<128x128xf32, #tpu.memory_space<vmem>>)
    %add3A_599 = arith.constant 128 : i32
    %add3A_600 = arith.addi %mul3A_2, %add3A_599 : i32
    "tpu.region"() ({
      %run_scoped3A = tpu.sem_alloc : memref<!tpu.dma_semaphore, #tpu.memory_space<semaphore_mem>>
      %dma_start3A_673 = arith.constant 0 : i32
      %dma_start3A_674 = tpu.memref_slice %arg23[%add3A_600, %dma_start3A_673] : memref<16384x128xf32, #tpu.memory_space<hbm>> -> memref<128x128xf32, #tpu.memory_space<hbm>>
      %dma_start3A_675 = arith.constant 0 : i32
      %dma_start3A_676 = tpu.memref_slice %arg23[%add3A_600, %dma_start3A_675] : memref<16384x128xf32, #tpu.memory_space<hbm>> -> memref<128x128xf32, #tpu.memory_space<hbm>>
      tpu.enqueue_dma source(%arg27 : memref<128x128xf32, #tpu.memory_space<vmem>>) target(%dma_start3A_676 : memref<128x128xf32, #tpu.memory_space<hbm>>) target_semaphore(%run_scoped3A : memref<!tpu.dma_semaphore, #tpu.memory_space<semaphore_mem>>)
      %dma_wait3A_677 = arith.constant 0 : i32
      %dma_wait3A_678 = tpu.memref_slice %arg23[%add3A_600, %dma_wait3A_677] : memref<16384x128xf32, #tpu.memory_space<hbm>> -> memref<128x128xf32, #tpu.memory_space<hbm>>
      %dma_wait3A_679 = arith.constant 0 : i32
      %dma_wait3A_680 = tpu.memref_slice %arg23[%add3A_600, %dma_wait3A_679] : memref<16384x128xf32, #tpu.memory_space<hbm>> -> memref<128x128xf32, #tpu.memory_space<hbm>>
      tpu.wait_dma2 semaphore(%run_scoped3A : memref<!tpu.dma_semaphore, #tpu.memory_space<semaphore_mem>>) src(%arg27 : memref<128x128xf32, #tpu.memory_space<vmem>>) dst(%dma_wait3A_680 : memref<128x128xf32, #tpu.memory_space<hbm>>)
      tpu.yield
    }) : () -> ()
    %dma_start3A_601 = arith.constant 256 : i32
    %dma_start3A_602 = tpu.memref_slice %arg26[%dma_start3A_601] : memref<512xi32, #tpu.memory_space<vmem>> -> memref<128xi32, #tpu.memory_space<vmem>>
    %dma_start3A_603 = arith.constant 0 : i32
    %dma_start3A_604 = arith.constant 0 : i32
    %dma_start3A_605 = tpu.memref_slice %arg9[%dma_start3A_603, %dma_start3A_604] : memref<100000x128xf32, #tpu.memory_space<hbm>> -> memref<100000x128xf32, #tpu.memory_space<hbm>>
    tpu.enqueue_indirect_dma source(%dma_start3A_605 : memref<100000x128xf32, #tpu.memory_space<hbm>>) target(%arg27 : memref<128x128xf32, #tpu.memory_space<vmem>>) offsets(%dma_start3A_602 : memref<128xi32, #tpu.memory_space<vmem>>) semaphore(%arg29 : memref<!tpu.dma_semaphore, #tpu.memory_space<semaphore_mem>>)
    %dma_wait3A_606 = arith.constant 256 : i32
    %dma_wait3A_607 = tpu.memref_slice %arg26[%dma_wait3A_606] : memref<512xi32, #tpu.memory_space<vmem>> -> memref<128xi32, #tpu.memory_space<vmem>>
    %dma_wait3A_608 = arith.constant 0 : i32
    %dma_wait3A_609 = arith.constant 0 : i32
    %dma_wait3A_610 = tpu.memref_slice %arg9[%dma_wait3A_608, %dma_wait3A_609] : memref<100000x128xf32, #tpu.memory_space<hbm>> -> memref<100000x128xf32, #tpu.memory_space<hbm>>
    tpu.wait_indirect_dma semaphore(%arg29 : memref<!tpu.dma_semaphore, #tpu.memory_space<semaphore_mem>>) src(%dma_wait3A_610 : memref<100000x128xf32, #tpu.memory_space<hbm>>) dst(%arg27 : memref<128x128xf32, #tpu.memory_space<vmem>>)
    %add3A_611 = arith.constant 256 : i32
    %add3A_612 = arith.addi %mul3A_2, %add3A_611 : i32
    "tpu.region"() ({
      %run_scoped3A = tpu.sem_alloc : memref<!tpu.dma_semaphore, #tpu.memory_space<semaphore_mem>>
      %dma_start3A_673 = arith.constant 0 : i32
      %dma_start3A_674 = tpu.memref_slice %arg23[%add3A_612, %dma_start3A_673] : memref<16384x128xf32, #tpu.memory_space<hbm>> -> memref<128x128xf32, #tpu.memory_space<hbm>>
      %dma_start3A_675 = arith.constant 0 : i32
      %dma_start3A_676 = tpu.memref_slice %arg23[%add3A_612, %dma_start3A_675] : memref<16384x128xf32, #tpu.memory_space<hbm>> -> memref<128x128xf32, #tpu.memory_space<hbm>>
      tpu.enqueue_dma source(%arg27 : memref<128x128xf32, #tpu.memory_space<vmem>>) target(%dma_start3A_676 : memref<128x128xf32, #tpu.memory_space<hbm>>) target_semaphore(%run_scoped3A : memref<!tpu.dma_semaphore, #tpu.memory_space<semaphore_mem>>)
      %dma_wait3A_677 = arith.constant 0 : i32
      %dma_wait3A_678 = tpu.memref_slice %arg23[%add3A_612, %dma_wait3A_677] : memref<16384x128xf32, #tpu.memory_space<hbm>> -> memref<128x128xf32, #tpu.memory_space<hbm>>
      %dma_wait3A_679 = arith.constant 0 : i32
      %dma_wait3A_680 = tpu.memref_slice %arg23[%add3A_612, %dma_wait3A_679] : memref<16384x128xf32, #tpu.memory_space<hbm>> -> memref<128x128xf32, #tpu.memory_space<hbm>>
      tpu.wait_dma2 semaphore(%run_scoped3A : memref<!tpu.dma_semaphore, #tpu.memory_space<semaphore_mem>>) src(%arg27 : memref<128x128xf32, #tpu.memory_space<vmem>>) dst(%dma_wait3A_680 : memref<128x128xf32, #tpu.memory_space<hbm>>)
      tpu.yield
    }) : () -> ()
    %dma_start3A_613 = arith.constant 384 : i32
    %dma_start3A_614 = tpu.memref_slice %arg26[%dma_start3A_613] : memref<512xi32, #tpu.memory_space<vmem>> -> memref<128xi32, #tpu.memory_space<vmem>>
    %dma_start3A_615 = arith.constant 0 : i32
    %dma_start3A_616 = arith.constant 0 : i32
    %dma_start3A_617 = tpu.memref_slice %arg9[%dma_start3A_615, %dma_start3A_616] : memref<100000x128xf32, #tpu.memory_space<hbm>> -> memref<100000x128xf32, #tpu.memory_space<hbm>>
    tpu.enqueue_indirect_dma source(%dma_start3A_617 : memref<100000x128xf32, #tpu.memory_space<hbm>>) target(%arg27 : memref<128x128xf32, #tpu.memory_space<vmem>>) offsets(%dma_start3A_614 : memref<128xi32, #tpu.memory_space<vmem>>) semaphore(%arg29 : memref<!tpu.dma_semaphore, #tpu.memory_space<semaphore_mem>>)
    %dma_wait3A_618 = arith.constant 384 : i32
    %dma_wait3A_619 = tpu.memref_slice %arg26[%dma_wait3A_618] : memref<512xi32, #tpu.memory_space<vmem>> -> memref<128xi32, #tpu.memory_space<vmem>>
    %dma_wait3A_620 = arith.constant 0 : i32
    %dma_wait3A_621 = arith.constant 0 : i32
    %dma_wait3A_622 = tpu.memref_slice %arg9[%dma_wait3A_620, %dma_wait3A_621] : memref<100000x128xf32, #tpu.memory_space<hbm>> -> memref<100000x128xf32, #tpu.memory_space<hbm>>
    tpu.wait_indirect_dma semaphore(%arg29 : memref<!tpu.dma_semaphore, #tpu.memory_space<semaphore_mem>>) src(%dma_wait3A_622 : memref<100000x128xf32, #tpu.memory_space<hbm>>) dst(%arg27 : memref<128x128xf32, #tpu.memory_space<vmem>>)
    %add3A_623 = arith.constant 384 : i32
    %add3A_624 = arith.addi %mul3A_2, %add3A_623 : i32
    "tpu.region"() ({
      %run_scoped3A = tpu.sem_alloc : memref<!tpu.dma_semaphore, #tpu.memory_space<semaphore_mem>>
      %dma_start3A_673 = arith.constant 0 : i32
      %dma_start3A_674 = tpu.memref_slice %arg23[%add3A_624, %dma_start3A_673] : memref<16384x128xf32, #tpu.memory_space<hbm>> -> memref<128x128xf32, #tpu.memory_space<hbm>>
      %dma_start3A_675 = arith.constant 0 : i32
      %dma_start3A_676 = tpu.memref_slice %arg23[%add3A_624, %dma_start3A_675] : memref<16384x128xf32, #tpu.memory_space<hbm>> -> memref<128x128xf32, #tpu.memory_space<hbm>>
      tpu.enqueue_dma source(%arg27 : memref<128x128xf32, #tpu.memory_space<vmem>>) target(%dma_start3A_676 : memref<128x128xf32, #tpu.memory_space<hbm>>) target_semaphore(%run_scoped3A : memref<!tpu.dma_semaphore, #tpu.memory_space<semaphore_mem>>)
      %dma_wait3A_677 = arith.constant 0 : i32
      %dma_wait3A_678 = tpu.memref_slice %arg23[%add3A_624, %dma_wait3A_677] : memref<16384x128xf32, #tpu.memory_space<hbm>> -> memref<128x128xf32, #tpu.memory_space<hbm>>
      %dma_wait3A_679 = arith.constant 0 : i32
      %dma_wait3A_680 = tpu.memref_slice %arg23[%add3A_624, %dma_wait3A_679] : memref<16384x128xf32, #tpu.memory_space<hbm>> -> memref<128x128xf32, #tpu.memory_space<hbm>>
      tpu.wait_dma2 semaphore(%run_scoped3A : memref<!tpu.dma_semaphore, #tpu.memory_space<semaphore_mem>>) src(%arg27 : memref<128x128xf32, #tpu.memory_space<vmem>>) dst(%dma_wait3A_680 : memref<128x128xf32, #tpu.memory_space<hbm>>)
      tpu.yield
    }) : () -> ()
    %dma_start3A_625 = arith.constant 0 : i32
    %dma_start3A_626 = tpu.memref_slice %arg26[%dma_start3A_625] : memref<512xi32, #tpu.memory_space<vmem>> -> memref<128xi32, #tpu.memory_space<vmem>>
    %dma_start3A_627 = arith.constant 0 : i32
    %dma_start3A_628 = arith.constant 0 : i32
    %dma_start3A_629 = tpu.memref_slice %arg10[%dma_start3A_627, %dma_start3A_628] : memref<100000x64xf32, #tpu.memory_space<hbm>> -> memref<100000x64xf32, #tpu.memory_space<hbm>>
    tpu.enqueue_indirect_dma source(%dma_start3A_629 : memref<100000x64xf32, #tpu.memory_space<hbm>>) target(%arg28 : memref<128x64xf32, #tpu.memory_space<vmem>>) offsets(%dma_start3A_626 : memref<128xi32, #tpu.memory_space<vmem>>) semaphore(%arg29 : memref<!tpu.dma_semaphore, #tpu.memory_space<semaphore_mem>>)
    %dma_wait3A_630 = arith.constant 0 : i32
    %dma_wait3A_631 = tpu.memref_slice %arg26[%dma_wait3A_630] : memref<512xi32, #tpu.memory_space<vmem>> -> memref<128xi32, #tpu.memory_space<vmem>>
    %dma_wait3A_632 = arith.constant 0 : i32
    %dma_wait3A_633 = arith.constant 0 : i32
    %dma_wait3A_634 = tpu.memref_slice %arg10[%dma_wait3A_632, %dma_wait3A_633] : memref<100000x64xf32, #tpu.memory_space<hbm>> -> memref<100000x64xf32, #tpu.memory_space<hbm>>
    tpu.wait_indirect_dma semaphore(%arg29 : memref<!tpu.dma_semaphore, #tpu.memory_space<semaphore_mem>>) src(%dma_wait3A_634 : memref<100000x64xf32, #tpu.memory_space<hbm>>) dst(%arg28 : memref<128x64xf32, #tpu.memory_space<vmem>>)
    %add3A_635 = arith.constant 0 : i32
    %add3A_636 = arith.addi %mul3A_2, %add3A_635 : i32
    "tpu.region"() ({
      %run_scoped3A = tpu.sem_alloc : memref<!tpu.dma_semaphore, #tpu.memory_space<semaphore_mem>>
      %dma_start3A_673 = arith.constant 0 : i32
      %dma_start3A_674 = tpu.memref_slice %arg24[%add3A_636, %dma_start3A_673] : memref<16384x128xf32, #tpu.memory_space<hbm>> -> memref<128x64xf32, #tpu.memory_space<hbm>>
      %dma_start3A_675 = arith.constant 0 : i32
      %dma_start3A_676 = tpu.memref_slice %arg24[%add3A_636, %dma_start3A_675] : memref<16384x128xf32, #tpu.memory_space<hbm>> -> memref<128x64xf32, #tpu.memory_space<hbm>>
      tpu.enqueue_dma source(%arg28 : memref<128x64xf32, #tpu.memory_space<vmem>>) target(%dma_start3A_676 : memref<128x64xf32, #tpu.memory_space<hbm>>) target_semaphore(%run_scoped3A : memref<!tpu.dma_semaphore, #tpu.memory_space<semaphore_mem>>)
      %dma_wait3A_677 = arith.constant 0 : i32
      %dma_wait3A_678 = tpu.memref_slice %arg24[%add3A_636, %dma_wait3A_677] : memref<16384x128xf32, #tpu.memory_space<hbm>> -> memref<128x64xf32, #tpu.memory_space<hbm>>
      %dma_wait3A_679 = arith.constant 0 : i32
      %dma_wait3A_680 = tpu.memref_slice %arg24[%add3A_636, %dma_wait3A_679] : memref<16384x128xf32, #tpu.memory_space<hbm>> -> memref<128x64xf32, #tpu.memory_space<hbm>>
      tpu.wait_dma2 semaphore(%run_scoped3A : memref<!tpu.dma_semaphore, #tpu.memory_space<semaphore_mem>>) src(%arg28 : memref<128x64xf32, #tpu.memory_space<vmem>>) dst(%dma_wait3A_680 : memref<128x64xf32, #tpu.memory_space<hbm>>)
      tpu.yield
    }) : () -> ()
    %dma_start3A_637 = arith.constant 128 : i32
    %dma_start3A_638 = tpu.memref_slice %arg26[%dma_start3A_637] : memref<512xi32, #tpu.memory_space<vmem>> -> memref<128xi32, #tpu.memory_space<vmem>>
    %dma_start3A_639 = arith.constant 0 : i32
    %dma_start3A_640 = arith.constant 0 : i32
    %dma_start3A_641 = tpu.memref_slice %arg10[%dma_start3A_639, %dma_start3A_640] : memref<100000x64xf32, #tpu.memory_space<hbm>> -> memref<100000x64xf32, #tpu.memory_space<hbm>>
    tpu.enqueue_indirect_dma source(%dma_start3A_641 : memref<100000x64xf32, #tpu.memory_space<hbm>>) target(%arg28 : memref<128x64xf32, #tpu.memory_space<vmem>>) offsets(%dma_start3A_638 : memref<128xi32, #tpu.memory_space<vmem>>) semaphore(%arg29 : memref<!tpu.dma_semaphore, #tpu.memory_space<semaphore_mem>>)
    %dma_wait3A_642 = arith.constant 128 : i32
    %dma_wait3A_643 = tpu.memref_slice %arg26[%dma_wait3A_642] : memref<512xi32, #tpu.memory_space<vmem>> -> memref<128xi32, #tpu.memory_space<vmem>>
    %dma_wait3A_644 = arith.constant 0 : i32
    %dma_wait3A_645 = arith.constant 0 : i32
    %dma_wait3A_646 = tpu.memref_slice %arg10[%dma_wait3A_644, %dma_wait3A_645] : memref<100000x64xf32, #tpu.memory_space<hbm>> -> memref<100000x64xf32, #tpu.memory_space<hbm>>
    tpu.wait_indirect_dma semaphore(%arg29 : memref<!tpu.dma_semaphore, #tpu.memory_space<semaphore_mem>>) src(%dma_wait3A_646 : memref<100000x64xf32, #tpu.memory_space<hbm>>) dst(%arg28 : memref<128x64xf32, #tpu.memory_space<vmem>>)
    %add3A_647 = arith.constant 128 : i32
    %add3A_648 = arith.addi %mul3A_2, %add3A_647 : i32
    "tpu.region"() ({
      %run_scoped3A = tpu.sem_alloc : memref<!tpu.dma_semaphore, #tpu.memory_space<semaphore_mem>>
      %dma_start3A_673 = arith.constant 0 : i32
      %dma_start3A_674 = tpu.memref_slice %arg24[%add3A_648, %dma_start3A_673] : memref<16384x128xf32, #tpu.memory_space<hbm>> -> memref<128x64xf32, #tpu.memory_space<hbm>>
      %dma_start3A_675 = arith.constant 0 : i32
      %dma_start3A_676 = tpu.memref_slice %arg24[%add3A_648, %dma_start3A_675] : memref<16384x128xf32, #tpu.memory_space<hbm>> -> memref<128x64xf32, #tpu.memory_space<hbm>>
      tpu.enqueue_dma source(%arg28 : memref<128x64xf32, #tpu.memory_space<vmem>>) target(%dma_start3A_676 : memref<128x64xf32, #tpu.memory_space<hbm>>) target_semaphore(%run_scoped3A : memref<!tpu.dma_semaphore, #tpu.memory_space<semaphore_mem>>)
      %dma_wait3A_677 = arith.constant 0 : i32
      %dma_wait3A_678 = tpu.memref_slice %arg24[%add3A_648, %dma_wait3A_677] : memref<16384x128xf32, #tpu.memory_space<hbm>> -> memref<128x64xf32, #tpu.memory_space<hbm>>
      %dma_wait3A_679 = arith.constant 0 : i32
      %dma_wait3A_680 = tpu.memref_slice %arg24[%add3A_648, %dma_wait3A_679] : memref<16384x128xf32, #tpu.memory_space<hbm>> -> memref<128x64xf32, #tpu.memory_space<hbm>>
      tpu.wait_dma2 semaphore(%run_scoped3A : memref<!tpu.dma_semaphore, #tpu.memory_space<semaphore_mem>>) src(%arg28 : memref<128x64xf32, #tpu.memory_space<vmem>>) dst(%dma_wait3A_680 : memref<128x64xf32, #tpu.memory_space<hbm>>)
      tpu.yield
    }) : () -> ()
    %dma_start3A_649 = arith.constant 256 : i32
    %dma_start3A_650 = tpu.memref_slice %arg26[%dma_start3A_649] : memref<512xi32, #tpu.memory_space<vmem>> -> memref<128xi32, #tpu.memory_space<vmem>>
    %dma_start3A_651 = arith.constant 0 : i32
    %dma_start3A_652 = arith.constant 0 : i32
    %dma_start3A_653 = tpu.memref_slice %arg10[%dma_start3A_651, %dma_start3A_652] : memref<100000x64xf32, #tpu.memory_space<hbm>> -> memref<100000x64xf32, #tpu.memory_space<hbm>>
    tpu.enqueue_indirect_dma source(%dma_start3A_653 : memref<100000x64xf32, #tpu.memory_space<hbm>>) target(%arg28 : memref<128x64xf32, #tpu.memory_space<vmem>>) offsets(%dma_start3A_650 : memref<128xi32, #tpu.memory_space<vmem>>) semaphore(%arg29 : memref<!tpu.dma_semaphore, #tpu.memory_space<semaphore_mem>>)
    %dma_wait3A_654 = arith.constant 256 : i32
    %dma_wait3A_655 = tpu.memref_slice %arg26[%dma_wait3A_654] : memref<512xi32, #tpu.memory_space<vmem>> -> memref<128xi32, #tpu.memory_space<vmem>>
    %dma_wait3A_656 = arith.constant 0 : i32
    %dma_wait3A_657 = arith.constant 0 : i32
    %dma_wait3A_658 = tpu.memref_slice %arg10[%dma_wait3A_656, %dma_wait3A_657] : memref<100000x64xf32, #tpu.memory_space<hbm>> -> memref<100000x64xf32, #tpu.memory_space<hbm>>
    tpu.wait_indirect_dma semaphore(%arg29 : memref<!tpu.dma_semaphore, #tpu.memory_space<semaphore_mem>>) src(%dma_wait3A_658 : memref<100000x64xf32, #tpu.memory_space<hbm>>) dst(%arg28 : memref<128x64xf32, #tpu.memory_space<vmem>>)
    %add3A_659 = arith.constant 256 : i32
    %add3A_660 = arith.addi %mul3A_2, %add3A_659 : i32
    "tpu.region"() ({
      %run_scoped3A = tpu.sem_alloc : memref<!tpu.dma_semaphore, #tpu.memory_space<semaphore_mem>>
      %dma_start3A_673 = arith.constant 0 : i32
      %dma_start3A_674 = tpu.memref_slice %arg24[%add3A_660, %dma_start3A_673] : memref<16384x128xf32, #tpu.memory_space<hbm>> -> memref<128x64xf32, #tpu.memory_space<hbm>>
      %dma_start3A_675 = arith.constant 0 : i32
      %dma_start3A_676 = tpu.memref_slice %arg24[%add3A_660, %dma_start3A_675] : memref<16384x128xf32, #tpu.memory_space<hbm>> -> memref<128x64xf32, #tpu.memory_space<hbm>>
      tpu.enqueue_dma source(%arg28 : memref<128x64xf32, #tpu.memory_space<vmem>>) target(%dma_start3A_676 : memref<128x64xf32, #tpu.memory_space<hbm>>) target_semaphore(%run_scoped3A : memref<!tpu.dma_semaphore, #tpu.memory_space<semaphore_mem>>)
      %dma_wait3A_677 = arith.constant 0 : i32
      %dma_wait3A_678 = tpu.memref_slice %arg24[%add3A_660, %dma_wait3A_677] : memref<16384x128xf32, #tpu.memory_space<hbm>> -> memref<128x64xf32, #tpu.memory_space<hbm>>
      %dma_wait3A_679 = arith.constant 0 : i32
      %dma_wait3A_680 = tpu.memref_slice %arg24[%add3A_660, %dma_wait3A_679] : memref<16384x128xf32, #tpu.memory_space<hbm>> -> memref<128x64xf32, #tpu.memory_space<hbm>>
      tpu.wait_dma2 semaphore(%run_scoped3A : memref<!tpu.dma_semaphore, #tpu.memory_space<semaphore_mem>>) src(%arg28 : memref<128x64xf32, #tpu.memory_space<vmem>>) dst(%dma_wait3A_680 : memref<128x64xf32, #tpu.memory_space<hbm>>)
      tpu.yield
    }) : () -> ()
    %dma_start3A_661 = arith.constant 384 : i32
    %dma_start3A_662 = tpu.memref_slice %arg26[%dma_start3A_661] : memref<512xi32, #tpu.memory_space<vmem>> -> memref<128xi32, #tpu.memory_space<vmem>>
    %dma_start3A_663 = arith.constant 0 : i32
    %dma_start3A_664 = arith.constant 0 : i32
    %dma_start3A_665 = tpu.memref_slice %arg10[%dma_start3A_663, %dma_start3A_664] : memref<100000x64xf32, #tpu.memory_space<hbm>> -> memref<100000x64xf32, #tpu.memory_space<hbm>>
    tpu.enqueue_indirect_dma source(%dma_start3A_665 : memref<100000x64xf32, #tpu.memory_space<hbm>>) target(%arg28 : memref<128x64xf32, #tpu.memory_space<vmem>>) offsets(%dma_start3A_662 : memref<128xi32, #tpu.memory_space<vmem>>) semaphore(%arg29 : memref<!tpu.dma_semaphore, #tpu.memory_space<semaphore_mem>>)
    %dma_wait3A_666 = arith.constant 384 : i32
    %dma_wait3A_667 = tpu.memref_slice %arg26[%dma_wait3A_666] : memref<512xi32, #tpu.memory_space<vmem>> -> memref<128xi32, #tpu.memory_space<vmem>>
    %dma_wait3A_668 = arith.constant 0 : i32
    %dma_wait3A_669 = arith.constant 0 : i32
    %dma_wait3A_670 = tpu.memref_slice %arg10[%dma_wait3A_668, %dma_wait3A_669] : memref<100000x64xf32, #tpu.memory_space<hbm>> -> memref<100000x64xf32, #tpu.memory_space<hbm>>
    tpu.wait_indirect_dma semaphore(%arg29 : memref<!tpu.dma_semaphore, #tpu.memory_space<semaphore_mem>>) src(%dma_wait3A_670 : memref<100000x64xf32, #tpu.memory_space<hbm>>) dst(%arg28 : memref<128x64xf32, #tpu.memory_space<vmem>>)
    %add3A_671 = arith.constant 384 : i32
    %add3A_672 = arith.addi %mul3A_2, %add3A_671 : i32
    "tpu.region"() ({
      %run_scoped3A = tpu.sem_alloc : memref<!tpu.dma_semaphore, #tpu.memory_space<semaphore_mem>>
      %dma_start3A_673 = arith.constant 0 : i32
      %dma_start3A_674 = tpu.memref_slice %arg24[%add3A_672, %dma_start3A_673] : memref<16384x128xf32, #tpu.memory_space<hbm>> -> memref<128x64xf32, #tpu.memory_space<hbm>>
      %dma_start3A_675 = arith.constant 0 : i32
      %dma_start3A_676 = tpu.memref_slice %arg24[%add3A_672, %dma_start3A_675] : memref<16384x128xf32, #tpu.memory_space<hbm>> -> memref<128x64xf32, #tpu.memory_space<hbm>>
      tpu.enqueue_dma source(%arg28 : memref<128x64xf32, #tpu.memory_space<vmem>>) target(%dma_start3A_676 : memref<128x64xf32, #tpu.memory_space<hbm>>) target_semaphore(%run_scoped3A : memref<!tpu.dma_semaphore, #tpu.memory_space<semaphore_mem>>)
      %dma_wait3A_677 = arith.constant 0 : i32
      %dma_wait3A_678 = tpu.memref_slice %arg24[%add3A_672, %dma_wait3A_677] : memref<16384x128xf32, #tpu.memory_space<hbm>> -> memref<128x64xf32, #tpu.memory_space<hbm>>
      %dma_wait3A_679 = arith.constant 0 : i32
      %dma_wait3A_680 = tpu.memref_slice %arg24[%add3A_672, %dma_wait3A_679] : memref<16384x128xf32, #tpu.memory_space<hbm>> -> memref<128x64xf32, #tpu.memory_space<hbm>>
      tpu.wait_dma2 semaphore(%run_scoped3A : memref<!tpu.dma_semaphore, #tpu.memory_space<semaphore_mem>>) src(%arg28 : memref<128x64xf32, #tpu.memory_space<vmem>>) dst(%dma_wait3A_680 : memref<128x64xf32, #tpu.memory_space<hbm>>)
      tpu.yield
    }) : () -> ()
    return
  }
}

module attributes {stable_mosaic.version = 14 : i64} {
  func.func @_tp_body(%arg0: i32, %arg1: memref<512x58xi32, #tpu.memory_space<vmem>>, %arg2: memref<128x64xf32, #tpu.memory_space<vmem>>, %arg3: memref<512x128xf32, #tpu.memory_space<vmem>>, %arg4: memref<512x128xf32, #tpu.memory_space<vmem>>, %arg5: memref<512x128xf32, #tpu.memory_space<vmem>>, %arg6: memref<512x128xf32, #tpu.memory_space<vmem>>, %arg7: memref<512x128xf32, #tpu.memory_space<vmem>>, %arg8: memref<512x128xf32, #tpu.memory_space<vmem>>, %arg9: memref<512x128xf32, #tpu.memory_space<vmem>>, %arg10: memref<512x128xf32, #tpu.memory_space<vmem>>, %arg11: memref<512x128xf32, #tpu.memory_space<vmem>>, %arg12: memref<512x128xf32, #tpu.memory_space<vmem>>, %arg13: memref<512x128xf32, #tpu.memory_space<vmem>>, %arg14: memref<512x128xf32, #tpu.memory_space<vmem>>, %arg15: memref<512x128xf32, #tpu.memory_space<vmem>>, %arg16: memref<512x128xf32, #tpu.memory_space<vmem>>, %arg17: memref<512x128xf32, #tpu.memory_space<vmem>>, %arg18: memref<512x128xf32, #tpu.memory_space<vmem>>, %arg19: memref<512x128xf32, #tpu.memory_space<vmem>>, %arg20: memref<512x128xf32, #tpu.memory_space<vmem>>) attributes {dimension_semantics = [#tpu.dimension_semantics<arbitrary>], iteration_bounds = array<i64: 32>, scalar_prefetch = 0 : i64, scratch_operands = 0 : i64, tpu.core_type = #tpu.core_type<tc>, window_params = [{transform_indices = @transform_0, window_bounds = array<i64: 512, 58>}, {pipeline_mode = #tpu.pipeline_mode<synchronous>, transform_indices = @transform_1, window_bounds = array<i64: 128, 64>}, {transform_indices = @transform_2, window_bounds = array<i64: 512, 128>}, {transform_indices = @transform_3, window_bounds = array<i64: 512, 128>}, {transform_indices = @transform_4, window_bounds = array<i64: 512, 128>}, {transform_indices = @transform_5, window_bounds = array<i64: 512, 128>}, {transform_indices = @transform_6, window_bounds = array<i64: 512, 128>}, {transform_indices = @transform_7, window_bounds = array<i64: 512, 128>}, {transform_indices = @transform_8, window_bounds = array<i64: 512, 128>}, {transform_indices = @transform_9, window_bounds = array<i64: 512, 128>}, {transform_indices = @transform_10, window_bounds = array<i64: 512, 128>}, {transform_indices = @transform_11, window_bounds = array<i64: 512, 128>}, {transform_indices = @transform_12, window_bounds = array<i64: 512, 128>}, {transform_indices = @transform_13, window_bounds = array<i64: 512, 128>}, {transform_indices = @transform_14, window_bounds = array<i64: 512, 128>}, {transform_indices = @transform_15, window_bounds = array<i64: 512, 128>}, {transform_indices = @transform_16, window_bounds = array<i64: 512, 128>}, {transform_indices = @transform_17, window_bounds = array<i64: 512, 128>}, {transform_indices = @transform_18, window_bounds = array<i64: 512, 128>}, {transform_indices = @transform_19, window_bounds = array<i64: 512, 128>}]} {
    %get3A = arith.constant 0 : index
    %get3A_0 = arith.constant 0 : index
    %get3A_1 = vector.load %arg1[%get3A, %get3A_0] : memref<512x58xi32, #tpu.memory_space<vmem>>, vector<512x58xi32>
    %slice3A = vector.extract_strided_slice %get3A_1 {offsets = [0, 3], sizes = [512, 1], strides = [1, 1]} : vector<512x58xi32> to vector<512x1xi32>
    %convert_element_type3A = arith.sitofp %slice3A : vector<512x1xi32> to vector<512x1xf32>
    %slice3A_2 = vector.extract_strided_slice %get3A_1 {offsets = [0, 4], sizes = [512, 1], strides = [1, 1]} : vector<512x58xi32> to vector<512x1xi32>
    %convert_element_type3A_3 = arith.sitofp %slice3A_2 : vector<512x1xi32> to vector<512x1xf32>
    %get3A_4 = arith.constant 0 : index
    %get3A_5 = arith.constant 0 : index
    %get3A_6 = vector.load %arg2[%get3A_4, %get3A_5] : memref<128x64xf32, #tpu.memory_space<vmem>>, vector<128x64xf32>
    %slice3A_7 = vector.extract_strided_slice %get3A_6 {offsets = [0, 0], sizes = [64, 64], strides = [1, 1]} : vector<128x64xf32> to vector<64x64xf32>
    %slice3A_8 = vector.extract_strided_slice %get3A_6 {offsets = [64, 0], sizes = [64, 64], strides = [1, 1]} : vector<128x64xf32> to vector<64x64xf32>
    %neg3A = arith.constant 0.000000e+00 : f32
    %neg3A_9 = vector.broadcast %neg3A : f32 to vector<64x64xf32>
    %neg3A_10 = arith.subf %neg3A_9, %slice3A_8 : vector<64x64xf32>
    %concatenate3A = tpu.concatenate %slice3A_7, %neg3A_10 in 1 : vector<64x64xf32>, vector<64x64xf32> -> vector<64x128xf32>
    %neg3A_11 = arith.constant 0.000000e+00 : f32
    %neg3A_12 = vector.broadcast %neg3A_11 : f32 to vector<64x64xf32>
    %neg3A_13 = arith.subf %neg3A_12, %slice3A_8 : vector<64x64xf32>
    %concatenate3A_14 = tpu.concatenate %neg3A_13, %slice3A_7 in 1 : vector<64x64xf32>, vector<64x64xf32> -> vector<64x128xf32>
    %concatenate3A_15 = tpu.concatenate %concatenate3A, %concatenate3A_14 in 0 : vector<64x128xf32>, vector<64x128xf32> -> vector<128x128xf32>
    %iota3A = tpu.iota {dimensions = array<i32: 1>} : vector<1x128xi32>
    %lt3A = arith.constant 64 : i32
    %lt3A_16 = vector.broadcast %lt3A : i32 to vector<1x128xi32>
    %lt3A_17 = arith.cmpi slt, %iota3A, %lt3A_16 : vector<1x128xi32>
    %jit3A = arith.constant 7.500000e-01 : f32
    %jit3A_18 = arith.constant 5.000000e-01 : f32
    %broadcast_in_dim3A = vector.broadcast %jit3A : f32 to vector<1x128xf32>
    %broadcast_in_dim3A_19 = vector.broadcast %jit3A_18 : f32 to vector<1x128xf32>
    %select_n3A = arith.select %lt3A_17, %broadcast_in_dim3A, %broadcast_in_dim3A_19 : vector<1x128xi1>, vector<1x128xf32>
    %get3A_20 = arith.constant 0 : index
    %get3A_21 = arith.constant 0 : index
    %get3A_22 = vector.load %arg4[%get3A_20, %get3A_21] : memref<512x128xf32, #tpu.memory_space<vmem>>, vector<512x128xf32>
    %mul3A = vector.broadcast %convert_element_type3A : vector<512x1xf32> to vector<512x128xf32>
    %mul3A_23 = arith.mulf %mul3A, %get3A_22 : vector<512x128xf32>
    %get3A_24 = arith.constant 0 : index
    %get3A_25 = arith.constant 0 : index
    %get3A_26 = vector.load %arg5[%get3A_24, %get3A_25] : memref<512x128xf32, #tpu.memory_space<vmem>>, vector<512x128xf32>
    %add3A = arith.addf %mul3A_23, %get3A_26 : vector<512x128xf32>
    %mul3A_27 = arith.constant 0.159154937 : f32
    %mul3A_28 = vector.broadcast %mul3A_27 : f32 to vector<512x128xf32>
    %mul3A_29 = arith.mulf %add3A, %mul3A_28 : vector<512x128xf32>
    %add3A_30 = vector.broadcast %select_n3A : vector<1x128xf32> to vector<512x128xf32>
    %add3A_31 = arith.addf %mul3A_29, %add3A_30 : vector<512x128xf32>
    %get3A_32 = arith.constant 0 : index
    %get3A_33 = arith.constant 0 : index
    %get3A_34 = vector.load %arg6[%get3A_32, %get3A_33] : memref<512x128xf32, #tpu.memory_space<vmem>>, vector<512x64xf32>
    %concatenate3A_35 = tpu.concatenate %get3A_34, %get3A_34 in 1 : vector<512x64xf32>, vector<512x64xf32> -> vector<512x128xf32>
    %floor3A = math.floor %add3A_31 : vector<512x128xf32>
    %sub3A = arith.subf %add3A_31, %floor3A : vector<512x128xf32>
    %sub3A_36 = arith.constant 5.000000e-01 : f32
    %sub3A_37 = vector.broadcast %sub3A_36 : f32 to vector<512x128xf32>
    %sub3A_38 = arith.subf %sub3A, %sub3A_37 : vector<512x128xf32>
    %mul3A_39 = arith.mulf %sub3A_38, %sub3A_38 : vector<512x128xf32>
    %broadcast_in_dim3A_40 = arith.constant -57.115406 : f32
    %broadcast_in_dim3A_41 = vector.broadcast %broadcast_in_dim3A_40 : f32 to vector<512x128xf32>
    %mul3A_42 = arith.mulf %broadcast_in_dim3A_41, %mul3A_39 : vector<512x128xf32>
    %add3A_43 = arith.constant 78.3268509 : f32
    %add3A_44 = vector.broadcast %add3A_43 : f32 to vector<512x128xf32>
    %add3A_45 = arith.addf %mul3A_42, %add3A_44 : vector<512x128xf32>
    %mul3A_46 = arith.mulf %add3A_45, %mul3A_39 : vector<512x128xf32>
    %add3A_47 = arith.constant -41.1362343 : f32
    %add3A_48 = vector.broadcast %add3A_47 : f32 to vector<512x128xf32>
    %add3A_49 = arith.addf %mul3A_46, %add3A_48 : vector<512x128xf32>
    %mul3A_50 = arith.mulf %add3A_49, %mul3A_39 : vector<512x128xf32>
    %add3A_51 = arith.constant 6.27973032 : f32
    %add3A_52 = vector.broadcast %add3A_51 : f32 to vector<512x128xf32>
    %add3A_53 = arith.addf %mul3A_50, %add3A_52 : vector<512x128xf32>
    %mul3A_54 = arith.mulf %sub3A_38, %add3A_53 : vector<512x128xf32>
    %mul3A_55 = arith.mulf %concatenate3A_35, %mul3A_54 : vector<512x128xf32>
    %get3A_56 = arith.constant 0 : index
    %get3A_57 = arith.constant 0 : index
    %get3A_58 = vector.load %arg7[%get3A_56, %get3A_57] : memref<512x128xf32, #tpu.memory_space<vmem>>, vector<512x128xf32>
    %mul3A_59 = vector.broadcast %convert_element_type3A_3 : vector<512x1xf32> to vector<512x128xf32>
    %mul3A_60 = arith.mulf %mul3A_59, %get3A_58 : vector<512x128xf32>
    %get3A_61 = arith.constant 0 : index
    %get3A_62 = arith.constant 0 : index
    %get3A_63 = vector.load %arg8[%get3A_61, %get3A_62] : memref<512x128xf32, #tpu.memory_space<vmem>>, vector<512x128xf32>
    %add3A_64 = arith.addf %mul3A_60, %get3A_63 : vector<512x128xf32>
    %mul3A_65 = arith.constant 0.159154937 : f32
    %mul3A_66 = vector.broadcast %mul3A_65 : f32 to vector<512x128xf32>
    %mul3A_67 = arith.mulf %add3A_64, %mul3A_66 : vector<512x128xf32>
    %add3A_68 = vector.broadcast %select_n3A : vector<1x128xf32> to vector<512x128xf32>
    %add3A_69 = arith.addf %mul3A_67, %add3A_68 : vector<512x128xf32>
    %get3A_70 = arith.constant 0 : index
    %get3A_71 = arith.constant 0 : index
    %get3A_72 = vector.load %arg9[%get3A_70, %get3A_71] : memref<512x128xf32, #tpu.memory_space<vmem>>, vector<512x64xf32>
    %concatenate3A_73 = tpu.concatenate %get3A_72, %get3A_72 in 1 : vector<512x64xf32>, vector<512x64xf32> -> vector<512x128xf32>
    %floor3A_74 = math.floor %add3A_69 : vector<512x128xf32>
    %sub3A_75 = arith.subf %add3A_69, %floor3A_74 : vector<512x128xf32>
    %sub3A_76 = arith.constant 5.000000e-01 : f32
    %sub3A_77 = vector.broadcast %sub3A_76 : f32 to vector<512x128xf32>
    %sub3A_78 = arith.subf %sub3A_75, %sub3A_77 : vector<512x128xf32>
    %mul3A_79 = arith.mulf %sub3A_78, %sub3A_78 : vector<512x128xf32>
    %broadcast_in_dim3A_80 = arith.constant -57.115406 : f32
    %broadcast_in_dim3A_81 = vector.broadcast %broadcast_in_dim3A_80 : f32 to vector<512x128xf32>
    %mul3A_82 = arith.mulf %broadcast_in_dim3A_81, %mul3A_79 : vector<512x128xf32>
    %add3A_83 = arith.constant 78.3268509 : f32
    %add3A_84 = vector.broadcast %add3A_83 : f32 to vector<512x128xf32>
    %add3A_85 = arith.addf %mul3A_82, %add3A_84 : vector<512x128xf32>
    %mul3A_86 = arith.mulf %add3A_85, %mul3A_79 : vector<512x128xf32>
    %add3A_87 = arith.constant -41.1362343 : f32
    %add3A_88 = vector.broadcast %add3A_87 : f32 to vector<512x128xf32>
    %add3A_89 = arith.addf %mul3A_86, %add3A_88 : vector<512x128xf32>
    %mul3A_90 = arith.mulf %add3A_89, %mul3A_79 : vector<512x128xf32>
    %add3A_91 = arith.constant 6.27973032 : f32
    %add3A_92 = vector.broadcast %add3A_91 : f32 to vector<512x128xf32>
    %add3A_93 = arith.addf %mul3A_90, %add3A_92 : vector<512x128xf32>
    %mul3A_94 = arith.mulf %sub3A_78, %add3A_93 : vector<512x128xf32>
    %mul3A_95 = arith.mulf %concatenate3A_73, %mul3A_94 : vector<512x128xf32>
    %add3A_96 = arith.addf %mul3A_55, %mul3A_95 : vector<512x128xf32>
    %swap3A = arith.constant 0 : index
    %swap3A_97 = arith.constant 0 : index
    %swap3A_98 = vector.load %arg17[%swap3A, %swap3A_97] : memref<512x128xf32, #tpu.memory_space<vmem>>, vector<512x128xf32>
    tpu.vector_store %arg17[%swap3A, %swap3A_97], %add3A_96 {strides = array<i32>} : memref<512x128xf32, #tpu.memory_space<vmem>>, vector<512x128xf32>,
    %get3A_99 = arith.constant 0 : index
    %get3A_100 = arith.constant 0 : index
    %get3A_101 = vector.load %arg11[%get3A_99, %get3A_100] : memref<512x128xf32, #tpu.memory_space<vmem>>, vector<512x128xf32>
    %mul3A_102 = vector.broadcast %convert_element_type3A : vector<512x1xf32> to vector<512x128xf32>
    %mul3A_103 = arith.mulf %mul3A_102, %get3A_101 : vector<512x128xf32>
    %get3A_104 = arith.constant 0 : index
    %get3A_105 = arith.constant 0 : index
    %get3A_106 = vector.load %arg12[%get3A_104, %get3A_105] : memref<512x128xf32, #tpu.memory_space<vmem>>, vector<512x128xf32>
    %add3A_107 = arith.addf %mul3A_103, %get3A_106 : vector<512x128xf32>
    %mul3A_108 = arith.constant 0.159154937 : f32
    %mul3A_109 = vector.broadcast %mul3A_108 : f32 to vector<512x128xf32>
    %mul3A_110 = arith.mulf %add3A_107, %mul3A_109 : vector<512x128xf32>
    %add3A_111 = vector.broadcast %select_n3A : vector<1x128xf32> to vector<512x128xf32>
    %add3A_112 = arith.addf %mul3A_110, %add3A_111 : vector<512x128xf32>
    %get3A_113 = arith.constant 0 : index
    %get3A_114 = arith.constant 0 : index
    %get3A_115 = vector.load %arg13[%get3A_113, %get3A_114] : memref<512x128xf32, #tpu.memory_space<vmem>>, vector<512x64xf32>
    %concatenate3A_116 = tpu.concatenate %get3A_115, %get3A_115 in 1 : vector<512x64xf32>, vector<512x64xf32> -> vector<512x128xf32>
    %floor3A_117 = math.floor %add3A_112 : vector<512x128xf32>
    %sub3A_118 = arith.subf %add3A_112, %floor3A_117 : vector<512x128xf32>
    %sub3A_119 = arith.constant 5.000000e-01 : f32
    %sub3A_120 = vector.broadcast %sub3A_119 : f32 to vector<512x128xf32>
    %sub3A_121 = arith.subf %sub3A_118, %sub3A_120 : vector<512x128xf32>
    %mul3A_122 = arith.mulf %sub3A_121, %sub3A_121 : vector<512x128xf32>
    %broadcast_in_dim3A_123 = arith.constant -57.115406 : f32
    %broadcast_in_dim3A_124 = vector.broadcast %broadcast_in_dim3A_123 : f32 to vector<512x128xf32>
    %mul3A_125 = arith.mulf %broadcast_in_dim3A_124, %mul3A_122 : vector<512x128xf32>
    %add3A_126 = arith.constant 78.3268509 : f32
    %add3A_127 = vector.broadcast %add3A_126 : f32 to vector<512x128xf32>
    %add3A_128 = arith.addf %mul3A_125, %add3A_127 : vector<512x128xf32>
    %mul3A_129 = arith.mulf %add3A_128, %mul3A_122 : vector<512x128xf32>
    %add3A_130 = arith.constant -41.1362343 : f32
    %add3A_131 = vector.broadcast %add3A_130 : f32 to vector<512x128xf32>
    %add3A_132 = arith.addf %mul3A_129, %add3A_131 : vector<512x128xf32>
    %mul3A_133 = arith.mulf %add3A_132, %mul3A_122 : vector<512x128xf32>
    %add3A_134 = arith.constant 6.27973032 : f32
    %add3A_135 = vector.broadcast %add3A_134 : f32 to vector<512x128xf32>
    %add3A_136 = arith.addf %mul3A_133, %add3A_135 : vector<512x128xf32>
    %mul3A_137 = arith.mulf %sub3A_121, %add3A_136 : vector<512x128xf32>
    %mul3A_138 = arith.mulf %concatenate3A_116, %mul3A_137 : vector<512x128xf32>
    %get3A_139 = arith.constant 0 : index
    %get3A_140 = arith.constant 0 : index
    %get3A_141 = vector.load %arg14[%get3A_139, %get3A_140] : memref<512x128xf32, #tpu.memory_space<vmem>>, vector<512x128xf32>
    %mul3A_142 = vector.broadcast %convert_element_type3A_3 : vector<512x1xf32> to vector<512x128xf32>
    %mul3A_143 = arith.mulf %mul3A_142, %get3A_141 : vector<512x128xf32>
    %get3A_144 = arith.constant 0 : index
    %get3A_145 = arith.constant 0 : index
    %get3A_146 = vector.load %arg15[%get3A_144, %get3A_145] : memref<512x128xf32, #tpu.memory_space<vmem>>, vector<512x128xf32>
    %add3A_147 = arith.addf %mul3A_143, %get3A_146 : vector<512x128xf32>
    %mul3A_148 = arith.constant 0.159154937 : f32
    %mul3A_149 = vector.broadcast %mul3A_148 : f32 to vector<512x128xf32>
    %mul3A_150 = arith.mulf %add3A_147, %mul3A_149 : vector<512x128xf32>
    %add3A_151 = vector.broadcast %select_n3A : vector<1x128xf32> to vector<512x128xf32>
    %add3A_152 = arith.addf %mul3A_150, %add3A_151 : vector<512x128xf32>
    %get3A_153 = arith.constant 0 : index
    %get3A_154 = arith.constant 0 : index
    %get3A_155 = vector.load %arg16[%get3A_153, %get3A_154] : memref<512x128xf32, #tpu.memory_space<vmem>>, vector<512x64xf32>
    %concatenate3A_156 = tpu.concatenate %get3A_155, %get3A_155 in 1 : vector<512x64xf32>, vector<512x64xf32> -> vector<512x128xf32>
    %floor3A_157 = math.floor %add3A_152 : vector<512x128xf32>
    %sub3A_158 = arith.subf %add3A_152, %floor3A_157 : vector<512x128xf32>
    %sub3A_159 = arith.constant 5.000000e-01 : f32
    %sub3A_160 = vector.broadcast %sub3A_159 : f32 to vector<512x128xf32>
    %sub3A_161 = arith.subf %sub3A_158, %sub3A_160 : vector<512x128xf32>
    %mul3A_162 = arith.mulf %sub3A_161, %sub3A_161 : vector<512x128xf32>
    %broadcast_in_dim3A_163 = arith.constant -57.115406 : f32
    %broadcast_in_dim3A_164 = vector.broadcast %broadcast_in_dim3A_163 : f32 to vector<512x128xf32>
    %mul3A_165 = arith.mulf %broadcast_in_dim3A_164, %mul3A_162 : vector<512x128xf32>
    %add3A_166 = arith.constant 78.3268509 : f32
    %add3A_167 = vector.broadcast %add3A_166 : f32 to vector<512x128xf32>
    %add3A_168 = arith.addf %mul3A_165, %add3A_167 : vector<512x128xf32>
    %mul3A_169 = arith.mulf %add3A_168, %mul3A_162 : vector<512x128xf32>
    %add3A_170 = arith.constant -41.1362343 : f32
    %add3A_171 = vector.broadcast %add3A_170 : f32 to vector<512x128xf32>
    %add3A_172 = arith.addf %mul3A_169, %add3A_171 : vector<512x128xf32>
    %mul3A_173 = arith.mulf %add3A_172, %mul3A_162 : vector<512x128xf32>
    %add3A_174 = arith.constant 6.27973032 : f32
    %add3A_175 = vector.broadcast %add3A_174 : f32 to vector<512x128xf32>
    %add3A_176 = arith.addf %mul3A_173, %add3A_175 : vector<512x128xf32>
    %mul3A_177 = arith.mulf %sub3A_161, %add3A_176 : vector<512x128xf32>
    %mul3A_178 = arith.mulf %concatenate3A_156, %mul3A_177 : vector<512x128xf32>
    %add3A_179 = arith.addf %mul3A_138, %mul3A_178 : vector<512x128xf32>
    %swap3A_180 = arith.constant 0 : index
    %swap3A_181 = arith.constant 0 : index
    %swap3A_182 = vector.load %arg19[%swap3A_180, %swap3A_181] : memref<512x128xf32, #tpu.memory_space<vmem>>, vector<512x128xf32>
    tpu.vector_store %arg19[%swap3A_180, %swap3A_181], %add3A_179 {strides = array<i32>} : memref<512x128xf32, #tpu.memory_space<vmem>>, vector<512x128xf32>,
    %get3A_183 = arith.constant 0 : index
    %get3A_184 = arith.constant 0 : index
    %get3A_185 = vector.load %arg3[%get3A_183, %get3A_184] : memref<512x128xf32, #tpu.memory_space<vmem>>, vector<512x128xf32>
    %dot_general3A = arith.constant dense<0.000000e+00> : vector<512x128xf32>
    %dot_general3A_186 = tpu.matmul %get3A_185, %concatenate3A_15, %dot_general3A {dimension_numbers = #tpu.dot_dimension_numbers<[1], [0], [0], [1], [0, 0, 1, 1], [], []>, transpose_lhs_hint = false} : vector<512x128xf32>, vector<128x128xf32>, vector<512x128xf32> -> vector<512x128xf32>
    %swap3A_187 = arith.constant 0 : index
    %swap3A_188 = arith.constant 0 : index
    %swap3A_189 = vector.load %arg18[%swap3A_187, %swap3A_188] : memref<512x128xf32, #tpu.memory_space<vmem>>, vector<512x128xf32>
    tpu.vector_store %arg18[%swap3A_187, %swap3A_188], %dot_general3A_186 {strides = array<i32>} : memref<512x128xf32, #tpu.memory_space<vmem>>, vector<512x128xf32>,
    %get3A_190 = arith.constant 0 : index
    %get3A_191 = arith.constant 0 : index
    %get3A_192 = vector.load %arg10[%get3A_190, %get3A_191] : memref<512x128xf32, #tpu.memory_space<vmem>>, vector<512x128xf32>
    %dot_general3A_193 = arith.constant dense<0.000000e+00> : vector<512x128xf32>
    %dot_general3A_194 = tpu.matmul %get3A_192, %concatenate3A_15, %dot_general3A_193 {dimension_numbers = #tpu.dot_dimension_numbers<[1], [0], [0], [1], [0, 0, 1, 1], [], []>, transpose_lhs_hint = false} : vector<512x128xf32>, vector<128x128xf32>, vector<512x128xf32> -> vector<512x128xf32>
    %swap3A_195 = arith.constant 0 : index
    %swap3A_196 = arith.constant 0 : index
    %swap3A_197 = vector.load %arg20[%swap3A_195, %swap3A_196] : memref<512x128xf32, #tpu.memory_space<vmem>>, vector<512x128xf32>
    tpu.vector_store %arg20[%swap3A_195, %swap3A_196], %dot_general3A_194 {strides = array<i32>} : memref<512x128xf32, #tpu.memory_space<vmem>>, vector<512x128xf32>,
    return
  }
  func.func @transform_0(%arg0: i32) -> (i32, i32) {
    %c0_i32 = arith.constant 0 : i32
    %c0_i32_0 = arith.constant 0 : i32
    return %arg0, %c0_i32 : i32, i32
  }
  func.func @transform_1(%arg0: i32) -> (i32, i32) {
    %c0_i32 = arith.constant 0 : i32
    %c0_i32_0 = arith.constant 0 : i32
    %c0_i32_1 = arith.constant 0 : i32
    return %c0_i32, %c0_i32_0 : i32, i32
  }
  func.func @transform_2(%arg0: i32) -> (i32, i32) {
    %c0_i32 = arith.constant 0 : i32
    %c0_i32_0 = arith.constant 0 : i32
    return %arg0, %c0_i32 : i32, i32
  }
  func.func @transform_3(%arg0: i32) -> (i32, i32) {
    %c0_i32 = arith.constant 0 : i32
    %c0_i32_0 = arith.constant 0 : i32
    return %arg0, %c0_i32 : i32, i32
  }
  func.func @transform_4(%arg0: i32) -> (i32, i32) {
    %c0_i32 = arith.constant 0 : i32
    %c0_i32_0 = arith.constant 0 : i32
    return %arg0, %c0_i32 : i32, i32
  }
  func.func @transform_5(%arg0: i32) -> (i32, i32) {
    %c0_i32 = arith.constant 0 : i32
    %c0_i32_0 = arith.constant 0 : i32
    return %arg0, %c0_i32 : i32, i32
  }
  func.func @transform_6(%arg0: i32) -> (i32, i32) {
    %c0_i32 = arith.constant 0 : i32
    %c0_i32_0 = arith.constant 0 : i32
    return %arg0, %c0_i32 : i32, i32
  }
  func.func @transform_7(%arg0: i32) -> (i32, i32) {
    %c0_i32 = arith.constant 0 : i32
    %c0_i32_0 = arith.constant 0 : i32
    return %arg0, %c0_i32 : i32, i32
  }
  func.func @transform_8(%arg0: i32) -> (i32, i32) {
    %c0_i32 = arith.constant 0 : i32
    %c0_i32_0 = arith.constant 0 : i32
    return %arg0, %c0_i32 : i32, i32
  }
  func.func @transform_9(%arg0: i32) -> (i32, i32) {
    %c0_i32 = arith.constant 0 : i32
    %c0_i32_0 = arith.constant 0 : i32
    return %arg0, %c0_i32 : i32, i32
  }
  func.func @transform_10(%arg0: i32) -> (i32, i32) {
    %c0_i32 = arith.constant 0 : i32
    %c0_i32_0 = arith.constant 0 : i32
    return %arg0, %c0_i32 : i32, i32
  }
  func.func @transform_11(%arg0: i32) -> (i32, i32) {
    %c0_i32 = arith.constant 0 : i32
    %c0_i32_0 = arith.constant 0 : i32
    return %arg0, %c0_i32 : i32, i32
  }
  func.func @transform_12(%arg0: i32) -> (i32, i32) {
    %c0_i32 = arith.constant 0 : i32
    %c0_i32_0 = arith.constant 0 : i32
    return %arg0, %c0_i32 : i32, i32
  }
  func.func @transform_13(%arg0: i32) -> (i32, i32) {
    %c0_i32 = arith.constant 0 : i32
    %c0_i32_0 = arith.constant 0 : i32
    return %arg0, %c0_i32 : i32, i32
  }
  func.func @transform_14(%arg0: i32) -> (i32, i32) {
    %c0_i32 = arith.constant 0 : i32
    %c0_i32_0 = arith.constant 0 : i32
    return %arg0, %c0_i32 : i32, i32
  }
  func.func @transform_15(%arg0: i32) -> (i32, i32) {
    %c0_i32 = arith.constant 0 : i32
    %c0_i32_0 = arith.constant 0 : i32
    return %arg0, %c0_i32 : i32, i32
  }
  func.func @transform_16(%arg0: i32) -> (i32, i32) {
    %c0_i32 = arith.constant 0 : i32
    %c0_i32_0 = arith.constant 0 : i32
    return %arg0, %c0_i32 : i32, i32
  }
  func.func @transform_17(%arg0: i32) -> (i32, i32) {
    %c0_i32 = arith.constant 0 : i32
    %c0_i32_0 = arith.constant 0 : i32
    return %arg0, %c0_i32 : i32, i32
  }
  func.func @transform_18(%arg0: i32) -> (i32, i32) {
    %c0_i32 = arith.constant 0 : i32
    %c0_i32_0 = arith.constant 0 : i32
    return %arg0, %c0_i32 : i32, i32
  }
  func.func @transform_19(%arg0: i32) -> (i32, i32) {
    %c0_i32 = arith.constant 0 : i32
    %c0_i32_0 = arith.constant 0 : i32
    return %arg0, %c0_i32 : i32, i32
  }
}

module attributes {stable_mosaic.version = 14 : i64} {
  func.func @_rel_body(%arg0: i32, %arg1: memref<512x58xi32, #tpu.memory_space<vmem>>, %arg2: memref<26x128xf32, #tpu.memory_space<vmem>>, %arg3: memref<26x26xf32, #tpu.memory_space<vmem>>, %arg4: memref<512x128xf32, #tpu.memory_space<vmem>>, %arg5: memref<512x128xf32, #tpu.memory_space<vmem>>, %arg6: memref<512x128xf32, #tpu.memory_space<vmem>>) attributes {dimension_semantics = [#tpu.dimension_semantics<arbitrary>], iteration_bounds = array<i64: 32>, scalar_prefetch = 0 : i64, scratch_operands = 0 : i64, tpu.core_type = #tpu.core_type<tc>, window_params = [{transform_indices = @transform_0, window_bounds = array<i64: 512, 58>}, {pipeline_mode = #tpu.pipeline_mode<synchronous>, transform_indices = @transform_1, window_bounds = array<i64: 26, 128>}, {pipeline_mode = #tpu.pipeline_mode<synchronous>, transform_indices = @transform_2, window_bounds = array<i64: 26, 26>}, {transform_indices = @transform_3, window_bounds = array<i64: 512, 128>}, {transform_indices = @transform_4, window_bounds = array<i64: 512, 128>}, {transform_indices = @transform_5, window_bounds = array<i64: 512, 128>}]} {
    %iota3A = tpu.iota {dimensions = array<i32: 1>} : vector<1x64xi32>
    %convert_element_type3A = arith.sitofp %iota3A : vector<1x64xi32> to vector<1x64xf32>
    %mul3A = arith.constant 1.562500e-02 : f32
    %mul3A_0 = vector.broadcast %mul3A : f32 to vector<1x64xf32>
    %mul3A_1 = arith.mulf %convert_element_type3A, %mul3A_0 : vector<1x64xf32>
    %log3A = arith.constant 1.000000e+04 : f32
    %log3A_2 = math.log %log3A : f32
    %neg3A = arith.constant 0.000000e+00 : f32
    %neg3A_3 = arith.subf %neg3A, %log3A_2 : f32
    %mul3A_4 = vector.broadcast %neg3A_3 : f32 to vector<1x64xf32>
    %mul3A_5 = arith.mulf %mul3A_1, %mul3A_4 : vector<1x64xf32>
    %exp3A = math.exp %mul3A_5 : vector<1x64xf32>
    %concatenate3A = tpu.concatenate %exp3A, %exp3A in 1 : vector<1x64xf32>, vector<1x64xf32> -> vector<1x128xf32>
    %mul3A_6 = arith.constant 0.159154937 : f32
    %mul3A_7 = vector.broadcast %mul3A_6 : f32 to vector<1x128xf32>
    %mul3A_8 = arith.mulf %concatenate3A, %mul3A_7 : vector<1x128xf32>
    %iota3A_9 = tpu.iota {dimensions = array<i32: 1>} : vector<1x128xi32>
    %lt3A = arith.constant 64 : i32
    %lt3A_10 = vector.broadcast %lt3A : i32 to vector<1x128xi32>
    %lt3A_11 = arith.cmpi slt, %iota3A_9, %lt3A_10 : vector<1x128xi32>
    %jit3A = arith.constant 7.500000e-01 : f32
    %jit3A_12 = arith.constant 5.000000e-01 : f32
    %broadcast_in_dim3A = vector.broadcast %jit3A : f32 to vector<1x128xf32>
    %broadcast_in_dim3A_13 = vector.broadcast %jit3A_12 : f32 to vector<1x128xf32>
    %select_n3A = arith.select %lt3A_11, %broadcast_in_dim3A, %broadcast_in_dim3A_13 : vector<1x128xi1>, vector<1x128xf32>
    %get3A = arith.constant 0 : index
    %get3A_14 = arith.constant 0 : index
    %get3A_15 = vector.load %arg1[%get3A, %get3A_14] : memref<512x58xi32, #tpu.memory_space<vmem>>, vector<512x58xi32>
    %slice3A = vector.extract_strided_slice %get3A_15 {offsets = [0, 1], sizes = [512, 1], strides = [1, 1]} : vector<512x58xi32> to vector<512x1xi32>
    %iota3A_16 = tpu.iota {dimensions = array<i32: 1>} : vector<1x26xi32>
    %eq3A = vector.broadcast %slice3A : vector<512x1xi32> to vector<512x26xi32>
    %eq3A_17 = vector.broadcast %iota3A_16 : vector<1x26xi32> to vector<512x26xi32>
    %eq3A_18 = arith.cmpi eq, %eq3A, %eq3A_17 : vector<512x26xi32>
    %convert_element_type3A_19 = arith.extui %eq3A_18 : vector<512x26xi1> to vector<512x26xi32>
    %convert_element_type3A_20 = arith.sitofp %convert_element_type3A_19 : vector<512x26xi32> to vector<512x26xf32>
    %get3A_21 = arith.constant 0 : index
    %get3A_22 = arith.constant 0 : index
    %get3A_23 = vector.load %arg2[%get3A_21, %get3A_22] : memref<26x128xf32, #tpu.memory_space<vmem>>, vector<26x128xf32>
    %dot_general3A = arith.constant dense<0.000000e+00> : vector<512x128xf32>
    %dot_general3A_24 = tpu.matmul %convert_element_type3A_20, %get3A_23, %dot_general3A {dimension_numbers = #tpu.dot_dimension_numbers<[1], [0], [0], [1], [0, 0, 1, 1], [], []>, transpose_lhs_hint = false} : vector<512x26xf32>, vector<26x128xf32>, vector<512x128xf32> -> vector<512x128xf32>
    %swap3A = arith.constant 0 : index
    %swap3A_25 = arith.constant 0 : index
    %swap3A_26 = vector.load %arg4[%swap3A, %swap3A_25] : memref<512x128xf32, #tpu.memory_space<vmem>>, vector<512x128xf32>
    tpu.vector_store %arg4[%swap3A, %swap3A_25], %dot_general3A_24 {strides = array<i32>} : memref<512x128xf32, #tpu.memory_space<vmem>>, vector<512x128xf32>,
    %get3A_27 = arith.constant 0 : index
    %get3A_28 = arith.constant 0 : index
    %get3A_29 = vector.load %arg3[%get3A_27, %get3A_28] : memref<26x26xf32, #tpu.memory_space<vmem>>, vector<26x26xf32>
    %dot_general3A_30 = arith.constant dense<0.000000e+00> : vector<512x26xf32>
    %dot_general3A_31 = tpu.matmul %convert_element_type3A_20, %get3A_29, %dot_general3A_30 {dimension_numbers = #tpu.dot_dimension_numbers<[1], [0], [0], [1], [0, 0, 1, 1], [], []>, transpose_lhs_hint = false} : vector<512x26xf32>, vector<26x26xf32>, vector<512x26xf32> -> vector<512x26xf32>
    %slice3A_32 = vector.extract_strided_slice %get3A_15 {offsets = [0, 6], sizes = [512, 26], strides = [1, 1]} : vector<512x58xi32> to vector<512x26xi32>
    %convert_element_type3A_33 = arith.sitofp %slice3A_32 : vector<512x26xi32> to vector<512x26xf32>
    %broadcast_in_dim3A_34 = arith.constant 0.000000e+00 : f32
    %broadcast_in_dim3A_35 = vector.broadcast %broadcast_in_dim3A_34 : f32 to vector<512x128xf32>
    %slice3A_36 = vector.extract_strided_slice %convert_element_type3A_33 {offsets = [0, 0], sizes = [512, 1], strides = [1, 1]} : vector<512x26xf32> to vector<512x1xf32>
    %mul3A_37 = vector.broadcast %slice3A_36 : vector<512x1xf32> to vector<512x128xf32>
    %mul3A_38 = vector.broadcast %mul3A_8 : vector<1x128xf32> to vector<512x128xf32>
    %mul3A_39 = arith.mulf %mul3A_37, %mul3A_38 : vector<512x128xf32>
    %add3A = vector.broadcast %select_n3A : vector<1x128xf32> to vector<512x128xf32>
    %add3A_40 = arith.addf %mul3A_39, %add3A : vector<512x128xf32>
    %slice3A_41 = vector.extract_strided_slice %dot_general3A_31 {offsets = [0, 0], sizes = [512, 1], strides = [1, 1]} : vector<512x26xf32> to vector<512x1xf32>
    %floor3A = math.floor %add3A_40 : vector<512x128xf32>
    %sub3A = arith.subf %add3A_40, %floor3A : vector<512x128xf32>
    %sub3A_42 = arith.constant 5.000000e-01 : f32
    %sub3A_43 = vector.broadcast %sub3A_42 : f32 to vector<512x128xf32>
    %sub3A_44 = arith.subf %sub3A, %sub3A_43 : vector<512x128xf32>
    %mul3A_45 = arith.mulf %sub3A_44, %sub3A_44 : vector<512x128xf32>
    %broadcast_in_dim3A_46 = arith.constant -57.115406 : f32
    %broadcast_in_dim3A_47 = vector.broadcast %broadcast_in_dim3A_46 : f32 to vector<512x128xf32>
    %mul3A_48 = arith.mulf %broadcast_in_dim3A_47, %mul3A_45 : vector<512x128xf32>
    %add3A_49 = arith.constant 78.3268509 : f32
    %add3A_50 = vector.broadcast %add3A_49 : f32 to vector<512x128xf32>
    %add3A_51 = arith.addf %mul3A_48, %add3A_50 : vector<512x128xf32>
    %mul3A_52 = arith.mulf %add3A_51, %mul3A_45 : vector<512x128xf32>
    %add3A_53 = arith.constant -41.1362343 : f32
    %add3A_54 = vector.broadcast %add3A_53 : f32 to vector<512x128xf32>
    %add3A_55 = arith.addf %mul3A_52, %add3A_54 : vector<512x128xf32>
    %mul3A_56 = arith.mulf %add3A_55, %mul3A_45 : vector<512x128xf32>
    %add3A_57 = arith.constant 6.27973032 : f32
    %add3A_58 = vector.broadcast %add3A_57 : f32 to vector<512x128xf32>
    %add3A_59 = arith.addf %mul3A_56, %add3A_58 : vector<512x128xf32>
    %mul3A_60 = arith.mulf %sub3A_44, %add3A_59 : vector<512x128xf32>
    %mul3A_61 = vector.broadcast %slice3A_41 : vector<512x1xf32> to vector<512x128xf32>
    %mul3A_62 = arith.mulf %mul3A_61, %mul3A_60 : vector<512x128xf32>
    %add3A_63 = arith.addf %broadcast_in_dim3A_35, %mul3A_62 : vector<512x128xf32>
    %slice3A_64 = vector.extract_strided_slice %convert_element_type3A_33 {offsets = [0, 1], sizes = [512, 1], strides = [1, 1]} : vector<512x26xf32> to vector<512x1xf32>
    %mul3A_65 = vector.broadcast %slice3A_64 : vector<512x1xf32> to vector<512x128xf32>
    %mul3A_66 = vector.broadcast %mul3A_8 : vector<1x128xf32> to vector<512x128xf32>
    %mul3A_67 = arith.mulf %mul3A_65, %mul3A_66 : vector<512x128xf32>
    %add3A_68 = vector.broadcast %select_n3A : vector<1x128xf32> to vector<512x128xf32>
    %add3A_69 = arith.addf %mul3A_67, %add3A_68 : vector<512x128xf32>
    %slice3A_70 = vector.extract_strided_slice %dot_general3A_31 {offsets = [0, 1], sizes = [512, 1], strides = [1, 1]} : vector<512x26xf32> to vector<512x1xf32>
    %floor3A_71 = math.floor %add3A_69 : vector<512x128xf32>
    %sub3A_72 = arith.subf %add3A_69, %floor3A_71 : vector<512x128xf32>
    %sub3A_73 = arith.constant 5.000000e-01 : f32
    %sub3A_74 = vector.broadcast %sub3A_73 : f32 to vector<512x128xf32>
    %sub3A_75 = arith.subf %sub3A_72, %sub3A_74 : vector<512x128xf32>
    %mul3A_76 = arith.mulf %sub3A_75, %sub3A_75 : vector<512x128xf32>
    %broadcast_in_dim3A_77 = arith.constant -57.115406 : f32
    %broadcast_in_dim3A_78 = vector.broadcast %broadcast_in_dim3A_77 : f32 to vector<512x128xf32>
    %mul3A_79 = arith.mulf %broadcast_in_dim3A_78, %mul3A_76 : vector<512x128xf32>
    %add3A_80 = arith.constant 78.3268509 : f32
    %add3A_81 = vector.broadcast %add3A_80 : f32 to vector<512x128xf32>
    %add3A_82 = arith.addf %mul3A_79, %add3A_81 : vector<512x128xf32>
    %mul3A_83 = arith.mulf %add3A_82, %mul3A_76 : vector<512x128xf32>
    %add3A_84 = arith.constant -41.1362343 : f32
    %add3A_85 = vector.broadcast %add3A_84 : f32 to vector<512x128xf32>
    %add3A_86 = arith.addf %mul3A_83, %add3A_85 : vector<512x128xf32>
    %mul3A_87 = arith.mulf %add3A_86, %mul3A_76 : vector<512x128xf32>
    %add3A_88 = arith.constant 6.27973032 : f32
    %add3A_89 = vector.broadcast %add3A_88 : f32 to vector<512x128xf32>
    %add3A_90 = arith.addf %mul3A_87, %add3A_89 : vector<512x128xf32>
    %mul3A_91 = arith.mulf %sub3A_75, %add3A_90 : vector<512x128xf32>
    %mul3A_92 = vector.broadcast %slice3A_70 : vector<512x1xf32> to vector<512x128xf32>
    %mul3A_93 = arith.mulf %mul3A_92, %mul3A_91 : vector<512x128xf32>
    %add3A_94 = arith.addf %add3A_63, %mul3A_93 : vector<512x128xf32>
    %slice3A_95 = vector.extract_strided_slice %convert_element_type3A_33 {offsets = [0, 2], sizes = [512, 1], strides = [1, 1]} : vector<512x26xf32> to vector<512x1xf32>
    %mul3A_96 = vector.broadcast %slice3A_95 : vector<512x1xf32> to vector<512x128xf32>
    %mul3A_97 = vector.broadcast %mul3A_8 : vector<1x128xf32> to vector<512x128xf32>
    %mul3A_98 = arith.mulf %mul3A_96, %mul3A_97 : vector<512x128xf32>
    %add3A_99 = vector.broadcast %select_n3A : vector<1x128xf32> to vector<512x128xf32>
    %add3A_100 = arith.addf %mul3A_98, %add3A_99 : vector<512x128xf32>
    %slice3A_101 = vector.extract_strided_slice %dot_general3A_31 {offsets = [0, 2], sizes = [512, 1], strides = [1, 1]} : vector<512x26xf32> to vector<512x1xf32>
    %floor3A_102 = math.floor %add3A_100 : vector<512x128xf32>
    %sub3A_103 = arith.subf %add3A_100, %floor3A_102 : vector<512x128xf32>
    %sub3A_104 = arith.constant 5.000000e-01 : f32
    %sub3A_105 = vector.broadcast %sub3A_104 : f32 to vector<512x128xf32>
    %sub3A_106 = arith.subf %sub3A_103, %sub3A_105 : vector<512x128xf32>
    %mul3A_107 = arith.mulf %sub3A_106, %sub3A_106 : vector<512x128xf32>
    %broadcast_in_dim3A_108 = arith.constant -57.115406 : f32
    %broadcast_in_dim3A_109 = vector.broadcast %broadcast_in_dim3A_108 : f32 to vector<512x128xf32>
    %mul3A_110 = arith.mulf %broadcast_in_dim3A_109, %mul3A_107 : vector<512x128xf32>
    %add3A_111 = arith.constant 78.3268509 : f32
    %add3A_112 = vector.broadcast %add3A_111 : f32 to vector<512x128xf32>
    %add3A_113 = arith.addf %mul3A_110, %add3A_112 : vector<512x128xf32>
    %mul3A_114 = arith.mulf %add3A_113, %mul3A_107 : vector<512x128xf32>
    %add3A_115 = arith.constant -41.1362343 : f32
    %add3A_116 = vector.broadcast %add3A_115 : f32 to vector<512x128xf32>
    %add3A_117 = arith.addf %mul3A_114, %add3A_116 : vector<512x128xf32>
    %mul3A_118 = arith.mulf %add3A_117, %mul3A_107 : vector<512x128xf32>
    %add3A_119 = arith.constant 6.27973032 : f32
    %add3A_120 = vector.broadcast %add3A_119 : f32 to vector<512x128xf32>
    %add3A_121 = arith.addf %mul3A_118, %add3A_120 : vector<512x128xf32>
    %mul3A_122 = arith.mulf %sub3A_106, %add3A_121 : vector<512x128xf32>
    %mul3A_123 = vector.broadcast %slice3A_101 : vector<512x1xf32> to vector<512x128xf32>
    %mul3A_124 = arith.mulf %mul3A_123, %mul3A_122 : vector<512x128xf32>
    %add3A_125 = arith.addf %add3A_94, %mul3A_124 : vector<512x128xf32>
    %slice3A_126 = vector.extract_strided_slice %convert_element_type3A_33 {offsets = [0, 3], sizes = [512, 1], strides = [1, 1]} : vector<512x26xf32> to vector<512x1xf32>
    %mul3A_127 = vector.broadcast %slice3A_126 : vector<512x1xf32> to vector<512x128xf32>
    %mul3A_128 = vector.broadcast %mul3A_8 : vector<1x128xf32> to vector<512x128xf32>
    %mul3A_129 = arith.mulf %mul3A_127, %mul3A_128 : vector<512x128xf32>
    %add3A_130 = vector.broadcast %select_n3A : vector<1x128xf32> to vector<512x128xf32>
    %add3A_131 = arith.addf %mul3A_129, %add3A_130 : vector<512x128xf32>
    %slice3A_132 = vector.extract_strided_slice %dot_general3A_31 {offsets = [0, 3], sizes = [512, 1], strides = [1, 1]} : vector<512x26xf32> to vector<512x1xf32>
    %floor3A_133 = math.floor %add3A_131 : vector<512x128xf32>
    %sub3A_134 = arith.subf %add3A_131, %floor3A_133 : vector<512x128xf32>
    %sub3A_135 = arith.constant 5.000000e-01 : f32
    %sub3A_136 = vector.broadcast %sub3A_135 : f32 to vector<512x128xf32>
    %sub3A_137 = arith.subf %sub3A_134, %sub3A_136 : vector<512x128xf32>
    %mul3A_138 = arith.mulf %sub3A_137, %sub3A_137 : vector<512x128xf32>
    %broadcast_in_dim3A_139 = arith.constant -57.115406 : f32
    %broadcast_in_dim3A_140 = vector.broadcast %broadcast_in_dim3A_139 : f32 to vector<512x128xf32>
    %mul3A_141 = arith.mulf %broadcast_in_dim3A_140, %mul3A_138 : vector<512x128xf32>
    %add3A_142 = arith.constant 78.3268509 : f32
    %add3A_143 = vector.broadcast %add3A_142 : f32 to vector<512x128xf32>
    %add3A_144 = arith.addf %mul3A_141, %add3A_143 : vector<512x128xf32>
    %mul3A_145 = arith.mulf %add3A_144, %mul3A_138 : vector<512x128xf32>
    %add3A_146 = arith.constant -41.1362343 : f32
    %add3A_147 = vector.broadcast %add3A_146 : f32 to vector<512x128xf32>
    %add3A_148 = arith.addf %mul3A_145, %add3A_147 : vector<512x128xf32>
    %mul3A_149 = arith.mulf %add3A_148, %mul3A_138 : vector<512x128xf32>
    %add3A_150 = arith.constant 6.27973032 : f32
    %add3A_151 = vector.broadcast %add3A_150 : f32 to vector<512x128xf32>
    %add3A_152 = arith.addf %mul3A_149, %add3A_151 : vector<512x128xf32>
    %mul3A_153 = arith.mulf %sub3A_137, %add3A_152 : vector<512x128xf32>
    %mul3A_154 = vector.broadcast %slice3A_132 : vector<512x1xf32> to vector<512x128xf32>
    %mul3A_155 = arith.mulf %mul3A_154, %mul3A_153 : vector<512x128xf32>
    %add3A_156 = arith.addf %add3A_125, %mul3A_155 : vector<512x128xf32>
    %slice3A_157 = vector.extract_strided_slice %convert_element_type3A_33 {offsets = [0, 4], sizes = [512, 1], strides = [1, 1]} : vector<512x26xf32> to vector<512x1xf32>
    %mul3A_158 = vector.broadcast %slice3A_157 : vector<512x1xf32> to vector<512x128xf32>
    %mul3A_159 = vector.broadcast %mul3A_8 : vector<1x128xf32> to vector<512x128xf32>
    %mul3A_160 = arith.mulf %mul3A_158, %mul3A_159 : vector<512x128xf32>
    %add3A_161 = vector.broadcast %select_n3A : vector<1x128xf32> to vector<512x128xf32>
    %add3A_162 = arith.addf %mul3A_160, %add3A_161 : vector<512x128xf32>
    %slice3A_163 = vector.extract_strided_slice %dot_general3A_31 {offsets = [0, 4], sizes = [512, 1], strides = [1, 1]} : vector<512x26xf32> to vector<512x1xf32>
    %floor3A_164 = math.floor %add3A_162 : vector<512x128xf32>
    %sub3A_165 = arith.subf %add3A_162, %floor3A_164 : vector<512x128xf32>
    %sub3A_166 = arith.constant 5.000000e-01 : f32
    %sub3A_167 = vector.broadcast %sub3A_166 : f32 to vector<512x128xf32>
    %sub3A_168 = arith.subf %sub3A_165, %sub3A_167 : vector<512x128xf32>
    %mul3A_169 = arith.mulf %sub3A_168, %sub3A_168 : vector<512x128xf32>
    %broadcast_in_dim3A_170 = arith.constant -57.115406 : f32
    %broadcast_in_dim3A_171 = vector.broadcast %broadcast_in_dim3A_170 : f32 to vector<512x128xf32>
    %mul3A_172 = arith.mulf %broadcast_in_dim3A_171, %mul3A_169 : vector<512x128xf32>
    %add3A_173 = arith.constant 78.3268509 : f32
    %add3A_174 = vector.broadcast %add3A_173 : f32 to vector<512x128xf32>
    %add3A_175 = arith.addf %mul3A_172, %add3A_174 : vector<512x128xf32>
    %mul3A_176 = arith.mulf %add3A_175, %mul3A_169 : vector<512x128xf32>
    %add3A_177 = arith.constant -41.1362343 : f32
    %add3A_178 = vector.broadcast %add3A_177 : f32 to vector<512x128xf32>
    %add3A_179 = arith.addf %mul3A_176, %add3A_178 : vector<512x128xf32>
    %mul3A_180 = arith.mulf %add3A_179, %mul3A_169 : vector<512x128xf32>
    %add3A_181 = arith.constant 6.27973032 : f32
    %add3A_182 = vector.broadcast %add3A_181 : f32 to vector<512x128xf32>
    %add3A_183 = arith.addf %mul3A_180, %add3A_182 : vector<512x128xf32>
    %mul3A_184 = arith.mulf %sub3A_168, %add3A_183 : vector<512x128xf32>
    %mul3A_185 = vector.broadcast %slice3A_163 : vector<512x1xf32> to vector<512x128xf32>
    %mul3A_186 = arith.mulf %mul3A_185, %mul3A_184 : vector<512x128xf32>
    %add3A_187 = arith.addf %add3A_156, %mul3A_186 : vector<512x128xf32>
    %slice3A_188 = vector.extract_strided_slice %convert_element_type3A_33 {offsets = [0, 5], sizes = [512, 1], strides = [1, 1]} : vector<512x26xf32> to vector<512x1xf32>
    %mul3A_189 = vector.broadcast %slice3A_188 : vector<512x1xf32> to vector<512x128xf32>
    %mul3A_190 = vector.broadcast %mul3A_8 : vector<1x128xf32> to vector<512x128xf32>
    %mul3A_191 = arith.mulf %mul3A_189, %mul3A_190 : vector<512x128xf32>
    %add3A_192 = vector.broadcast %select_n3A : vector<1x128xf32> to vector<512x128xf32>
    %add3A_193 = arith.addf %mul3A_191, %add3A_192 : vector<512x128xf32>
    %slice3A_194 = vector.extract_strided_slice %dot_general3A_31 {offsets = [0, 5], sizes = [512, 1], strides = [1, 1]} : vector<512x26xf32> to vector<512x1xf32>
    %floor3A_195 = math.floor %add3A_193 : vector<512x128xf32>
    %sub3A_196 = arith.subf %add3A_193, %floor3A_195 : vector<512x128xf32>
    %sub3A_197 = arith.constant 5.000000e-01 : f32
    %sub3A_198 = vector.broadcast %sub3A_197 : f32 to vector<512x128xf32>
    %sub3A_199 = arith.subf %sub3A_196, %sub3A_198 : vector<512x128xf32>
    %mul3A_200 = arith.mulf %sub3A_199, %sub3A_199 : vector<512x128xf32>
    %broadcast_in_dim3A_201 = arith.constant -57.115406 : f32
    %broadcast_in_dim3A_202 = vector.broadcast %broadcast_in_dim3A_201 : f32 to vector<512x128xf32>
    %mul3A_203 = arith.mulf %broadcast_in_dim3A_202, %mul3A_200 : vector<512x128xf32>
    %add3A_204 = arith.constant 78.3268509 : f32
    %add3A_205 = vector.broadcast %add3A_204 : f32 to vector<512x128xf32>
    %add3A_206 = arith.addf %mul3A_203, %add3A_205 : vector<512x128xf32>
    %mul3A_207 = arith.mulf %add3A_206, %mul3A_200 : vector<512x128xf32>
    %add3A_208 = arith.constant -41.1362343 : f32
    %add3A_209 = vector.broadcast %add3A_208 : f32 to vector<512x128xf32>
    %add3A_210 = arith.addf %mul3A_207, %add3A_209 : vector<512x128xf32>
    %mul3A_211 = arith.mulf %add3A_210, %mul3A_200 : vector<512x128xf32>
    %add3A_212 = arith.constant 6.27973032 : f32
    %add3A_213 = vector.broadcast %add3A_212 : f32 to vector<512x128xf32>
    %add3A_214 = arith.addf %mul3A_211, %add3A_213 : vector<512x128xf32>
    %mul3A_215 = arith.mulf %sub3A_199, %add3A_214 : vector<512x128xf32>
    %mul3A_216 = vector.broadcast %slice3A_194 : vector<512x1xf32> to vector<512x128xf32>
    %mul3A_217 = arith.mulf %mul3A_216, %mul3A_215 : vector<512x128xf32>
    %add3A_218 = arith.addf %add3A_187, %mul3A_217 : vector<512x128xf32>
    %slice3A_219 = vector.extract_strided_slice %convert_element_type3A_33 {offsets = [0, 6], sizes = [512, 1], strides = [1, 1]} : vector<512x26xf32> to vector<512x1xf32>
    %mul3A_220 = vector.broadcast %slice3A_219 : vector<512x1xf32> to vector<512x128xf32>
    %mul3A_221 = vector.broadcast %mul3A_8 : vector<1x128xf32> to vector<512x128xf32>
    %mul3A_222 = arith.mulf %mul3A_220, %mul3A_221 : vector<512x128xf32>
    %add3A_223 = vector.broadcast %select_n3A : vector<1x128xf32> to vector<512x128xf32>
    %add3A_224 = arith.addf %mul3A_222, %add3A_223 : vector<512x128xf32>
    %slice3A_225 = vector.extract_strided_slice %dot_general3A_31 {offsets = [0, 6], sizes = [512, 1], strides = [1, 1]} : vector<512x26xf32> to vector<512x1xf32>
    %floor3A_226 = math.floor %add3A_224 : vector<512x128xf32>
    %sub3A_227 = arith.subf %add3A_224, %floor3A_226 : vector<512x128xf32>
    %sub3A_228 = arith.constant 5.000000e-01 : f32
    %sub3A_229 = vector.broadcast %sub3A_228 : f32 to vector<512x128xf32>
    %sub3A_230 = arith.subf %sub3A_227, %sub3A_229 : vector<512x128xf32>
    %mul3A_231 = arith.mulf %sub3A_230, %sub3A_230 : vector<512x128xf32>
    %broadcast_in_dim3A_232 = arith.constant -57.115406 : f32
    %broadcast_in_dim3A_233 = vector.broadcast %broadcast_in_dim3A_232 : f32 to vector<512x128xf32>
    %mul3A_234 = arith.mulf %broadcast_in_dim3A_233, %mul3A_231 : vector<512x128xf32>
    %add3A_235 = arith.constant 78.3268509 : f32
    %add3A_236 = vector.broadcast %add3A_235 : f32 to vector<512x128xf32>
    %add3A_237 = arith.addf %mul3A_234, %add3A_236 : vector<512x128xf32>
    %mul3A_238 = arith.mulf %add3A_237, %mul3A_231 : vector<512x128xf32>
    %add3A_239 = arith.constant -41.1362343 : f32
    %add3A_240 = vector.broadcast %add3A_239 : f32 to vector<512x128xf32>
    %add3A_241 = arith.addf %mul3A_238, %add3A_240 : vector<512x128xf32>
    %mul3A_242 = arith.mulf %add3A_241, %mul3A_231 : vector<512x128xf32>
    %add3A_243 = arith.constant 6.27973032 : f32
    %add3A_244 = vector.broadcast %add3A_243 : f32 to vector<512x128xf32>
    %add3A_245 = arith.addf %mul3A_242, %add3A_244 : vector<512x128xf32>
    %mul3A_246 = arith.mulf %sub3A_230, %add3A_245 : vector<512x128xf32>
    %mul3A_247 = vector.broadcast %slice3A_225 : vector<512x1xf32> to vector<512x128xf32>
    %mul3A_248 = arith.mulf %mul3A_247, %mul3A_246 : vector<512x128xf32>
    %add3A_249 = arith.addf %add3A_218, %mul3A_248 : vector<512x128xf32>
    %slice3A_250 = vector.extract_strided_slice %convert_element_type3A_33 {offsets = [0, 7], sizes = [512, 1], strides = [1, 1]} : vector<512x26xf32> to vector<512x1xf32>
    %mul3A_251 = vector.broadcast %slice3A_250 : vector<512x1xf32> to vector<512x128xf32>
    %mul3A_252 = vector.broadcast %mul3A_8 : vector<1x128xf32> to vector<512x128xf32>
    %mul3A_253 = arith.mulf %mul3A_251, %mul3A_252 : vector<512x128xf32>
    %add3A_254 = vector.broadcast %select_n3A : vector<1x128xf32> to vector<512x128xf32>
    %add3A_255 = arith.addf %mul3A_253, %add3A_254 : vector<512x128xf32>
    %slice3A_256 = vector.extract_strided_slice %dot_general3A_31 {offsets = [0, 7], sizes = [512, 1], strides = [1, 1]} : vector<512x26xf32> to vector<512x1xf32>
    %floor3A_257 = math.floor %add3A_255 : vector<512x128xf32>
    %sub3A_258 = arith.subf %add3A_255, %floor3A_257 : vector<512x128xf32>
    %sub3A_259 = arith.constant 5.000000e-01 : f32
    %sub3A_260 = vector.broadcast %sub3A_259 : f32 to vector<512x128xf32>
    %sub3A_261 = arith.subf %sub3A_258, %sub3A_260 : vector<512x128xf32>
    %mul3A_262 = arith.mulf %sub3A_261, %sub3A_261 : vector<512x128xf32>
    %broadcast_in_dim3A_263 = arith.constant -57.115406 : f32
    %broadcast_in_dim3A_264 = vector.broadcast %broadcast_in_dim3A_263 : f32 to vector<512x128xf32>
    %mul3A_265 = arith.mulf %broadcast_in_dim3A_264, %mul3A_262 : vector<512x128xf32>
    %add3A_266 = arith.constant 78.3268509 : f32
    %add3A_267 = vector.broadcast %add3A_266 : f32 to vector<512x128xf32>
    %add3A_268 = arith.addf %mul3A_265, %add3A_267 : vector<512x128xf32>
    %mul3A_269 = arith.mulf %add3A_268, %mul3A_262 : vector<512x128xf32>
    %add3A_270 = arith.constant -41.1362343 : f32
    %add3A_271 = vector.broadcast %add3A_270 : f32 to vector<512x128xf32>
    %add3A_272 = arith.addf %mul3A_269, %add3A_271 : vector<512x128xf32>
    %mul3A_273 = arith.mulf %add3A_272, %mul3A_262 : vector<512x128xf32>
    %add3A_274 = arith.constant 6.27973032 : f32
    %add3A_275 = vector.broadcast %add3A_274 : f32 to vector<512x128xf32>
    %add3A_276 = arith.addf %mul3A_273, %add3A_275 : vector<512x128xf32>
    %mul3A_277 = arith.mulf %sub3A_261, %add3A_276 : vector<512x128xf32>
    %mul3A_278 = vector.broadcast %slice3A_256 : vector<512x1xf32> to vector<512x128xf32>
    %mul3A_279 = arith.mulf %mul3A_278, %mul3A_277 : vector<512x128xf32>
    %add3A_280 = arith.addf %add3A_249, %mul3A_279 : vector<512x128xf32>
    %slice3A_281 = vector.extract_strided_slice %convert_element_type3A_33 {offsets = [0, 8], sizes = [512, 1], strides = [1, 1]} : vector<512x26xf32> to vector<512x1xf32>
    %mul3A_282 = vector.broadcast %slice3A_281 : vector<512x1xf32> to vector<512x128xf32>
    %mul3A_283 = vector.broadcast %mul3A_8 : vector<1x128xf32> to vector<512x128xf32>
    %mul3A_284 = arith.mulf %mul3A_282, %mul3A_283 : vector<512x128xf32>
    %add3A_285 = vector.broadcast %select_n3A : vector<1x128xf32> to vector<512x128xf32>
    %add3A_286 = arith.addf %mul3A_284, %add3A_285 : vector<512x128xf32>
    %slice3A_287 = vector.extract_strided_slice %dot_general3A_31 {offsets = [0, 8], sizes = [512, 1], strides = [1, 1]} : vector<512x26xf32> to vector<512x1xf32>
    %floor3A_288 = math.floor %add3A_286 : vector<512x128xf32>
    %sub3A_289 = arith.subf %add3A_286, %floor3A_288 : vector<512x128xf32>
    %sub3A_290 = arith.constant 5.000000e-01 : f32
    %sub3A_291 = vector.broadcast %sub3A_290 : f32 to vector<512x128xf32>
    %sub3A_292 = arith.subf %sub3A_289, %sub3A_291 : vector<512x128xf32>
    %mul3A_293 = arith.mulf %sub3A_292, %sub3A_292 : vector<512x128xf32>
    %broadcast_in_dim3A_294 = arith.constant -57.115406 : f32
    %broadcast_in_dim3A_295 = vector.broadcast %broadcast_in_dim3A_294 : f32 to vector<512x128xf32>
    %mul3A_296 = arith.mulf %broadcast_in_dim3A_295, %mul3A_293 : vector<512x128xf32>
    %add3A_297 = arith.constant 78.3268509 : f32
    %add3A_298 = vector.broadcast %add3A_297 : f32 to vector<512x128xf32>
    %add3A_299 = arith.addf %mul3A_296, %add3A_298 : vector<512x128xf32>
    %mul3A_300 = arith.mulf %add3A_299, %mul3A_293 : vector<512x128xf32>
    %add3A_301 = arith.constant -41.1362343 : f32
    %add3A_302 = vector.broadcast %add3A_301 : f32 to vector<512x128xf32>
    %add3A_303 = arith.addf %mul3A_300, %add3A_302 : vector<512x128xf32>
    %mul3A_304 = arith.mulf %add3A_303, %mul3A_293 : vector<512x128xf32>
    %add3A_305 = arith.constant 6.27973032 : f32
    %add3A_306 = vector.broadcast %add3A_305 : f32 to vector<512x128xf32>
    %add3A_307 = arith.addf %mul3A_304, %add3A_306 : vector<512x128xf32>
    %mul3A_308 = arith.mulf %sub3A_292, %add3A_307 : vector<512x128xf32>
    %mul3A_309 = vector.broadcast %slice3A_287 : vector<512x1xf32> to vector<512x128xf32>
    %mul3A_310 = arith.mulf %mul3A_309, %mul3A_308 : vector<512x128xf32>
    %add3A_311 = arith.addf %add3A_280, %mul3A_310 : vector<512x128xf32>
    %slice3A_312 = vector.extract_strided_slice %convert_element_type3A_33 {offsets = [0, 9], sizes = [512, 1], strides = [1, 1]} : vector<512x26xf32> to vector<512x1xf32>
    %mul3A_313 = vector.broadcast %slice3A_312 : vector<512x1xf32> to vector<512x128xf32>
    %mul3A_314 = vector.broadcast %mul3A_8 : vector<1x128xf32> to vector<512x128xf32>
    %mul3A_315 = arith.mulf %mul3A_313, %mul3A_314 : vector<512x128xf32>
    %add3A_316 = vector.broadcast %select_n3A : vector<1x128xf32> to vector<512x128xf32>
    %add3A_317 = arith.addf %mul3A_315, %add3A_316 : vector<512x128xf32>
    %slice3A_318 = vector.extract_strided_slice %dot_general3A_31 {offsets = [0, 9], sizes = [512, 1], strides = [1, 1]} : vector<512x26xf32> to vector<512x1xf32>
    %floor3A_319 = math.floor %add3A_317 : vector<512x128xf32>
    %sub3A_320 = arith.subf %add3A_317, %floor3A_319 : vector<512x128xf32>
    %sub3A_321 = arith.constant 5.000000e-01 : f32
    %sub3A_322 = vector.broadcast %sub3A_321 : f32 to vector<512x128xf32>
    %sub3A_323 = arith.subf %sub3A_320, %sub3A_322 : vector<512x128xf32>
    %mul3A_324 = arith.mulf %sub3A_323, %sub3A_323 : vector<512x128xf32>
    %broadcast_in_dim3A_325 = arith.constant -57.115406 : f32
    %broadcast_in_dim3A_326 = vector.broadcast %broadcast_in_dim3A_325 : f32 to vector<512x128xf32>
    %mul3A_327 = arith.mulf %broadcast_in_dim3A_326, %mul3A_324 : vector<512x128xf32>
    %add3A_328 = arith.constant 78.3268509 : f32
    %add3A_329 = vector.broadcast %add3A_328 : f32 to vector<512x128xf32>
    %add3A_330 = arith.addf %mul3A_327, %add3A_329 : vector<512x128xf32>
    %mul3A_331 = arith.mulf %add3A_330, %mul3A_324 : vector<512x128xf32>
    %add3A_332 = arith.constant -41.1362343 : f32
    %add3A_333 = vector.broadcast %add3A_332 : f32 to vector<512x128xf32>
    %add3A_334 = arith.addf %mul3A_331, %add3A_333 : vector<512x128xf32>
    %mul3A_335 = arith.mulf %add3A_334, %mul3A_324 : vector<512x128xf32>
    %add3A_336 = arith.constant 6.27973032 : f32
    %add3A_337 = vector.broadcast %add3A_336 : f32 to vector<512x128xf32>
    %add3A_338 = arith.addf %mul3A_335, %add3A_337 : vector<512x128xf32>
    %mul3A_339 = arith.mulf %sub3A_323, %add3A_338 : vector<512x128xf32>
    %mul3A_340 = vector.broadcast %slice3A_318 : vector<512x1xf32> to vector<512x128xf32>
    %mul3A_341 = arith.mulf %mul3A_340, %mul3A_339 : vector<512x128xf32>
    %add3A_342 = arith.addf %add3A_311, %mul3A_341 : vector<512x128xf32>
    %slice3A_343 = vector.extract_strided_slice %convert_element_type3A_33 {offsets = [0, 10], sizes = [512, 1], strides = [1, 1]} : vector<512x26xf32> to vector<512x1xf32>
    %mul3A_344 = vector.broadcast %slice3A_343 : vector<512x1xf32> to vector<512x128xf32>
    %mul3A_345 = vector.broadcast %mul3A_8 : vector<1x128xf32> to vector<512x128xf32>
    %mul3A_346 = arith.mulf %mul3A_344, %mul3A_345 : vector<512x128xf32>
    %add3A_347 = vector.broadcast %select_n3A : vector<1x128xf32> to vector<512x128xf32>
    %add3A_348 = arith.addf %mul3A_346, %add3A_347 : vector<512x128xf32>
    %slice3A_349 = vector.extract_strided_slice %dot_general3A_31 {offsets = [0, 10], sizes = [512, 1], strides = [1, 1]} : vector<512x26xf32> to vector<512x1xf32>
    %floor3A_350 = math.floor %add3A_348 : vector<512x128xf32>
    %sub3A_351 = arith.subf %add3A_348, %floor3A_350 : vector<512x128xf32>
    %sub3A_352 = arith.constant 5.000000e-01 : f32
    %sub3A_353 = vector.broadcast %sub3A_352 : f32 to vector<512x128xf32>
    %sub3A_354 = arith.subf %sub3A_351, %sub3A_353 : vector<512x128xf32>
    %mul3A_355 = arith.mulf %sub3A_354, %sub3A_354 : vector<512x128xf32>
    %broadcast_in_dim3A_356 = arith.constant -57.115406 : f32
    %broadcast_in_dim3A_357 = vector.broadcast %broadcast_in_dim3A_356 : f32 to vector<512x128xf32>
    %mul3A_358 = arith.mulf %broadcast_in_dim3A_357, %mul3A_355 : vector<512x128xf32>
    %add3A_359 = arith.constant 78.3268509 : f32
    %add3A_360 = vector.broadcast %add3A_359 : f32 to vector<512x128xf32>
    %add3A_361 = arith.addf %mul3A_358, %add3A_360 : vector<512x128xf32>
    %mul3A_362 = arith.mulf %add3A_361, %mul3A_355 : vector<512x128xf32>
    %add3A_363 = arith.constant -41.1362343 : f32
    %add3A_364 = vector.broadcast %add3A_363 : f32 to vector<512x128xf32>
    %add3A_365 = arith.addf %mul3A_362, %add3A_364 : vector<512x128xf32>
    %mul3A_366 = arith.mulf %add3A_365, %mul3A_355 : vector<512x128xf32>
    %add3A_367 = arith.constant 6.27973032 : f32
    %add3A_368 = vector.broadcast %add3A_367 : f32 to vector<512x128xf32>
    %add3A_369 = arith.addf %mul3A_366, %add3A_368 : vector<512x128xf32>
    %mul3A_370 = arith.mulf %sub3A_354, %add3A_369 : vector<512x128xf32>
    %mul3A_371 = vector.broadcast %slice3A_349 : vector<512x1xf32> to vector<512x128xf32>
    %mul3A_372 = arith.mulf %mul3A_371, %mul3A_370 : vector<512x128xf32>
    %add3A_373 = arith.addf %add3A_342, %mul3A_372 : vector<512x128xf32>
    %slice3A_374 = vector.extract_strided_slice %convert_element_type3A_33 {offsets = [0, 11], sizes = [512, 1], strides = [1, 1]} : vector<512x26xf32> to vector<512x1xf32>
    %mul3A_375 = vector.broadcast %slice3A_374 : vector<512x1xf32> to vector<512x128xf32>
    %mul3A_376 = vector.broadcast %mul3A_8 : vector<1x128xf32> to vector<512x128xf32>
    %mul3A_377 = arith.mulf %mul3A_375, %mul3A_376 : vector<512x128xf32>
    %add3A_378 = vector.broadcast %select_n3A : vector<1x128xf32> to vector<512x128xf32>
    %add3A_379 = arith.addf %mul3A_377, %add3A_378 : vector<512x128xf32>
    %slice3A_380 = vector.extract_strided_slice %dot_general3A_31 {offsets = [0, 11], sizes = [512, 1], strides = [1, 1]} : vector<512x26xf32> to vector<512x1xf32>
    %floor3A_381 = math.floor %add3A_379 : vector<512x128xf32>
    %sub3A_382 = arith.subf %add3A_379, %floor3A_381 : vector<512x128xf32>
    %sub3A_383 = arith.constant 5.000000e-01 : f32
    %sub3A_384 = vector.broadcast %sub3A_383 : f32 to vector<512x128xf32>
    %sub3A_385 = arith.subf %sub3A_382, %sub3A_384 : vector<512x128xf32>
    %mul3A_386 = arith.mulf %sub3A_385, %sub3A_385 : vector<512x128xf32>
    %broadcast_in_dim3A_387 = arith.constant -57.115406 : f32
    %broadcast_in_dim3A_388 = vector.broadcast %broadcast_in_dim3A_387 : f32 to vector<512x128xf32>
    %mul3A_389 = arith.mulf %broadcast_in_dim3A_388, %mul3A_386 : vector<512x128xf32>
    %add3A_390 = arith.constant 78.3268509 : f32
    %add3A_391 = vector.broadcast %add3A_390 : f32 to vector<512x128xf32>
    %add3A_392 = arith.addf %mul3A_389, %add3A_391 : vector<512x128xf32>
    %mul3A_393 = arith.mulf %add3A_392, %mul3A_386 : vector<512x128xf32>
    %add3A_394 = arith.constant -41.1362343 : f32
    %add3A_395 = vector.broadcast %add3A_394 : f32 to vector<512x128xf32>
    %add3A_396 = arith.addf %mul3A_393, %add3A_395 : vector<512x128xf32>
    %mul3A_397 = arith.mulf %add3A_396, %mul3A_386 : vector<512x128xf32>
    %add3A_398 = arith.constant 6.27973032 : f32
    %add3A_399 = vector.broadcast %add3A_398 : f32 to vector<512x128xf32>
    %add3A_400 = arith.addf %mul3A_397, %add3A_399 : vector<512x128xf32>
    %mul3A_401 = arith.mulf %sub3A_385, %add3A_400 : vector<512x128xf32>
    %mul3A_402 = vector.broadcast %slice3A_380 : vector<512x1xf32> to vector<512x128xf32>
    %mul3A_403 = arith.mulf %mul3A_402, %mul3A_401 : vector<512x128xf32>
    %add3A_404 = arith.addf %add3A_373, %mul3A_403 : vector<512x128xf32>
    %slice3A_405 = vector.extract_strided_slice %convert_element_type3A_33 {offsets = [0, 12], sizes = [512, 1], strides = [1, 1]} : vector<512x26xf32> to vector<512x1xf32>
    %mul3A_406 = vector.broadcast %slice3A_405 : vector<512x1xf32> to vector<512x128xf32>
    %mul3A_407 = vector.broadcast %mul3A_8 : vector<1x128xf32> to vector<512x128xf32>
    %mul3A_408 = arith.mulf %mul3A_406, %mul3A_407 : vector<512x128xf32>
    %add3A_409 = vector.broadcast %select_n3A : vector<1x128xf32> to vector<512x128xf32>
    %add3A_410 = arith.addf %mul3A_408, %add3A_409 : vector<512x128xf32>
    %slice3A_411 = vector.extract_strided_slice %dot_general3A_31 {offsets = [0, 12], sizes = [512, 1], strides = [1, 1]} : vector<512x26xf32> to vector<512x1xf32>
    %floor3A_412 = math.floor %add3A_410 : vector<512x128xf32>
    %sub3A_413 = arith.subf %add3A_410, %floor3A_412 : vector<512x128xf32>
    %sub3A_414 = arith.constant 5.000000e-01 : f32
    %sub3A_415 = vector.broadcast %sub3A_414 : f32 to vector<512x128xf32>
    %sub3A_416 = arith.subf %sub3A_413, %sub3A_415 : vector<512x128xf32>
    %mul3A_417 = arith.mulf %sub3A_416, %sub3A_416 : vector<512x128xf32>
    %broadcast_in_dim3A_418 = arith.constant -57.115406 : f32
    %broadcast_in_dim3A_419 = vector.broadcast %broadcast_in_dim3A_418 : f32 to vector<512x128xf32>
    %mul3A_420 = arith.mulf %broadcast_in_dim3A_419, %mul3A_417 : vector<512x128xf32>
    %add3A_421 = arith.constant 78.3268509 : f32
    %add3A_422 = vector.broadcast %add3A_421 : f32 to vector<512x128xf32>
    %add3A_423 = arith.addf %mul3A_420, %add3A_422 : vector<512x128xf32>
    %mul3A_424 = arith.mulf %add3A_423, %mul3A_417 : vector<512x128xf32>
    %add3A_425 = arith.constant -41.1362343 : f32
    %add3A_426 = vector.broadcast %add3A_425 : f32 to vector<512x128xf32>
    %add3A_427 = arith.addf %mul3A_424, %add3A_426 : vector<512x128xf32>
    %mul3A_428 = arith.mulf %add3A_427, %mul3A_417 : vector<512x128xf32>
    %add3A_429 = arith.constant 6.27973032 : f32
    %add3A_430 = vector.broadcast %add3A_429 : f32 to vector<512x128xf32>
    %add3A_431 = arith.addf %mul3A_428, %add3A_430 : vector<512x128xf32>
    %mul3A_432 = arith.mulf %sub3A_416, %add3A_431 : vector<512x128xf32>
    %mul3A_433 = vector.broadcast %slice3A_411 : vector<512x1xf32> to vector<512x128xf32>
    %mul3A_434 = arith.mulf %mul3A_433, %mul3A_432 : vector<512x128xf32>
    %add3A_435 = arith.addf %add3A_404, %mul3A_434 : vector<512x128xf32>
    %slice3A_436 = vector.extract_strided_slice %convert_element_type3A_33 {offsets = [0, 13], sizes = [512, 1], strides = [1, 1]} : vector<512x26xf32> to vector<512x1xf32>
    %mul3A_437 = vector.broadcast %slice3A_436 : vector<512x1xf32> to vector<512x128xf32>
    %mul3A_438 = vector.broadcast %mul3A_8 : vector<1x128xf32> to vector<512x128xf32>
    %mul3A_439 = arith.mulf %mul3A_437, %mul3A_438 : vector<512x128xf32>
    %add3A_440 = vector.broadcast %select_n3A : vector<1x128xf32> to vector<512x128xf32>
    %add3A_441 = arith.addf %mul3A_439, %add3A_440 : vector<512x128xf32>
    %slice3A_442 = vector.extract_strided_slice %dot_general3A_31 {offsets = [0, 13], sizes = [512, 1], strides = [1, 1]} : vector<512x26xf32> to vector<512x1xf32>
    %floor3A_443 = math.floor %add3A_441 : vector<512x128xf32>
    %sub3A_444 = arith.subf %add3A_441, %floor3A_443 : vector<512x128xf32>
    %sub3A_445 = arith.constant 5.000000e-01 : f32
    %sub3A_446 = vector.broadcast %sub3A_445 : f32 to vector<512x128xf32>
    %sub3A_447 = arith.subf %sub3A_444, %sub3A_446 : vector<512x128xf32>
    %mul3A_448 = arith.mulf %sub3A_447, %sub3A_447 : vector<512x128xf32>
    %broadcast_in_dim3A_449 = arith.constant -57.115406 : f32
    %broadcast_in_dim3A_450 = vector.broadcast %broadcast_in_dim3A_449 : f32 to vector<512x128xf32>
    %mul3A_451 = arith.mulf %broadcast_in_dim3A_450, %mul3A_448 : vector<512x128xf32>
    %add3A_452 = arith.constant 78.3268509 : f32
    %add3A_453 = vector.broadcast %add3A_452 : f32 to vector<512x128xf32>
    %add3A_454 = arith.addf %mul3A_451, %add3A_453 : vector<512x128xf32>
    %mul3A_455 = arith.mulf %add3A_454, %mul3A_448 : vector<512x128xf32>
    %add3A_456 = arith.constant -41.1362343 : f32
    %add3A_457 = vector.broadcast %add3A_456 : f32 to vector<512x128xf32>
    %add3A_458 = arith.addf %mul3A_455, %add3A_457 : vector<512x128xf32>
    %mul3A_459 = arith.mulf %add3A_458, %mul3A_448 : vector<512x128xf32>
    %add3A_460 = arith.constant 6.27973032 : f32
    %add3A_461 = vector.broadcast %add3A_460 : f32 to vector<512x128xf32>
    %add3A_462 = arith.addf %mul3A_459, %add3A_461 : vector<512x128xf32>
    %mul3A_463 = arith.mulf %sub3A_447, %add3A_462 : vector<512x128xf32>
    %mul3A_464 = vector.broadcast %slice3A_442 : vector<512x1xf32> to vector<512x128xf32>
    %mul3A_465 = arith.mulf %mul3A_464, %mul3A_463 : vector<512x128xf32>
    %add3A_466 = arith.addf %add3A_435, %mul3A_465 : vector<512x128xf32>
    %slice3A_467 = vector.extract_strided_slice %convert_element_type3A_33 {offsets = [0, 14], sizes = [512, 1], strides = [1, 1]} : vector<512x26xf32> to vector<512x1xf32>
    %mul3A_468 = vector.broadcast %slice3A_467 : vector<512x1xf32> to vector<512x128xf32>
    %mul3A_469 = vector.broadcast %mul3A_8 : vector<1x128xf32> to vector<512x128xf32>
    %mul3A_470 = arith.mulf %mul3A_468, %mul3A_469 : vector<512x128xf32>
    %add3A_471 = vector.broadcast %select_n3A : vector<1x128xf32> to vector<512x128xf32>
    %add3A_472 = arith.addf %mul3A_470, %add3A_471 : vector<512x128xf32>
    %slice3A_473 = vector.extract_strided_slice %dot_general3A_31 {offsets = [0, 14], sizes = [512, 1], strides = [1, 1]} : vector<512x26xf32> to vector<512x1xf32>
    %floor3A_474 = math.floor %add3A_472 : vector<512x128xf32>
    %sub3A_475 = arith.subf %add3A_472, %floor3A_474 : vector<512x128xf32>
    %sub3A_476 = arith.constant 5.000000e-01 : f32
    %sub3A_477 = vector.broadcast %sub3A_476 : f32 to vector<512x128xf32>
    %sub3A_478 = arith.subf %sub3A_475, %sub3A_477 : vector<512x128xf32>
    %mul3A_479 = arith.mulf %sub3A_478, %sub3A_478 : vector<512x128xf32>
    %broadcast_in_dim3A_480 = arith.constant -57.115406 : f32
    %broadcast_in_dim3A_481 = vector.broadcast %broadcast_in_dim3A_480 : f32 to vector<512x128xf32>
    %mul3A_482 = arith.mulf %broadcast_in_dim3A_481, %mul3A_479 : vector<512x128xf32>
    %add3A_483 = arith.constant 78.3268509 : f32
    %add3A_484 = vector.broadcast %add3A_483 : f32 to vector<512x128xf32>
    %add3A_485 = arith.addf %mul3A_482, %add3A_484 : vector<512x128xf32>
    %mul3A_486 = arith.mulf %add3A_485, %mul3A_479 : vector<512x128xf32>
    %add3A_487 = arith.constant -41.1362343 : f32
    %add3A_488 = vector.broadcast %add3A_487 : f32 to vector<512x128xf32>
    %add3A_489 = arith.addf %mul3A_486, %add3A_488 : vector<512x128xf32>
    %mul3A_490 = arith.mulf %add3A_489, %mul3A_479 : vector<512x128xf32>
    %add3A_491 = arith.constant 6.27973032 : f32
    %add3A_492 = vector.broadcast %add3A_491 : f32 to vector<512x128xf32>
    %add3A_493 = arith.addf %mul3A_490, %add3A_492 : vector<512x128xf32>
    %mul3A_494 = arith.mulf %sub3A_478, %add3A_493 : vector<512x128xf32>
    %mul3A_495 = vector.broadcast %slice3A_473 : vector<512x1xf32> to vector<512x128xf32>
    %mul3A_496 = arith.mulf %mul3A_495, %mul3A_494 : vector<512x128xf32>
    %add3A_497 = arith.addf %add3A_466, %mul3A_496 : vector<512x128xf32>
    %slice3A_498 = vector.extract_strided_slice %convert_element_type3A_33 {offsets = [0, 15], sizes = [512, 1], strides = [1, 1]} : vector<512x26xf32> to vector<512x1xf32>
    %mul3A_499 = vector.broadcast %slice3A_498 : vector<512x1xf32> to vector<512x128xf32>
    %mul3A_500 = vector.broadcast %mul3A_8 : vector<1x128xf32> to vector<512x128xf32>
    %mul3A_501 = arith.mulf %mul3A_499, %mul3A_500 : vector<512x128xf32>
    %add3A_502 = vector.broadcast %select_n3A : vector<1x128xf32> to vector<512x128xf32>
    %add3A_503 = arith.addf %mul3A_501, %add3A_502 : vector<512x128xf32>
    %slice3A_504 = vector.extract_strided_slice %dot_general3A_31 {offsets = [0, 15], sizes = [512, 1], strides = [1, 1]} : vector<512x26xf32> to vector<512x1xf32>
    %floor3A_505 = math.floor %add3A_503 : vector<512x128xf32>
    %sub3A_506 = arith.subf %add3A_503, %floor3A_505 : vector<512x128xf32>
    %sub3A_507 = arith.constant 5.000000e-01 : f32
    %sub3A_508 = vector.broadcast %sub3A_507 : f32 to vector<512x128xf32>
    %sub3A_509 = arith.subf %sub3A_506, %sub3A_508 : vector<512x128xf32>
    %mul3A_510 = arith.mulf %sub3A_509, %sub3A_509 : vector<512x128xf32>
    %broadcast_in_dim3A_511 = arith.constant -57.115406 : f32
    %broadcast_in_dim3A_512 = vector.broadcast %broadcast_in_dim3A_511 : f32 to vector<512x128xf32>
    %mul3A_513 = arith.mulf %broadcast_in_dim3A_512, %mul3A_510 : vector<512x128xf32>
    %add3A_514 = arith.constant 78.3268509 : f32
    %add3A_515 = vector.broadcast %add3A_514 : f32 to vector<512x128xf32>
    %add3A_516 = arith.addf %mul3A_513, %add3A_515 : vector<512x128xf32>
    %mul3A_517 = arith.mulf %add3A_516, %mul3A_510 : vector<512x128xf32>
    %add3A_518 = arith.constant -41.1362343 : f32
    %add3A_519 = vector.broadcast %add3A_518 : f32 to vector<512x128xf32>
    %add3A_520 = arith.addf %mul3A_517, %add3A_519 : vector<512x128xf32>
    %mul3A_521 = arith.mulf %add3A_520, %mul3A_510 : vector<512x128xf32>
    %add3A_522 = arith.constant 6.27973032 : f32
    %add3A_523 = vector.broadcast %add3A_522 : f32 to vector<512x128xf32>
    %add3A_524 = arith.addf %mul3A_521, %add3A_523 : vector<512x128xf32>
    %mul3A_525 = arith.mulf %sub3A_509, %add3A_524 : vector<512x128xf32>
    %mul3A_526 = vector.broadcast %slice3A_504 : vector<512x1xf32> to vector<512x128xf32>
    %mul3A_527 = arith.mulf %mul3A_526, %mul3A_525 : vector<512x128xf32>
    %add3A_528 = arith.addf %add3A_497, %mul3A_527 : vector<512x128xf32>
    %slice3A_529 = vector.extract_strided_slice %convert_element_type3A_33 {offsets = [0, 16], sizes = [512, 1], strides = [1, 1]} : vector<512x26xf32> to vector<512x1xf32>
    %mul3A_530 = vector.broadcast %slice3A_529 : vector<512x1xf32> to vector<512x128xf32>
    %mul3A_531 = vector.broadcast %mul3A_8 : vector<1x128xf32> to vector<512x128xf32>
    %mul3A_532 = arith.mulf %mul3A_530, %mul3A_531 : vector<512x128xf32>
    %add3A_533 = vector.broadcast %select_n3A : vector<1x128xf32> to vector<512x128xf32>
    %add3A_534 = arith.addf %mul3A_532, %add3A_533 : vector<512x128xf32>
    %slice3A_535 = vector.extract_strided_slice %dot_general3A_31 {offsets = [0, 16], sizes = [512, 1], strides = [1, 1]} : vector<512x26xf32> to vector<512x1xf32>
    %floor3A_536 = math.floor %add3A_534 : vector<512x128xf32>
    %sub3A_537 = arith.subf %add3A_534, %floor3A_536 : vector<512x128xf32>
    %sub3A_538 = arith.constant 5.000000e-01 : f32
    %sub3A_539 = vector.broadcast %sub3A_538 : f32 to vector<512x128xf32>
    %sub3A_540 = arith.subf %sub3A_537, %sub3A_539 : vector<512x128xf32>
    %mul3A_541 = arith.mulf %sub3A_540, %sub3A_540 : vector<512x128xf32>
    %broadcast_in_dim3A_542 = arith.constant -57.115406 : f32
    %broadcast_in_dim3A_543 = vector.broadcast %broadcast_in_dim3A_542 : f32 to vector<512x128xf32>
    %mul3A_544 = arith.mulf %broadcast_in_dim3A_543, %mul3A_541 : vector<512x128xf32>
    %add3A_545 = arith.constant 78.3268509 : f32
    %add3A_546 = vector.broadcast %add3A_545 : f32 to vector<512x128xf32>
    %add3A_547 = arith.addf %mul3A_544, %add3A_546 : vector<512x128xf32>
    %mul3A_548 = arith.mulf %add3A_547, %mul3A_541 : vector<512x128xf32>
    %add3A_549 = arith.constant -41.1362343 : f32
    %add3A_550 = vector.broadcast %add3A_549 : f32 to vector<512x128xf32>
    %add3A_551 = arith.addf %mul3A_548, %add3A_550 : vector<512x128xf32>
    %mul3A_552 = arith.mulf %add3A_551, %mul3A_541 : vector<512x128xf32>
    %add3A_553 = arith.constant 6.27973032 : f32
    %add3A_554 = vector.broadcast %add3A_553 : f32 to vector<512x128xf32>
    %add3A_555 = arith.addf %mul3A_552, %add3A_554 : vector<512x128xf32>
    %mul3A_556 = arith.mulf %sub3A_540, %add3A_555 : vector<512x128xf32>
    %mul3A_557 = vector.broadcast %slice3A_535 : vector<512x1xf32> to vector<512x128xf32>
    %mul3A_558 = arith.mulf %mul3A_557, %mul3A_556 : vector<512x128xf32>
    %add3A_559 = arith.addf %add3A_528, %mul3A_558 : vector<512x128xf32>
    %slice3A_560 = vector.extract_strided_slice %convert_element_type3A_33 {offsets = [0, 17], sizes = [512, 1], strides = [1, 1]} : vector<512x26xf32> to vector<512x1xf32>
    %mul3A_561 = vector.broadcast %slice3A_560 : vector<512x1xf32> to vector<512x128xf32>
    %mul3A_562 = vector.broadcast %mul3A_8 : vector<1x128xf32> to vector<512x128xf32>
    %mul3A_563 = arith.mulf %mul3A_561, %mul3A_562 : vector<512x128xf32>
    %add3A_564 = vector.broadcast %select_n3A : vector<1x128xf32> to vector<512x128xf32>
    %add3A_565 = arith.addf %mul3A_563, %add3A_564 : vector<512x128xf32>
    %slice3A_566 = vector.extract_strided_slice %dot_general3A_31 {offsets = [0, 17], sizes = [512, 1], strides = [1, 1]} : vector<512x26xf32> to vector<512x1xf32>
    %floor3A_567 = math.floor %add3A_565 : vector<512x128xf32>
    %sub3A_568 = arith.subf %add3A_565, %floor3A_567 : vector<512x128xf32>
    %sub3A_569 = arith.constant 5.000000e-01 : f32
    %sub3A_570 = vector.broadcast %sub3A_569 : f32 to vector<512x128xf32>
    %sub3A_571 = arith.subf %sub3A_568, %sub3A_570 : vector<512x128xf32>
    %mul3A_572 = arith.mulf %sub3A_571, %sub3A_571 : vector<512x128xf32>
    %broadcast_in_dim3A_573 = arith.constant -57.115406 : f32
    %broadcast_in_dim3A_574 = vector.broadcast %broadcast_in_dim3A_573 : f32 to vector<512x128xf32>
    %mul3A_575 = arith.mulf %broadcast_in_dim3A_574, %mul3A_572 : vector<512x128xf32>
    %add3A_576 = arith.constant 78.3268509 : f32
    %add3A_577 = vector.broadcast %add3A_576 : f32 to vector<512x128xf32>
    %add3A_578 = arith.addf %mul3A_575, %add3A_577 : vector<512x128xf32>
    %mul3A_579 = arith.mulf %add3A_578, %mul3A_572 : vector<512x128xf32>
    %add3A_580 = arith.constant -41.1362343 : f32
    %add3A_581 = vector.broadcast %add3A_580 : f32 to vector<512x128xf32>
    %add3A_582 = arith.addf %mul3A_579, %add3A_581 : vector<512x128xf32>
    %mul3A_583 = arith.mulf %add3A_582, %mul3A_572 : vector<512x128xf32>
    %add3A_584 = arith.constant 6.27973032 : f32
    %add3A_585 = vector.broadcast %add3A_584 : f32 to vector<512x128xf32>
    %add3A_586 = arith.addf %mul3A_583, %add3A_585 : vector<512x128xf32>
    %mul3A_587 = arith.mulf %sub3A_571, %add3A_586 : vector<512x128xf32>
    %mul3A_588 = vector.broadcast %slice3A_566 : vector<512x1xf32> to vector<512x128xf32>
    %mul3A_589 = arith.mulf %mul3A_588, %mul3A_587 : vector<512x128xf32>
    %add3A_590 = arith.addf %add3A_559, %mul3A_589 : vector<512x128xf32>
    %slice3A_591 = vector.extract_strided_slice %convert_element_type3A_33 {offsets = [0, 18], sizes = [512, 1], strides = [1, 1]} : vector<512x26xf32> to vector<512x1xf32>
    %mul3A_592 = vector.broadcast %slice3A_591 : vector<512x1xf32> to vector<512x128xf32>
    %mul3A_593 = vector.broadcast %mul3A_8 : vector<1x128xf32> to vector<512x128xf32>
    %mul3A_594 = arith.mulf %mul3A_592, %mul3A_593 : vector<512x128xf32>
    %add3A_595 = vector.broadcast %select_n3A : vector<1x128xf32> to vector<512x128xf32>
    %add3A_596 = arith.addf %mul3A_594, %add3A_595 : vector<512x128xf32>
    %slice3A_597 = vector.extract_strided_slice %dot_general3A_31 {offsets = [0, 18], sizes = [512, 1], strides = [1, 1]} : vector<512x26xf32> to vector<512x1xf32>
    %floor3A_598 = math.floor %add3A_596 : vector<512x128xf32>
    %sub3A_599 = arith.subf %add3A_596, %floor3A_598 : vector<512x128xf32>
    %sub3A_600 = arith.constant 5.000000e-01 : f32
    %sub3A_601 = vector.broadcast %sub3A_600 : f32 to vector<512x128xf32>
    %sub3A_602 = arith.subf %sub3A_599, %sub3A_601 : vector<512x128xf32>
    %mul3A_603 = arith.mulf %sub3A_602, %sub3A_602 : vector<512x128xf32>
    %broadcast_in_dim3A_604 = arith.constant -57.115406 : f32
    %broadcast_in_dim3A_605 = vector.broadcast %broadcast_in_dim3A_604 : f32 to vector<512x128xf32>
    %mul3A_606 = arith.mulf %broadcast_in_dim3A_605, %mul3A_603 : vector<512x128xf32>
    %add3A_607 = arith.constant 78.3268509 : f32
    %add3A_608 = vector.broadcast %add3A_607 : f32 to vector<512x128xf32>
    %add3A_609 = arith.addf %mul3A_606, %add3A_608 : vector<512x128xf32>
    %mul3A_610 = arith.mulf %add3A_609, %mul3A_603 : vector<512x128xf32>
    %add3A_611 = arith.constant -41.1362343 : f32
    %add3A_612 = vector.broadcast %add3A_611 : f32 to vector<512x128xf32>
    %add3A_613 = arith.addf %mul3A_610, %add3A_612 : vector<512x128xf32>
    %mul3A_614 = arith.mulf %add3A_613, %mul3A_603 : vector<512x128xf32>
    %add3A_615 = arith.constant 6.27973032 : f32
    %add3A_616 = vector.broadcast %add3A_615 : f32 to vector<512x128xf32>
    %add3A_617 = arith.addf %mul3A_614, %add3A_616 : vector<512x128xf32>
    %mul3A_618 = arith.mulf %sub3A_602, %add3A_617 : vector<512x128xf32>
    %mul3A_619 = vector.broadcast %slice3A_597 : vector<512x1xf32> to vector<512x128xf32>
    %mul3A_620 = arith.mulf %mul3A_619, %mul3A_618 : vector<512x128xf32>
    %add3A_621 = arith.addf %add3A_590, %mul3A_620 : vector<512x128xf32>
    %slice3A_622 = vector.extract_strided_slice %convert_element_type3A_33 {offsets = [0, 19], sizes = [512, 1], strides = [1, 1]} : vector<512x26xf32> to vector<512x1xf32>
    %mul3A_623 = vector.broadcast %slice3A_622 : vector<512x1xf32> to vector<512x128xf32>
    %mul3A_624 = vector.broadcast %mul3A_8 : vector<1x128xf32> to vector<512x128xf32>
    %mul3A_625 = arith.mulf %mul3A_623, %mul3A_624 : vector<512x128xf32>
    %add3A_626 = vector.broadcast %select_n3A : vector<1x128xf32> to vector<512x128xf32>
    %add3A_627 = arith.addf %mul3A_625, %add3A_626 : vector<512x128xf32>
    %slice3A_628 = vector.extract_strided_slice %dot_general3A_31 {offsets = [0, 19], sizes = [512, 1], strides = [1, 1]} : vector<512x26xf32> to vector<512x1xf32>
    %floor3A_629 = math.floor %add3A_627 : vector<512x128xf32>
    %sub3A_630 = arith.subf %add3A_627, %floor3A_629 : vector<512x128xf32>
    %sub3A_631 = arith.constant 5.000000e-01 : f32
    %sub3A_632 = vector.broadcast %sub3A_631 : f32 to vector<512x128xf32>
    %sub3A_633 = arith.subf %sub3A_630, %sub3A_632 : vector<512x128xf32>
    %mul3A_634 = arith.mulf %sub3A_633, %sub3A_633 : vector<512x128xf32>
    %broadcast_in_dim3A_635 = arith.constant -57.115406 : f32
    %broadcast_in_dim3A_636 = vector.broadcast %broadcast_in_dim3A_635 : f32 to vector<512x128xf32>
    %mul3A_637 = arith.mulf %broadcast_in_dim3A_636, %mul3A_634 : vector<512x128xf32>
    %add3A_638 = arith.constant 78.3268509 : f32
    %add3A_639 = vector.broadcast %add3A_638 : f32 to vector<512x128xf32>
    %add3A_640 = arith.addf %mul3A_637, %add3A_639 : vector<512x128xf32>
    %mul3A_641 = arith.mulf %add3A_640, %mul3A_634 : vector<512x128xf32>
    %add3A_642 = arith.constant -41.1362343 : f32
    %add3A_643 = vector.broadcast %add3A_642 : f32 to vector<512x128xf32>
    %add3A_644 = arith.addf %mul3A_641, %add3A_643 : vector<512x128xf32>
    %mul3A_645 = arith.mulf %add3A_644, %mul3A_634 : vector<512x128xf32>
    %add3A_646 = arith.constant 6.27973032 : f32
    %add3A_647 = vector.broadcast %add3A_646 : f32 to vector<512x128xf32>
    %add3A_648 = arith.addf %mul3A_645, %add3A_647 : vector<512x128xf32>
    %mul3A_649 = arith.mulf %sub3A_633, %add3A_648 : vector<512x128xf32>
    %mul3A_650 = vector.broadcast %slice3A_628 : vector<512x1xf32> to vector<512x128xf32>
    %mul3A_651 = arith.mulf %mul3A_650, %mul3A_649 : vector<512x128xf32>
    %add3A_652 = arith.addf %add3A_621, %mul3A_651 : vector<512x128xf32>
    %slice3A_653 = vector.extract_strided_slice %convert_element_type3A_33 {offsets = [0, 20], sizes = [512, 1], strides = [1, 1]} : vector<512x26xf32> to vector<512x1xf32>
    %mul3A_654 = vector.broadcast %slice3A_653 : vector<512x1xf32> to vector<512x128xf32>
    %mul3A_655 = vector.broadcast %mul3A_8 : vector<1x128xf32> to vector<512x128xf32>
    %mul3A_656 = arith.mulf %mul3A_654, %mul3A_655 : vector<512x128xf32>
    %add3A_657 = vector.broadcast %select_n3A : vector<1x128xf32> to vector<512x128xf32>
    %add3A_658 = arith.addf %mul3A_656, %add3A_657 : vector<512x128xf32>
    %slice3A_659 = vector.extract_strided_slice %dot_general3A_31 {offsets = [0, 20], sizes = [512, 1], strides = [1, 1]} : vector<512x26xf32> to vector<512x1xf32>
    %floor3A_660 = math.floor %add3A_658 : vector<512x128xf32>
    %sub3A_661 = arith.subf %add3A_658, %floor3A_660 : vector<512x128xf32>
    %sub3A_662 = arith.constant 5.000000e-01 : f32
    %sub3A_663 = vector.broadcast %sub3A_662 : f32 to vector<512x128xf32>
    %sub3A_664 = arith.subf %sub3A_661, %sub3A_663 : vector<512x128xf32>
    %mul3A_665 = arith.mulf %sub3A_664, %sub3A_664 : vector<512x128xf32>
    %broadcast_in_dim3A_666 = arith.constant -57.115406 : f32
    %broadcast_in_dim3A_667 = vector.broadcast %broadcast_in_dim3A_666 : f32 to vector<512x128xf32>
    %mul3A_668 = arith.mulf %broadcast_in_dim3A_667, %mul3A_665 : vector<512x128xf32>
    %add3A_669 = arith.constant 78.3268509 : f32
    %add3A_670 = vector.broadcast %add3A_669 : f32 to vector<512x128xf32>
    %add3A_671 = arith.addf %mul3A_668, %add3A_670 : vector<512x128xf32>
    %mul3A_672 = arith.mulf %add3A_671, %mul3A_665 : vector<512x128xf32>
    %add3A_673 = arith.constant -41.1362343 : f32
    %add3A_674 = vector.broadcast %add3A_673 : f32 to vector<512x128xf32>
    %add3A_675 = arith.addf %mul3A_672, %add3A_674 : vector<512x128xf32>
    %mul3A_676 = arith.mulf %add3A_675, %mul3A_665 : vector<512x128xf32>
    %add3A_677 = arith.constant 6.27973032 : f32
    %add3A_678 = vector.broadcast %add3A_677 : f32 to vector<512x128xf32>
    %add3A_679 = arith.addf %mul3A_676, %add3A_678 : vector<512x128xf32>
    %mul3A_680 = arith.mulf %sub3A_664, %add3A_679 : vector<512x128xf32>
    %mul3A_681 = vector.broadcast %slice3A_659 : vector<512x1xf32> to vector<512x128xf32>
    %mul3A_682 = arith.mulf %mul3A_681, %mul3A_680 : vector<512x128xf32>
    %add3A_683 = arith.addf %add3A_652, %mul3A_682 : vector<512x128xf32>
    %slice3A_684 = vector.extract_strided_slice %convert_element_type3A_33 {offsets = [0, 21], sizes = [512, 1], strides = [1, 1]} : vector<512x26xf32> to vector<512x1xf32>
    %mul3A_685 = vector.broadcast %slice3A_684 : vector<512x1xf32> to vector<512x128xf32>
    %mul3A_686 = vector.broadcast %mul3A_8 : vector<1x128xf32> to vector<512x128xf32>
    %mul3A_687 = arith.mulf %mul3A_685, %mul3A_686 : vector<512x128xf32>
    %add3A_688 = vector.broadcast %select_n3A : vector<1x128xf32> to vector<512x128xf32>
    %add3A_689 = arith.addf %mul3A_687, %add3A_688 : vector<512x128xf32>
    %slice3A_690 = vector.extract_strided_slice %dot_general3A_31 {offsets = [0, 21], sizes = [512, 1], strides = [1, 1]} : vector<512x26xf32> to vector<512x1xf32>
    %floor3A_691 = math.floor %add3A_689 : vector<512x128xf32>
    %sub3A_692 = arith.subf %add3A_689, %floor3A_691 : vector<512x128xf32>
    %sub3A_693 = arith.constant 5.000000e-01 : f32
    %sub3A_694 = vector.broadcast %sub3A_693 : f32 to vector<512x128xf32>
    %sub3A_695 = arith.subf %sub3A_692, %sub3A_694 : vector<512x128xf32>
    %mul3A_696 = arith.mulf %sub3A_695, %sub3A_695 : vector<512x128xf32>
    %broadcast_in_dim3A_697 = arith.constant -57.115406 : f32
    %broadcast_in_dim3A_698 = vector.broadcast %broadcast_in_dim3A_697 : f32 to vector<512x128xf32>
    %mul3A_699 = arith.mulf %broadcast_in_dim3A_698, %mul3A_696 : vector<512x128xf32>
    %add3A_700 = arith.constant 78.3268509 : f32
    %add3A_701 = vector.broadcast %add3A_700 : f32 to vector<512x128xf32>
    %add3A_702 = arith.addf %mul3A_699, %add3A_701 : vector<512x128xf32>
    %mul3A_703 = arith.mulf %add3A_702, %mul3A_696 : vector<512x128xf32>
    %add3A_704 = arith.constant -41.1362343 : f32
    %add3A_705 = vector.broadcast %add3A_704 : f32 to vector<512x128xf32>
    %add3A_706 = arith.addf %mul3A_703, %add3A_705 : vector<512x128xf32>
    %mul3A_707 = arith.mulf %add3A_706, %mul3A_696 : vector<512x128xf32>
    %add3A_708 = arith.constant 6.27973032 : f32
    %add3A_709 = vector.broadcast %add3A_708 : f32 to vector<512x128xf32>
    %add3A_710 = arith.addf %mul3A_707, %add3A_709 : vector<512x128xf32>
    %mul3A_711 = arith.mulf %sub3A_695, %add3A_710 : vector<512x128xf32>
    %mul3A_712 = vector.broadcast %slice3A_690 : vector<512x1xf32> to vector<512x128xf32>
    %mul3A_713 = arith.mulf %mul3A_712, %mul3A_711 : vector<512x128xf32>
    %add3A_714 = arith.addf %add3A_683, %mul3A_713 : vector<512x128xf32>
    %slice3A_715 = vector.extract_strided_slice %convert_element_type3A_33 {offsets = [0, 22], sizes = [512, 1], strides = [1, 1]} : vector<512x26xf32> to vector<512x1xf32>
    %mul3A_716 = vector.broadcast %slice3A_715 : vector<512x1xf32> to vector<512x128xf32>
    %mul3A_717 = vector.broadcast %mul3A_8 : vector<1x128xf32> to vector<512x128xf32>
    %mul3A_718 = arith.mulf %mul3A_716, %mul3A_717 : vector<512x128xf32>
    %add3A_719 = vector.broadcast %select_n3A : vector<1x128xf32> to vector<512x128xf32>
    %add3A_720 = arith.addf %mul3A_718, %add3A_719 : vector<512x128xf32>
    %slice3A_721 = vector.extract_strided_slice %dot_general3A_31 {offsets = [0, 22], sizes = [512, 1], strides = [1, 1]} : vector<512x26xf32> to vector<512x1xf32>
    %floor3A_722 = math.floor %add3A_720 : vector<512x128xf32>
    %sub3A_723 = arith.subf %add3A_720, %floor3A_722 : vector<512x128xf32>
    %sub3A_724 = arith.constant 5.000000e-01 : f32
    %sub3A_725 = vector.broadcast %sub3A_724 : f32 to vector<512x128xf32>
    %sub3A_726 = arith.subf %sub3A_723, %sub3A_725 : vector<512x128xf32>
    %mul3A_727 = arith.mulf %sub3A_726, %sub3A_726 : vector<512x128xf32>
    %broadcast_in_dim3A_728 = arith.constant -57.115406 : f32
    %broadcast_in_dim3A_729 = vector.broadcast %broadcast_in_dim3A_728 : f32 to vector<512x128xf32>
    %mul3A_730 = arith.mulf %broadcast_in_dim3A_729, %mul3A_727 : vector<512x128xf32>
    %add3A_731 = arith.constant 78.3268509 : f32
    %add3A_732 = vector.broadcast %add3A_731 : f32 to vector<512x128xf32>
    %add3A_733 = arith.addf %mul3A_730, %add3A_732 : vector<512x128xf32>
    %mul3A_734 = arith.mulf %add3A_733, %mul3A_727 : vector<512x128xf32>
    %add3A_735 = arith.constant -41.1362343 : f32
    %add3A_736 = vector.broadcast %add3A_735 : f32 to vector<512x128xf32>
    %add3A_737 = arith.addf %mul3A_734, %add3A_736 : vector<512x128xf32>
    %mul3A_738 = arith.mulf %add3A_737, %mul3A_727 : vector<512x128xf32>
    %add3A_739 = arith.constant 6.27973032 : f32
    %add3A_740 = vector.broadcast %add3A_739 : f32 to vector<512x128xf32>
    %add3A_741 = arith.addf %mul3A_738, %add3A_740 : vector<512x128xf32>
    %mul3A_742 = arith.mulf %sub3A_726, %add3A_741 : vector<512x128xf32>
    %mul3A_743 = vector.broadcast %slice3A_721 : vector<512x1xf32> to vector<512x128xf32>
    %mul3A_744 = arith.mulf %mul3A_743, %mul3A_742 : vector<512x128xf32>
    %add3A_745 = arith.addf %add3A_714, %mul3A_744 : vector<512x128xf32>
    %slice3A_746 = vector.extract_strided_slice %convert_element_type3A_33 {offsets = [0, 23], sizes = [512, 1], strides = [1, 1]} : vector<512x26xf32> to vector<512x1xf32>
    %mul3A_747 = vector.broadcast %slice3A_746 : vector<512x1xf32> to vector<512x128xf32>
    %mul3A_748 = vector.broadcast %mul3A_8 : vector<1x128xf32> to vector<512x128xf32>
    %mul3A_749 = arith.mulf %mul3A_747, %mul3A_748 : vector<512x128xf32>
    %add3A_750 = vector.broadcast %select_n3A : vector<1x128xf32> to vector<512x128xf32>
    %add3A_751 = arith.addf %mul3A_749, %add3A_750 : vector<512x128xf32>
    %slice3A_752 = vector.extract_strided_slice %dot_general3A_31 {offsets = [0, 23], sizes = [512, 1], strides = [1, 1]} : vector<512x26xf32> to vector<512x1xf32>
    %floor3A_753 = math.floor %add3A_751 : vector<512x128xf32>
    %sub3A_754 = arith.subf %add3A_751, %floor3A_753 : vector<512x128xf32>
    %sub3A_755 = arith.constant 5.000000e-01 : f32
    %sub3A_756 = vector.broadcast %sub3A_755 : f32 to vector<512x128xf32>
    %sub3A_757 = arith.subf %sub3A_754, %sub3A_756 : vector<512x128xf32>
    %mul3A_758 = arith.mulf %sub3A_757, %sub3A_757 : vector<512x128xf32>
    %broadcast_in_dim3A_759 = arith.constant -57.115406 : f32
    %broadcast_in_dim3A_760 = vector.broadcast %broadcast_in_dim3A_759 : f32 to vector<512x128xf32>
    %mul3A_761 = arith.mulf %broadcast_in_dim3A_760, %mul3A_758 : vector<512x128xf32>
    %add3A_762 = arith.constant 78.3268509 : f32
    %add3A_763 = vector.broadcast %add3A_762 : f32 to vector<512x128xf32>
    %add3A_764 = arith.addf %mul3A_761, %add3A_763 : vector<512x128xf32>
    %mul3A_765 = arith.mulf %add3A_764, %mul3A_758 : vector<512x128xf32>
    %add3A_766 = arith.constant -41.1362343 : f32
    %add3A_767 = vector.broadcast %add3A_766 : f32 to vector<512x128xf32>
    %add3A_768 = arith.addf %mul3A_765, %add3A_767 : vector<512x128xf32>
    %mul3A_769 = arith.mulf %add3A_768, %mul3A_758 : vector<512x128xf32>
    %add3A_770 = arith.constant 6.27973032 : f32
    %add3A_771 = vector.broadcast %add3A_770 : f32 to vector<512x128xf32>
    %add3A_772 = arith.addf %mul3A_769, %add3A_771 : vector<512x128xf32>
    %mul3A_773 = arith.mulf %sub3A_757, %add3A_772 : vector<512x128xf32>
    %mul3A_774 = vector.broadcast %slice3A_752 : vector<512x1xf32> to vector<512x128xf32>
    %mul3A_775 = arith.mulf %mul3A_774, %mul3A_773 : vector<512x128xf32>
    %add3A_776 = arith.addf %add3A_745, %mul3A_775 : vector<512x128xf32>
    %slice3A_777 = vector.extract_strided_slice %convert_element_type3A_33 {offsets = [0, 24], sizes = [512, 1], strides = [1, 1]} : vector<512x26xf32> to vector<512x1xf32>
    %mul3A_778 = vector.broadcast %slice3A_777 : vector<512x1xf32> to vector<512x128xf32>
    %mul3A_779 = vector.broadcast %mul3A_8 : vector<1x128xf32> to vector<512x128xf32>
    %mul3A_780 = arith.mulf %mul3A_778, %mul3A_779 : vector<512x128xf32>
    %add3A_781 = vector.broadcast %select_n3A : vector<1x128xf32> to vector<512x128xf32>
    %add3A_782 = arith.addf %mul3A_780, %add3A_781 : vector<512x128xf32>
    %slice3A_783 = vector.extract_strided_slice %dot_general3A_31 {offsets = [0, 24], sizes = [512, 1], strides = [1, 1]} : vector<512x26xf32> to vector<512x1xf32>
    %floor3A_784 = math.floor %add3A_782 : vector<512x128xf32>
    %sub3A_785 = arith.subf %add3A_782, %floor3A_784 : vector<512x128xf32>
    %sub3A_786 = arith.constant 5.000000e-01 : f32
    %sub3A_787 = vector.broadcast %sub3A_786 : f32 to vector<512x128xf32>
    %sub3A_788 = arith.subf %sub3A_785, %sub3A_787 : vector<512x128xf32>
    %mul3A_789 = arith.mulf %sub3A_788, %sub3A_788 : vector<512x128xf32>
    %broadcast_in_dim3A_790 = arith.constant -57.115406 : f32
    %broadcast_in_dim3A_791 = vector.broadcast %broadcast_in_dim3A_790 : f32 to vector<512x128xf32>
    %mul3A_792 = arith.mulf %broadcast_in_dim3A_791, %mul3A_789 : vector<512x128xf32>
    %add3A_793 = arith.constant 78.3268509 : f32
    %add3A_794 = vector.broadcast %add3A_793 : f32 to vector<512x128xf32>
    %add3A_795 = arith.addf %mul3A_792, %add3A_794 : vector<512x128xf32>
    %mul3A_796 = arith.mulf %add3A_795, %mul3A_789 : vector<512x128xf32>
    %add3A_797 = arith.constant -41.1362343 : f32
    %add3A_798 = vector.broadcast %add3A_797 : f32 to vector<512x128xf32>
    %add3A_799 = arith.addf %mul3A_796, %add3A_798 : vector<512x128xf32>
    %mul3A_800 = arith.mulf %add3A_799, %mul3A_789 : vector<512x128xf32>
    %add3A_801 = arith.constant 6.27973032 : f32
    %add3A_802 = vector.broadcast %add3A_801 : f32 to vector<512x128xf32>
    %add3A_803 = arith.addf %mul3A_800, %add3A_802 : vector<512x128xf32>
    %mul3A_804 = arith.mulf %sub3A_788, %add3A_803 : vector<512x128xf32>
    %mul3A_805 = vector.broadcast %slice3A_783 : vector<512x1xf32> to vector<512x128xf32>
    %mul3A_806 = arith.mulf %mul3A_805, %mul3A_804 : vector<512x128xf32>
    %add3A_807 = arith.addf %add3A_776, %mul3A_806 : vector<512x128xf32>
    %slice3A_808 = vector.extract_strided_slice %convert_element_type3A_33 {offsets = [0, 25], sizes = [512, 1], strides = [1, 1]} : vector<512x26xf32> to vector<512x1xf32>
    %mul3A_809 = vector.broadcast %slice3A_808 : vector<512x1xf32> to vector<512x128xf32>
    %mul3A_810 = vector.broadcast %mul3A_8 : vector<1x128xf32> to vector<512x128xf32>
    %mul3A_811 = arith.mulf %mul3A_809, %mul3A_810 : vector<512x128xf32>
    %add3A_812 = vector.broadcast %select_n3A : vector<1x128xf32> to vector<512x128xf32>
    %add3A_813 = arith.addf %mul3A_811, %add3A_812 : vector<512x128xf32>
    %slice3A_814 = vector.extract_strided_slice %dot_general3A_31 {offsets = [0, 25], sizes = [512, 1], strides = [1, 1]} : vector<512x26xf32> to vector<512x1xf32>
    %floor3A_815 = math.floor %add3A_813 : vector<512x128xf32>
    %sub3A_816 = arith.subf %add3A_813, %floor3A_815 : vector<512x128xf32>
    %sub3A_817 = arith.constant 5.000000e-01 : f32
    %sub3A_818 = vector.broadcast %sub3A_817 : f32 to vector<512x128xf32>
    %sub3A_819 = arith.subf %sub3A_816, %sub3A_818 : vector<512x128xf32>
    %mul3A_820 = arith.mulf %sub3A_819, %sub3A_819 : vector<512x128xf32>
    %broadcast_in_dim3A_821 = arith.constant -57.115406 : f32
    %broadcast_in_dim3A_822 = vector.broadcast %broadcast_in_dim3A_821 : f32 to vector<512x128xf32>
    %mul3A_823 = arith.mulf %broadcast_in_dim3A_822, %mul3A_820 : vector<512x128xf32>
    %add3A_824 = arith.constant 78.3268509 : f32
    %add3A_825 = vector.broadcast %add3A_824 : f32 to vector<512x128xf32>
    %add3A_826 = arith.addf %mul3A_823, %add3A_825 : vector<512x128xf32>
    %mul3A_827 = arith.mulf %add3A_826, %mul3A_820 : vector<512x128xf32>
    %add3A_828 = arith.constant -41.1362343 : f32
    %add3A_829 = vector.broadcast %add3A_828 : f32 to vector<512x128xf32>
    %add3A_830 = arith.addf %mul3A_827, %add3A_829 : vector<512x128xf32>
    %mul3A_831 = arith.mulf %add3A_830, %mul3A_820 : vector<512x128xf32>
    %add3A_832 = arith.constant 6.27973032 : f32
    %add3A_833 = vector.broadcast %add3A_832 : f32 to vector<512x128xf32>
    %add3A_834 = arith.addf %mul3A_831, %add3A_833 : vector<512x128xf32>
    %mul3A_835 = arith.mulf %sub3A_819, %add3A_834 : vector<512x128xf32>
    %mul3A_836 = vector.broadcast %slice3A_814 : vector<512x1xf32> to vector<512x128xf32>
    %mul3A_837 = arith.mulf %mul3A_836, %mul3A_835 : vector<512x128xf32>
    %add3A_838 = arith.addf %add3A_807, %mul3A_837 : vector<512x128xf32>
    %swap3A_839 = arith.constant 0 : index
    %swap3A_840 = arith.constant 0 : index
    %swap3A_841 = vector.load %arg5[%swap3A_839, %swap3A_840] : memref<512x128xf32, #tpu.memory_space<vmem>>, vector<512x128xf32>
    tpu.vector_store %arg5[%swap3A_839, %swap3A_840], %add3A_838 {strides = array<i32>} : memref<512x128xf32, #tpu.memory_space<vmem>>, vector<512x128xf32>,
    %slice3A_842 = vector.extract_strided_slice %get3A_15 {offsets = [0, 32], sizes = [512, 26], strides = [1, 1]} : vector<512x58xi32> to vector<512x26xi32>
    %convert_element_type3A_843 = arith.sitofp %slice3A_842 : vector<512x26xi32> to vector<512x26xf32>
    %broadcast_in_dim3A_844 = arith.constant 0.000000e+00 : f32
    %broadcast_in_dim3A_845 = vector.broadcast %broadcast_in_dim3A_844 : f32 to vector<512x128xf32>
    %slice3A_846 = vector.extract_strided_slice %convert_element_type3A_843 {offsets = [0, 0], sizes = [512, 1], strides = [1, 1]} : vector<512x26xf32> to vector<512x1xf32>
    %mul3A_847 = vector.broadcast %slice3A_846 : vector<512x1xf32> to vector<512x128xf32>
    %mul3A_848 = vector.broadcast %mul3A_8 : vector<1x128xf32> to vector<512x128xf32>
    %mul3A_849 = arith.mulf %mul3A_847, %mul3A_848 : vector<512x128xf32>
    %add3A_850 = vector.broadcast %select_n3A : vector<1x128xf32> to vector<512x128xf32>
    %add3A_851 = arith.addf %mul3A_849, %add3A_850 : vector<512x128xf32>
    %slice3A_852 = vector.extract_strided_slice %dot_general3A_31 {offsets = [0, 0], sizes = [512, 1], strides = [1, 1]} : vector<512x26xf32> to vector<512x1xf32>
    %floor3A_853 = math.floor %add3A_851 : vector<512x128xf32>
    %sub3A_854 = arith.subf %add3A_851, %floor3A_853 : vector<512x128xf32>
    %sub3A_855 = arith.constant 5.000000e-01 : f32
    %sub3A_856 = vector.broadcast %sub3A_855 : f32 to vector<512x128xf32>
    %sub3A_857 = arith.subf %sub3A_854, %sub3A_856 : vector<512x128xf32>
    %mul3A_858 = arith.mulf %sub3A_857, %sub3A_857 : vector<512x128xf32>
    %broadcast_in_dim3A_859 = arith.constant -57.115406 : f32
    %broadcast_in_dim3A_860 = vector.broadcast %broadcast_in_dim3A_859 : f32 to vector<512x128xf32>
    %mul3A_861 = arith.mulf %broadcast_in_dim3A_860, %mul3A_858 : vector<512x128xf32>
    %add3A_862 = arith.constant 78.3268509 : f32
    %add3A_863 = vector.broadcast %add3A_862 : f32 to vector<512x128xf32>
    %add3A_864 = arith.addf %mul3A_861, %add3A_863 : vector<512x128xf32>
    %mul3A_865 = arith.mulf %add3A_864, %mul3A_858 : vector<512x128xf32>
    %add3A_866 = arith.constant -41.1362343 : f32
    %add3A_867 = vector.broadcast %add3A_866 : f32 to vector<512x128xf32>
    %add3A_868 = arith.addf %mul3A_865, %add3A_867 : vector<512x128xf32>
    %mul3A_869 = arith.mulf %add3A_868, %mul3A_858 : vector<512x128xf32>
    %add3A_870 = arith.constant 6.27973032 : f32
    %add3A_871 = vector.broadcast %add3A_870 : f32 to vector<512x128xf32>
    %add3A_872 = arith.addf %mul3A_869, %add3A_871 : vector<512x128xf32>
    %mul3A_873 = arith.mulf %sub3A_857, %add3A_872 : vector<512x128xf32>
    %mul3A_874 = vector.broadcast %slice3A_852 : vector<512x1xf32> to vector<512x128xf32>
    %mul3A_875 = arith.mulf %mul3A_874, %mul3A_873 : vector<512x128xf32>
    %add3A_876 = arith.addf %broadcast_in_dim3A_845, %mul3A_875 : vector<512x128xf32>
    %slice3A_877 = vector.extract_strided_slice %convert_element_type3A_843 {offsets = [0, 1], sizes = [512, 1], strides = [1, 1]} : vector<512x26xf32> to vector<512x1xf32>
    %mul3A_878 = vector.broadcast %slice3A_877 : vector<512x1xf32> to vector<512x128xf32>
    %mul3A_879 = vector.broadcast %mul3A_8 : vector<1x128xf32> to vector<512x128xf32>
    %mul3A_880 = arith.mulf %mul3A_878, %mul3A_879 : vector<512x128xf32>
    %add3A_881 = vector.broadcast %select_n3A : vector<1x128xf32> to vector<512x128xf32>
    %add3A_882 = arith.addf %mul3A_880, %add3A_881 : vector<512x128xf32>
    %slice3A_883 = vector.extract_strided_slice %dot_general3A_31 {offsets = [0, 1], sizes = [512, 1], strides = [1, 1]} : vector<512x26xf32> to vector<512x1xf32>
    %floor3A_884 = math.floor %add3A_882 : vector<512x128xf32>
    %sub3A_885 = arith.subf %add3A_882, %floor3A_884 : vector<512x128xf32>
    %sub3A_886 = arith.constant 5.000000e-01 : f32
    %sub3A_887 = vector.broadcast %sub3A_886 : f32 to vector<512x128xf32>
    %sub3A_888 = arith.subf %sub3A_885, %sub3A_887 : vector<512x128xf32>
    %mul3A_889 = arith.mulf %sub3A_888, %sub3A_888 : vector<512x128xf32>
    %broadcast_in_dim3A_890 = arith.constant -57.115406 : f32
    %broadcast_in_dim3A_891 = vector.broadcast %broadcast_in_dim3A_890 : f32 to vector<512x128xf32>
    %mul3A_892 = arith.mulf %broadcast_in_dim3A_891, %mul3A_889 : vector<512x128xf32>
    %add3A_893 = arith.constant 78.3268509 : f32
    %add3A_894 = vector.broadcast %add3A_893 : f32 to vector<512x128xf32>
    %add3A_895 = arith.addf %mul3A_892, %add3A_894 : vector<512x128xf32>
    %mul3A_896 = arith.mulf %add3A_895, %mul3A_889 : vector<512x128xf32>
    %add3A_897 = arith.constant -41.1362343 : f32
    %add3A_898 = vector.broadcast %add3A_897 : f32 to vector<512x128xf32>
    %add3A_899 = arith.addf %mul3A_896, %add3A_898 : vector<512x128xf32>
    %mul3A_900 = arith.mulf %add3A_899, %mul3A_889 : vector<512x128xf32>
    %add3A_901 = arith.constant 6.27973032 : f32
    %add3A_902 = vector.broadcast %add3A_901 : f32 to vector<512x128xf32>
    %add3A_903 = arith.addf %mul3A_900, %add3A_902 : vector<512x128xf32>
    %mul3A_904 = arith.mulf %sub3A_888, %add3A_903 : vector<512x128xf32>
    %mul3A_905 = vector.broadcast %slice3A_883 : vector<512x1xf32> to vector<512x128xf32>
    %mul3A_906 = arith.mulf %mul3A_905, %mul3A_904 : vector<512x128xf32>
    %add3A_907 = arith.addf %add3A_876, %mul3A_906 : vector<512x128xf32>
    %slice3A_908 = vector.extract_strided_slice %convert_element_type3A_843 {offsets = [0, 2], sizes = [512, 1], strides = [1, 1]} : vector<512x26xf32> to vector<512x1xf32>
    %mul3A_909 = vector.broadcast %slice3A_908 : vector<512x1xf32> to vector<512x128xf32>
    %mul3A_910 = vector.broadcast %mul3A_8 : vector<1x128xf32> to vector<512x128xf32>
    %mul3A_911 = arith.mulf %mul3A_909, %mul3A_910 : vector<512x128xf32>
    %add3A_912 = vector.broadcast %select_n3A : vector<1x128xf32> to vector<512x128xf32>
    %add3A_913 = arith.addf %mul3A_911, %add3A_912 : vector<512x128xf32>
    %slice3A_914 = vector.extract_strided_slice %dot_general3A_31 {offsets = [0, 2], sizes = [512, 1], strides = [1, 1]} : vector<512x26xf32> to vector<512x1xf32>
    %floor3A_915 = math.floor %add3A_913 : vector<512x128xf32>
    %sub3A_916 = arith.subf %add3A_913, %floor3A_915 : vector<512x128xf32>
    %sub3A_917 = arith.constant 5.000000e-01 : f32
    %sub3A_918 = vector.broadcast %sub3A_917 : f32 to vector<512x128xf32>
    %sub3A_919 = arith.subf %sub3A_916, %sub3A_918 : vector<512x128xf32>
    %mul3A_920 = arith.mulf %sub3A_919, %sub3A_919 : vector<512x128xf32>
    %broadcast_in_dim3A_921 = arith.constant -57.115406 : f32
    %broadcast_in_dim3A_922 = vector.broadcast %broadcast_in_dim3A_921 : f32 to vector<512x128xf32>
    %mul3A_923 = arith.mulf %broadcast_in_dim3A_922, %mul3A_920 : vector<512x128xf32>
    %add3A_924 = arith.constant 78.3268509 : f32
    %add3A_925 = vector.broadcast %add3A_924 : f32 to vector<512x128xf32>
    %add3A_926 = arith.addf %mul3A_923, %add3A_925 : vector<512x128xf32>
    %mul3A_927 = arith.mulf %add3A_926, %mul3A_920 : vector<512x128xf32>
    %add3A_928 = arith.constant -41.1362343 : f32
    %add3A_929 = vector.broadcast %add3A_928 : f32 to vector<512x128xf32>
    %add3A_930 = arith.addf %mul3A_927, %add3A_929 : vector<512x128xf32>
    %mul3A_931 = arith.mulf %add3A_930, %mul3A_920 : vector<512x128xf32>
    %add3A_932 = arith.constant 6.27973032 : f32
    %add3A_933 = vector.broadcast %add3A_932 : f32 to vector<512x128xf32>
    %add3A_934 = arith.addf %mul3A_931, %add3A_933 : vector<512x128xf32>
    %mul3A_935 = arith.mulf %sub3A_919, %add3A_934 : vector<512x128xf32>
    %mul3A_936 = vector.broadcast %slice3A_914 : vector<512x1xf32> to vector<512x128xf32>
    %mul3A_937 = arith.mulf %mul3A_936, %mul3A_935 : vector<512x128xf32>
    %add3A_938 = arith.addf %add3A_907, %mul3A_937 : vector<512x128xf32>
    %slice3A_939 = vector.extract_strided_slice %convert_element_type3A_843 {offsets = [0, 3], sizes = [512, 1], strides = [1, 1]} : vector<512x26xf32> to vector<512x1xf32>
    %mul3A_940 = vector.broadcast %slice3A_939 : vector<512x1xf32> to vector<512x128xf32>
    %mul3A_941 = vector.broadcast %mul3A_8 : vector<1x128xf32> to vector<512x128xf32>
    %mul3A_942 = arith.mulf %mul3A_940, %mul3A_941 : vector<512x128xf32>
    %add3A_943 = vector.broadcast %select_n3A : vector<1x128xf32> to vector<512x128xf32>
    %add3A_944 = arith.addf %mul3A_942, %add3A_943 : vector<512x128xf32>
    %slice3A_945 = vector.extract_strided_slice %dot_general3A_31 {offsets = [0, 3], sizes = [512, 1], strides = [1, 1]} : vector<512x26xf32> to vector<512x1xf32>
    %floor3A_946 = math.floor %add3A_944 : vector<512x128xf32>
    %sub3A_947 = arith.subf %add3A_944, %floor3A_946 : vector<512x128xf32>
    %sub3A_948 = arith.constant 5.000000e-01 : f32
    %sub3A_949 = vector.broadcast %sub3A_948 : f32 to vector<512x128xf32>
    %sub3A_950 = arith.subf %sub3A_947, %sub3A_949 : vector<512x128xf32>
    %mul3A_951 = arith.mulf %sub3A_950, %sub3A_950 : vector<512x128xf32>
    %broadcast_in_dim3A_952 = arith.constant -57.115406 : f32
    %broadcast_in_dim3A_953 = vector.broadcast %broadcast_in_dim3A_952 : f32 to vector<512x128xf32>
    %mul3A_954 = arith.mulf %broadcast_in_dim3A_953, %mul3A_951 : vector<512x128xf32>
    %add3A_955 = arith.constant 78.3268509 : f32
    %add3A_956 = vector.broadcast %add3A_955 : f32 to vector<512x128xf32>
    %add3A_957 = arith.addf %mul3A_954, %add3A_956 : vector<512x128xf32>
    %mul3A_958 = arith.mulf %add3A_957, %mul3A_951 : vector<512x128xf32>
    %add3A_959 = arith.constant -41.1362343 : f32
    %add3A_960 = vector.broadcast %add3A_959 : f32 to vector<512x128xf32>
    %add3A_961 = arith.addf %mul3A_958, %add3A_960 : vector<512x128xf32>
    %mul3A_962 = arith.mulf %add3A_961, %mul3A_951 : vector<512x128xf32>
    %add3A_963 = arith.constant 6.27973032 : f32
    %add3A_964 = vector.broadcast %add3A_963 : f32 to vector<512x128xf32>
    %add3A_965 = arith.addf %mul3A_962, %add3A_964 : vector<512x128xf32>
    %mul3A_966 = arith.mulf %sub3A_950, %add3A_965 : vector<512x128xf32>
    %mul3A_967 = vector.broadcast %slice3A_945 : vector<512x1xf32> to vector<512x128xf32>
    %mul3A_968 = arith.mulf %mul3A_967, %mul3A_966 : vector<512x128xf32>
    %add3A_969 = arith.addf %add3A_938, %mul3A_968 : vector<512x128xf32>
    %slice3A_970 = vector.extract_strided_slice %convert_element_type3A_843 {offsets = [0, 4], sizes = [512, 1], strides = [1, 1]} : vector<512x26xf32> to vector<512x1xf32>
    %mul3A_971 = vector.broadcast %slice3A_970 : vector<512x1xf32> to vector<512x128xf32>
    %mul3A_972 = vector.broadcast %mul3A_8 : vector<1x128xf32> to vector<512x128xf32>
    %mul3A_973 = arith.mulf %mul3A_971, %mul3A_972 : vector<512x128xf32>
    %add3A_974 = vector.broadcast %select_n3A : vector<1x128xf32> to vector<512x128xf32>
    %add3A_975 = arith.addf %mul3A_973, %add3A_974 : vector<512x128xf32>
    %slice3A_976 = vector.extract_strided_slice %dot_general3A_31 {offsets = [0, 4], sizes = [512, 1], strides = [1, 1]} : vector<512x26xf32> to vector<512x1xf32>
    %floor3A_977 = math.floor %add3A_975 : vector<512x128xf32>
    %sub3A_978 = arith.subf %add3A_975, %floor3A_977 : vector<512x128xf32>
    %sub3A_979 = arith.constant 5.000000e-01 : f32
    %sub3A_980 = vector.broadcast %sub3A_979 : f32 to vector<512x128xf32>
    %sub3A_981 = arith.subf %sub3A_978, %sub3A_980 : vector<512x128xf32>
    %mul3A_982 = arith.mulf %sub3A_981, %sub3A_981 : vector<512x128xf32>
    %broadcast_in_dim3A_983 = arith.constant -57.115406 : f32
    %broadcast_in_dim3A_984 = vector.broadcast %broadcast_in_dim3A_983 : f32 to vector<512x128xf32>
    %mul3A_985 = arith.mulf %broadcast_in_dim3A_984, %mul3A_982 : vector<512x128xf32>
    %add3A_986 = arith.constant 78.3268509 : f32
    %add3A_987 = vector.broadcast %add3A_986 : f32 to vector<512x128xf32>
    %add3A_988 = arith.addf %mul3A_985, %add3A_987 : vector<512x128xf32>
    %mul3A_989 = arith.mulf %add3A_988, %mul3A_982 : vector<512x128xf32>
    %add3A_990 = arith.constant -41.1362343 : f32
    %add3A_991 = vector.broadcast %add3A_990 : f32 to vector<512x128xf32>
    %add3A_992 = arith.addf %mul3A_989, %add3A_991 : vector<512x128xf32>
    %mul3A_993 = arith.mulf %add3A_992, %mul3A_982 : vector<512x128xf32>
    %add3A_994 = arith.constant 6.27973032 : f32
    %add3A_995 = vector.broadcast %add3A_994 : f32 to vector<512x128xf32>
    %add3A_996 = arith.addf %mul3A_993, %add3A_995 : vector<512x128xf32>
    %mul3A_997 = arith.mulf %sub3A_981, %add3A_996 : vector<512x128xf32>
    %mul3A_998 = vector.broadcast %slice3A_976 : vector<512x1xf32> to vector<512x128xf32>
    %mul3A_999 = arith.mulf %mul3A_998, %mul3A_997 : vector<512x128xf32>
    %add3A_1000 = arith.addf %add3A_969, %mul3A_999 : vector<512x128xf32>
    %slice3A_1001 = vector.extract_strided_slice %convert_element_type3A_843 {offsets = [0, 5], sizes = [512, 1], strides = [1, 1]} : vector<512x26xf32> to vector<512x1xf32>
    %mul3A_1002 = vector.broadcast %slice3A_1001 : vector<512x1xf32> to vector<512x128xf32>
    %mul3A_1003 = vector.broadcast %mul3A_8 : vector<1x128xf32> to vector<512x128xf32>
    %mul3A_1004 = arith.mulf %mul3A_1002, %mul3A_1003 : vector<512x128xf32>
    %add3A_1005 = vector.broadcast %select_n3A : vector<1x128xf32> to vector<512x128xf32>
    %add3A_1006 = arith.addf %mul3A_1004, %add3A_1005 : vector<512x128xf32>
    %slice3A_1007 = vector.extract_strided_slice %dot_general3A_31 {offsets = [0, 5], sizes = [512, 1], strides = [1, 1]} : vector<512x26xf32> to vector<512x1xf32>
    %floor3A_1008 = math.floor %add3A_1006 : vector<512x128xf32>
    %sub3A_1009 = arith.subf %add3A_1006, %floor3A_1008 : vector<512x128xf32>
    %sub3A_1010 = arith.constant 5.000000e-01 : f32
    %sub3A_1011 = vector.broadcast %sub3A_1010 : f32 to vector<512x128xf32>
    %sub3A_1012 = arith.subf %sub3A_1009, %sub3A_1011 : vector<512x128xf32>
    %mul3A_1013 = arith.mulf %sub3A_1012, %sub3A_1012 : vector<512x128xf32>
    %broadcast_in_dim3A_1014 = arith.constant -57.115406 : f32
    %broadcast_in_dim3A_1015 = vector.broadcast %broadcast_in_dim3A_1014 : f32 to vector<512x128xf32>
    %mul3A_1016 = arith.mulf %broadcast_in_dim3A_1015, %mul3A_1013 : vector<512x128xf32>
    %add3A_1017 = arith.constant 78.3268509 : f32
    %add3A_1018 = vector.broadcast %add3A_1017 : f32 to vector<512x128xf32>
    %add3A_1019 = arith.addf %mul3A_1016, %add3A_1018 : vector<512x128xf32>
    %mul3A_1020 = arith.mulf %add3A_1019, %mul3A_1013 : vector<512x128xf32>
    %add3A_1021 = arith.constant -41.1362343 : f32
    %add3A_1022 = vector.broadcast %add3A_1021 : f32 to vector<512x128xf32>
    %add3A_1023 = arith.addf %mul3A_1020, %add3A_1022 : vector<512x128xf32>
    %mul3A_1024 = arith.mulf %add3A_1023, %mul3A_1013 : vector<512x128xf32>
    %add3A_1025 = arith.constant 6.27973032 : f32
    %add3A_1026 = vector.broadcast %add3A_1025 : f32 to vector<512x128xf32>
    %add3A_1027 = arith.addf %mul3A_1024, %add3A_1026 : vector<512x128xf32>
    %mul3A_1028 = arith.mulf %sub3A_1012, %add3A_1027 : vector<512x128xf32>
    %mul3A_1029 = vector.broadcast %slice3A_1007 : vector<512x1xf32> to vector<512x128xf32>
    %mul3A_1030 = arith.mulf %mul3A_1029, %mul3A_1028 : vector<512x128xf32>
    %add3A_1031 = arith.addf %add3A_1000, %mul3A_1030 : vector<512x128xf32>
    %slice3A_1032 = vector.extract_strided_slice %convert_element_type3A_843 {offsets = [0, 6], sizes = [512, 1], strides = [1, 1]} : vector<512x26xf32> to vector<512x1xf32>
    %mul3A_1033 = vector.broadcast %slice3A_1032 : vector<512x1xf32> to vector<512x128xf32>
    %mul3A_1034 = vector.broadcast %mul3A_8 : vector<1x128xf32> to vector<512x128xf32>
    %mul3A_1035 = arith.mulf %mul3A_1033, %mul3A_1034 : vector<512x128xf32>
    %add3A_1036 = vector.broadcast %select_n3A : vector<1x128xf32> to vector<512x128xf32>
    %add3A_1037 = arith.addf %mul3A_1035, %add3A_1036 : vector<512x128xf32>
    %slice3A_1038 = vector.extract_strided_slice %dot_general3A_31 {offsets = [0, 6], sizes = [512, 1], strides = [1, 1]} : vector<512x26xf32> to vector<512x1xf32>
    %floor3A_1039 = math.floor %add3A_1037 : vector<512x128xf32>
    %sub3A_1040 = arith.subf %add3A_1037, %floor3A_1039 : vector<512x128xf32>
    %sub3A_1041 = arith.constant 5.000000e-01 : f32
    %sub3A_1042 = vector.broadcast %sub3A_1041 : f32 to vector<512x128xf32>
    %sub3A_1043 = arith.subf %sub3A_1040, %sub3A_1042 : vector<512x128xf32>
    %mul3A_1044 = arith.mulf %sub3A_1043, %sub3A_1043 : vector<512x128xf32>
    %broadcast_in_dim3A_1045 = arith.constant -57.115406 : f32
    %broadcast_in_dim3A_1046 = vector.broadcast %broadcast_in_dim3A_1045 : f32 to vector<512x128xf32>
    %mul3A_1047 = arith.mulf %broadcast_in_dim3A_1046, %mul3A_1044 : vector<512x128xf32>
    %add3A_1048 = arith.constant 78.3268509 : f32
    %add3A_1049 = vector.broadcast %add3A_1048 : f32 to vector<512x128xf32>
    %add3A_1050 = arith.addf %mul3A_1047, %add3A_1049 : vector<512x128xf32>
    %mul3A_1051 = arith.mulf %add3A_1050, %mul3A_1044 : vector<512x128xf32>
    %add3A_1052 = arith.constant -41.1362343 : f32
    %add3A_1053 = vector.broadcast %add3A_1052 : f32 to vector<512x128xf32>
    %add3A_1054 = arith.addf %mul3A_1051, %add3A_1053 : vector<512x128xf32>
    %mul3A_1055 = arith.mulf %add3A_1054, %mul3A_1044 : vector<512x128xf32>
    %add3A_1056 = arith.constant 6.27973032 : f32
    %add3A_1057 = vector.broadcast %add3A_1056 : f32 to vector<512x128xf32>
    %add3A_1058 = arith.addf %mul3A_1055, %add3A_1057 : vector<512x128xf32>
    %mul3A_1059 = arith.mulf %sub3A_1043, %add3A_1058 : vector<512x128xf32>
    %mul3A_1060 = vector.broadcast %slice3A_1038 : vector<512x1xf32> to vector<512x128xf32>
    %mul3A_1061 = arith.mulf %mul3A_1060, %mul3A_1059 : vector<512x128xf32>
    %add3A_1062 = arith.addf %add3A_1031, %mul3A_1061 : vector<512x128xf32>
    %slice3A_1063 = vector.extract_strided_slice %convert_element_type3A_843 {offsets = [0, 7], sizes = [512, 1], strides = [1, 1]} : vector<512x26xf32> to vector<512x1xf32>
    %mul3A_1064 = vector.broadcast %slice3A_1063 : vector<512x1xf32> to vector<512x128xf32>
    %mul3A_1065 = vector.broadcast %mul3A_8 : vector<1x128xf32> to vector<512x128xf32>
    %mul3A_1066 = arith.mulf %mul3A_1064, %mul3A_1065 : vector<512x128xf32>
    %add3A_1067 = vector.broadcast %select_n3A : vector<1x128xf32> to vector<512x128xf32>
    %add3A_1068 = arith.addf %mul3A_1066, %add3A_1067 : vector<512x128xf32>
    %slice3A_1069 = vector.extract_strided_slice %dot_general3A_31 {offsets = [0, 7], sizes = [512, 1], strides = [1, 1]} : vector<512x26xf32> to vector<512x1xf32>
    %floor3A_1070 = math.floor %add3A_1068 : vector<512x128xf32>
    %sub3A_1071 = arith.subf %add3A_1068, %floor3A_1070 : vector<512x128xf32>
    %sub3A_1072 = arith.constant 5.000000e-01 : f32
    %sub3A_1073 = vector.broadcast %sub3A_1072 : f32 to vector<512x128xf32>
    %sub3A_1074 = arith.subf %sub3A_1071, %sub3A_1073 : vector<512x128xf32>
    %mul3A_1075 = arith.mulf %sub3A_1074, %sub3A_1074 : vector<512x128xf32>
    %broadcast_in_dim3A_1076 = arith.constant -57.115406 : f32
    %broadcast_in_dim3A_1077 = vector.broadcast %broadcast_in_dim3A_1076 : f32 to vector<512x128xf32>
    %mul3A_1078 = arith.mulf %broadcast_in_dim3A_1077, %mul3A_1075 : vector<512x128xf32>
    %add3A_1079 = arith.constant 78.3268509 : f32
    %add3A_1080 = vector.broadcast %add3A_1079 : f32 to vector<512x128xf32>
    %add3A_1081 = arith.addf %mul3A_1078, %add3A_1080 : vector<512x128xf32>
    %mul3A_1082 = arith.mulf %add3A_1081, %mul3A_1075 : vector<512x128xf32>
    %add3A_1083 = arith.constant -41.1362343 : f32
    %add3A_1084 = vector.broadcast %add3A_1083 : f32 to vector<512x128xf32>
    %add3A_1085 = arith.addf %mul3A_1082, %add3A_1084 : vector<512x128xf32>
    %mul3A_1086 = arith.mulf %add3A_1085, %mul3A_1075 : vector<512x128xf32>
    %add3A_1087 = arith.constant 6.27973032 : f32
    %add3A_1088 = vector.broadcast %add3A_1087 : f32 to vector<512x128xf32>
    %add3A_1089 = arith.addf %mul3A_1086, %add3A_1088 : vector<512x128xf32>
    %mul3A_1090 = arith.mulf %sub3A_1074, %add3A_1089 : vector<512x128xf32>
    %mul3A_1091 = vector.broadcast %slice3A_1069 : vector<512x1xf32> to vector<512x128xf32>
    %mul3A_1092 = arith.mulf %mul3A_1091, %mul3A_1090 : vector<512x128xf32>
    %add3A_1093 = arith.addf %add3A_1062, %mul3A_1092 : vector<512x128xf32>
    %slice3A_1094 = vector.extract_strided_slice %convert_element_type3A_843 {offsets = [0, 8], sizes = [512, 1], strides = [1, 1]} : vector<512x26xf32> to vector<512x1xf32>
    %mul3A_1095 = vector.broadcast %slice3A_1094 : vector<512x1xf32> to vector<512x128xf32>
    %mul3A_1096 = vector.broadcast %mul3A_8 : vector<1x128xf32> to vector<512x128xf32>
    %mul3A_1097 = arith.mulf %mul3A_1095, %mul3A_1096 : vector<512x128xf32>
    %add3A_1098 = vector.broadcast %select_n3A : vector<1x128xf32> to vector<512x128xf32>
    %add3A_1099 = arith.addf %mul3A_1097, %add3A_1098 : vector<512x128xf32>
    %slice3A_1100 = vector.extract_strided_slice %dot_general3A_31 {offsets = [0, 8], sizes = [512, 1], strides = [1, 1]} : vector<512x26xf32> to vector<512x1xf32>
    %floor3A_1101 = math.floor %add3A_1099 : vector<512x128xf32>
    %sub3A_1102 = arith.subf %add3A_1099, %floor3A_1101 : vector<512x128xf32>
    %sub3A_1103 = arith.constant 5.000000e-01 : f32
    %sub3A_1104 = vector.broadcast %sub3A_1103 : f32 to vector<512x128xf32>
    %sub3A_1105 = arith.subf %sub3A_1102, %sub3A_1104 : vector<512x128xf32>
    %mul3A_1106 = arith.mulf %sub3A_1105, %sub3A_1105 : vector<512x128xf32>
    %broadcast_in_dim3A_1107 = arith.constant -57.115406 : f32
    %broadcast_in_dim3A_1108 = vector.broadcast %broadcast_in_dim3A_1107 : f32 to vector<512x128xf32>
    %mul3A_1109 = arith.mulf %broadcast_in_dim3A_1108, %mul3A_1106 : vector<512x128xf32>
    %add3A_1110 = arith.constant 78.3268509 : f32
    %add3A_1111 = vector.broadcast %add3A_1110 : f32 to vector<512x128xf32>
    %add3A_1112 = arith.addf %mul3A_1109, %add3A_1111 : vector<512x128xf32>
    %mul3A_1113 = arith.mulf %add3A_1112, %mul3A_1106 : vector<512x128xf32>
    %add3A_1114 = arith.constant -41.1362343 : f32
    %add3A_1115 = vector.broadcast %add3A_1114 : f32 to vector<512x128xf32>
    %add3A_1116 = arith.addf %mul3A_1113, %add3A_1115 : vector<512x128xf32>
    %mul3A_1117 = arith.mulf %add3A_1116, %mul3A_1106 : vector<512x128xf32>
    %add3A_1118 = arith.constant 6.27973032 : f32
    %add3A_1119 = vector.broadcast %add3A_1118 : f32 to vector<512x128xf32>
    %add3A_1120 = arith.addf %mul3A_1117, %add3A_1119 : vector<512x128xf32>
    %mul3A_1121 = arith.mulf %sub3A_1105, %add3A_1120 : vector<512x128xf32>
    %mul3A_1122 = vector.broadcast %slice3A_1100 : vector<512x1xf32> to vector<512x128xf32>
    %mul3A_1123 = arith.mulf %mul3A_1122, %mul3A_1121 : vector<512x128xf32>
    %add3A_1124 = arith.addf %add3A_1093, %mul3A_1123 : vector<512x128xf32>
    %slice3A_1125 = vector.extract_strided_slice %convert_element_type3A_843 {offsets = [0, 9], sizes = [512, 1], strides = [1, 1]} : vector<512x26xf32> to vector<512x1xf32>
    %mul3A_1126 = vector.broadcast %slice3A_1125 : vector<512x1xf32> to vector<512x128xf32>
    %mul3A_1127 = vector.broadcast %mul3A_8 : vector<1x128xf32> to vector<512x128xf32>
    %mul3A_1128 = arith.mulf %mul3A_1126, %mul3A_1127 : vector<512x128xf32>
    %add3A_1129 = vector.broadcast %select_n3A : vector<1x128xf32> to vector<512x128xf32>
    %add3A_1130 = arith.addf %mul3A_1128, %add3A_1129 : vector<512x128xf32>
    %slice3A_1131 = vector.extract_strided_slice %dot_general3A_31 {offsets = [0, 9], sizes = [512, 1], strides = [1, 1]} : vector<512x26xf32> to vector<512x1xf32>
    %floor3A_1132 = math.floor %add3A_1130 : vector<512x128xf32>
    %sub3A_1133 = arith.subf %add3A_1130, %floor3A_1132 : vector<512x128xf32>
    %sub3A_1134 = arith.constant 5.000000e-01 : f32
    %sub3A_1135 = vector.broadcast %sub3A_1134 : f32 to vector<512x128xf32>
    %sub3A_1136 = arith.subf %sub3A_1133, %sub3A_1135 : vector<512x128xf32>
    %mul3A_1137 = arith.mulf %sub3A_1136, %sub3A_1136 : vector<512x128xf32>
    %broadcast_in_dim3A_1138 = arith.constant -57.115406 : f32
    %broadcast_in_dim3A_1139 = vector.broadcast %broadcast_in_dim3A_1138 : f32 to vector<512x128xf32>
    %mul3A_1140 = arith.mulf %broadcast_in_dim3A_1139, %mul3A_1137 : vector<512x128xf32>
    %add3A_1141 = arith.constant 78.3268509 : f32
    %add3A_1142 = vector.broadcast %add3A_1141 : f32 to vector<512x128xf32>
    %add3A_1143 = arith.addf %mul3A_1140, %add3A_1142 : vector<512x128xf32>
    %mul3A_1144 = arith.mulf %add3A_1143, %mul3A_1137 : vector<512x128xf32>
    %add3A_1145 = arith.constant -41.1362343 : f32
    %add3A_1146 = vector.broadcast %add3A_1145 : f32 to vector<512x128xf32>
    %add3A_1147 = arith.addf %mul3A_1144, %add3A_1146 : vector<512x128xf32>
    %mul3A_1148 = arith.mulf %add3A_1147, %mul3A_1137 : vector<512x128xf32>
    %add3A_1149 = arith.constant 6.27973032 : f32
    %add3A_1150 = vector.broadcast %add3A_1149 : f32 to vector<512x128xf32>
    %add3A_1151 = arith.addf %mul3A_1148, %add3A_1150 : vector<512x128xf32>
    %mul3A_1152 = arith.mulf %sub3A_1136, %add3A_1151 : vector<512x128xf32>
    %mul3A_1153 = vector.broadcast %slice3A_1131 : vector<512x1xf32> to vector<512x128xf32>
    %mul3A_1154 = arith.mulf %mul3A_1153, %mul3A_1152 : vector<512x128xf32>
    %add3A_1155 = arith.addf %add3A_1124, %mul3A_1154 : vector<512x128xf32>
    %slice3A_1156 = vector.extract_strided_slice %convert_element_type3A_843 {offsets = [0, 10], sizes = [512, 1], strides = [1, 1]} : vector<512x26xf32> to vector<512x1xf32>
    %mul3A_1157 = vector.broadcast %slice3A_1156 : vector<512x1xf32> to vector<512x128xf32>
    %mul3A_1158 = vector.broadcast %mul3A_8 : vector<1x128xf32> to vector<512x128xf32>
    %mul3A_1159 = arith.mulf %mul3A_1157, %mul3A_1158 : vector<512x128xf32>
    %add3A_1160 = vector.broadcast %select_n3A : vector<1x128xf32> to vector<512x128xf32>
    %add3A_1161 = arith.addf %mul3A_1159, %add3A_1160 : vector<512x128xf32>
    %slice3A_1162 = vector.extract_strided_slice %dot_general3A_31 {offsets = [0, 10], sizes = [512, 1], strides = [1, 1]} : vector<512x26xf32> to vector<512x1xf32>
    %floor3A_1163 = math.floor %add3A_1161 : vector<512x128xf32>
    %sub3A_1164 = arith.subf %add3A_1161, %floor3A_1163 : vector<512x128xf32>
    %sub3A_1165 = arith.constant 5.000000e-01 : f32
    %sub3A_1166 = vector.broadcast %sub3A_1165 : f32 to vector<512x128xf32>
    %sub3A_1167 = arith.subf %sub3A_1164, %sub3A_1166 : vector<512x128xf32>
    %mul3A_1168 = arith.mulf %sub3A_1167, %sub3A_1167 : vector<512x128xf32>
    %broadcast_in_dim3A_1169 = arith.constant -57.115406 : f32
    %broadcast_in_dim3A_1170 = vector.broadcast %broadcast_in_dim3A_1169 : f32 to vector<512x128xf32>
    %mul3A_1171 = arith.mulf %broadcast_in_dim3A_1170, %mul3A_1168 : vector<512x128xf32>
    %add3A_1172 = arith.constant 78.3268509 : f32
    %add3A_1173 = vector.broadcast %add3A_1172 : f32 to vector<512x128xf32>
    %add3A_1174 = arith.addf %mul3A_1171, %add3A_1173 : vector<512x128xf32>
    %mul3A_1175 = arith.mulf %add3A_1174, %mul3A_1168 : vector<512x128xf32>
    %add3A_1176 = arith.constant -41.1362343 : f32
    %add3A_1177 = vector.broadcast %add3A_1176 : f32 to vector<512x128xf32>
    %add3A_1178 = arith.addf %mul3A_1175, %add3A_1177 : vector<512x128xf32>
    %mul3A_1179 = arith.mulf %add3A_1178, %mul3A_1168 : vector<512x128xf32>
    %add3A_1180 = arith.constant 6.27973032 : f32
    %add3A_1181 = vector.broadcast %add3A_1180 : f32 to vector<512x128xf32>
    %add3A_1182 = arith.addf %mul3A_1179, %add3A_1181 : vector<512x128xf32>
    %mul3A_1183 = arith.mulf %sub3A_1167, %add3A_1182 : vector<512x128xf32>
    %mul3A_1184 = vector.broadcast %slice3A_1162 : vector<512x1xf32> to vector<512x128xf32>
    %mul3A_1185 = arith.mulf %mul3A_1184, %mul3A_1183 : vector<512x128xf32>
    %add3A_1186 = arith.addf %add3A_1155, %mul3A_1185 : vector<512x128xf32>
    %slice3A_1187 = vector.extract_strided_slice %convert_element_type3A_843 {offsets = [0, 11], sizes = [512, 1], strides = [1, 1]} : vector<512x26xf32> to vector<512x1xf32>
    %mul3A_1188 = vector.broadcast %slice3A_1187 : vector<512x1xf32> to vector<512x128xf32>
    %mul3A_1189 = vector.broadcast %mul3A_8 : vector<1x128xf32> to vector<512x128xf32>
    %mul3A_1190 = arith.mulf %mul3A_1188, %mul3A_1189 : vector<512x128xf32>
    %add3A_1191 = vector.broadcast %select_n3A : vector<1x128xf32> to vector<512x128xf32>
    %add3A_1192 = arith.addf %mul3A_1190, %add3A_1191 : vector<512x128xf32>
    %slice3A_1193 = vector.extract_strided_slice %dot_general3A_31 {offsets = [0, 11], sizes = [512, 1], strides = [1, 1]} : vector<512x26xf32> to vector<512x1xf32>
    %floor3A_1194 = math.floor %add3A_1192 : vector<512x128xf32>
    %sub3A_1195 = arith.subf %add3A_1192, %floor3A_1194 : vector<512x128xf32>
    %sub3A_1196 = arith.constant 5.000000e-01 : f32
    %sub3A_1197 = vector.broadcast %sub3A_1196 : f32 to vector<512x128xf32>
    %sub3A_1198 = arith.subf %sub3A_1195, %sub3A_1197 : vector<512x128xf32>
    %mul3A_1199 = arith.mulf %sub3A_1198, %sub3A_1198 : vector<512x128xf32>
    %broadcast_in_dim3A_1200 = arith.constant -57.115406 : f32
    %broadcast_in_dim3A_1201 = vector.broadcast %broadcast_in_dim3A_1200 : f32 to vector<512x128xf32>
    %mul3A_1202 = arith.mulf %broadcast_in_dim3A_1201, %mul3A_1199 : vector<512x128xf32>
    %add3A_1203 = arith.constant 78.3268509 : f32
    %add3A_1204 = vector.broadcast %add3A_1203 : f32 to vector<512x128xf32>
    %add3A_1205 = arith.addf %mul3A_1202, %add3A_1204 : vector<512x128xf32>
    %mul3A_1206 = arith.mulf %add3A_1205, %mul3A_1199 : vector<512x128xf32>
    %add3A_1207 = arith.constant -41.1362343 : f32
    %add3A_1208 = vector.broadcast %add3A_1207 : f32 to vector<512x128xf32>
    %add3A_1209 = arith.addf %mul3A_1206, %add3A_1208 : vector<512x128xf32>
    %mul3A_1210 = arith.mulf %add3A_1209, %mul3A_1199 : vector<512x128xf32>
    %add3A_1211 = arith.constant 6.27973032 : f32
    %add3A_1212 = vector.broadcast %add3A_1211 : f32 to vector<512x128xf32>
    %add3A_1213 = arith.addf %mul3A_1210, %add3A_1212 : vector<512x128xf32>
    %mul3A_1214 = arith.mulf %sub3A_1198, %add3A_1213 : vector<512x128xf32>
    %mul3A_1215 = vector.broadcast %slice3A_1193 : vector<512x1xf32> to vector<512x128xf32>
    %mul3A_1216 = arith.mulf %mul3A_1215, %mul3A_1214 : vector<512x128xf32>
    %add3A_1217 = arith.addf %add3A_1186, %mul3A_1216 : vector<512x128xf32>
    %slice3A_1218 = vector.extract_strided_slice %convert_element_type3A_843 {offsets = [0, 12], sizes = [512, 1], strides = [1, 1]} : vector<512x26xf32> to vector<512x1xf32>
    %mul3A_1219 = vector.broadcast %slice3A_1218 : vector<512x1xf32> to vector<512x128xf32>
    %mul3A_1220 = vector.broadcast %mul3A_8 : vector<1x128xf32> to vector<512x128xf32>
    %mul3A_1221 = arith.mulf %mul3A_1219, %mul3A_1220 : vector<512x128xf32>
    %add3A_1222 = vector.broadcast %select_n3A : vector<1x128xf32> to vector<512x128xf32>
    %add3A_1223 = arith.addf %mul3A_1221, %add3A_1222 : vector<512x128xf32>
    %slice3A_1224 = vector.extract_strided_slice %dot_general3A_31 {offsets = [0, 12], sizes = [512, 1], strides = [1, 1]} : vector<512x26xf32> to vector<512x1xf32>
    %floor3A_1225 = math.floor %add3A_1223 : vector<512x128xf32>
    %sub3A_1226 = arith.subf %add3A_1223, %floor3A_1225 : vector<512x128xf32>
    %sub3A_1227 = arith.constant 5.000000e-01 : f32
    %sub3A_1228 = vector.broadcast %sub3A_1227 : f32 to vector<512x128xf32>
    %sub3A_1229 = arith.subf %sub3A_1226, %sub3A_1228 : vector<512x128xf32>
    %mul3A_1230 = arith.mulf %sub3A_1229, %sub3A_1229 : vector<512x128xf32>
    %broadcast_in_dim3A_1231 = arith.constant -57.115406 : f32
    %broadcast_in_dim3A_1232 = vector.broadcast %broadcast_in_dim3A_1231 : f32 to vector<512x128xf32>
    %mul3A_1233 = arith.mulf %broadcast_in_dim3A_1232, %mul3A_1230 : vector<512x128xf32>
    %add3A_1234 = arith.constant 78.3268509 : f32
    %add3A_1235 = vector.broadcast %add3A_1234 : f32 to vector<512x128xf32>
    %add3A_1236 = arith.addf %mul3A_1233, %add3A_1235 : vector<512x128xf32>
    %mul3A_1237 = arith.mulf %add3A_1236, %mul3A_1230 : vector<512x128xf32>
    %add3A_1238 = arith.constant -41.1362343 : f32
    %add3A_1239 = vector.broadcast %add3A_1238 : f32 to vector<512x128xf32>
    %add3A_1240 = arith.addf %mul3A_1237, %add3A_1239 : vector<512x128xf32>
    %mul3A_1241 = arith.mulf %add3A_1240, %mul3A_1230 : vector<512x128xf32>
    %add3A_1242 = arith.constant 6.27973032 : f32
    %add3A_1243 = vector.broadcast %add3A_1242 : f32 to vector<512x128xf32>
    %add3A_1244 = arith.addf %mul3A_1241, %add3A_1243 : vector<512x128xf32>
    %mul3A_1245 = arith.mulf %sub3A_1229, %add3A_1244 : vector<512x128xf32>
    %mul3A_1246 = vector.broadcast %slice3A_1224 : vector<512x1xf32> to vector<512x128xf32>
    %mul3A_1247 = arith.mulf %mul3A_1246, %mul3A_1245 : vector<512x128xf32>
    %add3A_1248 = arith.addf %add3A_1217, %mul3A_1247 : vector<512x128xf32>
    %slice3A_1249 = vector.extract_strided_slice %convert_element_type3A_843 {offsets = [0, 13], sizes = [512, 1], strides = [1, 1]} : vector<512x26xf32> to vector<512x1xf32>
    %mul3A_1250 = vector.broadcast %slice3A_1249 : vector<512x1xf32> to vector<512x128xf32>
    %mul3A_1251 = vector.broadcast %mul3A_8 : vector<1x128xf32> to vector<512x128xf32>
    %mul3A_1252 = arith.mulf %mul3A_1250, %mul3A_1251 : vector<512x128xf32>
    %add3A_1253 = vector.broadcast %select_n3A : vector<1x128xf32> to vector<512x128xf32>
    %add3A_1254 = arith.addf %mul3A_1252, %add3A_1253 : vector<512x128xf32>
    %slice3A_1255 = vector.extract_strided_slice %dot_general3A_31 {offsets = [0, 13], sizes = [512, 1], strides = [1, 1]} : vector<512x26xf32> to vector<512x1xf32>
    %floor3A_1256 = math.floor %add3A_1254 : vector<512x128xf32>
    %sub3A_1257 = arith.subf %add3A_1254, %floor3A_1256 : vector<512x128xf32>
    %sub3A_1258 = arith.constant 5.000000e-01 : f32
    %sub3A_1259 = vector.broadcast %sub3A_1258 : f32 to vector<512x128xf32>
    %sub3A_1260 = arith.subf %sub3A_1257, %sub3A_1259 : vector<512x128xf32>
    %mul3A_1261 = arith.mulf %sub3A_1260, %sub3A_1260 : vector<512x128xf32>
    %broadcast_in_dim3A_1262 = arith.constant -57.115406 : f32
    %broadcast_in_dim3A_1263 = vector.broadcast %broadcast_in_dim3A_1262 : f32 to vector<512x128xf32>
    %mul3A_1264 = arith.mulf %broadcast_in_dim3A_1263, %mul3A_1261 : vector<512x128xf32>
    %add3A_1265 = arith.constant 78.3268509 : f32
    %add3A_1266 = vector.broadcast %add3A_1265 : f32 to vector<512x128xf32>
    %add3A_1267 = arith.addf %mul3A_1264, %add3A_1266 : vector<512x128xf32>
    %mul3A_1268 = arith.mulf %add3A_1267, %mul3A_1261 : vector<512x128xf32>
    %add3A_1269 = arith.constant -41.1362343 : f32
    %add3A_1270 = vector.broadcast %add3A_1269 : f32 to vector<512x128xf32>
    %add3A_1271 = arith.addf %mul3A_1268, %add3A_1270 : vector<512x128xf32>
    %mul3A_1272 = arith.mulf %add3A_1271, %mul3A_1261 : vector<512x128xf32>
    %add3A_1273 = arith.constant 6.27973032 : f32
    %add3A_1274 = vector.broadcast %add3A_1273 : f32 to vector<512x128xf32>
    %add3A_1275 = arith.addf %mul3A_1272, %add3A_1274 : vector<512x128xf32>
    %mul3A_1276 = arith.mulf %sub3A_1260, %add3A_1275 : vector<512x128xf32>
    %mul3A_1277 = vector.broadcast %slice3A_1255 : vector<512x1xf32> to vector<512x128xf32>
    %mul3A_1278 = arith.mulf %mul3A_1277, %mul3A_1276 : vector<512x128xf32>
    %add3A_1279 = arith.addf %add3A_1248, %mul3A_1278 : vector<512x128xf32>
    %slice3A_1280 = vector.extract_strided_slice %convert_element_type3A_843 {offsets = [0, 14], sizes = [512, 1], strides = [1, 1]} : vector<512x26xf32> to vector<512x1xf32>
    %mul3A_1281 = vector.broadcast %slice3A_1280 : vector<512x1xf32> to vector<512x128xf32>
    %mul3A_1282 = vector.broadcast %mul3A_8 : vector<1x128xf32> to vector<512x128xf32>
    %mul3A_1283 = arith.mulf %mul3A_1281, %mul3A_1282 : vector<512x128xf32>
    %add3A_1284 = vector.broadcast %select_n3A : vector<1x128xf32> to vector<512x128xf32>
    %add3A_1285 = arith.addf %mul3A_1283, %add3A_1284 : vector<512x128xf32>
    %slice3A_1286 = vector.extract_strided_slice %dot_general3A_31 {offsets = [0, 14], sizes = [512, 1], strides = [1, 1]} : vector<512x26xf32> to vector<512x1xf32>
    %floor3A_1287 = math.floor %add3A_1285 : vector<512x128xf32>
    %sub3A_1288 = arith.subf %add3A_1285, %floor3A_1287 : vector<512x128xf32>
    %sub3A_1289 = arith.constant 5.000000e-01 : f32
    %sub3A_1290 = vector.broadcast %sub3A_1289 : f32 to vector<512x128xf32>
    %sub3A_1291 = arith.subf %sub3A_1288, %sub3A_1290 : vector<512x128xf32>
    %mul3A_1292 = arith.mulf %sub3A_1291, %sub3A_1291 : vector<512x128xf32>
    %broadcast_in_dim3A_1293 = arith.constant -57.115406 : f32
    %broadcast_in_dim3A_1294 = vector.broadcast %broadcast_in_dim3A_1293 : f32 to vector<512x128xf32>
    %mul3A_1295 = arith.mulf %broadcast_in_dim3A_1294, %mul3A_1292 : vector<512x128xf32>
    %add3A_1296 = arith.constant 78.3268509 : f32
    %add3A_1297 = vector.broadcast %add3A_1296 : f32 to vector<512x128xf32>
    %add3A_1298 = arith.addf %mul3A_1295, %add3A_1297 : vector<512x128xf32>
    %mul3A_1299 = arith.mulf %add3A_1298, %mul3A_1292 : vector<512x128xf32>
    %add3A_1300 = arith.constant -41.1362343 : f32
    %add3A_1301 = vector.broadcast %add3A_1300 : f32 to vector<512x128xf32>
    %add3A_1302 = arith.addf %mul3A_1299, %add3A_1301 : vector<512x128xf32>
    %mul3A_1303 = arith.mulf %add3A_1302, %mul3A_1292 : vector<512x128xf32>
    %add3A_1304 = arith.constant 6.27973032 : f32
    %add3A_1305 = vector.broadcast %add3A_1304 : f32 to vector<512x128xf32>
    %add3A_1306 = arith.addf %mul3A_1303, %add3A_1305 : vector<512x128xf32>
    %mul3A_1307 = arith.mulf %sub3A_1291, %add3A_1306 : vector<512x128xf32>
    %mul3A_1308 = vector.broadcast %slice3A_1286 : vector<512x1xf32> to vector<512x128xf32>
    %mul3A_1309 = arith.mulf %mul3A_1308, %mul3A_1307 : vector<512x128xf32>
    %add3A_1310 = arith.addf %add3A_1279, %mul3A_1309 : vector<512x128xf32>
    %slice3A_1311 = vector.extract_strided_slice %convert_element_type3A_843 {offsets = [0, 15], sizes = [512, 1], strides = [1, 1]} : vector<512x26xf32> to vector<512x1xf32>
    %mul3A_1312 = vector.broadcast %slice3A_1311 : vector<512x1xf32> to vector<512x128xf32>
    %mul3A_1313 = vector.broadcast %mul3A_8 : vector<1x128xf32> to vector<512x128xf32>
    %mul3A_1314 = arith.mulf %mul3A_1312, %mul3A_1313 : vector<512x128xf32>
    %add3A_1315 = vector.broadcast %select_n3A : vector<1x128xf32> to vector<512x128xf32>
    %add3A_1316 = arith.addf %mul3A_1314, %add3A_1315 : vector<512x128xf32>
    %slice3A_1317 = vector.extract_strided_slice %dot_general3A_31 {offsets = [0, 15], sizes = [512, 1], strides = [1, 1]} : vector<512x26xf32> to vector<512x1xf32>
    %floor3A_1318 = math.floor %add3A_1316 : vector<512x128xf32>
    %sub3A_1319 = arith.subf %add3A_1316, %floor3A_1318 : vector<512x128xf32>
    %sub3A_1320 = arith.constant 5.000000e-01 : f32
    %sub3A_1321 = vector.broadcast %sub3A_1320 : f32 to vector<512x128xf32>
    %sub3A_1322 = arith.subf %sub3A_1319, %sub3A_1321 : vector<512x128xf32>
    %mul3A_1323 = arith.mulf %sub3A_1322, %sub3A_1322 : vector<512x128xf32>
    %broadcast_in_dim3A_1324 = arith.constant -57.115406 : f32
    %broadcast_in_dim3A_1325 = vector.broadcast %broadcast_in_dim3A_1324 : f32 to vector<512x128xf32>
    %mul3A_1326 = arith.mulf %broadcast_in_dim3A_1325, %mul3A_1323 : vector<512x128xf32>
    %add3A_1327 = arith.constant 78.3268509 : f32
    %add3A_1328 = vector.broadcast %add3A_1327 : f32 to vector<512x128xf32>
    %add3A_1329 = arith.addf %mul3A_1326, %add3A_1328 : vector<512x128xf32>
    %mul3A_1330 = arith.mulf %add3A_1329, %mul3A_1323 : vector<512x128xf32>
    %add3A_1331 = arith.constant -41.1362343 : f32
    %add3A_1332 = vector.broadcast %add3A_1331 : f32 to vector<512x128xf32>
    %add3A_1333 = arith.addf %mul3A_1330, %add3A_1332 : vector<512x128xf32>
    %mul3A_1334 = arith.mulf %add3A_1333, %mul3A_1323 : vector<512x128xf32>
    %add3A_1335 = arith.constant 6.27973032 : f32
    %add3A_1336 = vector.broadcast %add3A_1335 : f32 to vector<512x128xf32>
    %add3A_1337 = arith.addf %mul3A_1334, %add3A_1336 : vector<512x128xf32>
    %mul3A_1338 = arith.mulf %sub3A_1322, %add3A_1337 : vector<512x128xf32>
    %mul3A_1339 = vector.broadcast %slice3A_1317 : vector<512x1xf32> to vector<512x128xf32>
    %mul3A_1340 = arith.mulf %mul3A_1339, %mul3A_1338 : vector<512x128xf32>
    %add3A_1341 = arith.addf %add3A_1310, %mul3A_1340 : vector<512x128xf32>
    %slice3A_1342 = vector.extract_strided_slice %convert_element_type3A_843 {offsets = [0, 16], sizes = [512, 1], strides = [1, 1]} : vector<512x26xf32> to vector<512x1xf32>
    %mul3A_1343 = vector.broadcast %slice3A_1342 : vector<512x1xf32> to vector<512x128xf32>
    %mul3A_1344 = vector.broadcast %mul3A_8 : vector<1x128xf32> to vector<512x128xf32>
    %mul3A_1345 = arith.mulf %mul3A_1343, %mul3A_1344 : vector<512x128xf32>
    %add3A_1346 = vector.broadcast %select_n3A : vector<1x128xf32> to vector<512x128xf32>
    %add3A_1347 = arith.addf %mul3A_1345, %add3A_1346 : vector<512x128xf32>
    %slice3A_1348 = vector.extract_strided_slice %dot_general3A_31 {offsets = [0, 16], sizes = [512, 1], strides = [1, 1]} : vector<512x26xf32> to vector<512x1xf32>
    %floor3A_1349 = math.floor %add3A_1347 : vector<512x128xf32>
    %sub3A_1350 = arith.subf %add3A_1347, %floor3A_1349 : vector<512x128xf32>
    %sub3A_1351 = arith.constant 5.000000e-01 : f32
    %sub3A_1352 = vector.broadcast %sub3A_1351 : f32 to vector<512x128xf32>
    %sub3A_1353 = arith.subf %sub3A_1350, %sub3A_1352 : vector<512x128xf32>
    %mul3A_1354 = arith.mulf %sub3A_1353, %sub3A_1353 : vector<512x128xf32>
    %broadcast_in_dim3A_1355 = arith.constant -57.115406 : f32
    %broadcast_in_dim3A_1356 = vector.broadcast %broadcast_in_dim3A_1355 : f32 to vector<512x128xf32>
    %mul3A_1357 = arith.mulf %broadcast_in_dim3A_1356, %mul3A_1354 : vector<512x128xf32>
    %add3A_1358 = arith.constant 78.3268509 : f32
    %add3A_1359 = vector.broadcast %add3A_1358 : f32 to vector<512x128xf32>
    %add3A_1360 = arith.addf %mul3A_1357, %add3A_1359 : vector<512x128xf32>
    %mul3A_1361 = arith.mulf %add3A_1360, %mul3A_1354 : vector<512x128xf32>
    %add3A_1362 = arith.constant -41.1362343 : f32
    %add3A_1363 = vector.broadcast %add3A_1362 : f32 to vector<512x128xf32>
    %add3A_1364 = arith.addf %mul3A_1361, %add3A_1363 : vector<512x128xf32>
    %mul3A_1365 = arith.mulf %add3A_1364, %mul3A_1354 : vector<512x128xf32>
    %add3A_1366 = arith.constant 6.27973032 : f32
    %add3A_1367 = vector.broadcast %add3A_1366 : f32 to vector<512x128xf32>
    %add3A_1368 = arith.addf %mul3A_1365, %add3A_1367 : vector<512x128xf32>
    %mul3A_1369 = arith.mulf %sub3A_1353, %add3A_1368 : vector<512x128xf32>
    %mul3A_1370 = vector.broadcast %slice3A_1348 : vector<512x1xf32> to vector<512x128xf32>
    %mul3A_1371 = arith.mulf %mul3A_1370, %mul3A_1369 : vector<512x128xf32>
    %add3A_1372 = arith.addf %add3A_1341, %mul3A_1371 : vector<512x128xf32>
    %slice3A_1373 = vector.extract_strided_slice %convert_element_type3A_843 {offsets = [0, 17], sizes = [512, 1], strides = [1, 1]} : vector<512x26xf32> to vector<512x1xf32>
    %mul3A_1374 = vector.broadcast %slice3A_1373 : vector<512x1xf32> to vector<512x128xf32>
    %mul3A_1375 = vector.broadcast %mul3A_8 : vector<1x128xf32> to vector<512x128xf32>
    %mul3A_1376 = arith.mulf %mul3A_1374, %mul3A_1375 : vector<512x128xf32>
    %add3A_1377 = vector.broadcast %select_n3A : vector<1x128xf32> to vector<512x128xf32>
    %add3A_1378 = arith.addf %mul3A_1376, %add3A_1377 : vector<512x128xf32>
    %slice3A_1379 = vector.extract_strided_slice %dot_general3A_31 {offsets = [0, 17], sizes = [512, 1], strides = [1, 1]} : vector<512x26xf32> to vector<512x1xf32>
    %floor3A_1380 = math.floor %add3A_1378 : vector<512x128xf32>
    %sub3A_1381 = arith.subf %add3A_1378, %floor3A_1380 : vector<512x128xf32>
    %sub3A_1382 = arith.constant 5.000000e-01 : f32
    %sub3A_1383 = vector.broadcast %sub3A_1382 : f32 to vector<512x128xf32>
    %sub3A_1384 = arith.subf %sub3A_1381, %sub3A_1383 : vector<512x128xf32>
    %mul3A_1385 = arith.mulf %sub3A_1384, %sub3A_1384 : vector<512x128xf32>
    %broadcast_in_dim3A_1386 = arith.constant -57.115406 : f32
    %broadcast_in_dim3A_1387 = vector.broadcast %broadcast_in_dim3A_1386 : f32 to vector<512x128xf32>
    %mul3A_1388 = arith.mulf %broadcast_in_dim3A_1387, %mul3A_1385 : vector<512x128xf32>
    %add3A_1389 = arith.constant 78.3268509 : f32
    %add3A_1390 = vector.broadcast %add3A_1389 : f32 to vector<512x128xf32>
    %add3A_1391 = arith.addf %mul3A_1388, %add3A_1390 : vector<512x128xf32>
    %mul3A_1392 = arith.mulf %add3A_1391, %mul3A_1385 : vector<512x128xf32>
    %add3A_1393 = arith.constant -41.1362343 : f32
    %add3A_1394 = vector.broadcast %add3A_1393 : f32 to vector<512x128xf32>
    %add3A_1395 = arith.addf %mul3A_1392, %add3A_1394 : vector<512x128xf32>
    %mul3A_1396 = arith.mulf %add3A_1395, %mul3A_1385 : vector<512x128xf32>
    %add3A_1397 = arith.constant 6.27973032 : f32
    %add3A_1398 = vector.broadcast %add3A_1397 : f32 to vector<512x128xf32>
    %add3A_1399 = arith.addf %mul3A_1396, %add3A_1398 : vector<512x128xf32>
    %mul3A_1400 = arith.mulf %sub3A_1384, %add3A_1399 : vector<512x128xf32>
    %mul3A_1401 = vector.broadcast %slice3A_1379 : vector<512x1xf32> to vector<512x128xf32>
    %mul3A_1402 = arith.mulf %mul3A_1401, %mul3A_1400 : vector<512x128xf32>
    %add3A_1403 = arith.addf %add3A_1372, %mul3A_1402 : vector<512x128xf32>
    %slice3A_1404 = vector.extract_strided_slice %convert_element_type3A_843 {offsets = [0, 18], sizes = [512, 1], strides = [1, 1]} : vector<512x26xf32> to vector<512x1xf32>
    %mul3A_1405 = vector.broadcast %slice3A_1404 : vector<512x1xf32> to vector<512x128xf32>
    %mul3A_1406 = vector.broadcast %mul3A_8 : vector<1x128xf32> to vector<512x128xf32>
    %mul3A_1407 = arith.mulf %mul3A_1405, %mul3A_1406 : vector<512x128xf32>
    %add3A_1408 = vector.broadcast %select_n3A : vector<1x128xf32> to vector<512x128xf32>
    %add3A_1409 = arith.addf %mul3A_1407, %add3A_1408 : vector<512x128xf32>
    %slice3A_1410 = vector.extract_strided_slice %dot_general3A_31 {offsets = [0, 18], sizes = [512, 1], strides = [1, 1]} : vector<512x26xf32> to vector<512x1xf32>
    %floor3A_1411 = math.floor %add3A_1409 : vector<512x128xf32>
    %sub3A_1412 = arith.subf %add3A_1409, %floor3A_1411 : vector<512x128xf32>
    %sub3A_1413 = arith.constant 5.000000e-01 : f32
    %sub3A_1414 = vector.broadcast %sub3A_1413 : f32 to vector<512x128xf32>
    %sub3A_1415 = arith.subf %sub3A_1412, %sub3A_1414 : vector<512x128xf32>
    %mul3A_1416 = arith.mulf %sub3A_1415, %sub3A_1415 : vector<512x128xf32>
    %broadcast_in_dim3A_1417 = arith.constant -57.115406 : f32
    %broadcast_in_dim3A_1418 = vector.broadcast %broadcast_in_dim3A_1417 : f32 to vector<512x128xf32>
    %mul3A_1419 = arith.mulf %broadcast_in_dim3A_1418, %mul3A_1416 : vector<512x128xf32>
    %add3A_1420 = arith.constant 78.3268509 : f32
    %add3A_1421 = vector.broadcast %add3A_1420 : f32 to vector<512x128xf32>
    %add3A_1422 = arith.addf %mul3A_1419, %add3A_1421 : vector<512x128xf32>
    %mul3A_1423 = arith.mulf %add3A_1422, %mul3A_1416 : vector<512x128xf32>
    %add3A_1424 = arith.constant -41.1362343 : f32
    %add3A_1425 = vector.broadcast %add3A_1424 : f32 to vector<512x128xf32>
    %add3A_1426 = arith.addf %mul3A_1423, %add3A_1425 : vector<512x128xf32>
    %mul3A_1427 = arith.mulf %add3A_1426, %mul3A_1416 : vector<512x128xf32>
    %add3A_1428 = arith.constant 6.27973032 : f32
    %add3A_1429 = vector.broadcast %add3A_1428 : f32 to vector<512x128xf32>
    %add3A_1430 = arith.addf %mul3A_1427, %add3A_1429 : vector<512x128xf32>
    %mul3A_1431 = arith.mulf %sub3A_1415, %add3A_1430 : vector<512x128xf32>
    %mul3A_1432 = vector.broadcast %slice3A_1410 : vector<512x1xf32> to vector<512x128xf32>
    %mul3A_1433 = arith.mulf %mul3A_1432, %mul3A_1431 : vector<512x128xf32>
    %add3A_1434 = arith.addf %add3A_1403, %mul3A_1433 : vector<512x128xf32>
    %slice3A_1435 = vector.extract_strided_slice %convert_element_type3A_843 {offsets = [0, 19], sizes = [512, 1], strides = [1, 1]} : vector<512x26xf32> to vector<512x1xf32>
    %mul3A_1436 = vector.broadcast %slice3A_1435 : vector<512x1xf32> to vector<512x128xf32>
    %mul3A_1437 = vector.broadcast %mul3A_8 : vector<1x128xf32> to vector<512x128xf32>
    %mul3A_1438 = arith.mulf %mul3A_1436, %mul3A_1437 : vector<512x128xf32>
    %add3A_1439 = vector.broadcast %select_n3A : vector<1x128xf32> to vector<512x128xf32>
    %add3A_1440 = arith.addf %mul3A_1438, %add3A_1439 : vector<512x128xf32>
    %slice3A_1441 = vector.extract_strided_slice %dot_general3A_31 {offsets = [0, 19], sizes = [512, 1], strides = [1, 1]} : vector<512x26xf32> to vector<512x1xf32>
    %floor3A_1442 = math.floor %add3A_1440 : vector<512x128xf32>
    %sub3A_1443 = arith.subf %add3A_1440, %floor3A_1442 : vector<512x128xf32>
    %sub3A_1444 = arith.constant 5.000000e-01 : f32
    %sub3A_1445 = vector.broadcast %sub3A_1444 : f32 to vector<512x128xf32>
    %sub3A_1446 = arith.subf %sub3A_1443, %sub3A_1445 : vector<512x128xf32>
    %mul3A_1447 = arith.mulf %sub3A_1446, %sub3A_1446 : vector<512x128xf32>
    %broadcast_in_dim3A_1448 = arith.constant -57.115406 : f32
    %broadcast_in_dim3A_1449 = vector.broadcast %broadcast_in_dim3A_1448 : f32 to vector<512x128xf32>
    %mul3A_1450 = arith.mulf %broadcast_in_dim3A_1449, %mul3A_1447 : vector<512x128xf32>
    %add3A_1451 = arith.constant 78.3268509 : f32
    %add3A_1452 = vector.broadcast %add3A_1451 : f32 to vector<512x128xf32>
    %add3A_1453 = arith.addf %mul3A_1450, %add3A_1452 : vector<512x128xf32>
    %mul3A_1454 = arith.mulf %add3A_1453, %mul3A_1447 : vector<512x128xf32>
    %add3A_1455 = arith.constant -41.1362343 : f32
    %add3A_1456 = vector.broadcast %add3A_1455 : f32 to vector<512x128xf32>
    %add3A_1457 = arith.addf %mul3A_1454, %add3A_1456 : vector<512x128xf32>
    %mul3A_1458 = arith.mulf %add3A_1457, %mul3A_1447 : vector<512x128xf32>
    %add3A_1459 = arith.constant 6.27973032 : f32
    %add3A_1460 = vector.broadcast %add3A_1459 : f32 to vector<512x128xf32>
    %add3A_1461 = arith.addf %mul3A_1458, %add3A_1460 : vector<512x128xf32>
    %mul3A_1462 = arith.mulf %sub3A_1446, %add3A_1461 : vector<512x128xf32>
    %mul3A_1463 = vector.broadcast %slice3A_1441 : vector<512x1xf32> to vector<512x128xf32>
    %mul3A_1464 = arith.mulf %mul3A_1463, %mul3A_1462 : vector<512x128xf32>
    %add3A_1465 = arith.addf %add3A_1434, %mul3A_1464 : vector<512x128xf32>
    %slice3A_1466 = vector.extract_strided_slice %convert_element_type3A_843 {offsets = [0, 20], sizes = [512, 1], strides = [1, 1]} : vector<512x26xf32> to vector<512x1xf32>
    %mul3A_1467 = vector.broadcast %slice3A_1466 : vector<512x1xf32> to vector<512x128xf32>
    %mul3A_1468 = vector.broadcast %mul3A_8 : vector<1x128xf32> to vector<512x128xf32>
    %mul3A_1469 = arith.mulf %mul3A_1467, %mul3A_1468 : vector<512x128xf32>
    %add3A_1470 = vector.broadcast %select_n3A : vector<1x128xf32> to vector<512x128xf32>
    %add3A_1471 = arith.addf %mul3A_1469, %add3A_1470 : vector<512x128xf32>
    %slice3A_1472 = vector.extract_strided_slice %dot_general3A_31 {offsets = [0, 20], sizes = [512, 1], strides = [1, 1]} : vector<512x26xf32> to vector<512x1xf32>
    %floor3A_1473 = math.floor %add3A_1471 : vector<512x128xf32>
    %sub3A_1474 = arith.subf %add3A_1471, %floor3A_1473 : vector<512x128xf32>
    %sub3A_1475 = arith.constant 5.000000e-01 : f32
    %sub3A_1476 = vector.broadcast %sub3A_1475 : f32 to vector<512x128xf32>
    %sub3A_1477 = arith.subf %sub3A_1474, %sub3A_1476 : vector<512x128xf32>
    %mul3A_1478 = arith.mulf %sub3A_1477, %sub3A_1477 : vector<512x128xf32>
    %broadcast_in_dim3A_1479 = arith.constant -57.115406 : f32
    %broadcast_in_dim3A_1480 = vector.broadcast %broadcast_in_dim3A_1479 : f32 to vector<512x128xf32>
    %mul3A_1481 = arith.mulf %broadcast_in_dim3A_1480, %mul3A_1478 : vector<512x128xf32>
    %add3A_1482 = arith.constant 78.3268509 : f32
    %add3A_1483 = vector.broadcast %add3A_1482 : f32 to vector<512x128xf32>
    %add3A_1484 = arith.addf %mul3A_1481, %add3A_1483 : vector<512x128xf32>
    %mul3A_1485 = arith.mulf %add3A_1484, %mul3A_1478 : vector<512x128xf32>
    %add3A_1486 = arith.constant -41.1362343 : f32
    %add3A_1487 = vector.broadcast %add3A_1486 : f32 to vector<512x128xf32>
    %add3A_1488 = arith.addf %mul3A_1485, %add3A_1487 : vector<512x128xf32>
    %mul3A_1489 = arith.mulf %add3A_1488, %mul3A_1478 : vector<512x128xf32>
    %add3A_1490 = arith.constant 6.27973032 : f32
    %add3A_1491 = vector.broadcast %add3A_1490 : f32 to vector<512x128xf32>
    %add3A_1492 = arith.addf %mul3A_1489, %add3A_1491 : vector<512x128xf32>
    %mul3A_1493 = arith.mulf %sub3A_1477, %add3A_1492 : vector<512x128xf32>
    %mul3A_1494 = vector.broadcast %slice3A_1472 : vector<512x1xf32> to vector<512x128xf32>
    %mul3A_1495 = arith.mulf %mul3A_1494, %mul3A_1493 : vector<512x128xf32>
    %add3A_1496 = arith.addf %add3A_1465, %mul3A_1495 : vector<512x128xf32>
    %slice3A_1497 = vector.extract_strided_slice %convert_element_type3A_843 {offsets = [0, 21], sizes = [512, 1], strides = [1, 1]} : vector<512x26xf32> to vector<512x1xf32>
    %mul3A_1498 = vector.broadcast %slice3A_1497 : vector<512x1xf32> to vector<512x128xf32>
    %mul3A_1499 = vector.broadcast %mul3A_8 : vector<1x128xf32> to vector<512x128xf32>
    %mul3A_1500 = arith.mulf %mul3A_1498, %mul3A_1499 : vector<512x128xf32>
    %add3A_1501 = vector.broadcast %select_n3A : vector<1x128xf32> to vector<512x128xf32>
    %add3A_1502 = arith.addf %mul3A_1500, %add3A_1501 : vector<512x128xf32>
    %slice3A_1503 = vector.extract_strided_slice %dot_general3A_31 {offsets = [0, 21], sizes = [512, 1], strides = [1, 1]} : vector<512x26xf32> to vector<512x1xf32>
    %floor3A_1504 = math.floor %add3A_1502 : vector<512x128xf32>
    %sub3A_1505 = arith.subf %add3A_1502, %floor3A_1504 : vector<512x128xf32>
    %sub3A_1506 = arith.constant 5.000000e-01 : f32
    %sub3A_1507 = vector.broadcast %sub3A_1506 : f32 to vector<512x128xf32>
    %sub3A_1508 = arith.subf %sub3A_1505, %sub3A_1507 : vector<512x128xf32>
    %mul3A_1509 = arith.mulf %sub3A_1508, %sub3A_1508 : vector<512x128xf32>
    %broadcast_in_dim3A_1510 = arith.constant -57.115406 : f32
    %broadcast_in_dim3A_1511 = vector.broadcast %broadcast_in_dim3A_1510 : f32 to vector<512x128xf32>
    %mul3A_1512 = arith.mulf %broadcast_in_dim3A_1511, %mul3A_1509 : vector<512x128xf32>
    %add3A_1513 = arith.constant 78.3268509 : f32
    %add3A_1514 = vector.broadcast %add3A_1513 : f32 to vector<512x128xf32>
    %add3A_1515 = arith.addf %mul3A_1512, %add3A_1514 : vector<512x128xf32>
    %mul3A_1516 = arith.mulf %add3A_1515, %mul3A_1509 : vector<512x128xf32>
    %add3A_1517 = arith.constant -41.1362343 : f32
    %add3A_1518 = vector.broadcast %add3A_1517 : f32 to vector<512x128xf32>
    %add3A_1519 = arith.addf %mul3A_1516, %add3A_1518 : vector<512x128xf32>
    %mul3A_1520 = arith.mulf %add3A_1519, %mul3A_1509 : vector<512x128xf32>
    %add3A_1521 = arith.constant 6.27973032 : f32
    %add3A_1522 = vector.broadcast %add3A_1521 : f32 to vector<512x128xf32>
    %add3A_1523 = arith.addf %mul3A_1520, %add3A_1522 : vector<512x128xf32>
    %mul3A_1524 = arith.mulf %sub3A_1508, %add3A_1523 : vector<512x128xf32>
    %mul3A_1525 = vector.broadcast %slice3A_1503 : vector<512x1xf32> to vector<512x128xf32>
    %mul3A_1526 = arith.mulf %mul3A_1525, %mul3A_1524 : vector<512x128xf32>
    %add3A_1527 = arith.addf %add3A_1496, %mul3A_1526 : vector<512x128xf32>
    %slice3A_1528 = vector.extract_strided_slice %convert_element_type3A_843 {offsets = [0, 22], sizes = [512, 1], strides = [1, 1]} : vector<512x26xf32> to vector<512x1xf32>
    %mul3A_1529 = vector.broadcast %slice3A_1528 : vector<512x1xf32> to vector<512x128xf32>
    %mul3A_1530 = vector.broadcast %mul3A_8 : vector<1x128xf32> to vector<512x128xf32>
    %mul3A_1531 = arith.mulf %mul3A_1529, %mul3A_1530 : vector<512x128xf32>
    %add3A_1532 = vector.broadcast %select_n3A : vector<1x128xf32> to vector<512x128xf32>
    %add3A_1533 = arith.addf %mul3A_1531, %add3A_1532 : vector<512x128xf32>
    %slice3A_1534 = vector.extract_strided_slice %dot_general3A_31 {offsets = [0, 22], sizes = [512, 1], strides = [1, 1]} : vector<512x26xf32> to vector<512x1xf32>
    %floor3A_1535 = math.floor %add3A_1533 : vector<512x128xf32>
    %sub3A_1536 = arith.subf %add3A_1533, %floor3A_1535 : vector<512x128xf32>
    %sub3A_1537 = arith.constant 5.000000e-01 : f32
    %sub3A_1538 = vector.broadcast %sub3A_1537 : f32 to vector<512x128xf32>
    %sub3A_1539 = arith.subf %sub3A_1536, %sub3A_1538 : vector<512x128xf32>
    %mul3A_1540 = arith.mulf %sub3A_1539, %sub3A_1539 : vector<512x128xf32>
    %broadcast_in_dim3A_1541 = arith.constant -57.115406 : f32
    %broadcast_in_dim3A_1542 = vector.broadcast %broadcast_in_dim3A_1541 : f32 to vector<512x128xf32>
    %mul3A_1543 = arith.mulf %broadcast_in_dim3A_1542, %mul3A_1540 : vector<512x128xf32>
    %add3A_1544 = arith.constant 78.3268509 : f32
    %add3A_1545 = vector.broadcast %add3A_1544 : f32 to vector<512x128xf32>
    %add3A_1546 = arith.addf %mul3A_1543, %add3A_1545 : vector<512x128xf32>
    %mul3A_1547 = arith.mulf %add3A_1546, %mul3A_1540 : vector<512x128xf32>
    %add3A_1548 = arith.constant -41.1362343 : f32
    %add3A_1549 = vector.broadcast %add3A_1548 : f32 to vector<512x128xf32>
    %add3A_1550 = arith.addf %mul3A_1547, %add3A_1549 : vector<512x128xf32>
    %mul3A_1551 = arith.mulf %add3A_1550, %mul3A_1540 : vector<512x128xf32>
    %add3A_1552 = arith.constant 6.27973032 : f32
    %add3A_1553 = vector.broadcast %add3A_1552 : f32 to vector<512x128xf32>
    %add3A_1554 = arith.addf %mul3A_1551, %add3A_1553 : vector<512x128xf32>
    %mul3A_1555 = arith.mulf %sub3A_1539, %add3A_1554 : vector<512x128xf32>
    %mul3A_1556 = vector.broadcast %slice3A_1534 : vector<512x1xf32> to vector<512x128xf32>
    %mul3A_1557 = arith.mulf %mul3A_1556, %mul3A_1555 : vector<512x128xf32>
    %add3A_1558 = arith.addf %add3A_1527, %mul3A_1557 : vector<512x128xf32>
    %slice3A_1559 = vector.extract_strided_slice %convert_element_type3A_843 {offsets = [0, 23], sizes = [512, 1], strides = [1, 1]} : vector<512x26xf32> to vector<512x1xf32>
    %mul3A_1560 = vector.broadcast %slice3A_1559 : vector<512x1xf32> to vector<512x128xf32>
    %mul3A_1561 = vector.broadcast %mul3A_8 : vector<1x128xf32> to vector<512x128xf32>
    %mul3A_1562 = arith.mulf %mul3A_1560, %mul3A_1561 : vector<512x128xf32>
    %add3A_1563 = vector.broadcast %select_n3A : vector<1x128xf32> to vector<512x128xf32>
    %add3A_1564 = arith.addf %mul3A_1562, %add3A_1563 : vector<512x128xf32>
    %slice3A_1565 = vector.extract_strided_slice %dot_general3A_31 {offsets = [0, 23], sizes = [512, 1], strides = [1, 1]} : vector<512x26xf32> to vector<512x1xf32>
    %floor3A_1566 = math.floor %add3A_1564 : vector<512x128xf32>
    %sub3A_1567 = arith.subf %add3A_1564, %floor3A_1566 : vector<512x128xf32>
    %sub3A_1568 = arith.constant 5.000000e-01 : f32
    %sub3A_1569 = vector.broadcast %sub3A_1568 : f32 to vector<512x128xf32>
    %sub3A_1570 = arith.subf %sub3A_1567, %sub3A_1569 : vector<512x128xf32>
    %mul3A_1571 = arith.mulf %sub3A_1570, %sub3A_1570 : vector<512x128xf32>
    %broadcast_in_dim3A_1572 = arith.constant -57.115406 : f32
    %broadcast_in_dim3A_1573 = vector.broadcast %broadcast_in_dim3A_1572 : f32 to vector<512x128xf32>
    %mul3A_1574 = arith.mulf %broadcast_in_dim3A_1573, %mul3A_1571 : vector<512x128xf32>
    %add3A_1575 = arith.constant 78.3268509 : f32
    %add3A_1576 = vector.broadcast %add3A_1575 : f32 to vector<512x128xf32>
    %add3A_1577 = arith.addf %mul3A_1574, %add3A_1576 : vector<512x128xf32>
    %mul3A_1578 = arith.mulf %add3A_1577, %mul3A_1571 : vector<512x128xf32>
    %add3A_1579 = arith.constant -41.1362343 : f32
    %add3A_1580 = vector.broadcast %add3A_1579 : f32 to vector<512x128xf32>
    %add3A_1581 = arith.addf %mul3A_1578, %add3A_1580 : vector<512x128xf32>
    %mul3A_1582 = arith.mulf %add3A_1581, %mul3A_1571 : vector<512x128xf32>
    %add3A_1583 = arith.constant 6.27973032 : f32
    %add3A_1584 = vector.broadcast %add3A_1583 : f32 to vector<512x128xf32>
    %add3A_1585 = arith.addf %mul3A_1582, %add3A_1584 : vector<512x128xf32>
    %mul3A_1586 = arith.mulf %sub3A_1570, %add3A_1585 : vector<512x128xf32>
    %mul3A_1587 = vector.broadcast %slice3A_1565 : vector<512x1xf32> to vector<512x128xf32>
    %mul3A_1588 = arith.mulf %mul3A_1587, %mul3A_1586 : vector<512x128xf32>
    %add3A_1589 = arith.addf %add3A_1558, %mul3A_1588 : vector<512x128xf32>
    %slice3A_1590 = vector.extract_strided_slice %convert_element_type3A_843 {offsets = [0, 24], sizes = [512, 1], strides = [1, 1]} : vector<512x26xf32> to vector<512x1xf32>
    %mul3A_1591 = vector.broadcast %slice3A_1590 : vector<512x1xf32> to vector<512x128xf32>
    %mul3A_1592 = vector.broadcast %mul3A_8 : vector<1x128xf32> to vector<512x128xf32>
    %mul3A_1593 = arith.mulf %mul3A_1591, %mul3A_1592 : vector<512x128xf32>
    %add3A_1594 = vector.broadcast %select_n3A : vector<1x128xf32> to vector<512x128xf32>
    %add3A_1595 = arith.addf %mul3A_1593, %add3A_1594 : vector<512x128xf32>
    %slice3A_1596 = vector.extract_strided_slice %dot_general3A_31 {offsets = [0, 24], sizes = [512, 1], strides = [1, 1]} : vector<512x26xf32> to vector<512x1xf32>
    %floor3A_1597 = math.floor %add3A_1595 : vector<512x128xf32>
    %sub3A_1598 = arith.subf %add3A_1595, %floor3A_1597 : vector<512x128xf32>
    %sub3A_1599 = arith.constant 5.000000e-01 : f32
    %sub3A_1600 = vector.broadcast %sub3A_1599 : f32 to vector<512x128xf32>
    %sub3A_1601 = arith.subf %sub3A_1598, %sub3A_1600 : vector<512x128xf32>
    %mul3A_1602 = arith.mulf %sub3A_1601, %sub3A_1601 : vector<512x128xf32>
    %broadcast_in_dim3A_1603 = arith.constant -57.115406 : f32
    %broadcast_in_dim3A_1604 = vector.broadcast %broadcast_in_dim3A_1603 : f32 to vector<512x128xf32>
    %mul3A_1605 = arith.mulf %broadcast_in_dim3A_1604, %mul3A_1602 : vector<512x128xf32>
    %add3A_1606 = arith.constant 78.3268509 : f32
    %add3A_1607 = vector.broadcast %add3A_1606 : f32 to vector<512x128xf32>
    %add3A_1608 = arith.addf %mul3A_1605, %add3A_1607 : vector<512x128xf32>
    %mul3A_1609 = arith.mulf %add3A_1608, %mul3A_1602 : vector<512x128xf32>
    %add3A_1610 = arith.constant -41.1362343 : f32
    %add3A_1611 = vector.broadcast %add3A_1610 : f32 to vector<512x128xf32>
    %add3A_1612 = arith.addf %mul3A_1609, %add3A_1611 : vector<512x128xf32>
    %mul3A_1613 = arith.mulf %add3A_1612, %mul3A_1602 : vector<512x128xf32>
    %add3A_1614 = arith.constant 6.27973032 : f32
    %add3A_1615 = vector.broadcast %add3A_1614 : f32 to vector<512x128xf32>
    %add3A_1616 = arith.addf %mul3A_1613, %add3A_1615 : vector<512x128xf32>
    %mul3A_1617 = arith.mulf %sub3A_1601, %add3A_1616 : vector<512x128xf32>
    %mul3A_1618 = vector.broadcast %slice3A_1596 : vector<512x1xf32> to vector<512x128xf32>
    %mul3A_1619 = arith.mulf %mul3A_1618, %mul3A_1617 : vector<512x128xf32>
    %add3A_1620 = arith.addf %add3A_1589, %mul3A_1619 : vector<512x128xf32>
    %slice3A_1621 = vector.extract_strided_slice %convert_element_type3A_843 {offsets = [0, 25], sizes = [512, 1], strides = [1, 1]} : vector<512x26xf32> to vector<512x1xf32>
    %mul3A_1622 = vector.broadcast %slice3A_1621 : vector<512x1xf32> to vector<512x128xf32>
    %mul3A_1623 = vector.broadcast %mul3A_8 : vector<1x128xf32> to vector<512x128xf32>
    %mul3A_1624 = arith.mulf %mul3A_1622, %mul3A_1623 : vector<512x128xf32>
    %add3A_1625 = vector.broadcast %select_n3A : vector<1x128xf32> to vector<512x128xf32>
    %add3A_1626 = arith.addf %mul3A_1624, %add3A_1625 : vector<512x128xf32>
    %slice3A_1627 = vector.extract_strided_slice %dot_general3A_31 {offsets = [0, 25], sizes = [512, 1], strides = [1, 1]} : vector<512x26xf32> to vector<512x1xf32>
    %floor3A_1628 = math.floor %add3A_1626 : vector<512x128xf32>
    %sub3A_1629 = arith.subf %add3A_1626, %floor3A_1628 : vector<512x128xf32>
    %sub3A_1630 = arith.constant 5.000000e-01 : f32
    %sub3A_1631 = vector.broadcast %sub3A_1630 : f32 to vector<512x128xf32>
    %sub3A_1632 = arith.subf %sub3A_1629, %sub3A_1631 : vector<512x128xf32>
    %mul3A_1633 = arith.mulf %sub3A_1632, %sub3A_1632 : vector<512x128xf32>
    %broadcast_in_dim3A_1634 = arith.constant -57.115406 : f32
    %broadcast_in_dim3A_1635 = vector.broadcast %broadcast_in_dim3A_1634 : f32 to vector<512x128xf32>
    %mul3A_1636 = arith.mulf %broadcast_in_dim3A_1635, %mul3A_1633 : vector<512x128xf32>
    %add3A_1637 = arith.constant 78.3268509 : f32
    %add3A_1638 = vector.broadcast %add3A_1637 : f32 to vector<512x128xf32>
    %add3A_1639 = arith.addf %mul3A_1636, %add3A_1638 : vector<512x128xf32>
    %mul3A_1640 = arith.mulf %add3A_1639, %mul3A_1633 : vector<512x128xf32>
    %add3A_1641 = arith.constant -41.1362343 : f32
    %add3A_1642 = vector.broadcast %add3A_1641 : f32 to vector<512x128xf32>
    %add3A_1643 = arith.addf %mul3A_1640, %add3A_1642 : vector<512x128xf32>
    %mul3A_1644 = arith.mulf %add3A_1643, %mul3A_1633 : vector<512x128xf32>
    %add3A_1645 = arith.constant 6.27973032 : f32
    %add3A_1646 = vector.broadcast %add3A_1645 : f32 to vector<512x128xf32>
    %add3A_1647 = arith.addf %mul3A_1644, %add3A_1646 : vector<512x128xf32>
    %mul3A_1648 = arith.mulf %sub3A_1632, %add3A_1647 : vector<512x128xf32>
    %mul3A_1649 = vector.broadcast %slice3A_1627 : vector<512x1xf32> to vector<512x128xf32>
    %mul3A_1650 = arith.mulf %mul3A_1649, %mul3A_1648 : vector<512x128xf32>
    %add3A_1651 = arith.addf %add3A_1620, %mul3A_1650 : vector<512x128xf32>
    %swap3A_1652 = arith.constant 0 : index
    %swap3A_1653 = arith.constant 0 : index
    %swap3A_1654 = vector.load %arg6[%swap3A_1652, %swap3A_1653] : memref<512x128xf32, #tpu.memory_space<vmem>>, vector<512x128xf32>
    tpu.vector_store %arg6[%swap3A_1652, %swap3A_1653], %add3A_1651 {strides = array<i32>} : memref<512x128xf32, #tpu.memory_space<vmem>>, vector<512x128xf32>,
    return
  }
  func.func @transform_0(%arg0: i32) -> (i32, i32) {
    %c0_i32 = arith.constant 0 : i32
    %c0_i32_0 = arith.constant 0 : i32
    return %arg0, %c0_i32 : i32, i32
  }
  func.func @transform_1(%arg0: i32) -> (i32, i32) {
    %c0_i32 = arith.constant 0 : i32
    %c0_i32_0 = arith.constant 0 : i32
    %c0_i32_1 = arith.constant 0 : i32
    return %c0_i32, %c0_i32_0 : i32, i32
  }
  func.func @transform_2(%arg0: i32) -> (i32, i32) {
    %c0_i32 = arith.constant 0 : i32
    %c0_i32_0 = arith.constant 0 : i32
    %c0_i32_1 = arith.constant 0 : i32
    return %c0_i32, %c0_i32_0 : i32, i32
  }
  func.func @transform_3(%arg0: i32) -> (i32, i32) {
    %c0_i32 = arith.constant 0 : i32
    %c0_i32_0 = arith.constant 0 : i32
    return %arg0, %c0_i32 : i32, i32
  }
  func.func @transform_4(%arg0: i32) -> (i32, i32) {
    %c0_i32 = arith.constant 0 : i32
    %c0_i32_0 = arith.constant 0 : i32
    return %arg0, %c0_i32 : i32, i32
  }
  func.func @transform_5(%arg0: i32) -> (i32, i32) {
    %c0_i32 = arith.constant 0 : i32
    %c0_i32_0 = arith.constant 0 : i32
    return %arg0, %c0_i32 : i32, i32
  }
}

</mosaic_0001>

<sc_bundles>
// kernel: kernel.5.cloned.1.call-start
scs
__scs_entry_jumppad:
0x0: {  	(pc) =	sbr.rel $0x88, $3  }
0x1: {  	(tag) =	ssettag $0x0;
	lr =	simm.s32 $0x1  }
0x2: {  	[smem:$0x3F96] =	sst lr;
	_ =	strace $0xD0000000  }
0x3: {  	_ = 	snop  }
0x4: {  	_ = 	snop  }
0x5: {  	_ = 	snop  }
0x6: {  	_ = 	snop  }
0x7: {  	_ = 	snop  }
__scs_overlays_trampoline_lowered:
0x8: {  	[smem:$0x3FA5] =	sst s0  }
0x9: {  	[smem:$0x3FA6] =	sst s1  }
0xa: {  	[smem:$0x3FA7] =	sst s2  }
0xb: {  	[smem:$0x3FA8] =	sst s3  }
0xc: {  	[smem:$0x3FA9] =	sst s4  }
0xd: {  	[smem:$0x3FAA] =	sst s5  }
0xe: {  	[smem:$0x3FAB] =	sst s6  }
0xf: {  	[smem:$0x3FAC] =	sst s7  }
0x10: {  	[smem:$0x3FAD] =	sst s8  }
0x11: {  	[smem:$0x3FAE] =	sst s9;
	s0 =	simm.s32 @!p0 $0x0  }
0x12: {  	s1 =	sld [smem:$0x3F94];
	s0 =	simm.s32 @p0 $0x1  }
0x13: {  	[smem:$0x3FAF] =	sst s0;
	s0 =	simm.s32 @!p1 $0x0  }
0x14: {  	s2 =	sld [smem:$0x3F93];
	s0 =	simm.s32 @p1 $0x1  }
0x15: {  	[smem:$0x3FB0] =	sst s0;
	s0 =	simm.s32 @!p2 $0x0  }
0x16: {  	s3 =	sld [smem:$0x3FDB];
	s0 =	simm.s32 @p2 $0x1  }
0x17: {  	s4 =	simm.s32 $0x1BF5;
	[smem:$0x3FB2] =	sst s0  }
0x18: {  	s0 =	sld [smem:$0x3F95];
	_ =	swait.ge [sflag:s4], $0x0  }
0x19: {  	s7 =	sld [smem:$0x3F96]  }
0x1a: {  	s8 =	sadd.s32 $0xFFFFE003, lr  }
0x1b: {  	s9 =	sadd.s32 $0xFFFFFEF7, lr;
	s5 =	simm.s32 $0xFFFFFFFF;
	p2 =	slt.u32 s8, $0xFFFFF086  }
0x1c: {  	p1 =	slt.u32 s9, $0xF7A;
	s5 =	simm.s32 @!p2 $0x0  }
0x1d: {  	s5 =	simm.s32 @p1 $0x1;
	p0 =	seq.s32 s7, s2  }
0x1e: {  	s7 =	smul.u32 @!p0 $0xF7A, s2;
	p2 =	seq.s32 @!p0 s5, $0x0  }
0x1f: {  	s9 =	smul.u32 $0xF7A, s1;
	s8 =	simm.s32 @!p0 $0x1BF5;
	p2 =	por !p2, p0  }
0x20: {  	[sflag:s8] =	ssyncset.s32 @!p0 $0xFFFFF086;
	s6 =	sadd.s32 @!p0 s3, s7;
	s7 =	simm.s32 @!p0 $0x108  }
0x21: {  	s3 =	sadd.s32 s3, s9;
	s6 =	sadd.s32 @!p0 $0x88, s6;
	s7 =	simm.s32 @p2 $0x1082  }
0x22: {  	[simem:s7], [sflag:s8] =	dma.local @!p0 [hbm:s6], $0xF7A  }
0x23: {  	s9 =	sor.u32 $0xD0000000, s2;
	s6 =	simm.s32 $0x108;
	_ =	swait.ge @!p0 [sflag:s8], $0x0  }
0x24: {  	s3 =	sadd.s32 $0x88, s3;
	s6 =	simm.s32 @!p1 $0x1082;
	[sflag:s4] =	ssyncset.s32 $0xFFFFF086  }
0x25: {  	[simem:s6], [sflag:s4] =	dma.local [hbm:s3], $0xF7A  }
0x26: {  	[smem:$0x3F96] =	sst s1;
	(tag) =	ssettag s2;
	_ =	strace s9  }
0x27: {  	s1 =	sld [smem:$0x3FA6]  }
0x28: {  	s2 =	sld [smem:$0x3FA7]  }
0x29: {  	s4 =	sld [smem:$0x3FA9]  }
0x2a: {  	p0 =	seq.s32 s5, $0x0;
	s5 =	sld [smem:$0x3FAA]  }
0x2b: {  	s6 =	sld [smem:$0x3FAB]  }
0x2c: {  	s7 =	sld [smem:$0x3FAC]  }
0x2d: {  	s3 =	simm.s32 $0x108;
	s8 =	sld [smem:$0x3FAD]  }
0x2e: {  	s3 =	simm.s32 @!p0 $0x1082;
	s9 =	sld [smem:$0x3FAE]  }
0x2f: {  	lr =	sadd.s32 s0, s3;
	s0 =	sld [smem:$0x3FA5]  }
0x30: {  	s3 =	sld [smem:$0x3FA8]  }
0x31: {  	[smem:$0x3FB1] =	sst s10  }
0x32: {  	s10 =	sld [smem:$0x3FAF];
	_ =	sdelay $0x3  }
0x33: {  	p0 =	seq.s32 s10, $0x1;
	s10 =	sld [smem:$0x3FB1];
	_ =	sdelay $0x3  }
0x34: {  	[smem:$0x3FB1] =	sst s10  }
0x35: {  	s10 =	sld [smem:$0x3FB0];
	_ =	sdelay $0x3  }
0x36: {  	p1 =	seq.s32 s10, $0x1;
	s10 =	sld [smem:$0x3FB1];
	_ =	sdelay $0x3  }
0x37: {  	[smem:$0x3FB1] =	sst s10  }
0x38: {  	s10 =	sld [smem:$0x3FB2]  }
0x39: {  	_ = 	snop;
	(pc) =	sbr.ind lr, $3  }
0x3a: {  	_ = 	snop  }
0x3b: {  	_ = 	snop  }
0x3c: {  	p2 =	seq.s32 s10, $0x1;
	s10 =	sld [smem:$0x3FB1]  }
0x3d: {  	_ =	shalt  }
0x3e: {  	_ =	shalt  }
0x3f: {  	_ =	shalt  }
0x40: {  	_ =	shalt  }
0x41: {  	_ =	shalt  }
0x42: {  	_ =	shalt  }
0x43: {  	_ =	shalt  }
0x44: {  	_ =	shalt  }
0x45: {  	_ =	shalt  }
0x46: {  	_ =	shalt  }
0x47: {  	_ =	shalt  }
0x48: {  	_ =	shalt  }
0x49: {  	_ =	shalt  }
0x4a: {  	_ =	shalt  }
0x4b: {  	_ =	shalt  }
0x4c: {  	_ =	shalt  }
0x4d: {  	_ =	shalt  }
0x4e: {  	_ =	shalt  }
0x4f: {  	_ =	shalt  }
0x50: {  	_ =	shalt  }
0x51: {  	_ =	shalt  }
0x52: {  	_ =	shalt  }
0x53: {  	_ =	shalt  }
0x54: {  	_ =	shalt  }
0x55: {  	_ =	shalt  }
0x56: {  	_ =	shalt  }
0x57: {  	_ =	shalt  }
0x58: {  	_ =	shalt  }
0x59: {  	_ =	shalt  }
0x5a: {  	_ =	shalt  }
0x5b: {  	_ =	shalt  }
0x5c: {  	_ =	shalt  }
0x5d: {  	_ =	shalt  }
0x5e: {  	_ =	shalt  }
0x5f: {  	_ =	shalt  }
0x60: {  	_ =	shalt  }
0x61: {  	_ =	shalt  }
0x62: {  	_ =	shalt  }
0x63: {  	_ =	shalt  }
0x64: {  	_ =	shalt  }
0x65: {  	_ =	shalt  }
0x66: {  	_ =	shalt  }
0x67: {  	_ =	shalt  }
0x68: {  	_ =	shalt  }
0x69: {  	_ =	shalt  }
0x6a: {  	_ =	shalt  }
0x6b: {  	_ =	shalt  }
0x6c: {  	_ =	shalt  }
0x6d: {  	_ =	shalt  }
0x6e: {  	_ =	shalt  }
0x6f: {  	_ =	shalt  }
0x70: {  	_ =	shalt  }
0x71: {  	_ =	shalt  }
0x72: {  	_ =	shalt  }
0x73: {  	_ =	shalt  }
0x74: {  	_ =	shalt  }
0x75: {  	_ =	shalt  }
0x76: {  	_ =	shalt  }
0x77: {  	_ =	shalt  }
0x78: {  	_ =	shalt  }
0x79: {  	_ =	shalt  }
0x7a: {  	_ =	shalt  }
0x7b: {  	_ =	shalt  }
0x7c: {  	_ =	shalt  }
0x7d: {  	_ =	shalt  }
0x7e: {  	_ =	shalt  }
0x7f: {  	_ =	shalt  }
0x80: {  	_ =	shalt  }
0x81: {  	_ =	shalt  }
0x82: {  	_ =	shalt  }
0x83: {  	_ =	shalt  }
0x84: {  	_ =	shalt  }
0x85: {  	_ =	shalt  }
0x86: {  	_ =	shalt  }
0x87: {  	_ =	shalt  }
.Lfunc_end0:
.L_simem_size_0:
called_computation_lowered:
.L_overlay_start_0:
0x88: {  	s2 =	sld [smem:$0x3FD9]  }
0x89: {  	s3 =	sld [smem:$0x3FFE];
	_ =	sdelay $0x1  }
0x8a: {  	s1 =	srdreg.scid  }
0x8b: {  	s0 =	sand.u32 $0x1, s1  }
0x8c: {  	s30 =	sshll.u32 s0, $0xA;
	s2 =	sadd.s32 s3, s2  }
0x8d: {  	s2 =	sadd.s32 s2, s30  }
0x8e: {  	[smem:$0x3FBD] =	sst s2  }
0x8f: {  	_ = 	snop  }
0x90: {  	s2 =	sld [smem:$0x3FC8]  }
0x91: {  	s31 =	sld [smem:$0x3FC6]  }
0x92: {  	s4 =	sld [smem:$0x3FD0]  }
0x93: {  	s5 =	sld [smem:$0x3FC5]  }
0x94: {  	s6 =	sld [smem:$0x3FC3]  }
0x95: {  	s8 =	simm.s32 $0xA;
	s9 =	simm.s32 $0x10;
	s7 =	sld [smem:$0x3FC2]  }
0x96: {  	[smem:s9], [sflag:s8] =	dma.local [hbm:s4], $0x1  }
0x97: {  	_ =	swait.eq [sflag:s8], $0x1  }
0x98: {  	s16 =	sld [smem:$0x10]  }
0x99: {  	s17 =	sld [smem:$0x15];
	[sflag:s8] =	ssyncset.done $0x0  }
0x9a: {  	s10 =	sld [smem:$0x16];
	[sflag:s8] =	ssyncadd.s32 $0xFFFFFFFF  }
0x9b: {  	s18 =	sld [smem:$0x17];
	(tm) =	ssettm $0x1  }
0x9c: {  	s11 =	sld [smem:$0x3FFB];
	_ =	sdelay $0x3  }
0x9d: {  	_ =	strace s11  }
0x9e: {  	s11 =	sld [smem:$0x3FFC];
	_ =	sdelay $0x3  }
0x9f: {  	_ =	strace s11  }
0xa0: {  	s11 =	sld [smem:$0x3FFD];
	_ =	sdelay $0x3  }
0xa1: {  	_ =	strace s11  }
0xa2: {  	_ =	strace $0x8FFFFFFF  }
0xa3: {  	s19 =	sld [smem:$0x3FDB];
	_ =	sdelay $0x1  }
0xa4: {  	s12 =	simm.s32 $_scs_section_size  }
0xa5: {  	s13 =	simm.s32 $_size__tile_overlayer_lowered;
	s14 =	simm.s32 $_tile_overlayer_lowered  }
0xa6: {  	s22 =	simm.s32 $0x1BFF;
	s21 =	sshll.u32 s14, $0x1;
	s11 =	sadd.s32 s12, s19  }
0xa7: {  	s15 =	simm.s32 $0x0;
	s20 =	sshll.u32 s13, $0x1;
	s13 =	sadd.s32 s21, s11  }
0xa8: {  	[timem:s15], [sflag:s22] =	dma.local [hbm:s13], s20  }
0xa9: {  	_ =	swait.ge [sflag:s22], s20  }
0xaa: {  	s12 =	ssub.s32 $0x0, s20;
	[sflag:s22] =	ssyncset.done $0x0  }
0xab: {  	[sflag:s22] =	ssyncadd.s32 s12;
	_ =	sdelay $0x1  }
0xac: {  	s23 =	simm.s32 $0x1B8B  }
0xad: {  	_ =	swait.ge [sflag:s23], $0x1  }
0xae: {  	[sflag:s23] =	ssyncset.done $0x0  }
0xaf: {  	s25 =	simm.s32 $0x1B8E;
	s24 =	sld [smem:$0x3FFE];
	[sflag:s23] =	ssyncadd.s32 $0xFFFFFFFF  }
0xb0: {  	s26 =	simm.s32 $execute0_lowered;
	[smem:$0x3FD2] =	sst s25  }
0xb1: {  	s13 =	sshll.u32 s26, $0x1;
	_ =	strace $0x80000046;
	[dreg:$0x1] =	wrdreg $0xFFFFFFFF  }
0xb2: {  	s28 =	simm.s32 $_size_execute0_lowered;
	s11 =	sadd.s32 s11, s13;
	[dreg:$0x0] =	wrdreg $0x0  }
0xb3: {  	s13 =	sshll.u32 s28, $0x1;
	[dreg:$0x2] =	wrdreg s11  }
0xb4: {  	[dreg:$0x3] =	wrdreg s13  }
0xb5: {  	[dreg:$0x4] =	wrdreg $0xC0  }
0xb6: {  	_ =	task [dreg:s15], $0x5FFFF  }
0xb7: {  	[dreg:$0x1] =	wrdreg $0xFFFFFFFF  }
0xb8: {  	[dreg:$0x0] =	wrdreg $0x60  }
0xb9: {  	[dreg:$0x2] =	wrdreg s10  }
0xba: {  	[dreg:$0x3] =	wrdreg s18  }
0xbb: {  	[dreg:$0x4] =	wrdreg s2  }
0xbc: {  	[dreg:$0x5] =	wrdreg s31  }
0xbd: {  	[dreg:$0x6] =	wrdreg s5  }
0xbe: {  	[dreg:$0x7] =	wrdreg s24  }
0xbf: {  	[dreg:$0x8] =	wrdreg s6  }
0xc0: {  	[dreg:$0x9] =	wrdreg s7  }
0xc1: {  	[dreg:$0xa] =	wrdreg s16  }
0xc2: {  	[dreg:$0xb] =	wrdreg s17  }
0xc3: {  	[dreg:$0xc] =	wrdreg $0x9  }
0xc4: {  	_ =	task.clear_ibuf [dreg:s15], $0xDFFFF;
	_ =	strace $0x90000046  }
0xc5: {  	s29 =	simm.s32 $0x9;
	_ =	strace $0x80000048  }
0xc6: {  	_ =	swait.ge [sflag:s29], $0x1  }
0xc7: {  	[sflag:s29] =	ssyncadd.s32 $0xFFFFFFFF  }
0xc8: {  	_ =	strace $0x90000048  }
0xc9: {  	_ =	sfence  }
0xca: {  	s30 =	sld [smem:$0x0];
	_ =	sdelay $0x2  }
0xcb: {  	s31 =	sshll.u32 s1, $0xD;
	s1 =	sshrl.u32 s1, $0x2  }
0xcc: {  	s3 =	sand.u32 $0x4000, s31;
	s1 =	sadd.s32 s1, s30  }
0xcd: {  	s0 =	sor.u32 s3, s0;
	s1 =	sshll.u32 s1, $0x11  }
0xce: {  	s0 =	sor.u32 s1, s0  }
0xcf: {  	s0 =	sadd.s32 $0x8F2B, s0  }
0xd0: {  	[sflag:s0] =	ssyncadd.remote.s32 $0x1  }
0xd1: {  	_ =	sfence.sel $0xFFFF  }
0xd2: {  	[dreg:$0x0] =	wrdreg $0xFFFFFFFF;
	(pc) =	sbr.abs _section_cstart, $3  }
0xd3: {  	[dreg:$0x1] =	wrdreg $0xFFFFFFFF  }
0xd4: {  	_ =	task.clear_ibuf [dreg:s15], $0x2FFFF;
	_ =	strace $0x9FFFFFFF  }
0xd5: {  	(tm) =	ssettm $0x7FFFFFFF  }
tec
execute0_lowered:
.L_overlay_start_1:
0x0: {  	(tag) =	ssettag $0x1  }
0x1: {  	s2 =	rddreg [dreg:$0x0]  }
0x2: {  	s8 =	rddreg [dreg:$0x1]  }
0x3: {  	s0 =	rddreg [dreg:$0x2]  }
0x4: {  	s1 =	rddreg [dreg:$0x3]  }
0x5: {  	s3 =	rddreg [dreg:$0x4]  }
0x6: {  	s28 =	rddreg [dreg:$0x5];
	s5 =	srdreg.scid  }
0x7: {  	s4 =	rddreg [dreg:$0x6];
	s7 =	stileid.u32;
	s31 =	sand.u32 $0x1, s5  }
0x8: {  	s6 =	rddreg [dreg:$0x7];
	s11 =	sshll.u32 s7, $0xA;
	s12 =	sshll.u32 s31, $0x9  }
0x9: {  	s9 =	rddreg [dreg:$0x8];
	s7 =	simm.s32 $0x0;
	s11 =	sor.u32 s12, s11  }
0xa: {  	[smem:$0x7FF] =	sst s7;
	s12 =	sshrl.u32 s11, $0x3  }
0xb: {  	s10 =	rddreg [dreg:$0x9];
	_ =	strace $0x80000047;
	s2 =	sadd.s32 s2, s12  }
0xc: {  	s5 =	sshll.u32 s11, $0x4;
	s8 =	sadd.s32 s8, s12;
	[dreg:$0xb] =	wrdreg s2  }
0xd: {  	s13 =	sadd.s32 s9, s5;
	[dreg:$0xc] =	wrdreg s8  }
0xe: {  	s20 =	sadd.s32 $0x3400, s28;
	s17 =	sadd.s32 s10, s5;
	[dreg:$0xd] =	wrdreg s13  }
0xf: {  	s29 =	sor.u32 $0x800, s5;
	s22 =	sadd.s32 s20, s5;
	[dreg:$0x11] =	wrdreg s17  }
0x10: {  	s30 =	sor.u32 $0x1000, s5;
	s14 =	sadd.s32 s9, s29;
	[dreg:$0x15] =	wrdreg s22  }
0x11: {  	s15 =	sadd.s32 s9, s30;
	[dreg:$0xe] =	wrdreg s14  }
0x12: {  	s18 =	sadd.s32 s10, s29;
	[dreg:$0xf] =	wrdreg s15  }
0x13: {  	s19 =	sadd.s32 s10, s30;
	[dreg:$0x12] =	wrdreg s18  }
0x14: {  	s23 =	sadd.s32 s20, s29;
	[dreg:$0x13] =	wrdreg s19  }
0x15: {  	s25 =	sadd.s32 $0x43400, s28;
	s24 =	sadd.s32 s20, s30;
	[dreg:$0x16] =	wrdreg s23  }
0x16: {  	s11 =	sadd.s32 s25, s29;
	[dreg:$0x17] =	wrdreg s24  }
0x17: {  	s2 =	sor.u32 $0x1800, s5;
	s12 =	sadd.s32 s25, s30;
	[dreg:$0x1a] =	wrdreg s11  }
0x18: {  	s16 =	sadd.s32 s9, s2;
	[dreg:$0x1b] =	wrdreg s12  }
0x19: {  	s21 =	sadd.s32 s10, s2;
	[dreg:$0x10] =	wrdreg s16  }
0x1a: {  	s26 =	sadd.s32 s20, s2;
	[dreg:$0x14] =	wrdreg s21  }
0x1b: {  	s9 =	sadd.s32 s25, s5;
	[dreg:$0x18] =	wrdreg s26  }
0x1c: {  	s13 =	sadd.s32 $0x83400, s28;
	s14 =	sadd.s32 s25, s2;
	[dreg:$0x19] =	wrdreg s9  }
0x1d: {  	s15 =	sadd.s32 s13, s5;
	[dreg:$0x1c] =	wrdreg s14  }
0x1e: {  	s17 =	sadd.s32 s13, s30;
	[dreg:$0x1d] =	wrdreg s15  }
0x1f: {  	s19 =	sadd.s32 s13, s2;
	[dreg:$0x1f] =	wrdreg s17  }
0x20: {  	s18 =	sadd.s32 $0xC3400, s28;
	s16 =	sadd.s32 s13, s29;
	[smem:$0x7E1] =	sst s19  }
0x21: {  	s20 =	sadd.s32 s18, s5;
	[dreg:$0x1e] =	wrdreg s16  }
0x22: {  	s21 =	sadd.s32 s18, s29;
	[smem:$0x7E2] =	sst s20  }
0x23: {  	s22 =	sadd.s32 s18, s30;
	[smem:$0x7E3] =	sst s21  }
0x24: {  	s23 =	sadd.s32 $0x103400, s28;
	s24 =	sadd.s32 s18, s2;
	[smem:$0x7E4] =	sst s22  }
0x25: {  	s25 =	sadd.s32 s23, s5;
	[smem:$0x7E5] =	sst s24  }
0x26: {  	s26 =	sadd.s32 s23, s29;
	[smem:$0x7E6] =	sst s25  }
0x27: {  	s10 =	sadd.s32 s23, s30;
	[smem:$0x7E7] =	sst s26  }
0x28: {  	s11 =	sadd.s32 $0x143400, s28;
	s12 =	sadd.s32 s23, s2;
	[smem:$0x7E8] =	sst s10  }
0x29: {  	s13 =	sadd.s32 s11, s5;
	[smem:$0x7E9] =	sst s12  }
0x2a: {  	s14 =	sadd.s32 s11, s29;
	[smem:$0x7EA] =	sst s13  }
0x2b: {  	s15 =	sadd.s32 s11, s30;
	[smem:$0x7EB] =	sst s14  }
0x2c: {  	s17 =	sadd.s32 s11, s2;
	s16 =	sadd.s32 $0x310A00, s28;
	[smem:$0x7EC] =	sst s15  }
0x2d: {  	[smem:$0x7ED] =	sst s17;
	s18 =	sadd.s32 s16, s5  }
0x2e: {  	s19 =	sadd.s32 s16, s29;
	[smem:$0x7EE] =	sst s18  }
0x2f: {  	s20 =	sadd.s32 s16, s30;
	[smem:$0x7EF] =	sst s19  }
0x30: {  	s21 =	sadd.s32 $0x350A00, s28;
	s22 =	sadd.s32 s16, s2;
	[smem:$0x7F0] =	sst s20  }
0x31: {  	s23 =	sadd.s32 s21, s5;
	[smem:$0x7F1] =	sst s22  }
0x32: {  	s24 =	sadd.s32 s21, s29;
	[smem:$0x7F2] =	sst s23  }
0x33: {  	s25 =	sadd.s32 s21, s30;
	[smem:$0x7F3] =	sst s24  }
0x34: {  	s26 =	sadd.s32 $0x390A00, s28;
	s11 =	sadd.s32 s21, s2;
	[smem:$0x7F4] =	sst s25  }
0x35: {  	s12 =	sadd.s32 s26, s5;
	[smem:$0x7F5] =	sst s11  }
0x36: {  	s13 =	sadd.s32 s26, s29;
	[smem:$0x7F6] =	sst s12  }
0x37: {  	s14 =	sadd.s32 s26, s30;
	[smem:$0x7F7] =	sst s13  }
0x38: {  	s15 =	sadd.s32 s26, s2;
	[smem:$0x7F8] =	sst s14  }
0x39: {  	s22 =	sadd.s32 $0x3D0A00, s28;
	[smem:$0x7F9] =	sst s15  }
0x3a: {  	s18 =	rddreg [dreg:$0xb];
	s16 =	sadd.s32 s22, s5  }
0x3b: {  	[tilespmem:s7], [sflag:$0x2] =	stream.linear.gather [hbm4b:s18+s7], $0x200, $0x38;
	[tilespmem:$0x6400] =	vst v63  }
0x3c: {  	s17 =	sadd.s32 s22, s29;
	[smem:$0x7FA] =	sst s16  }
0x3d: {  	s19 =	sadd.s32 s22, s30;
	[smem:$0x7FB] =	sst s17  }
0x3e: {  	s8 =	simm.s32 $0x2;
	[smem:$0x7FC] =	sst s19  }
0x3f: {  	_ =	swait.ge [sflag:s8], $0x200  }
0x40: {  	[sflag:s8] =	ssyncset.done $0x0  }
0x41: {  	s9 =	simm.s32 $0x200;
	s20 =	rddreg [dreg:$0xc];
	[sflag:s8] =	ssyncadd.s32 $0xFFFFFE00  }
0x42: {  	[tilespmem:s9], [sflag:$0x2] =	stream.linear.gather [hbm4b:s20+s7], $0x200, $0x38;
	[tilespmem:$0x6400] =	vst v63  }
0x43: {  	_ =	swait.ge [sflag:s8], $0x200  }
0x44: {  	s10 =	simm.s32 $0x80;
	[sflag:s8] =	ssyncset.done $0x0  }
0x45: {  	s11 =	simm.s32 $0x400;
	s12 =	simm.s32 $0x1;
	[sflag:s8] =	ssyncadd.s32 $0xFFFFFE00  }
0x46: {  	[tilespmem:s11], [sflag:$0x1] =	stream.indirect.gather [hbm4b:s0+s10], $0x80, s7, s10, $0xb8;
	[tilespmem:$0x6400] =	vst v63  }
0x47: {  	_ =	swait.ge [sflag:s12], $0x4000  }
0x48: {  	[sflag:s12] =	ssyncset.done $0x0  }
0x49: {  	s13 =	rddreg [dreg:$0xd];
	[sflag:s12] =	ssyncadd.s32 $0xFFFFC000  }
0x4a: {  	[hbm4b:s13+s7] =	stream.linear.scatter [tilespmem:s11], [sflag:$0x2], $0x4000, $0x38;
	[tilespmem:$0x6400] =	vst v63  }
0x4b: {  	_ =	swait.ge [sflag:s8], $0x4000  }
0x4c: {  	[sflag:s8] =	ssyncset.done $0x0  }
0x4d: {  	[sflag:s8] =	ssyncadd.s32 $0xFFFFC000  }
0x4e: {  	[tilespmem:s11], [sflag:$0x1] =	stream.indirect.gather [hbm4b:s0+s10], $0x80, s10, s10, $0xb8;
	[tilespmem:$0x6400] =	vst v63  }
0x4f: {  	_ =	swait.ge [sflag:s12], $0x4000  }
0x50: {  	[sflag:s12] =	ssyncset.done $0x0  }
0x51: {  	s21 =	rddreg [dreg:$0xe];
	[sflag:s12] =	ssyncadd.s32 $0xFFFFC000  }
0x52: {  	[hbm4b:s21+s7] =	stream.linear.scatter [tilespmem:s11], [sflag:$0x2], $0x4000, $0x38;
	[tilespmem:$0x6400] =	vst v63  }
0x53: {  	_ =	swait.ge [sflag:s8], $0x4000  }
0x54: {  	[sflag:s8] =	ssyncset.done $0x0  }
0x55: {  	s13 =	simm.s32 $0x100;
	[sflag:s8] =	ssyncadd.s32 $0xFFFFC000  }
0x56: {  	[tilespmem:s11], [sflag:$0x1] =	stream.indirect.gather [hbm4b:s0+s10], $0x80, s13, s10, $0xb8;
	[tilespmem:$0x6400] =	vst v63  }
0x57: {  	_ =	swait.ge [sflag:s12], $0x4000  }
0x58: {  	[sflag:s12] =	ssyncset.done $0x0  }
0x59: {  	s14 =	rddreg [dreg:$0xf];
	[sflag:s12] =	ssyncadd.s32 $0xFFFFC000  }
0x5a: {  	[hbm4b:s14+s7] =	stream.linear.scatter [tilespmem:s11], [sflag:$0x2], $0x4000, $0x38;
	[tilespmem:$0x6400] =	vst v63  }
0x5b: {  	_ =	swait.ge [sflag:s8], $0x4000  }
0x5c: {  	[sflag:s8] =	ssyncset.done $0x0  }
0x5d: {  	s14 =	simm.s32 $0x180;
	[sflag:s8] =	ssyncadd.s32 $0xFFFFC000  }
0x5e: {  	[tilespmem:s11], [sflag:$0x1] =	stream.indirect.gather [hbm4b:s0+s10], $0x80, s14, s10, $0xb8;
	[tilespmem:$0x6400] =	vst v63  }
0x5f: {  	_ =	swait.ge [sflag:s12], $0x4000  }
0x60: {  	[sflag:s12] =	ssyncset.done $0x0  }
0x61: {  	s15 =	rddreg [dreg:$0x10];
	[sflag:s12] =	ssyncadd.s32 $0xFFFFC000  }
0x62: {  	[hbm4b:s15+s7] =	stream.linear.scatter [tilespmem:s11], [sflag:$0x2], $0x4000, $0x38;
	[tilespmem:$0x6400] =	vst v63  }
0x63: {  	_ =	swait.ge [sflag:s8], $0x4000  }
0x64: {  	[sflag:s8] =	ssyncset.done $0x0  }
0x65: {  	[sflag:s8] =	ssyncadd.s32 $0xFFFFC000  }
0x66: {  	[tilespmem:s11], [sflag:$0x1] =	stream.indirect.gather [hbm4b:s0+s10], $0x80, s9, s10, $0xb8;
	[tilespmem:$0x6400] =	vst v63  }
0x67: {  	_ =	swait.ge [sflag:s12], $0x4000  }
0x68: {  	[sflag:s12] =	ssyncset.done $0x0  }
0x69: {  	s23 =	rddreg [dreg:$0x11];
	[sflag:s12] =	ssyncadd.s32 $0xFFFFC000  }
0x6a: {  	[hbm4b:s23+s7] =	stream.linear.scatter [tilespmem:s11], [sflag:$0x2], $0x4000, $0x38;
	[tilespmem:$0x6400] =	vst v63  }
0x6b: {  	_ =	swait.ge [sflag:s8], $0x4000  }
0x6c: {  	[sflag:s8] =	ssyncset.done $0x0  }
0x6d: {  	s15 =	simm.s32 $0x280;
	[sflag:s8] =	ssyncadd.s32 $0xFFFFC000  }
0x6e: {  	[tilespmem:s11], [sflag:$0x1] =	stream.indirect.gather [hbm4b:s0+s10], $0x80, s15, s10, $0xb8;
	[tilespmem:$0x6400] =	vst v63  }
0x6f: {  	_ =	swait.ge [sflag:s12], $0x4000  }
0x70: {  	[sflag:s12] =	ssyncset.done $0x0  }
0x71: {  	s16 =	rddreg [dreg:$0x12];
	[sflag:s12] =	ssyncadd.s32 $0xFFFFC000  }
0x72: {  	[hbm4b:s16+s7] =	stream.linear.scatter [tilespmem:s11], [sflag:$0x2], $0x4000, $0x38;
	[tilespmem:$0x6400] =	vst v63  }
0x73: {  	_ =	swait.ge [sflag:s8], $0x4000  }
0x74: {  	[sflag:s8] =	ssyncset.done $0x0  }
0x75: {  	s16 =	simm.s32 $0x300;
	[sflag:s8] =	ssyncadd.s32 $0xFFFFC000  }
0x76: {  	[tilespmem:s11], [sflag:$0x1] =	stream.indirect.gather [hbm4b:s0+s10], $0x80, s16, s10, $0xb8;
	[tilespmem:$0x6400] =	vst v63  }
0x77: {  	_ =	swait.ge [sflag:s12], $0x4000  }
0x78: {  	[sflag:s12] =	ssyncset.done $0x0  }
0x79: {  	s17 =	rddreg [dreg:$0x13];
	[sflag:s12] =	ssyncadd.s32 $0xFFFFC000  }
0x7a: {  	[hbm4b:s17+s7] =	stream.linear.scatter [tilespmem:s11], [sflag:$0x2], $0x4000, $0x38;
	[tilespmem:$0x6400] =	vst v63  }
0x7b: {  	_ =	swait.ge [sflag:s8], $0x4000  }
0x7c: {  	[sflag:s8] =	ssyncset.done $0x0  }
0x7d: {  	s17 =	simm.s32 $0x380;
	[sflag:s8] =	ssyncadd.s32 $0xFFFFC000  }
0x7e: {  	[tilespmem:s11], [sflag:$0x1] =	stream.indirect.gather [hbm4b:s0+s10], $0x80, s17, s10, $0xb8;
	[tilespmem:$0x6400] =	vst v63  }
0x7f: {  	_ =	swait.ge [sflag:s12], $0x4000  }
0x80: {  	[sflag:s12] =	ssyncset.done $0x0  }
0x81: {  	s18 =	rddreg [dreg:$0x14];
	[sflag:s12] =	ssyncadd.s32 $0xFFFFC000  }
0x82: {  	[hbm4b:s18+s7] =	stream.linear.scatter [tilespmem:s11], [sflag:$0x2], $0x4000, $0x38;
	[tilespmem:$0x6400] =	vst v63  }
0x83: {  	_ =	swait.ge [sflag:s8], $0x4000  }
0x84: {  	[sflag:s8] =	ssyncset.done $0x0  }
0x85: {  	[sflag:s8] =	ssyncadd.s32 $0xFFFFC000  }
0x86: {  	[tilespmem:s11], [sflag:$0x1] =	stream.indirect.gather [hbm4b:s1+s10], $0x80, s7, s10, $0xb8;
	[tilespmem:$0x6400] =	vst v63  }
0x87: {  	_ =	swait.ge [sflag:s12], $0x4000  }
0x88: {  	[sflag:s12] =	ssyncset.done $0x0  }
0x89: {  	s24 =	rddreg [dreg:$0x15];
	[sflag:s12] =	ssyncadd.s32 $0xFFFFC000  }
0x8a: {  	[hbm4b:s24+s7] =	stream.linear.scatter [tilespmem:s11], [sflag:$0x2], $0x4000, $0x38;
	[tilespmem:$0x6400] =	vst v63  }
0x8b: {  	_ =	swait.ge [sflag:s8], $0x4000  }
0x8c: {  	[sflag:s8] =	ssyncset.done $0x0  }
0x8d: {  	[sflag:s8] =	ssyncadd.s32 $0xFFFFC000  }
0x8e: {  	[tilespmem:s11], [sflag:$0x1] =	stream.indirect.gather [hbm4b:s1+s10], $0x80, s10, s10, $0xb8;
	[tilespmem:$0x6400] =	vst v63  }
0x8f: {  	_ =	swait.ge [sflag:s12], $0x4000  }
0x90: {  	[sflag:s12] =	ssyncset.done $0x0  }
0x91: {  	s25 =	rddreg [dreg:$0x16];
	[sflag:s12] =	ssyncadd.s32 $0xFFFFC000  }
0x92: {  	[hbm4b:s25+s7] =	stream.linear.scatter [tilespmem:s11], [sflag:$0x2], $0x4000, $0x38;
	[tilespmem:$0x6400] =	vst v63  }
0x93: {  	_ =	swait.ge [sflag:s8], $0x4000  }
0x94: {  	[sflag:s8] =	ssyncset.done $0x0  }
0x95: {  	[sflag:s8] =	ssyncadd.s32 $0xFFFFC000  }
0x96: {  	[tilespmem:s11], [sflag:$0x1] =	stream.indirect.gather [hbm4b:s1+s10], $0x80, s13, s10, $0xb8;
	[tilespmem:$0x6400] =	vst v63  }
0x97: {  	_ =	swait.ge [sflag:s12], $0x4000  }
0x98: {  	[sflag:s12] =	ssyncset.done $0x0  }
0x99: {  	s26 =	rddreg [dreg:$0x17];
	[sflag:s12] =	ssyncadd.s32 $0xFFFFC000  }
0x9a: {  	[hbm4b:s26+s7] =	stream.linear.scatter [tilespmem:s11], [sflag:$0x2], $0x4000, $0x38;
	[tilespmem:$0x6400] =	vst v63  }
0x9b: {  	_ =	swait.ge [sflag:s8], $0x4000  }
0x9c: {  	[sflag:s8] =	ssyncset.done $0x0  }
0x9d: {  	[sflag:s8] =	ssyncadd.s32 $0xFFFFC000  }
0x9e: {  	[tilespmem:s11], [sflag:$0x1] =	stream.indirect.gather [hbm4b:s1+s10], $0x80, s14, s10, $0xb8;
	[tilespmem:$0x6400] =	vst v63  }
0x9f: {  	_ =	swait.ge [sflag:s12], $0x4000  }
0xa0: {  	[sflag:s12] =	ssyncset.done $0x0  }
0xa1: {  	s19 =	rddreg [dreg:$0x18];
	[sflag:s12] =	ssyncadd.s32 $0xFFFFC000  }
0xa2: {  	[hbm4b:s19+s7] =	stream.linear.scatter [tilespmem:s11], [sflag:$0x2], $0x4000, $0x38;
	[tilespmem:$0x6400] =	vst v63  }
0xa3: {  	_ =	swait.ge [sflag:s8], $0x4000  }
0xa4: {  	[sflag:s8] =	ssyncset.done $0x0  }
0xa5: {  	[sflag:s8] =	ssyncadd.s32 $0xFFFFC000  }
0xa6: {  	[tilespmem:s11], [sflag:$0x1] =	stream.indirect.gather [hbm4b:s3+s10], $0x80, s7, s10, $0xb8;
	[tilespmem:$0x6400] =	vst v63  }
0xa7: {  	_ =	swait.ge [sflag:s12], $0x4000  }
0xa8: {  	[sflag:s12] =	ssyncset.done $0x0  }
0xa9: {  	s20 =	rddreg [dreg:$0x19];
	[sflag:s12] =	ssyncadd.s32 $0xFFFFC000  }
0xaa: {  	[hbm4b:s20+s7] =	stream.linear.scatter [tilespmem:s11], [sflag:$0x2], $0x4000, $0x38;
	[tilespmem:$0x6400] =	vst v63  }
0xab: {  	_ =	swait.ge [sflag:s8], $0x4000  }
0xac: {  	[sflag:s8] =	ssyncset.done $0x0  }
0xad: {  	[sflag:s8] =	ssyncadd.s32 $0xFFFFC000  }
0xae: {  	[tilespmem:s11], [sflag:$0x1] =	stream.indirect.gather [hbm4b:s3+s10], $0x80, s10, s10, $0xb8;
	[tilespmem:$0x6400] =	vst v63  }
0xaf: {  	_ =	swait.ge [sflag:s12], $0x4000  }
0xb0: {  	[sflag:s12] =	ssyncset.done $0x0  }
0xb1: {  	s21 =	rddreg [dreg:$0x1a];
	[sflag:s12] =	ssyncadd.s32 $0xFFFFC000  }
0xb2: {  	[hbm4b:s21+s7] =	stream.linear.scatter [tilespmem:s11], [sflag:$0x2], $0x4000, $0x38;
	[tilespmem:$0x6400] =	vst v63  }
0xb3: {  	_ =	swait.ge [sflag:s8], $0x4000  }
0xb4: {  	[sflag:s8] =	ssyncset.done $0x0  }
0xb5: {  	[sflag:s8] =	ssyncadd.s32 $0xFFFFC000  }
0xb6: {  	[tilespmem:s11], [sflag:$0x1] =	stream.indirect.gather [hbm4b:s3+s10], $0x80, s13, s10, $0xb8;
	[tilespmem:$0x6400] =	vst v63  }
0xb7: {  	_ =	swait.ge [sflag:s12], $0x4000  }
0xb8: {  	[sflag:s12] =	ssyncset.done $0x0  }
0xb9: {  	s23 =	rddreg [dreg:$0x1b];
	[sflag:s12] =	ssyncadd.s32 $0xFFFFC000  }
0xba: {  	[hbm4b:s23+s7] =	stream.linear.scatter [tilespmem:s11], [sflag:$0x2], $0x4000, $0x38;
	[tilespmem:$0x6400] =	vst v63  }
0xbb: {  	_ =	swait.ge [sflag:s8], $0x4000  }
0xbc: {  	[sflag:s8] =	ssyncset.done $0x0  }
0xbd: {  	[sflag:s8] =	ssyncadd.s32 $0xFFFFC000  }
0xbe: {  	[tilespmem:s11], [sflag:$0x1] =	stream.indirect.gather [hbm4b:s3+s10], $0x80, s14, s10, $0xb8;
	[tilespmem:$0x6400] =	vst v63  }
0xbf: {  	_ =	swait.ge [sflag:s12], $0x4000  }
0xc0: {  	[sflag:s12] =	ssyncset.done $0x0  }
0xc1: {  	s24 =	rddreg [dreg:$0x1c];
	[sflag:s12] =	ssyncadd.s32 $0xFFFFC000  }
0xc2: {  	[hbm4b:s24+s7] =	stream.linear.scatter [tilespmem:s11], [sflag:$0x2], $0x4000, $0x38;
	[tilespmem:$0x6400] =	vst v63  }
0xc3: {  	_ =	swait.ge [sflag:s8], $0x4000  }
0xc4: {  	[sflag:s8] =	ssyncset.done $0x0  }
0xc5: {  	s18 =	sadd.s32 $0x24D400, s28;
	s19 =	simm.s32 $0x4400;
	[sflag:s8] =	ssyncadd.s32 $0xFFFFC000  }
0xc6: {  	[tilespmem:s19], [sflag:$0x1] =	stream.indirect.gather [hbm4b:s18+s10], $0x40, s7, s10, $0xb8;
	[tilespmem:$0x6400] =	vst v63  }
0xc7: {  	_ =	swait.ge [sflag:s12], $0x2000  }
0xc8: {  	[sflag:s12] =	ssyncset.done $0x0  }
0xc9: {  	s20 =	simm.s32 $0x40;
	s21 =	rddreg [dreg:$0x1d];
	[sflag:s12] =	ssyncadd.s32 $0xFFFFE000  }
0xca: {  	[hbm4b:s21+s20] =	stream.strided.scatter [tilespmem:s19], [sflag:$0x2], $0x2000, s10, s20, $0x38;
	[tilespmem:$0x6400] =	vst v63  }
0xcb: {  	_ =	swait.ge [sflag:s8], $0x2000  }
0xcc: {  	[sflag:s8] =	ssyncset.done $0x0  }
0xcd: {  	[sflag:s8] =	ssyncadd.s32 $0xFFFFE000  }
0xce: {  	[tilespmem:s19], [sflag:$0x1] =	stream.indirect.gather [hbm4b:s18+s10], $0x40, s10, s10, $0xb8;
	[tilespmem:$0x6400] =	vst v63  }
0xcf: {  	_ =	swait.ge [sflag:s12], $0x2000  }
0xd0: {  	[sflag:s12] =	ssyncset.done $0x0  }
0xd1: {  	s25 =	rddreg [dreg:$0x1e];
	[sflag:s12] =	ssyncadd.s32 $0xFFFFE000  }
0xd2: {  	[hbm4b:s25+s20] =	stream.strided.scatter [tilespmem:s19], [sflag:$0x2], $0x2000, s10, s20, $0x38;
	[tilespmem:$0x6400] =	vst v63  }
0xd3: {  	_ =	swait.ge [sflag:s8], $0x2000  }
0xd4: {  	[sflag:s8] =	ssyncset.done $0x0  }
0xd5: {  	[sflag:s8] =	ssyncadd.s32 $0xFFFFE000  }
0xd6: {  	[tilespmem:s19], [sflag:$0x1] =	stream.indirect.gather [hbm4b:s18+s10], $0x40, s13, s10, $0xb8;
	[tilespmem:$0x6400] =	vst v63  }
0xd7: {  	_ =	swait.ge [sflag:s12], $0x2000  }
0xd8: {  	[sflag:s12] =	ssyncset.done $0x0  }
0xd9: {  	s26 =	rddreg [dreg:$0x1f];
	[sflag:s12] =	ssyncadd.s32 $0xFFFFE000  }
0xda: {  	[hbm4b:s26+s20] =	stream.strided.scatter [tilespmem:s19], [sflag:$0x2], $0x2000, s10, s20, $0x38;
	[tilespmem:$0x6400] =	vst v63  }
0xdb: {  	_ =	swait.ge [sflag:s8], $0x2000  }
0xdc: {  	[sflag:s8] =	ssyncset.done $0x0  }
0xdd: {  	[sflag:s8] =	ssyncadd.s32 $0xFFFFE000  }
0xde: {  	[tilespmem:s19], [sflag:$0x1] =	stream.indirect.gather [hbm4b:s18+s10], $0x40, s14, s10, $0xb8;
	[tilespmem:$0x6400] =	vst v63  }
0xdf: {  	_ =	swait.ge [sflag:s12], $0x2000  }
0xe0: {  	s23 =	sld [smem:$0x7E1]  }
0xe1: {  	[sflag:s12] =	ssyncset.done $0x0  }
0xe2: {  	[sflag:s12] =	ssyncadd.s32 $0xFFFFE000  }
0xe3: {  	[hbm4b:s23+s20] =	stream.strided.scatter [tilespmem:s19], [sflag:$0x2], $0x2000, s10, s20, $0x38;
	[tilespmem:$0x6400] =	vst v63  }
0xe4: {  	_ =	swait.ge [sflag:s8], $0x2000  }
0xe5: {  	[sflag:s8] =	ssyncset.done $0x0  }
0xe6: {  	[sflag:s8] =	ssyncadd.s32 $0xFFFFE000  }
0xe7: {  	[tilespmem:s11], [sflag:$0x1] =	stream.indirect.gather [hbm4b:s4+s10], $0x80, s7, s10, $0xb8;
	[tilespmem:$0x6400] =	vst v63  }
0xe8: {  	_ =	swait.ge [sflag:s12], $0x4000  }
0xe9: {  	s24 =	sld [smem:$0x7E2]  }
0xea: {  	[sflag:s12] =	ssyncset.done $0x0  }
0xeb: {  	[sflag:s12] =	ssyncadd.s32 $0xFFFFC000  }
0xec: {  	[hbm4b:s24+s7] =	stream.linear.scatter [tilespmem:s11], [sflag:$0x2], $0x4000, $0x38;
	[tilespmem:$0x6400] =	vst v63  }
0xed: {  	_ =	swait.ge [sflag:s8], $0x4000  }
0xee: {  	[sflag:s8] =	ssyncset.done $0x0  }
0xef: {  	[sflag:s8] =	ssyncadd.s32 $0xFFFFC000  }
0xf0: {  	[tilespmem:s11], [sflag:$0x1] =	stream.indirect.gather [hbm4b:s4+s10], $0x80, s10, s10, $0xb8;
	[tilespmem:$0x6400] =	vst v63  }
0xf1: {  	_ =	swait.ge [sflag:s12], $0x4000  }
0xf2: {  	s25 =	sld [smem:$0x7E3]  }
0xf3: {  	[sflag:s12] =	ssyncset.done $0x0  }
0xf4: {  	[sflag:s12] =	ssyncadd.s32 $0xFFFFC000  }
0xf5: {  	[hbm4b:s25+s7] =	stream.linear.scatter [tilespmem:s11], [sflag:$0x2], $0x4000, $0x38;
	[tilespmem:$0x6400] =	vst v63  }
0xf6: {  	_ =	swait.ge [sflag:s8], $0x4000  }
0xf7: {  	[sflag:s8] =	ssyncset.done $0x0  }
0xf8: {  	[sflag:s8] =	ssyncadd.s32 $0xFFFFC000  }
0xf9: {  	[tilespmem:s11], [sflag:$0x1] =	stream.indirect.gather [hbm4b:s4+s10], $0x80, s13, s10, $0xb8;
	[tilespmem:$0x6400] =	vst v63  }
0xfa: {  	_ =	swait.ge [sflag:s12], $0x4000  }
0xfb: {  	s26 =	sld [smem:$0x7E4]  }
0xfc: {  	[sflag:s12] =	ssyncset.done $0x0  }
0xfd: {  	[sflag:s12] =	ssyncadd.s32 $0xFFFFC000  }
0xfe: {  	[hbm4b:s26+s7] =	stream.linear.scatter [tilespmem:s11], [sflag:$0x2], $0x4000, $0x38;
	[tilespmem:$0x6400] =	vst v63  }
0xff: {  	_ =	swait.ge [sflag:s8], $0x4000  }
0x100: {  	[sflag:s8] =	ssyncset.done $0x0  }
0x101: {  	[sflag:s8] =	ssyncadd.s32 $0xFFFFC000  }
0x102: {  	[tilespmem:s11], [sflag:$0x1] =	stream.indirect.gather [hbm4b:s4+s10], $0x80, s14, s10, $0xb8;
	[tilespmem:$0x6400] =	vst v63  }
0x103: {  	_ =	swait.ge [sflag:s12], $0x4000  }
0x104: {  	s23 =	sld [smem:$0x7E5]  }
0x105: {  	[sflag:s12] =	ssyncset.done $0x0  }
0x106: {  	[sflag:s12] =	ssyncadd.s32 $0xFFFFC000  }
0x107: {  	[hbm4b:s23+s7] =	stream.linear.scatter [tilespmem:s11], [sflag:$0x2], $0x4000, $0x38;
	[tilespmem:$0x6400] =	vst v63  }
0x108: {  	_ =	swait.ge [sflag:s8], $0x4000  }
0x109: {  	[sflag:s8] =	ssyncset.done $0x0  }
0x10a: {  	[sflag:s8] =	ssyncadd.s32 $0xFFFFC000  }
0x10b: {  	[tilespmem:s11], [sflag:$0x1] =	stream.indirect.gather [hbm4b:s6+s10], $0x80, s7, s10, $0xb8;
	[tilespmem:$0x6400] =	vst v63  }
0x10c: {  	_ =	swait.ge [sflag:s12], $0x4000  }
0x10d: {  	s24 =	sld [smem:$0x7E6]  }
0x10e: {  	[sflag:s12] =	ssyncset.done $0x0  }
0x10f: {  	[sflag:s12] =	ssyncadd.s32 $0xFFFFC000  }
0x110: {  	[hbm4b:s24+s7] =	stream.linear.scatter [tilespmem:s11], [sflag:$0x2], $0x4000, $0x38;
	[tilespmem:$0x6400] =	vst v63  }
0x111: {  	_ =	swait.ge [sflag:s8], $0x4000  }
0x112: {  	[sflag:s8] =	ssyncset.done $0x0  }
0x113: {  	[sflag:s8] =	ssyncadd.s32 $0xFFFFC000  }
0x114: {  	[tilespmem:s11], [sflag:$0x1] =	stream.indirect.gather [hbm4b:s6+s10], $0x80, s10, s10, $0xb8;
	[tilespmem:$0x6400] =	vst v63  }
0x115: {  	_ =	swait.ge [sflag:s12], $0x4000  }
0x116: {  	s25 =	sld [smem:$0x7E7]  }
0x117: {  	[sflag:s12] =	ssyncset.done $0x0  }
0x118: {  	[sflag:s12] =	ssyncadd.s32 $0xFFFFC000  }
0x119: {  	[hbm4b:s25+s7] =	stream.linear.scatter [tilespmem:s11], [sflag:$0x2], $0x4000, $0x38;
	[tilespmem:$0x6400] =	vst v63  }
0x11a: {  	_ =	swait.ge [sflag:s8], $0x4000  }
0x11b: {  	[sflag:s8] =	ssyncset.done $0x0  }
0x11c: {  	[sflag:s8] =	ssyncadd.s32 $0xFFFFC000  }
0x11d: {  	[tilespmem:s11], [sflag:$0x1] =	stream.indirect.gather [hbm4b:s6+s10], $0x80, s13, s10, $0xb8;
	[tilespmem:$0x6400] =	vst v63  }
0x11e: {  	_ =	swait.ge [sflag:s12], $0x4000  }
0x11f: {  	s26 =	sld [smem:$0x7E8]  }
0x120: {  	[sflag:s12] =	ssyncset.done $0x0  }
0x121: {  	[sflag:s12] =	ssyncadd.s32 $0xFFFFC000  }
0x122: {  	[hbm4b:s26+s7] =	stream.linear.scatter [tilespmem:s11], [sflag:$0x2], $0x4000, $0x38;
	[tilespmem:$0x6400] =	vst v63  }
0x123: {  	_ =	swait.ge [sflag:s8], $0x4000  }
0x124: {  	[sflag:s8] =	ssyncset.done $0x0  }
0x125: {  	[sflag:s8] =	ssyncadd.s32 $0xFFFFC000  }
0x126: {  	[tilespmem:s11], [sflag:$0x1] =	stream.indirect.gather [hbm4b:s6+s10], $0x80, s14, s10, $0xb8;
	[tilespmem:$0x6400] =	vst v63  }
0x127: {  	_ =	swait.ge [sflag:s12], $0x4000  }
0x128: {  	s23 =	sld [smem:$0x7E9]  }
0x129: {  	[sflag:s12] =	ssyncset.done $0x0  }
0x12a: {  	[sflag:s12] =	ssyncadd.s32 $0xFFFFC000  }
0x12b: {  	[hbm4b:s23+s7] =	stream.linear.scatter [tilespmem:s11], [sflag:$0x2], $0x4000, $0x38;
	[tilespmem:$0x6400] =	vst v63  }
0x12c: {  	_ =	swait.ge [sflag:s8], $0x4000  }
0x12d: {  	[sflag:s8] =	ssyncset.done $0x0  }
0x12e: {  	s21 =	sadd.s32 $0x189E00, s28;
	[sflag:s8] =	ssyncadd.s32 $0xFFFFC000  }
0x12f: {  	[tilespmem:s19], [sflag:$0x1] =	stream.indirect.gather [hbm4b:s21+s10], $0x40, s7, s10, $0xb8;
	[tilespmem:$0x6400] =	vst v63  }
0x130: {  	_ =	swait.ge [sflag:s12], $0x2000  }
0x131: {  	s23 =	sld [smem:$0x7EA]  }
0x132: {  	[sflag:s12] =	ssyncset.done $0x0  }
0x133: {  	[sflag:s12] =	ssyncadd.s32 $0xFFFFE000  }
0x134: {  	[hbm4b:s23+s20] =	stream.strided.scatter [tilespmem:s19], [sflag:$0x2], $0x2000, s10, s20, $0x38;
	[tilespmem:$0x6400] =	vst v63  }
0x135: {  	_ =	swait.ge [sflag:s8], $0x2000  }
0x136: {  	[sflag:s8] =	ssyncset.done $0x0  }
0x137: {  	[sflag:s8] =	ssyncadd.s32 $0xFFFFE000  }
0x138: {  	[tilespmem:s19], [sflag:$0x1] =	stream.indirect.gather [hbm4b:s21+s10], $0x40, s10, s10, $0xb8;
	[tilespmem:$0x6400] =	vst v63  }
0x139: {  	_ =	swait.ge [sflag:s12], $0x2000  }
0x13a: {  	s24 =	sld [smem:$0x7EB]  }
0x13b: {  	[sflag:s12] =	ssyncset.done $0x0  }
0x13c: {  	[sflag:s12] =	ssyncadd.s32 $0xFFFFE000  }
0x13d: {  	[hbm4b:s24+s20] =	stream.strided.scatter [tilespmem:s19], [sflag:$0x2], $0x2000, s10, s20, $0x38;
	[tilespmem:$0x6400] =	vst v63  }
0x13e: {  	_ =	swait.ge [sflag:s8], $0x2000  }
0x13f: {  	[sflag:s8] =	ssyncset.done $0x0  }
0x140: {  	[sflag:s8] =	ssyncadd.s32 $0xFFFFE000  }
0x141: {  	[tilespmem:s19], [sflag:$0x1] =	stream.indirect.gather [hbm4b:s21+s10], $0x40, s13, s10, $0xb8;
	[tilespmem:$0x6400] =	vst v63  }
0x142: {  	_ =	swait.ge [sflag:s12], $0x2000  }
0x143: {  	s25 =	sld [smem:$0x7EC]  }
0x144: {  	[sflag:s12] =	ssyncset.done $0x0  }
0x145: {  	[sflag:s12] =	ssyncadd.s32 $0xFFFFE000  }
0x146: {  	[hbm4b:s25+s20] =	stream.strided.scatter [tilespmem:s19], [sflag:$0x2], $0x2000, s10, s20, $0x38;
	[tilespmem:$0x6400] =	vst v63  }
0x147: {  	_ =	swait.ge [sflag:s8], $0x2000  }
0x148: {  	[sflag:s8] =	ssyncset.done $0x0  }
0x149: {  	[sflag:s8] =	ssyncadd.s32 $0xFFFFE000  }
0x14a: {  	[tilespmem:s19], [sflag:$0x1] =	stream.indirect.gather [hbm4b:s21+s10], $0x40, s14, s10, $0xb8;
	[tilespmem:$0x6400] =	vst v63  }
0x14b: {  	_ =	swait.ge [sflag:s12], $0x2000  }
0x14c: {  	s26 =	sld [smem:$0x7ED]  }
0x14d: {  	[sflag:s12] =	ssyncset.done $0x0  }
0x14e: {  	[sflag:s12] =	ssyncadd.s32 $0xFFFFE000  }
0x14f: {  	[hbm4b:s26+s20] =	stream.strided.scatter [tilespmem:s19], [sflag:$0x2], $0x2000, s10, s20, $0x38;
	[tilespmem:$0x6400] =	vst v63  }
0x150: {  	_ =	swait.ge [sflag:s8], $0x2000  }
0x151: {  	[sflag:s8] =	ssyncset.done $0x0  }
0x152: {  	[sflag:s8] =	ssyncadd.s32 $0xFFFFE000  }
0x153: {  	[tilespmem:s11], [sflag:$0x1] =	stream.indirect.gather [hbm4b:s1+s10], $0x80, s9, s10, $0xb8;
	[tilespmem:$0x6400] =	vst v63  }
0x154: {  	_ =	swait.ge [sflag:s12], $0x4000  }
0x155: {  	s24 =	sld [smem:$0x7EE]  }
0x156: {  	[sflag:s12] =	ssyncset.done $0x0  }
0x157: {  	[sflag:s12] =	ssyncadd.s32 $0xFFFFC000  }
0x158: {  	[hbm4b:s24+s7] =	stream.linear.scatter [tilespmem:s11], [sflag:$0x2], $0x4000, $0x38;
	[tilespmem:$0x6400] =	vst v63  }
0x159: {  	_ =	swait.ge [sflag:s8], $0x4000  }
0x15a: {  	[sflag:s8] =	ssyncset.done $0x0  }
0x15b: {  	[sflag:s8] =	ssyncadd.s32 $0xFFFFC000  }
0x15c: {  	[tilespmem:s11], [sflag:$0x1] =	stream.indirect.gather [hbm4b:s1+s10], $0x80, s15, s10, $0xb8;
	[tilespmem:$0x6400] =	vst v63  }
0x15d: {  	_ =	swait.ge [sflag:s12], $0x4000  }
0x15e: {  	s25 =	sld [smem:$0x7EF]  }
0x15f: {  	[sflag:s12] =	ssyncset.done $0x0  }
0x160: {  	[sflag:s12] =	ssyncadd.s32 $0xFFFFC000  }
0x161: {  	[hbm4b:s25+s7] =	stream.linear.scatter [tilespmem:s11], [sflag:$0x2], $0x4000, $0x38;
	[tilespmem:$0x6400] =	vst v63  }
0x162: {  	_ =	swait.ge [sflag:s8], $0x4000  }
0x163: {  	[sflag:s8] =	ssyncset.done $0x0  }
0x164: {  	[sflag:s8] =	ssyncadd.s32 $0xFFFFC000  }
0x165: {  	[tilespmem:s11], [sflag:$0x1] =	stream.indirect.gather [hbm4b:s1+s10], $0x80, s16, s10, $0xb8;
	[tilespmem:$0x6400] =	vst v63  }
0x166: {  	_ =	swait.ge [sflag:s12], $0x4000  }
0x167: {  	s26 =	sld [smem:$0x7F0]  }
0x168: {  	[sflag:s12] =	ssyncset.done $0x0  }
0x169: {  	[sflag:s12] =	ssyncadd.s32 $0xFFFFC000  }
0x16a: {  	[hbm4b:s26+s7] =	stream.linear.scatter [tilespmem:s11], [sflag:$0x2], $0x4000, $0x38;
	[tilespmem:$0x6400] =	vst v63  }
0x16b: {  	_ =	swait.ge [sflag:s8], $0x4000  }
0x16c: {  	[sflag:s8] =	ssyncset.done $0x0  }
0x16d: {  	[sflag:s8] =	ssyncadd.s32 $0xFFFFC000  }
0x16e: {  	[tilespmem:s11], [sflag:$0x1] =	stream.indirect.gather [hbm4b:s1+s10], $0x80, s17, s10, $0xb8;
	[tilespmem:$0x6400] =	vst v63  }
0x16f: {  	_ =	swait.ge [sflag:s12], $0x4000  }
0x170: {  	s24 =	sld [smem:$0x7F1]  }
0x171: {  	[sflag:s12] =	ssyncset.done $0x0  }
0x172: {  	[sflag:s12] =	ssyncadd.s32 $0xFFFFC000  }
0x173: {  	[hbm4b:s24+s7] =	stream.linear.scatter [tilespmem:s11], [sflag:$0x2], $0x4000, $0x38;
	[tilespmem:$0x6400] =	vst v63  }
0x174: {  	_ =	swait.ge [sflag:s8], $0x4000  }
0x175: {  	[sflag:s8] =	ssyncset.done $0x0  }
0x176: {  	[sflag:s8] =	ssyncadd.s32 $0xFFFFC000  }
0x177: {  	[tilespmem:s11], [sflag:$0x1] =	stream.indirect.gather [hbm4b:s3+s10], $0x80, s9, s10, $0xb8;
	[tilespmem:$0x6400] =	vst v63  }
0x178: {  	_ =	swait.ge [sflag:s12], $0x4000  }
0x179: {  	s25 =	sld [smem:$0x7F2]  }
0x17a: {  	[sflag:s12] =	ssyncset.done $0x0  }
0x17b: {  	[sflag:s12] =	ssyncadd.s32 $0xFFFFC000  }
0x17c: {  	[hbm4b:s25+s7] =	stream.linear.scatter [tilespmem:s11], [sflag:$0x2], $0x4000, $0x38;
	[tilespmem:$0x6400] =	vst v63  }
0x17d: {  	_ =	swait.ge [sflag:s8], $0x4000  }
0x17e: {  	[sflag:s8] =	ssyncset.done $0x0  }
0x17f: {  	[sflag:s8] =	ssyncadd.s32 $0xFFFFC000  }
0x180: {  	[tilespmem:s11], [sflag:$0x1] =	stream.indirect.gather [hbm4b:s3+s10], $0x80, s15, s10, $0xb8;
	[tilespmem:$0x6400] =	vst v63  }
0x181: {  	_ =	swait.ge [sflag:s12], $0x4000  }
0x182: {  	s26 =	sld [smem:$0x7F3]  }
0x183: {  	[sflag:s12] =	ssyncset.done $0x0  }
0x184: {  	[sflag:s12] =	ssyncadd.s32 $0xFFFFC000  }
0x185: {  	[hbm4b:s26+s7] =	stream.linear.scatter [tilespmem:s11], [sflag:$0x2], $0x4000, $0x38;
	[tilespmem:$0x6400] =	vst v63  }
0x186: {  	_ =	swait.ge [sflag:s8], $0x4000  }
0x187: {  	[sflag:s8] =	ssyncset.done $0x0  }
0x188: {  	[sflag:s8] =	ssyncadd.s32 $0xFFFFC000  }
0x189: {  	[tilespmem:s11], [sflag:$0x1] =	stream.indirect.gather [hbm4b:s3+s10], $0x80, s16, s10, $0xb8;
	[tilespmem:$0x6400] =	vst v63  }
0x18a: {  	_ =	swait.ge [sflag:s12], $0x4000  }
0x18b: {  	s24 =	sld [smem:$0x7F4]  }
0x18c: {  	[sflag:s12] =	ssyncset.done $0x0  }
0x18d: {  	[sflag:s12] =	ssyncadd.s32 $0xFFFFC000  }
0x18e: {  	[hbm4b:s24+s7] =	stream.linear.scatter [tilespmem:s11], [sflag:$0x2], $0x4000, $0x38;
	[tilespmem:$0x6400] =	vst v63  }
0x18f: {  	_ =	swait.ge [sflag:s8], $0x4000  }
0x190: {  	[sflag:s8] =	ssyncset.done $0x0  }
0x191: {  	[sflag:s8] =	ssyncadd.s32 $0xFFFFC000  }
0x192: {  	[tilespmem:s11], [sflag:$0x1] =	stream.indirect.gather [hbm4b:s3+s10], $0x80, s17, s10, $0xb8;
	[tilespmem:$0x6400] =	vst v63  }
0x193: {  	_ =	swait.ge [sflag:s12], $0x4000  }
0x194: {  	s25 =	sld [smem:$0x7F5]  }
0x195: {  	[sflag:s12] =	ssyncset.done $0x0  }
0x196: {  	[sflag:s12] =	ssyncadd.s32 $0xFFFFC000  }
0x197: {  	[hbm4b:s25+s7] =	stream.linear.scatter [tilespmem:s11], [sflag:$0x2], $0x4000, $0x38;
	[tilespmem:$0x6400] =	vst v63  }
0x198: {  	_ =	swait.ge [sflag:s8], $0x4000  }
0x199: {  	[sflag:s8] =	ssyncset.done $0x0  }
0x19a: {  	[sflag:s8] =	ssyncadd.s32 $0xFFFFC000  }
0x19b: {  	[tilespmem:s19], [sflag:$0x1] =	stream.indirect.gather [hbm4b:s18+s10], $0x40, s9, s10, $0xb8;
	[tilespmem:$0x6400] =	vst v63  }
0x19c: {  	_ =	swait.ge [sflag:s12], $0x2000  }
0x19d: {  	s26 =	sld [smem:$0x7F6]  }
0x19e: {  	[sflag:s12] =	ssyncset.done $0x0  }
0x19f: {  	[sflag:s12] =	ssyncadd.s32 $0xFFFFE000  }
0x1a0: {  	[hbm4b:s26+s20] =	stream.strided.scatter [tilespmem:s19], [sflag:$0x2], $0x2000, s10, s20, $0x38;
	[tilespmem:$0x6400] =	vst v63  }
0x1a1: {  	_ =	swait.ge [sflag:s8], $0x2000  }
0x1a2: {  	[sflag:s8] =	ssyncset.done $0x0  }
0x1a3: {  	[sflag:s8] =	ssyncadd.s32 $0xFFFFE000  }
0x1a4: {  	[tilespmem:s19], [sflag:$0x1] =	stream.indirect.gather [hbm4b:s18+s10], $0x40, s15, s10, $0xb8;
	[tilespmem:$0x6400] =	vst v63  }
0x1a5: {  	_ =	swait.ge [sflag:s12], $0x2000  }
0x1a6: {  	s24 =	sld [smem:$0x7F7]  }
0x1a7: {  	[sflag:s12] =	ssyncset.done $0x0  }
0x1a8: {  	[sflag:s12] =	ssyncadd.s32 $0xFFFFE000  }
0x1a9: {  	[hbm4b:s24+s20] =	stream.strided.scatter [tilespmem:s19], [sflag:$0x2], $0x2000, s10, s20, $0x38;
	[tilespmem:$0x6400] =	vst v63  }
0x1aa: {  	_ =	swait.ge [sflag:s8], $0x2000  }
0x1ab: {  	[sflag:s8] =	ssyncset.done $0x0  }
0x1ac: {  	[sflag:s8] =	ssyncadd.s32 $0xFFFFE000  }
0x1ad: {  	[tilespmem:s19], [sflag:$0x1] =	stream.indirect.gather [hbm4b:s18+s10], $0x40, s16, s10, $0xb8;
	[tilespmem:$0x6400] =	vst v63  }
0x1ae: {  	_ =	swait.ge [sflag:s12], $0x2000  }
0x1af: {  	s25 =	sld [smem:$0x7F8]  }
0x1b0: {  	[sflag:s12] =	ssyncset.done $0x0  }
0x1b1: {  	[sflag:s12] =	ssyncadd.s32 $0xFFFFE000  }
0x1b2: {  	[hbm4b:s25+s20] =	stream.strided.scatter [tilespmem:s19], [sflag:$0x2], $0x2000, s10, s20, $0x38;
	[tilespmem:$0x6400] =	vst v63  }
0x1b3: {  	_ =	swait.ge [sflag:s8], $0x2000  }
0x1b4: {  	[sflag:s8] =	ssyncset.done $0x0  }
0x1b5: {  	[sflag:s8] =	ssyncadd.s32 $0xFFFFE000  }
0x1b6: {  	[tilespmem:s19], [sflag:$0x1] =	stream.indirect.gather [hbm4b:s18+s10], $0x40, s17, s10, $0xb8;
	[tilespmem:$0x6400] =	vst v63  }
0x1b7: {  	_ =	swait.ge [sflag:s12], $0x2000  }
0x1b8: {  	s26 =	sld [smem:$0x7F9]  }
0x1b9: {  	[sflag:s12] =	ssyncset.done $0x0  }
0x1ba: {  	[sflag:s12] =	ssyncadd.s32 $0xFFFFE000  }
0x1bb: {  	[hbm4b:s26+s20] =	stream.strided.scatter [tilespmem:s19], [sflag:$0x2], $0x2000, s10, s20, $0x38;
	[tilespmem:$0x6400] =	vst v63  }
0x1bc: {  	_ =	swait.ge [sflag:s8], $0x2000  }
0x1bd: {  	[sflag:s8] =	ssyncset.done $0x0  }
0x1be: {  	[sflag:s8] =	ssyncadd.s32 $0xFFFFE000  }
0x1bf: {  	[tilespmem:s11], [sflag:$0x1] =	stream.indirect.gather [hbm4b:s4+s10], $0x80, s9, s10, $0xb8;
	[tilespmem:$0x6400] =	vst v63  }
0x1c0: {  	_ =	swait.ge [sflag:s12], $0x4000  }
0x1c1: {  	s24 =	sld [smem:$0x7FA]  }
0x1c2: {  	[sflag:s12] =	ssyncset.done $0x0  }
0x1c3: {  	[sflag:s12] =	ssyncadd.s32 $0xFFFFC000  }
0x1c4: {  	[hbm4b:s24+s7] =	stream.linear.scatter [tilespmem:s11], [sflag:$0x2], $0x4000, $0x38;
	[tilespmem:$0x6400] =	vst v63  }
0x1c5: {  	_ =	swait.ge [sflag:s8], $0x4000  }
0x1c6: {  	[sflag:s8] =	ssyncset.done $0x0  }
0x1c7: {  	[sflag:s8] =	ssyncadd.s32 $0xFFFFC000  }
0x1c8: {  	[tilespmem:s11], [sflag:$0x1] =	stream.indirect.gather [hbm4b:s4+s10], $0x80, s15, s10, $0xb8;
	[tilespmem:$0x6400] =	vst v63  }
0x1c9: {  	_ =	swait.ge [sflag:s12], $0x4000  }
0x1ca: {  	s25 =	sld [smem:$0x7FB]  }
0x1cb: {  	[sflag:s12] =	ssyncset.done $0x0  }
0x1cc: {  	[sflag:s12] =	ssyncadd.s32 $0xFFFFC000  }
0x1cd: {  	[hbm4b:s25+s7] =	stream.linear.scatter [tilespmem:s11], [sflag:$0x2], $0x4000, $0x38;
	[tilespmem:$0x6400] =	vst v63  }
0x1ce: {  	_ =	swait.ge [sflag:s8], $0x4000  }
0x1cf: {  	[sflag:s8] =	ssyncset.done $0x0  }
0x1d0: {  	[sflag:s8] =	ssyncadd.s32 $0xFFFFC000  }
0x1d1: {  	[tilespmem:s11], [sflag:$0x1] =	stream.indirect.gather [hbm4b:s4+s10], $0x80, s16, s10, $0xb8;
	[tilespmem:$0x6400] =	vst v63  }
0x1d2: {  	_ =	swait.ge [sflag:s12], $0x4000  }
0x1d3: {  	s26 =	sld [smem:$0x7FC]  }
0x1d4: {  	[sflag:s12] =	ssyncset.done $0x0  }
0x1d5: {  	[sflag:s12] =	ssyncadd.s32 $0xFFFFC000  }
0x1d6: {  	[hbm4b:s26+s7] =	stream.linear.scatter [tilespmem:s11], [sflag:$0x2], $0x4000, $0x38;
	[tilespmem:$0x6400] =	vst v63  }
0x1d7: {  	_ =	swait.ge [sflag:s8], $0x4000  }
0x1d8: {  	[sflag:s8] =	ssyncset.done $0x0  }
0x1d9: {  	[sflag:s8] =	ssyncadd.s32 $0xFFFFC000  }
0x1da: {  	[tilespmem:s11], [sflag:$0x1] =	stream.indirect.gather [hbm4b:s4+s10], $0x80, s17, s10, $0xb8;
	[tilespmem:$0x6400] =	vst v63  }
0x1db: {  	_ =	swait.ge [sflag:s12], $0x4000  }
0x1dc: {  	[sflag:s12] =	ssyncset.done $0x0  }
0x1dd: {  	s22 =	sadd.s32 s22, s2;
	[smem:$0x7FD] =	sst s2;
	[sflag:s12] =	ssyncadd.s32 $0xFFFFC000  }
0x1de: {  	[hbm4b:s22+s7] =	stream.linear.scatter [tilespmem:s11], [sflag:$0x2], $0x4000, $0x38;
	[tilespmem:$0x6400] =	vst v63  }
0x1df: {  	_ =	swait.ge [sflag:s8], $0x4000  }
0x1e0: {  	[sflag:s8] =	ssyncset.done $0x0  }
0x1e1: {  	[sflag:s8] =	ssyncadd.s32 $0xFFFFC000  }
0x1e2: {  	[tilespmem:s11], [sflag:$0x1] =	stream.indirect.gather [hbm4b:s6+s10], $0x80, s9, s10, $0xb8;
	[tilespmem:$0x6400] =	vst v63  }
0x1e3: {  	_ =	swait.ge [sflag:s12], $0x4000  }
0x1e4: {  	s26 =	sadd.s32 $0x410A00, s28;
	[sflag:s12] =	ssyncset.done $0x0  }
0x1e5: {  	s23 =	sadd.s32 s26, s5;
	[sflag:s12] =	ssyncadd.s32 $0xFFFFC000  }
0x1e6: {  	[hbm4b:s23+s7] =	stream.linear.scatter [tilespmem:s11], [sflag:$0x2], $0x4000, $0x38;
	[tilespmem:$0x6400] =	vst v63  }
0x1e7: {  	_ =	swait.ge [sflag:s8], $0x4000  }
0x1e8: {  	[sflag:s8] =	ssyncset.done $0x0  }
0x1e9: {  	[sflag:s8] =	ssyncadd.s32 $0xFFFFC000  }
0x1ea: {  	[tilespmem:s11], [sflag:$0x1] =	stream.indirect.gather [hbm4b:s6+s10], $0x80, s15, s10, $0xb8;
	[tilespmem:$0x6400] =	vst v63  }
0x1eb: {  	_ =	swait.ge [sflag:s12], $0x4000  }
0x1ec: {  	[sflag:s12] =	ssyncset.done $0x0  }
0x1ed: {  	s24 =	sadd.s32 s26, s29;
	[sflag:s12] =	ssyncadd.s32 $0xFFFFC000  }
0x1ee: {  	[hbm4b:s24+s7] =	stream.linear.scatter [tilespmem:s11], [sflag:$0x2], $0x4000, $0x38;
	[tilespmem:$0x6400] =	vst v63  }
0x1ef: {  	_ =	swait.ge [sflag:s8], $0x4000  }
0x1f0: {  	[sflag:s8] =	ssyncset.done $0x0  }
0x1f1: {  	[sflag:s8] =	ssyncadd.s32 $0xFFFFC000  }
0x1f2: {  	[tilespmem:s11], [sflag:$0x1] =	stream.indirect.gather [hbm4b:s6+s10], $0x80, s16, s10, $0xb8;
	[tilespmem:$0x6400] =	vst v63  }
0x1f3: {  	_ =	swait.ge [sflag:s12], $0x4000  }
0x1f4: {  	[sflag:s12] =	ssyncset.done $0x0  }
0x1f5: {  	s25 =	sadd.s32 s26, s30;
	[sflag:s12] =	ssyncadd.s32 $0xFFFFC000  }
0x1f6: {  	[hbm4b:s25+s7] =	stream.linear.scatter [tilespmem:s11], [sflag:$0x2], $0x4000, $0x38;
	[tilespmem:$0x6400] =	vst v63  }
0x1f7: {  	_ =	swait.ge [sflag:s8], $0x4000  }
0x1f8: {  	[sflag:s8] =	ssyncset.done $0x0  }
0x1f9: {  	[sflag:s8] =	ssyncadd.s32 $0xFFFFC000  }
0x1fa: {  	[tilespmem:s11], [sflag:$0x1] =	stream.indirect.gather [hbm4b:s6+s10], $0x80, s17, s10, $0xb8;
	[tilespmem:$0x6400] =	vst v63  }
0x1fb: {  	_ =	swait.ge [sflag:s12], $0x4000  }
0x1fc: {  	[sflag:s12] =	ssyncset.done $0x0  }
0x1fd: {  	s26 =	sadd.s32 s26, s2;
	[sflag:s12] =	ssyncadd.s32 $0xFFFFC000  }
0x1fe: {  	[hbm4b:s26+s7] =	stream.linear.scatter [tilespmem:s11], [sflag:$0x2], $0x4000, $0x38;
	[tilespmem:$0x6400] =	vst v63  }
0x1ff: {  	_ =	swait.ge [sflag:s8], $0x4000  }
0x200: {  	[sflag:s8] =	ssyncset.done $0x0  }
0x201: {  	[sflag:s8] =	ssyncadd.s32 $0xFFFFC000  }
0x202: {  	[tilespmem:s19], [sflag:$0x1] =	stream.indirect.gather [hbm4b:s21+s10], $0x40, s9, s10, $0xb8;
	[tilespmem:$0x6400] =	vst v63  }
0x203: {  	_ =	swait.ge [sflag:s12], $0x2000  }
0x204: {  	s2 =	sadd.s32 $0x450A00, s28;
	[sflag:s12] =	ssyncset.done $0x0  }
0x205: {  	s28 =	sadd.s32 s2, s5;
	[sflag:s12] =	ssyncadd.s32 $0xFFFFE000  }
0x206: {  	[hbm4b:s28+s20] =	stream.strided.scatter [tilespmem:s19], [sflag:$0x2], $0x2000, s10, s20, $0x38;
	[tilespmem:$0x6400] =	vst v63  }
0x207: {  	_ =	swait.ge [sflag:s8], $0x2000  }
0x208: {  	[sflag:s8] =	ssyncset.done $0x0  }
0x209: {  	[sflag:s8] =	ssyncadd.s32 $0xFFFFE000  }
0x20a: {  	[tilespmem:s19], [sflag:$0x1] =	stream.indirect.gather [hbm4b:s21+s10], $0x40, s15, s10, $0xb8;
	[tilespmem:$0x6400] =	vst v63  }
0x20b: {  	_ =	swait.ge [sflag:s12], $0x2000  }
0x20c: {  	[sflag:s12] =	ssyncset.done $0x0  }
0x20d: {  	s29 =	sadd.s32 s2, s29;
	[sflag:s12] =	ssyncadd.s32 $0xFFFFE000  }
0x20e: {  	[hbm4b:s29+s20] =	stream.strided.scatter [tilespmem:s19], [sflag:$0x2], $0x2000, s10, s20, $0x38;
	[tilespmem:$0x6400] =	vst v63  }
0x20f: {  	_ =	swait.ge [sflag:s8], $0x2000  }
0x210: {  	[sflag:s8] =	ssyncset.done $0x0  }
0x211: {  	[sflag:s8] =	ssyncadd.s32 $0xFFFFE000  }
0x212: {  	[tilespmem:s19], [sflag:$0x1] =	stream.indirect.gather [hbm4b:s21+s10], $0x40, s16, s10, $0xb8;
	[tilespmem:$0x6400] =	vst v63  }
0x213: {  	_ =	swait.ge [sflag:s12], $0x2000  }
0x214: {  	[sflag:s12] =	ssyncset.done $0x0  }
0x215: {  	s30 =	sadd.s32 s2, s30;
	[sflag:s12] =	ssyncadd.s32 $0xFFFFE000  }
0x216: {  	[hbm4b:s30+s20] =	stream.strided.scatter [tilespmem:s19], [sflag:$0x2], $0x2000, s10, s20, $0x38;
	[tilespmem:$0x6400] =	vst v63  }
0x217: {  	s5 =	ssub.s32 $0x2, s31;
	_ =	swait.ge [sflag:s8], $0x2000  }
0x218: {  	s31 =	sshrl.u32 s5, $0x1;
	[sflag:s8] =	ssyncset.done $0x0  }
0x219: {  	s5 =	ssub.s32 s5, s31;
	[sflag:s8] =	ssyncadd.s32 $0xFFFFE000  }
0x21a: {  	[tilespmem:s19], [sflag:$0x1] =	stream.indirect.gather [hbm4b:s21+s10], $0x40, s17, s10, $0xb8;
	[tilespmem:$0x6400] =	vst v63  }
0x21b: {  	s5 =	smax.u32 s5, $0x1;
	_ =	swait.ge [sflag:s12], $0x2000  }
0x21c: {  	p0 =	sne.s32 s5, $0x1;
	s31 =	sld [smem:$0x7FD]  }
.Ltmp0:
0x21d: {  	_ = 	snop;
	(pc) =	sbr.rel @!p0 .LBB2_2-.Ltmp0, $4  }
0x21e: {  	[sflag:s12] =	ssyncset.done $0x0  }
0x21f: {  	[sflag:s12] =	ssyncadd.s32 $0xFFFFE000;
	s31 =	sadd.s32 s2, s31  }
0x220: {  	[hbm4b:s31+s20] =	stream.strided.scatter [tilespmem:s19], [sflag:$0x2], $0x2000, s10, s20, $0x38;
	[tilespmem:$0x6400] =	vst v63  }
0x221: {  	s5 =	sadd.s32 $0xFFFFFFFF, s5;
	_ =	swait.ge [sflag:s8], $0x2000  }
.LBB2_1:
0x222: {  	[sflag:s8] =	ssyncset.done $0x0  }
0x223: {  	s2 =	rddreg [dreg:$0xb];
	[sflag:s8] =	ssyncadd.s32 $0xFFFFE000  }
0x224: {  	[tilespmem:s7], [sflag:$0x2] =	stream.linear.gather [hbm4b:s2+s7], $0x200, $0x38;
	[tilespmem:$0x6400] =	vst v63  }
0x225: {  	_ =	swait.ge [sflag:s8], $0x200  }
0x226: {  	[sflag:s8] =	ssyncset.done $0x0  }
0x227: {  	s2 =	rddreg [dreg:$0xc];
	[sflag:s8] =	ssyncadd.s32 $0xFFFFFE00  }
0x228: {  	[tilespmem:s9], [sflag:$0x2] =	stream.linear.gather [hbm4b:s2+s7], $0x200, $0x38;
	[tilespmem:$0x6400] =	vst v63  }
0x229: {  	_ =	swait.ge [sflag:s8], $0x200  }
0x22a: {  	[sflag:s8] =	ssyncset.done $0x0  }
0x22b: {  	[sflag:s8] =	ssyncadd.s32 $0xFFFFFE00  }
0x22c: {  	[tilespmem:s11], [sflag:$0x1] =	stream.indirect.gather [hbm4b:s0+s10], $0x80, s7, s10, $0xb8;
	[tilespmem:$0x6400] =	vst v63  }
0x22d: {  	_ =	swait.ge [sflag:s12], $0x4000  }
0x22e: {  	[sflag:s12] =	ssyncset.done $0x0  }
0x22f: {  	s2 =	rddreg [dreg:$0xd];
	[sflag:s12] =	ssyncadd.s32 $0xFFFFC000  }
0x230: {  	[hbm4b:s2+s7] =	stream.linear.scatter [tilespmem:s11], [sflag:$0x2], $0x4000, $0x38;
	[tilespmem:$0x6400] =	vst v63  }
0x231: {  	_ =	swait.ge [sflag:s8], $0x4000  }
0x232: {  	[sflag:s8] =	ssyncset.done $0x0  }
0x233: {  	[sflag:s8] =	ssyncadd.s32 $0xFFFFC000  }
0x234: {  	[tilespmem:s11], [sflag:$0x1] =	stream.indirect.gather [hbm4b:s0+s10], $0x80, s10, s10, $0xb8;
	[tilespmem:$0x6400] =	vst v63  }
0x235: {  	_ =	swait.ge [sflag:s12], $0x4000  }
0x236: {  	[sflag:s12] =	ssyncset.done $0x0  }
0x237: {  	s2 =	rddreg [dreg:$0xe];
	[sflag:s12] =	ssyncadd.s32 $0xFFFFC000  }
0x238: {  	[hbm4b:s2+s7] =	stream.linear.scatter [tilespmem:s11], [sflag:$0x2], $0x4000, $0x38;
	[tilespmem:$0x6400] =	vst v63  }
0x239: {  	_ =	swait.ge [sflag:s8], $0x4000  }
0x23a: {  	[sflag:s8] =	ssyncset.done $0x0  }
0x23b: {  	[sflag:s8] =	ssyncadd.s32 $0xFFFFC000  }
0x23c: {  	[tilespmem:s11], [sflag:$0x1] =	stream.indirect.gather [hbm4b:s0+s10], $0x80, s13, s10, $0xb8;
	[tilespmem:$0x6400] =	vst v63  }
0x23d: {  	_ =	swait.ge [sflag:s12], $0x4000  }
0x23e: {  	[sflag:s12] =	ssyncset.done $0x0  }
0x23f: {  	s2 =	rddreg [dreg:$0xf];
	[sflag:s12] =	ssyncadd.s32 $0xFFFFC000  }
0x240: {  	[hbm4b:s2+s7] =	stream.linear.scatter [tilespmem:s11], [sflag:$0x2], $0x4000, $0x38;
	[tilespmem:$0x6400] =	vst v63  }
0x241: {  	_ =	swait.ge [sflag:s8], $0x4000  }
0x242: {  	[sflag:s8] =	ssyncset.done $0x0  }
0x243: {  	[sflag:s8] =	ssyncadd.s32 $0xFFFFC000  }
0x244: {  	[tilespmem:s11], [sflag:$0x1] =	stream.indirect.gather [hbm4b:s0+s10], $0x80, s14, s10, $0xb8;
	[tilespmem:$0x6400] =	vst v63  }
0x245: {  	_ =	swait.ge [sflag:s12], $0x4000  }
0x246: {  	[sflag:s12] =	ssyncset.done $0x0  }
0x247: {  	s2 =	rddreg [dreg:$0x10];
	[sflag:s12] =	ssyncadd.s32 $0xFFFFC000  }
0x248: {  	[hbm4b:s2+s7] =	stream.linear.scatter [tilespmem:s11], [sflag:$0x2], $0x4000, $0x38;
	[tilespmem:$0x6400] =	vst v63  }
0x249: {  	_ =	swait.ge [sflag:s8], $0x4000  }
0x24a: {  	[sflag:s8] =	ssyncset.done $0x0  }
0x24b: {  	[sflag:s8] =	ssyncadd.s32 $0xFFFFC000  }
0x24c: {  	[tilespmem:s11], [sflag:$0x1] =	stream.indirect.gather [hbm4b:s0+s10], $0x80, s9, s10, $0xb8;
	[tilespmem:$0x6400] =	vst v63  }
0x24d: {  	_ =	swait.ge [sflag:s12], $0x4000  }
0x24e: {  	[sflag:s12] =	ssyncset.done $0x0  }
0x24f: {  	s2 =	rddreg [dreg:$0x11];
	[sflag:s12] =	ssyncadd.s32 $0xFFFFC000  }
0x250: {  	[hbm4b:s2+s7] =	stream.linear.scatter [tilespmem:s11], [sflag:$0x2], $0x4000, $0x38;
	[tilespmem:$0x6400] =	vst v63  }
0x251: {  	_ =	swait.ge [sflag:s8], $0x4000  }
0x252: {  	[sflag:s8] =	ssyncset.done $0x0  }
0x253: {  	[sflag:s8] =	ssyncadd.s32 $0xFFFFC000  }
0x254: {  	[tilespmem:s11], [sflag:$0x1] =	stream.indirect.gather [hbm4b:s0+s10], $0x80, s15, s10, $0xb8;
	[tilespmem:$0x6400] =	vst v63  }
0x255: {  	_ =	swait.ge [sflag:s12], $0x4000  }
0x256: {  	[sflag:s12] =	ssyncset.done $0x0  }
0x257: {  	s2 =	rddreg [dreg:$0x12];
	[sflag:s12] =	ssyncadd.s32 $0xFFFFC000  }
0x258: {  	[hbm4b:s2+s7] =	stream.linear.scatter [tilespmem:s11], [sflag:$0x2], $0x4000, $0x38;
	[tilespmem:$0x6400] =	vst v63  }
0x259: {  	_ =	swait.ge [sflag:s8], $0x4000  }
0x25a: {  	[sflag:s8] =	ssyncset.done $0x0  }
0x25b: {  	[sflag:s8] =	ssyncadd.s32 $0xFFFFC000  }
0x25c: {  	[tilespmem:s11], [sflag:$0x1] =	stream.indirect.gather [hbm4b:s0+s10], $0x80, s16, s10, $0xb8;
	[tilespmem:$0x6400] =	vst v63  }
0x25d: {  	_ =	swait.ge [sflag:s12], $0x4000  }
0x25e: {  	[sflag:s12] =	ssyncset.done $0x0  }
0x25f: {  	s2 =	rddreg [dreg:$0x13];
	[sflag:s12] =	ssyncadd.s32 $0xFFFFC000  }
0x260: {  	[hbm4b:s2+s7] =	stream.linear.scatter [tilespmem:s11], [sflag:$0x2], $0x4000, $0x38;
	[tilespmem:$0x6400] =	vst v63  }
0x261: {  	_ =	swait.ge [sflag:s8], $0x4000  }
0x262: {  	[sflag:s8] =	ssyncset.done $0x0  }
0x263: {  	[sflag:s8] =	ssyncadd.s32 $0xFFFFC000  }
0x264: {  	[tilespmem:s11], [sflag:$0x1] =	stream.indirect.gather [hbm4b:s0+s10], $0x80, s17, s10, $0xb8;
	[tilespmem:$0x6400] =	vst v63  }
0x265: {  	_ =	swait.ge [sflag:s12], $0x4000  }
0x266: {  	[sflag:s12] =	ssyncset.done $0x0  }
0x267: {  	s2 =	rddreg [dreg:$0x14];
	[sflag:s12] =	ssyncadd.s32 $0xFFFFC000  }
0x268: {  	[hbm4b:s2+s7] =	stream.linear.scatter [tilespmem:s11], [sflag:$0x2], $0x4000, $0x38;
	[tilespmem:$0x6400] =	vst v63  }
0x269: {  	_ =	swait.ge [sflag:s8], $0x4000  }
0x26a: {  	[sflag:s8] =	ssyncset.done $0x0  }
0x26b: {  	[sflag:s8] =	ssyncadd.s32 $0xFFFFC000  }
0x26c: {  	[tilespmem:s11], [sflag:$0x1] =	stream.indirect.gather [hbm4b:s1+s10], $0x80, s7, s10, $0xb8;
	[tilespmem:$0x6400] =	vst v63  }
0x26d: {  	_ =	swait.ge [sflag:s12], $0x4000  }
0x26e: {  	[sflag:s12] =	ssyncset.done $0x0  }
0x26f: {  	s2 =	rddreg [dreg:$0x15];
	[sflag:s12] =	ssyncadd.s32 $0xFFFFC000  }
0x270: {  	[hbm4b:s2+s7] =	stream.linear.scatter [tilespmem:s11], [sflag:$0x2], $0x4000, $0x38;
	[tilespmem:$0x6400] =	vst v63  }
0x271: {  	_ =	swait.ge [sflag:s8], $0x4000  }
0x272: {  	[sflag:s8] =	ssyncset.done $0x0  }
0x273: {  	[sflag:s8] =	ssyncadd.s32 $0xFFFFC000  }
0x274: {  	[tilespmem:s11], [sflag:$0x1] =	stream.indirect.gather [hbm4b:s1+s10], $0x80, s10, s10, $0xb8;
	[tilespmem:$0x6400] =	vst v63  }
0x275: {  	_ =	swait.ge [sflag:s12], $0x4000  }
0x276: {  	[sflag:s12] =	ssyncset.done $0x0  }
0x277: {  	s2 =	rddreg [dreg:$0x16];
	[sflag:s12] =	ssyncadd.s32 $0xFFFFC000  }
0x278: {  	[hbm4b:s2+s7] =	stream.linear.scatter [tilespmem:s11], [sflag:$0x2], $0x4000, $0x38;
	[tilespmem:$0x6400] =	vst v63  }
0x279: {  	_ =	swait.ge [sflag:s8], $0x4000  }
0x27a: {  	[sflag:s8] =	ssyncset.done $0x0  }
0x27b: {  	[sflag:s8] =	ssyncadd.s32 $0xFFFFC000  }
0x27c: {  	[tilespmem:s11], [sflag:$0x1] =	stream.indirect.gather [hbm4b:s1+s10], $0x80, s13, s10, $0xb8;
	[tilespmem:$0x6400] =	vst v63  }
0x27d: {  	_ =	swait.ge [sflag:s12], $0x4000  }
0x27e: {  	[sflag:s12] =	ssyncset.done $0x0  }
0x27f: {  	s2 =	rddreg [dreg:$0x17];
	[sflag:s12] =	ssyncadd.s32 $0xFFFFC000  }
0x280: {  	[hbm4b:s2+s7] =	stream.linear.scatter [tilespmem:s11], [sflag:$0x2], $0x4000, $0x38;
	[tilespmem:$0x6400] =	vst v63  }
0x281: {  	_ =	swait.ge [sflag:s8], $0x4000  }
0x282: {  	[sflag:s8] =	ssyncset.done $0x0  }
0x283: {  	[sflag:s8] =	ssyncadd.s32 $0xFFFFC000  }
0x284: {  	[tilespmem:s11], [sflag:$0x1] =	stream.indirect.gather [hbm4b:s1+s10], $0x80, s14, s10, $0xb8;
	[tilespmem:$0x6400] =	vst v63  }
0x285: {  	_ =	swait.ge [sflag:s12], $0x4000  }
0x286: {  	[sflag:s12] =	ssyncset.done $0x0  }
0x287: {  	s2 =	rddreg [dreg:$0x18];
	[sflag:s12] =	ssyncadd.s32 $0xFFFFC000  }
0x288: {  	[hbm4b:s2+s7] =	stream.linear.scatter [tilespmem:s11], [sflag:$0x2], $0x4000, $0x38;
	[tilespmem:$0x6400] =	vst v63  }
0x289: {  	_ =	swait.ge [sflag:s8], $0x4000  }
0x28a: {  	[sflag:s8] =	ssyncset.done $0x0  }
0x28b: {  	[sflag:s8] =	ssyncadd.s32 $0xFFFFC000  }
0x28c: {  	[tilespmem:s11], [sflag:$0x1] =	stream.indirect.gather [hbm4b:s3+s10], $0x80, s7, s10, $0xb8;
	[tilespmem:$0x6400] =	vst v63  }
0x28d: {  	_ =	swait.ge [sflag:s12], $0x4000  }
0x28e: {  	[sflag:s12] =	ssyncset.done $0x0  }
0x28f: {  	s2 =	rddreg [dreg:$0x19];
	[sflag:s12] =	ssyncadd.s32 $0xFFFFC000  }
0x290: {  	[hbm4b:s2+s7] =	stream.linear.scatter [tilespmem:s11], [sflag:$0x2], $0x4000, $0x38;
	[tilespmem:$0x6400] =	vst v63  }
0x291: {  	_ =	swait.ge [sflag:s8], $0x4000  }
0x292: {  	[sflag:s8] =	ssyncset.done $0x0  }
0x293: {  	[sflag:s8] =	ssyncadd.s32 $0xFFFFC000  }
0x294: {  	[tilespmem:s11], [sflag:$0x1] =	stream.indirect.gather [hbm4b:s3+s10], $0x80, s10, s10, $0xb8;
	[tilespmem:$0x6400] =	vst v63  }
0x295: {  	_ =	swait.ge [sflag:s12], $0x4000  }
0x296: {  	[sflag:s12] =	ssyncset.done $0x0  }
0x297: {  	s2 =	rddreg [dreg:$0x1a];
	[sflag:s12] =	ssyncadd.s32 $0xFFFFC000  }
0x298: {  	[hbm4b:s2+s7] =	stream.linear.scatter [tilespmem:s11], [sflag:$0x2], $0x4000, $0x38;
	[tilespmem:$0x6400] =	vst v63  }
0x299: {  	_ =	swait.ge [sflag:s8], $0x4000  }
0x29a: {  	[sflag:s8] =	ssyncset.done $0x0  }
0x29b: {  	[sflag:s8] =	ssyncadd.s32 $0xFFFFC000  }
0x29c: {  	[tilespmem:s11], [sflag:$0x1] =	stream.indirect.gather [hbm4b:s3+s10], $0x80, s13, s10, $0xb8;
	[tilespmem:$0x6400] =	vst v63  }
0x29d: {  	_ =	swait.ge [sflag:s12], $0x4000  }
0x29e: {  	[sflag:s12] =	ssyncset.done $0x0  }
0x29f: {  	s2 =	rddreg [dreg:$0x1b];
	[sflag:s12] =	ssyncadd.s32 $0xFFFFC000  }
0x2a0: {  	[hbm4b:s2+s7] =	stream.linear.scatter [tilespmem:s11], [sflag:$0x2], $0x4000, $0x38;
	[tilespmem:$0x6400] =	vst v63  }
0x2a1: {  	_ =	swait.ge [sflag:s8], $0x4000  }
0x2a2: {  	[sflag:s8] =	ssyncset.done $0x0  }
0x2a3: {  	[sflag:s8] =	ssyncadd.s32 $0xFFFFC000  }
0x2a4: {  	[tilespmem:s11], [sflag:$0x1] =	stream.indirect.gather [hbm4b:s3+s10], $0x80, s14, s10, $0xb8;
	[tilespmem:$0x6400] =	vst v63  }
0x2a5: {  	_ =	swait.ge [sflag:s12], $0x4000  }
0x2a6: {  	[sflag:s12] =	ssyncset.done $0x0  }
0x2a7: {  	s2 =	rddreg [dreg:$0x1c];
	[sflag:s12] =	ssyncadd.s32 $0xFFFFC000  }
0x2a8: {  	[hbm4b:s2+s7] =	stream.linear.scatter [tilespmem:s11], [sflag:$0x2], $0x4000, $0x38;
	[tilespmem:$0x6400] =	vst v63  }
0x2a9: {  	_ =	swait.ge [sflag:s8], $0x4000  }
0x2aa: {  	[sflag:s8] =	ssyncset.done $0x0  }
0x2ab: {  	[sflag:s8] =	ssyncadd.s32 $0xFFFFC000  }
0x2ac: {  	[tilespmem:s19], [sflag:$0x1] =	stream.indirect.gather [hbm4b:s18+s10], $0x40, s7, s10, $0xb8;
	[tilespmem:$0x6400] =	vst v63  }
0x2ad: {  	_ =	swait.ge [sflag:s12], $0x2000  }
0x2ae: {  	[sflag:s12] =	ssyncset.done $0x0  }
0x2af: {  	s2 =	rddreg [dreg:$0x1d];
	[sflag:s12] =	ssyncadd.s32 $0xFFFFE000  }
0x2b0: {  	[hbm4b:s2+s20] =	stream.strided.scatter [tilespmem:s19], [sflag:$0x2], $0x2000, s10, s20, $0x38;
	[tilespmem:$0x6400] =	vst v63  }
0x2b1: {  	_ =	swait.ge [sflag:s8], $0x2000  }
0x2b2: {  	[sflag:s8] =	ssyncset.done $0x0  }
0x2b3: {  	[sflag:s8] =	ssyncadd.s32 $0xFFFFE000  }
0x2b4: {  	[tilespmem:s19], [sflag:$0x1] =	stream.indirect.gather [hbm4b:s18+s10], $0x40, s10, s10, $0xb8;
	[tilespmem:$0x6400] =	vst v63  }
0x2b5: {  	_ =	swait.ge [sflag:s12], $0x2000  }
0x2b6: {  	[sflag:s12] =	ssyncset.done $0x0  }
0x2b7: {  	s2 =	rddreg [dreg:$0x1e];
	[sflag:s12] =	ssyncadd.s32 $0xFFFFE000  }
0x2b8: {  	[hbm4b:s2+s20] =	stream.strided.scatter [tilespmem:s19], [sflag:$0x2], $0x2000, s10, s20, $0x38;
	[tilespmem:$0x6400] =	vst v63  }
0x2b9: {  	_ =	swait.ge [sflag:s8], $0x2000  }
0x2ba: {  	[sflag:s8] =	ssyncset.done $0x0  }
0x2bb: {  	[sflag:s8] =	ssyncadd.s32 $0xFFFFE000  }
0x2bc: {  	[tilespmem:s19], [sflag:$0x1] =	stream.indirect.gather [hbm4b:s18+s10], $0x40, s13, s10, $0xb8;
	[tilespmem:$0x6400] =	vst v63  }
0x2bd: {  	_ =	swait.ge [sflag:s12], $0x2000  }
0x2be: {  	[sflag:s12] =	ssyncset.done $0x0  }
0x2bf: {  	s2 =	rddreg [dreg:$0x1f];
	[sflag:s12] =	ssyncadd.s32 $0xFFFFE000  }
0x2c0: {  	[hbm4b:s2+s20] =	stream.strided.scatter [tilespmem:s19], [sflag:$0x2], $0x2000, s10, s20, $0x38;
	[tilespmem:$0x6400] =	vst v63  }
0x2c1: {  	_ =	swait.ge [sflag:s8], $0x2000  }
0x2c2: {  	[sflag:s8] =	ssyncset.done $0x0  }
0x2c3: {  	[sflag:s8] =	ssyncadd.s32 $0xFFFFE000  }
0x2c4: {  	[tilespmem:s19], [sflag:$0x1] =	stream.indirect.gather [hbm4b:s18+s10], $0x40, s14, s10, $0xb8;
	[tilespmem:$0x6400] =	vst v63  }
0x2c5: {  	_ =	swait.ge [sflag:s12], $0x2000  }
0x2c6: {  	s2 =	sld [smem:$0x7E1]  }
0x2c7: {  	[sflag:s12] =	ssyncset.done $0x0  }
0x2c8: {  	[sflag:s12] =	ssyncadd.s32 $0xFFFFE000  }
0x2c9: {  	[hbm4b:s2+s20] =	stream.strided.scatter [tilespmem:s19], [sflag:$0x2], $0x2000, s10, s20, $0x38;
	[tilespmem:$0x6400] =	vst v63  }
0x2ca: {  	_ =	swait.ge [sflag:s8], $0x2000  }
0x2cb: {  	[sflag:s8] =	ssyncset.done $0x0  }
0x2cc: {  	[sflag:s8] =	ssyncadd.s32 $0xFFFFE000  }
0x2cd: {  	[tilespmem:s11], [sflag:$0x1] =	stream.indirect.gather [hbm4b:s4+s10], $0x80, s7, s10, $0xb8;
	[tilespmem:$0x6400] =	vst v63  }
0x2ce: {  	_ =	swait.ge [sflag:s12], $0x4000  }
0x2cf: {  	s2 =	sld [smem:$0x7E2]  }
0x2d0: {  	[sflag:s12] =	ssyncset.done $0x0  }
0x2d1: {  	[sflag:s12] =	ssyncadd.s32 $0xFFFFC000  }
0x2d2: {  	[hbm4b:s2+s7] =	stream.linear.scatter [tilespmem:s11], [sflag:$0x2], $0x4000, $0x38;
	[tilespmem:$0x6400] =	vst v63  }
0x2d3: {  	_ =	swait.ge [sflag:s8], $0x4000  }
0x2d4: {  	[sflag:s8] =	ssyncset.done $0x0  }
0x2d5: {  	[sflag:s8] =	ssyncadd.s32 $0xFFFFC000  }
0x2d6: {  	[tilespmem:s11], [sflag:$0x1] =	stream.indirect.gather [hbm4b:s4+s10], $0x80, s10, s10, $0xb8;
	[tilespmem:$0x6400] =	vst v63  }
0x2d7: {  	_ =	swait.ge [sflag:s12], $0x4000  }
0x2d8: {  	s2 =	sld [smem:$0x7E3]  }
0x2d9: {  	[sflag:s12] =	ssyncset.done $0x0  }
0x2da: {  	[sflag:s12] =	ssyncadd.s32 $0xFFFFC000  }
0x2db: {  	[hbm4b:s2+s7] =	stream.linear.scatter [tilespmem:s11], [sflag:$0x2], $0x4000, $0x38;
	[tilespmem:$0x6400] =	vst v63  }
0x2dc: {  	_ =	swait.ge [sflag:s8], $0x4000  }
0x2dd: {  	[sflag:s8] =	ssyncset.done $0x0  }
0x2de: {  	[sflag:s8] =	ssyncadd.s32 $0xFFFFC000  }
0x2df: {  	[tilespmem:s11], [sflag:$0x1] =	stream.indirect.gather [hbm4b:s4+s10], $0x80, s13, s10, $0xb8;
	[tilespmem:$0x6400] =	vst v63  }
0x2e0: {  	_ =	swait.ge [sflag:s12], $0x4000  }
0x2e1: {  	s2 =	sld [smem:$0x7E4]  }
0x2e2: {  	[sflag:s12] =	ssyncset.done $0x0  }
0x2e3: {  	[sflag:s12] =	ssyncadd.s32 $0xFFFFC000  }
0x2e4: {  	[hbm4b:s2+s7] =	stream.linear.scatter [tilespmem:s11], [sflag:$0x2], $0x4000, $0x38;
	[tilespmem:$0x6400] =	vst v63  }
0x2e5: {  	_ =	swait.ge [sflag:s8], $0x4000  }
0x2e6: {  	[sflag:s8] =	ssyncset.done $0x0  }
0x2e7: {  	[sflag:s8] =	ssyncadd.s32 $0xFFFFC000  }
0x2e8: {  	[tilespmem:s11], [sflag:$0x1] =	stream.indirect.gather [hbm4b:s4+s10], $0x80, s14, s10, $0xb8;
	[tilespmem:$0x6400] =	vst v63  }
0x2e9: {  	_ =	swait.ge [sflag:s12], $0x4000  }
0x2ea: {  	s2 =	sld [smem:$0x7E5]  }
0x2eb: {  	[sflag:s12] =	ssyncset.done $0x0  }
0x2ec: {  	[sflag:s12] =	ssyncadd.s32 $0xFFFFC000  }
0x2ed: {  	[hbm4b:s2+s7] =	stream.linear.scatter [tilespmem:s11], [sflag:$0x2], $0x4000, $0x38;
	[tilespmem:$0x6400] =	vst v63  }
0x2ee: {  	_ =	swait.ge [sflag:s8], $0x4000  }
0x2ef: {  	[sflag:s8] =	ssyncset.done $0x0  }
0x2f0: {  	[sflag:s8] =	ssyncadd.s32 $0xFFFFC000  }
0x2f1: {  	[tilespmem:s11], [sflag:$0x1] =	stream.indirect.gather [hbm4b:s6+s10], $0x80, s7, s10, $0xb8;
	[tilespmem:$0x6400] =	vst v63  }
0x2f2: {  	_ =	swait.ge [sflag:s12], $0x4000  }
0x2f3: {  	s2 =	sld [smem:$0x7E6]  }
0x2f4: {  	[sflag:s12] =	ssyncset.done $0x0  }
0x2f5: {  	[sflag:s12] =	ssyncadd.s32 $0xFFFFC000  }
0x2f6: {  	[hbm4b:s2+s7] =	stream.linear.scatter [tilespmem:s11], [sflag:$0x2], $0x4000, $0x38;
	[tilespmem:$0x6400] =	vst v63  }
0x2f7: {  	_ =	swait.ge [sflag:s8], $0x4000  }
0x2f8: {  	[sflag:s8] =	ssyncset.done $0x0  }
0x2f9: {  	[sflag:s8] =	ssyncadd.s32 $0xFFFFC000  }
0x2fa: {  	[tilespmem:s11], [sflag:$0x1] =	stream.indirect.gather [hbm4b:s6+s10], $0x80, s10, s10, $0xb8;
	[tilespmem:$0x6400] =	vst v63  }
0x2fb: {  	_ =	swait.ge [sflag:s12], $0x4000  }
0x2fc: {  	s2 =	sld [smem:$0x7E7]  }
0x2fd: {  	[sflag:s12] =	ssyncset.done $0x0  }
0x2fe: {  	[sflag:s12] =	ssyncadd.s32 $0xFFFFC000  }
0x2ff: {  	[hbm4b:s2+s7] =	stream.linear.scatter [tilespmem:s11], [sflag:$0x2], $0x4000, $0x38;
	[tilespmem:$0x6400] =	vst v63  }
0x300: {  	_ =	swait.ge [sflag:s8], $0x4000  }
0x301: {  	[sflag:s8] =	ssyncset.done $0x0  }
0x302: {  	[sflag:s8] =	ssyncadd.s32 $0xFFFFC000  }
0x303: {  	[tilespmem:s11], [sflag:$0x1] =	stream.indirect.gather [hbm4b:s6+s10], $0x80, s13, s10, $0xb8;
	[tilespmem:$0x6400] =	vst v63  }
0x304: {  	_ =	swait.ge [sflag:s12], $0x4000  }
0x305: {  	s2 =	sld [smem:$0x7E8]  }
0x306: {  	[sflag:s12] =	ssyncset.done $0x0  }
0x307: {  	[sflag:s12] =	ssyncadd.s32 $0xFFFFC000  }
0x308: {  	[hbm4b:s2+s7] =	stream.linear.scatter [tilespmem:s11], [sflag:$0x2], $0x4000, $0x38;
	[tilespmem:$0x6400] =	vst v63  }
0x309: {  	_ =	swait.ge [sflag:s8], $0x4000  }
0x30a: {  	[sflag:s8] =	ssyncset.done $0x0  }
0x30b: {  	[sflag:s8] =	ssyncadd.s32 $0xFFFFC000  }
0x30c: {  	[tilespmem:s11], [sflag:$0x1] =	stream.indirect.gather [hbm4b:s6+s10], $0x80, s14, s10, $0xb8;
	[tilespmem:$0x6400] =	vst v63  }
0x30d: {  	_ =	swait.ge [sflag:s12], $0x4000  }
0x30e: {  	s2 =	sld [smem:$0x7E9]  }
0x30f: {  	[sflag:s12] =	ssyncset.done $0x0  }
0x310: {  	[sflag:s12] =	ssyncadd.s32 $0xFFFFC000  }
0x311: {  	[hbm4b:s2+s7] =	stream.linear.scatter [tilespmem:s11], [sflag:$0x2], $0x4000, $0x38;
	[tilespmem:$0x6400] =	vst v63  }
0x312: {  	_ =	swait.ge [sflag:s8], $0x4000  }
0x313: {  	[sflag:s8] =	ssyncset.done $0x0  }
0x314: {  	[sflag:s8] =	ssyncadd.s32 $0xFFFFC000  }
0x315: {  	[tilespmem:s19], [sflag:$0x1] =	stream.indirect.gather [hbm4b:s21+s10], $0x40, s7, s10, $0xb8;
	[tilespmem:$0x6400] =	vst v63  }
0x316: {  	_ =	swait.ge [sflag:s12], $0x2000  }
0x317: {  	s2 =	sld [smem:$0x7EA]  }
0x318: {  	[sflag:s12] =	ssyncset.done $0x0  }
0x319: {  	[sflag:s12] =	ssyncadd.s32 $0xFFFFE000  }
0x31a: {  	[hbm4b:s2+s20] =	stream.strided.scatter [tilespmem:s19], [sflag:$0x2], $0x2000, s10, s20, $0x38;
	[tilespmem:$0x6400] =	vst v63  }
0x31b: {  	_ =	swait.ge [sflag:s8], $0x2000  }
0x31c: {  	[sflag:s8] =	ssyncset.done $0x0  }
0x31d: {  	[sflag:s8] =	ssyncadd.s32 $0xFFFFE000  }
0x31e: {  	[tilespmem:s19], [sflag:$0x1] =	stream.indirect.gather [hbm4b:s21+s10], $0x40, s10, s10, $0xb8;
	[tilespmem:$0x6400] =	vst v63  }
0x31f: {  	_ =	swait.ge [sflag:s12], $0x2000  }
0x320: {  	s2 =	sld [smem:$0x7EB]  }
0x321: {  	[sflag:s12] =	ssyncset.done $0x0  }
0x322: {  	[sflag:s12] =	ssyncadd.s32 $0xFFFFE000  }
0x323: {  	[hbm4b:s2+s20] =	stream.strided.scatter [tilespmem:s19], [sflag:$0x2], $0x2000, s10, s20, $0x38;
	[tilespmem:$0x6400] =	vst v63  }
0x324: {  	_ =	swait.ge [sflag:s8], $0x2000  }
0x325: {  	[sflag:s8] =	ssyncset.done $0x0  }
0x326: {  	[sflag:s8] =	ssyncadd.s32 $0xFFFFE000  }
0x327: {  	[tilespmem:s19], [sflag:$0x1] =	stream.indirect.gather [hbm4b:s21+s10], $0x40, s13, s10, $0xb8;
	[tilespmem:$0x6400] =	vst v63  }
0x328: {  	_ =	swait.ge [sflag:s12], $0x2000  }
0x329: {  	s2 =	sld [smem:$0x7EC]  }
0x32a: {  	[sflag:s12] =	ssyncset.done $0x0  }
0x32b: {  	[sflag:s12] =	ssyncadd.s32 $0xFFFFE000  }
0x32c: {  	[hbm4b:s2+s20] =	stream.strided.scatter [tilespmem:s19], [sflag:$0x2], $0x2000, s10, s20, $0x38;
	[tilespmem:$0x6400] =	vst v63  }
0x32d: {  	_ =	swait.ge [sflag:s8], $0x2000  }
0x32e: {  	[sflag:s8] =	ssyncset.done $0x0  }
0x32f: {  	[sflag:s8] =	ssyncadd.s32 $0xFFFFE000  }
0x330: {  	[tilespmem:s19], [sflag:$0x1] =	stream.indirect.gather [hbm4b:s21+s10], $0x40, s14, s10, $0xb8;
	[tilespmem:$0x6400] =	vst v63  }
0x331: {  	_ =	swait.ge [sflag:s12], $0x2000  }
0x332: {  	s2 =	sld [smem:$0x7ED]  }
0x333: {  	[sflag:s12] =	ssyncset.done $0x0  }
0x334: {  	[sflag:s12] =	ssyncadd.s32 $0xFFFFE000  }
0x335: {  	[hbm4b:s2+s20] =	stream.strided.scatter [tilespmem:s19], [sflag:$0x2], $0x2000, s10, s20, $0x38;
	[tilespmem:$0x6400] =	vst v63  }
0x336: {  	_ =	swait.ge [sflag:s8], $0x2000  }
0x337: {  	[sflag:s8] =	ssyncset.done $0x0  }
0x338: {  	[sflag:s8] =	ssyncadd.s32 $0xFFFFE000  }
0x339: {  	[tilespmem:s11], [sflag:$0x1] =	stream.indirect.gather [hbm4b:s1+s10], $0x80, s9, s10, $0xb8;
	[tilespmem:$0x6400] =	vst v63  }
0x33a: {  	_ =	swait.ge [sflag:s12], $0x4000  }
0x33b: {  	s2 =	sld [smem:$0x7EE]  }
0x33c: {  	[sflag:s12] =	ssyncset.done $0x0  }
0x33d: {  	[sflag:s12] =	ssyncadd.s32 $0xFFFFC000  }
0x33e: {  	[hbm4b:s2+s7] =	stream.linear.scatter [tilespmem:s11], [sflag:$0x2], $0x4000, $0x38;
	[tilespmem:$0x6400] =	vst v63  }
0x33f: {  	_ =	swait.ge [sflag:s8], $0x4000  }
0x340: {  	[sflag:s8] =	ssyncset.done $0x0  }
0x341: {  	[sflag:s8] =	ssyncadd.s32 $0xFFFFC000  }
0x342: {  	[tilespmem:s11], [sflag:$0x1] =	stream.indirect.gather [hbm4b:s1+s10], $0x80, s15, s10, $0xb8;
	[tilespmem:$0x6400] =	vst v63  }
0x343: {  	_ =	swait.ge [sflag:s12], $0x4000  }
0x344: {  	s2 =	sld [smem:$0x7EF]  }
0x345: {  	[sflag:s12] =	ssyncset.done $0x0  }
0x346: {  	[sflag:s12] =	ssyncadd.s32 $0xFFFFC000  }
0x347: {  	[hbm4b:s2+s7] =	stream.linear.scatter [tilespmem:s11], [sflag:$0x2], $0x4000, $0x38;
	[tilespmem:$0x6400] =	vst v63  }
0x348: {  	_ =	swait.ge [sflag:s8], $0x4000  }
0x349: {  	[sflag:s8] =	ssyncset.done $0x0  }
0x34a: {  	[sflag:s8] =	ssyncadd.s32 $0xFFFFC000  }
0x34b: {  	[tilespmem:s11], [sflag:$0x1] =	stream.indirect.gather [hbm4b:s1+s10], $0x80, s16, s10, $0xb8;
	[tilespmem:$0x6400] =	vst v63  }
0x34c: {  	_ =	swait.ge [sflag:s12], $0x4000  }
0x34d: {  	s2 =	sld [smem:$0x7F0]  }
0x34e: {  	[sflag:s12] =	ssyncset.done $0x0  }
0x34f: {  	[sflag:s12] =	ssyncadd.s32 $0xFFFFC000  }
0x350: {  	[hbm4b:s2+s7] =	stream.linear.scatter [tilespmem:s11], [sflag:$0x2], $0x4000, $0x38;
	[tilespmem:$0x6400] =	vst v63  }
0x351: {  	_ =	swait.ge [sflag:s8], $0x4000  }
0x352: {  	[sflag:s8] =	ssyncset.done $0x0  }
0x353: {  	[sflag:s8] =	ssyncadd.s32 $0xFFFFC000  }
0x354: {  	[tilespmem:s11], [sflag:$0x1] =	stream.indirect.gather [hbm4b:s1+s10], $0x80, s17, s10, $0xb8;
	[tilespmem:$0x6400] =	vst v63  }
0x355: {  	_ =	swait.ge [sflag:s12], $0x4000  }
0x356: {  	s2 =	sld [smem:$0x7F1]  }
0x357: {  	[sflag:s12] =	ssyncset.done $0x0  }
0x358: {  	[sflag:s12] =	ssyncadd.s32 $0xFFFFC000  }
0x359: {  	[hbm4b:s2+s7] =	stream.linear.scatter [tilespmem:s11], [sflag:$0x2], $0x4000, $0x38;
	[tilespmem:$0x6400] =	vst v63  }
0x35a: {  	_ =	swait.ge [sflag:s8], $0x4000  }
0x35b: {  	[sflag:s8] =	ssyncset.done $0x0  }
0x35c: {  	[sflag:s8] =	ssyncadd.s32 $0xFFFFC000  }
0x35d: {  	[tilespmem:s11], [sflag:$0x1] =	stream.indirect.gather [hbm4b:s3+s10], $0x80, s9, s10, $0xb8;
	[tilespmem:$0x6400] =	vst v63  }
0x35e: {  	_ =	swait.ge [sflag:s12], $0x4000  }
0x35f: {  	s2 =	sld [smem:$0x7F2]  }
0x360: {  	[sflag:s12] =	ssyncset.done $0x0  }
0x361: {  	[sflag:s12] =	ssyncadd.s32 $0xFFFFC000  }
0x362: {  	[hbm4b:s2+s7] =	stream.linear.scatter [tilespmem:s11], [sflag:$0x2], $0x4000, $0x38;
	[tilespmem:$0x6400] =	vst v63  }
0x363: {  	_ =	swait.ge [sflag:s8], $0x4000  }
0x364: {  	[sflag:s8] =	ssyncset.done $0x0  }
0x365: {  	[sflag:s8] =	ssyncadd.s32 $0xFFFFC000  }
0x366: {  	[tilespmem:s11], [sflag:$0x1] =	stream.indirect.gather [hbm4b:s3+s10], $0x80, s15, s10, $0xb8;
	[tilespmem:$0x6400] =	vst v63  }
0x367: {  	_ =	swait.ge [sflag:s12], $0x4000  }
0x368: {  	s2 =	sld [smem:$0x7F3]  }
0x369: {  	[sflag:s12] =	ssyncset.done $0x0  }
0x36a: {  	[sflag:s12] =	ssyncadd.s32 $0xFFFFC000  }
0x36b: {  	[hbm4b:s2+s7] =	stream.linear.scatter [tilespmem:s11], [sflag:$0x2], $0x4000, $0x38;
	[tilespmem:$0x6400] =	vst v63  }
0x36c: {  	_ =	swait.ge [sflag:s8], $0x4000  }
0x36d: {  	[sflag:s8] =	ssyncset.done $0x0  }
0x36e: {  	[sflag:s8] =	ssyncadd.s32 $0xFFFFC000  }
0x36f: {  	[tilespmem:s11], [sflag:$0x1] =	stream.indirect.gather [hbm4b:s3+s10], $0x80, s16, s10, $0xb8;
	[tilespmem:$0x6400] =	vst v63  }
0x370: {  	_ =	swait.ge [sflag:s12], $0x4000  }
0x371: {  	s2 =	sld [smem:$0x7F4]  }
0x372: {  	[sflag:s12] =	ssyncset.done $0x0  }
0x373: {  	[sflag:s12] =	ssyncadd.s32 $0xFFFFC000  }
0x374: {  	[hbm4b:s2+s7] =	stream.linear.scatter [tilespmem:s11], [sflag:$0x2], $0x4000, $0x38;
	[tilespmem:$0x6400] =	vst v63  }
0x375: {  	_ =	swait.ge [sflag:s8], $0x4000  }
0x376: {  	[sflag:s8] =	ssyncset.done $0x0  }
0x377: {  	[sflag:s8] =	ssyncadd.s32 $0xFFFFC000  }
0x378: {  	[tilespmem:s11], [sflag:$0x1] =	stream.indirect.gather [hbm4b:s3+s10], $0x80, s17, s10, $0xb8;
	[tilespmem:$0x6400] =	vst v63  }
0x379: {  	_ =	swait.ge [sflag:s12], $0x4000  }
0x37a: {  	s2 =	sld [smem:$0x7F5]  }
0x37b: {  	[sflag:s12] =	ssyncset.done $0x0  }
0x37c: {  	[sflag:s12] =	ssyncadd.s32 $0xFFFFC000  }
0x37d: {  	[hbm4b:s2+s7] =	stream.linear.scatter [tilespmem:s11], [sflag:$0x2], $0x4000, $0x38;
	[tilespmem:$0x6400] =	vst v63  }
0x37e: {  	_ =	swait.ge [sflag:s8], $0x4000  }
0x37f: {  	[sflag:s8] =	ssyncset.done $0x0  }
0x380: {  	[sflag:s8] =	ssyncadd.s32 $0xFFFFC000  }
0x381: {  	[tilespmem:s19], [sflag:$0x1] =	stream.indirect.gather [hbm4b:s18+s10], $0x40, s9, s10, $0xb8;
	[tilespmem:$0x6400] =	vst v63  }
0x382: {  	_ =	swait.ge [sflag:s12], $0x2000  }
0x383: {  	s2 =	sld [smem:$0x7F6]  }
0x384: {  	[sflag:s12] =	ssyncset.done $0x0  }
0x385: {  	[sflag:s12] =	ssyncadd.s32 $0xFFFFE000  }
0x386: {  	[hbm4b:s2+s20] =	stream.strided.scatter [tilespmem:s19], [sflag:$0x2], $0x2000, s10, s20, $0x38;
	[tilespmem:$0x6400] =	vst v63  }
0x387: {  	_ =	swait.ge [sflag:s8], $0x2000  }
0x388: {  	[sflag:s8] =	ssyncset.done $0x0  }
0x389: {  	[sflag:s8] =	ssyncadd.s32 $0xFFFFE000  }
0x38a: {  	[tilespmem:s19], [sflag:$0x1] =	stream.indirect.gather [hbm4b:s18+s10], $0x40, s15, s10, $0xb8;
	[tilespmem:$0x6400] =	vst v63  }
0x38b: {  	_ =	swait.ge [sflag:s12], $0x2000  }
0x38c: {  	s2 =	sld [smem:$0x7F7]  }
0x38d: {  	[sflag:s12] =	ssyncset.done $0x0  }
0x38e: {  	[sflag:s12] =	ssyncadd.s32 $0xFFFFE000  }
0x38f: {  	[hbm4b:s2+s20] =	stream.strided.scatter [tilespmem:s19], [sflag:$0x2], $0x2000, s10, s20, $0x38;
	[tilespmem:$0x6400] =	vst v63  }
0x390: {  	_ =	swait.ge [sflag:s8], $0x2000  }
0x391: {  	[sflag:s8] =	ssyncset.done $0x0  }
0x392: {  	[sflag:s8] =	ssyncadd.s32 $0xFFFFE000  }
0x393: {  	[tilespmem:s19], [sflag:$0x1] =	stream.indirect.gather [hbm4b:s18+s10], $0x40, s16, s10, $0xb8;
	[tilespmem:$0x6400] =	vst v63  }
0x394: {  	_ =	swait.ge [sflag:s12], $0x2000  }
0x395: {  	s2 =	sld [smem:$0x7F8]  }
0x396: {  	[sflag:s12] =	ssyncset.done $0x0  }
0x397: {  	[sflag:s12] =	ssyncadd.s32 $0xFFFFE000  }
0x398: {  	[hbm4b:s2+s20] =	stream.strided.scatter [tilespmem:s19], [sflag:$0x2], $0x2000, s10, s20, $0x38;
	[tilespmem:$0x6400] =	vst v63  }
0x399: {  	_ =	swait.ge [sflag:s8], $0x2000  }
0x39a: {  	[sflag:s8] =	ssyncset.done $0x0  }
0x39b: {  	[sflag:s8] =	ssyncadd.s32 $0xFFFFE000  }
0x39c: {  	[tilespmem:s19], [sflag:$0x1] =	stream.indirect.gather [hbm4b:s18+s10], $0x40, s17, s10, $0xb8;
	[tilespmem:$0x6400] =	vst v63  }
0x39d: {  	_ =	swait.ge [sflag:s12], $0x2000  }
0x39e: {  	s2 =	sld [smem:$0x7F9]  }
0x39f: {  	[sflag:s12] =	ssyncset.done $0x0  }
0x3a0: {  	[sflag:s12] =	ssyncadd.s32 $0xFFFFE000  }
0x3a1: {  	[hbm4b:s2+s20] =	stream.strided.scatter [tilespmem:s19], [sflag:$0x2], $0x2000, s10, s20, $0x38;
	[tilespmem:$0x6400] =	vst v63  }
0x3a2: {  	_ =	swait.ge [sflag:s8], $0x2000  }
0x3a3: {  	[sflag:s8] =	ssyncset.done $0x0  }
0x3a4: {  	[sflag:s8] =	ssyncadd.s32 $0xFFFFE000  }
0x3a5: {  	[tilespmem:s11], [sflag:$0x1] =	stream.indirect.gather [hbm4b:s4+s10], $0x80, s9, s10, $0xb8;
	[tilespmem:$0x6400] =	vst v63  }
0x3a6: {  	_ =	swait.ge [sflag:s12], $0x4000  }
0x3a7: {  	s2 =	sld [smem:$0x7FA]  }
0x3a8: {  	[sflag:s12] =	ssyncset.done $0x0  }
0x3a9: {  	[sflag:s12] =	ssyncadd.s32 $0xFFFFC000  }
0x3aa: {  	[hbm4b:s2+s7] =	stream.linear.scatter [tilespmem:s11], [sflag:$0x2], $0x4000, $0x38;
	[tilespmem:$0x6400] =	vst v63  }
0x3ab: {  	_ =	swait.ge [sflag:s8], $0x4000  }
0x3ac: {  	[sflag:s8] =	ssyncset.done $0x0  }
0x3ad: {  	[sflag:s8] =	ssyncadd.s32 $0xFFFFC000  }
0x3ae: {  	[tilespmem:s11], [sflag:$0x1] =	stream.indirect.gather [hbm4b:s4+s10], $0x80, s15, s10, $0xb8;
	[tilespmem:$0x6400] =	vst v63  }
0x3af: {  	_ =	swait.ge [sflag:s12], $0x4000  }
0x3b0: {  	s2 =	sld [smem:$0x7FB]  }
0x3b1: {  	[sflag:s12] =	ssyncset.done $0x0  }
0x3b2: {  	[sflag:s12] =	ssyncadd.s32 $0xFFFFC000  }
0x3b3: {  	[hbm4b:s2+s7] =	stream.linear.scatter [tilespmem:s11], [sflag:$0x2], $0x4000, $0x38;
	[tilespmem:$0x6400] =	vst v63  }
0x3b4: {  	_ =	swait.ge [sflag:s8], $0x4000  }
0x3b5: {  	[sflag:s8] =	ssyncset.done $0x0  }
0x3b6: {  	[sflag:s8] =	ssyncadd.s32 $0xFFFFC000  }
0x3b7: {  	[tilespmem:s11], [sflag:$0x1] =	stream.indirect.gather [hbm4b:s4+s10], $0x80, s16, s10, $0xb8;
	[tilespmem:$0x6400] =	vst v63  }
0x3b8: {  	_ =	swait.ge [sflag:s12], $0x4000  }
0x3b9: {  	s2 =	sld [smem:$0x7FC]  }
0x3ba: {  	[sflag:s12] =	ssyncset.done $0x0  }
0x3bb: {  	[sflag:s12] =	ssyncadd.s32 $0xFFFFC000  }
0x3bc: {  	[hbm4b:s2+s7] =	stream.linear.scatter [tilespmem:s11], [sflag:$0x2], $0x4000, $0x38;
	[tilespmem:$0x6400] =	vst v63  }
0x3bd: {  	_ =	swait.ge [sflag:s8], $0x4000  }
0x3be: {  	[sflag:s8] =	ssyncset.done $0x0  }
0x3bf: {  	[sflag:s8] =	ssyncadd.s32 $0xFFFFC000  }
0x3c0: {  	[tilespmem:s11], [sflag:$0x1] =	stream.indirect.gather [hbm4b:s4+s10], $0x80, s17, s10, $0xb8;
	[tilespmem:$0x6400] =	vst v63  }
0x3c1: {  	_ =	swait.ge [sflag:s12], $0x4000  }
0x3c2: {  	[sflag:s12] =	ssyncset.done $0x0  }
0x3c3: {  	[sflag:s12] =	ssyncadd.s32 $0xFFFFC000  }
0x3c4: {  	[hbm4b:s22+s7] =	stream.linear.scatter [tilespmem:s11], [sflag:$0x2], $0x4000, $0x38;
	[tilespmem:$0x6400] =	vst v63  }
0x3c5: {  	_ =	swait.ge [sflag:s8], $0x4000  }
0x3c6: {  	[sflag:s8] =	ssyncset.done $0x0  }
0x3c7: {  	[sflag:s8] =	ssyncadd.s32 $0xFFFFC000  }
0x3c8: {  	[tilespmem:s11], [sflag:$0x1] =	stream.indirect.gather [hbm4b:s6+s10], $0x80, s9, s10, $0xb8;
	[tilespmem:$0x6400] =	vst v63  }
0x3c9: {  	_ =	swait.ge [sflag:s12], $0x4000  }
0x3ca: {  	[sflag:s12] =	ssyncset.done $0x0  }
0x3cb: {  	[sflag:s12] =	ssyncadd.s32 $0xFFFFC000  }
0x3cc: {  	[hbm4b:s23+s7] =	stream.linear.scatter [tilespmem:s11], [sflag:$0x2], $0x4000, $0x38;
	[tilespmem:$0x6400] =	vst v63  }
0x3cd: {  	_ =	swait.ge [sflag:s8], $0x4000  }
0x3ce: {  	[sflag:s8] =	ssyncset.done $0x0  }
0x3cf: {  	[sflag:s8] =	ssyncadd.s32 $0xFFFFC000  }
0x3d0: {  	[tilespmem:s11], [sflag:$0x1] =	stream.indirect.gather [hbm4b:s6+s10], $0x80, s15, s10, $0xb8;
	[tilespmem:$0x6400] =	vst v63  }
0x3d1: {  	_ =	swait.ge [sflag:s12], $0x4000  }
0x3d2: {  	[sflag:s12] =	ssyncset.done $0x0  }
0x3d3: {  	[sflag:s12] =	ssyncadd.s32 $0xFFFFC000  }
0x3d4: {  	[hbm4b:s24+s7] =	stream.linear.scatter [tilespmem:s11], [sflag:$0x2], $0x4000, $0x38;
	[tilespmem:$0x6400] =	vst v63  }
0x3d5: {  	_ =	swait.ge [sflag:s8], $0x4000  }
0x3d6: {  	[sflag:s8] =	ssyncset.done $0x0  }
0x3d7: {  	[sflag:s8] =	ssyncadd.s32 $0xFFFFC000  }
0x3d8: {  	[tilespmem:s11], [sflag:$0x1] =	stream.indirect.gather [hbm4b:s6+s10], $0x80, s16, s10, $0xb8;
	[tilespmem:$0x6400] =	vst v63  }
0x3d9: {  	_ =	swait.ge [sflag:s12], $0x4000  }
0x3da: {  	[sflag:s12] =	ssyncset.done $0x0  }
0x3db: {  	[sflag:s12] =	ssyncadd.s32 $0xFFFFC000  }
0x3dc: {  	[hbm4b:s25+s7] =	stream.linear.scatter [tilespmem:s11], [sflag:$0x2], $0x4000, $0x38;
	[tilespmem:$0x6400] =	vst v63  }
0x3dd: {  	_ =	swait.ge [sflag:s8], $0x4000  }
0x3de: {  	[sflag:s8] =	ssyncset.done $0x0  }
0x3df: {  	[sflag:s8] =	ssyncadd.s32 $0xFFFFC000  }
0x3e0: {  	[tilespmem:s11], [sflag:$0x1] =	stream.indirect.gather [hbm4b:s6+s10], $0x80, s17, s10, $0xb8;
	[tilespmem:$0x6400] =	vst v63  }
0x3e1: {  	_ =	swait.ge [sflag:s12], $0x4000  }
0x3e2: {  	[sflag:s12] =	ssyncset.done $0x0  }
0x3e3: {  	[sflag:s12] =	ssyncadd.s32 $0xFFFFC000  }
0x3e4: {  	[hbm4b:s26+s7] =	stream.linear.scatter [tilespmem:s11], [sflag:$0x2], $0x4000, $0x38;
	[tilespmem:$0x6400] =	vst v63  }
0x3e5: {  	_ =	swait.ge [sflag:s8], $0x4000  }
0x3e6: {  	[sflag:s8] =	ssyncset.done $0x0  }
0x3e7: {  	[sflag:s8] =	ssyncadd.s32 $0xFFFFC000  }
0x3e8: {  	[tilespmem:s19], [sflag:$0x1] =	stream.indirect.gather [hbm4b:s21+s10], $0x40, s9, s10, $0xb8;
	[tilespmem:$0x6400] =	vst v63  }
0x3e9: {  	_ =	swait.ge [sflag:s12], $0x2000  }
0x3ea: {  	[sflag:s12] =	ssyncset.done $0x0  }
0x3eb: {  	[sflag:s12] =	ssyncadd.s32 $0xFFFFE000  }
0x3ec: {  	[hbm4b:s28+s20] =	stream.strided.scatter [tilespmem:s19], [sflag:$0x2], $0x2000, s10, s20, $0x38;
	[tilespmem:$0x6400] =	vst v63  }
0x3ed: {  	_ =	swait.ge [sflag:s8], $0x2000  }
0x3ee: {  	[sflag:s8] =	ssyncset.done $0x0  }
0x3ef: {  	[sflag:s8] =	ssyncadd.s32 $0xFFFFE000  }
0x3f0: {  	[tilespmem:s19], [sflag:$0x1] =	stream.indirect.gather [hbm4b:s21+s10], $0x40, s15, s10, $0xb8;
	[tilespmem:$0x6400] =	vst v63  }
0x3f1: {  	_ =	swait.ge [sflag:s12], $0x2000  }
0x3f2: {  	[sflag:s12] =	ssyncset.done $0x0  }
0x3f3: {  	[sflag:s12] =	ssyncadd.s32 $0xFFFFE000  }
0x3f4: {  	[hbm4b:s29+s20] =	stream.strided.scatter [tilespmem:s19], [sflag:$0x2], $0x2000, s10, s20, $0x38;
	[tilespmem:$0x6400] =	vst v63  }
0x3f5: {  	_ =	swait.ge [sflag:s8], $0x2000  }
0x3f6: {  	[sflag:s8] =	ssyncset.done $0x0  }
0x3f7: {  	[sflag:s8] =	ssyncadd.s32 $0xFFFFE000  }
0x3f8: {  	[tilespmem:s19], [sflag:$0x1] =	stream.indirect.gather [hbm4b:s21+s10], $0x40, s16, s10, $0xb8;
	[tilespmem:$0x6400] =	vst v63  }
0x3f9: {  	_ =	swait.ge [sflag:s12], $0x2000  }
0x3fa: {  	[sflag:s12] =	ssyncset.done $0x0  }
0x3fb: {  	[sflag:s12] =	ssyncadd.s32 $0xFFFFE000  }
0x3fc: {  	[hbm4b:s30+s20] =	stream.strided.scatter [tilespmem:s19], [sflag:$0x2], $0x2000, s10, s20, $0x38;
	[tilespmem:$0x6400] =	vst v63  }
0x3fd: {  	_ =	swait.ge [sflag:s8], $0x2000  }
0x3fe: {  	[sflag:s8] =	ssyncset.done $0x0  }
0x3ff: {  	p0 =	sne.s32 s5, $0x1;
	[sflag:s8] =	ssyncadd.s32 $0xFFFFE000  }
0x400: {  	[tilespmem:s19], [sflag:$0x1] =	stream.indirect.gather [hbm4b:s21+s10], $0x40, s17, s10, $0xb8;
	[tilespmem:$0x6400] =	vst v63  }
.Ltmp1:
0x401: {  	_ =	swait.ge [sflag:s12], $0x2000;
	(pc) =	sbr.rel @p0 .LBB2_1-.Ltmp1, $4  }
0x402: {  	[sflag:s12] =	ssyncset.done $0x0  }
0x403: {  	[sflag:s12] =	ssyncadd.s32 $0xFFFFE000  }
0x404: {  	[hbm4b:s31+s20] =	stream.strided.scatter [tilespmem:s19], [sflag:$0x2], $0x2000, s10, s20, $0x38;
	[tilespmem:$0x6400] =	vst v63  }
0x405: {  	s5 =	sadd.s32 $0xFFFFFFFF, s5;
	_ =	swait.ge [sflag:s8], $0x2000  }
.LBB2_2:
0x406: {  	[sflag:s8] =	ssyncset.done $0x0  }
0x407: {  	[sflag:s8] =	ssyncadd.s32 $0xFFFFE000  }
0x408: {  	_ =	sfence.sel $0x180000  }
0x409: {  	[bflag:$0x0] =	sbarrier.arrive $0xFFFF  }
0x40a: {  	_ =	strace $0x90000047  }
0x40b: {  	s0 =	stileid.u32;
	[bflag:$0x2] =	sbarrier.arrive $0xFFFF  }
0x40c: {  	p0 =	sne.s32 s0, $0x0;
	s0 =	rddreg [dreg:$0xa]  }
0x40d: {  	s0 =	sadd.s32 @!p0 $0x100000, s0  }
0x40e: {  	[sflag:s0] =	ssyncadd.tile.s32 @!p0 $0x1;
	_ =	shalt  }
.Lfunc_end2:
_tile_overlayer_lowered:
.L_overlay_start_2:
0x40f: {  	(tag) =	ssettag $0x2  }
0x410: {  	s0 =	rddreg [dreg:$0x0];
	s2 =	stileid.u32  }
0x411: {  	s1 =	rddreg [dreg:$0x1];
	p0 =	sne.s32 s2, $0x0  }
0x412: {  	s3 =	rddreg [dreg:$0x2];
	[bflag:$0x3] =	sbarrier.arrive $0xFFFF;
	s2 =	simm.s32 @!p0 $0x1C02  }
0x413: {  	[timem:s3], [sflag:s2] =	dma.local @!p0 [hbm:s0], s1  }
0x414: {  	s0 =	simm.s32 @!p0 $0x2  }
0x415: {  	_ =	swait.ge @!p0 [sflag:s0], s1  }
0x416: {  	s1 =	ssub.s32 @!p0 $0x0, s1;
	[sflag:s0] =	ssyncset.done @!p0 $0x0  }
0x417: {  	[sflag:s0] =	ssyncadd.s32 @!p0 s1  }
0x418: {  	[bflag:$0x3] =	sbarrier.arrive $0xFFFF  }
0x419: {  	_ =	shalt  }

</sc_bundles>
